<compile_context>
chip_gen: v7x
topology: tpu7x:2x2x1
jax: 0.10.2.dev20260603
libtpu: 0.0.44.dev20260713+nightly
codegen_flags: <defaults>
</compile_context>

<pallas_src>
import jax
import jax.numpy as jnp
from jax import lax
from jax.experimental import pallas as pl
from jax.experimental.pallas import tpu as pltpu
from jax.experimental.pallas import tpu_sc as plsc

_B = 16384
_D = 32
_NW = 32
_BPW = _B // _NW
_W = 8
_NWIN = _BPW // _W


def _fire(t_hbm, idx, blocks, sem, w):
    vec = idx[pl.ds(w * _W, 16)]
    cb = (vec >> 7) << 7
    for kk in range(_W):
        start = pl.multiple_of(cb[kk], 128)
        pltpu.async_copy(t_hbm.at[:, pl.ds(start, 128)], blocks.at[kk], sem)


def _drain(t_hbm, blocks, sem):
    for kk in range(_W):
        pltpu.make_async_copy(t_hbm.at[:, pl.ds(0, 128)],
                              blocks.at[kk], sem).wait()


def _extract(idx, blocks, buf, w, lane16):
    vec = idx[pl.ds(w * _W, 16)]
    lanes = vec.at[lane16 & 7].get(mode="promise_in_bounds") & 127
    slots = lane16 & 7
    hi = lane16 >> 3
    flat = blocks.reshape(_W, _D * 128)
    for dp in range(_D // 2):
        drow = dp * 2 + hi
        vals = plsc.load_gather(flat, [slots, lanes + drow * 128])
        plsc.store_scatter(buf, [drow * _BPW + w * _W + slots], vals)


def _gather_table(t_hbm, idx, blk_a, blk_b, buf, sem_a, sem_b, lane16):
    _fire(t_hbm, idx, blk_a, sem_a, 0)

    def step(i, _):
        w_a, w_b = 2 * i, 2 * i + 1
        _fire(t_hbm, idx, blk_b, sem_b, w_b)
        _drain(t_hbm, blk_a, sem_a)
        _extract(idx, blk_a, buf, w_a, lane16)

        @pl.when(w_a + 2 < _NWIN)
        def _():
            _fire(t_hbm, idx, blk_a, sem_a, w_a + 2)

        _drain(t_hbm, blk_b, sem_b)
        _extract(idx, blk_b, buf, w_b, lane16)
        return 0

    lax.fori_loop(0, _NWIN // 2, step, 0)


def _body(users_hbm, items_hbm, ut_hbm, it_hbm, out_hbm,
          uidx, iidx, blk_a, blk_b, ubuf, ibuf, outv, sem_a, sem_b):
    wid = lax.axis_index("s") * 2 + lax.axis_index("c")
    base = wid * _BPW

    pltpu.sync_copy(users_hbm.at[pl.ds(base, _BPW)], uidx.at[pl.ds(0, _BPW)])
    pltpu.sync_copy(items_hbm.at[pl.ds(base, _BPW)], iidx.at[pl.ds(0, _BPW)])

    lane16 = lax.iota(jnp.int32, 16)
    _gather_table(ut_hbm, uidx, blk_a, blk_b, ubuf, sem_a, sem_b, lane16)
    _gather_table(it_hbm, iidx, blk_a, blk_b, ibuf, sem_a, sem_b, lane16)

    def block(g, _):
        sl0 = pl.ds(g * 16, 16)
        acc = ubuf[sl0] * ibuf[sl0]
        for d in range(1, _D):
            sl = pl.ds(d * _BPW + g * 16, 16)
            acc = acc + ubuf[sl] * ibuf[sl]
        outv[sl0] = 1.0 / (1.0 + jnp.exp(-acc))
        return 0

    lax.fori_loop(0, _BPW // 16, block, 0)

    pltpu.sync_copy(outv, out_hbm.at[pl.ds(base, _BPW)])


@jax.jit
def _run(users, items, user_table, item_table):
    mesh = plsc.VectorSubcoreMesh(core_axis_name="c", subcore_axis_name="s")
    k = pl.kernel(
        _body,
        out_type=jax.ShapeDtypeStruct((_B,), jnp.float32),
        mesh=mesh,
        scratch_types=[
            pltpu.VMEM((_BPW + 16,), jnp.int32),
            pltpu.VMEM((_BPW + 16,), jnp.int32),
            pltpu.VMEM((_W, _D, 128), jnp.float32),
            pltpu.VMEM((_W, _D, 128), jnp.float32),
            pltpu.VMEM((_D * _BPW,), jnp.float32),
            pltpu.VMEM((_D * _BPW,), jnp.float32),
            pltpu.VMEM((_BPW,), jnp.float32),
            pltpu.SemaphoreType.DMA,
            pltpu.SemaphoreType.DMA,
        ],
        compiler_params=pltpu.CompilerParams(
            use_tc_tiling_on_sc=True, needs_layout_passes=False),
    )
    return k(users, items, user_table.T, item_table.T)


def kernel(users, items, user_table, item_table):
    return _run(users, items, user_table, item_table)

# --- scband reference (transcript-rebuilt; emitter-appended) ---
"""Pipeline reference for scband-bprmf-16741782519850 (READ-ONLY COPY).

The authoritative reference and input builder live on the scoring server;
editing this copy changes nothing except your own understanding.
"""

import jax, jax.numpy as jnp
import numpy as np

NUM_USERS = 1000000
NUM_ITEMS = 1000000
EMBED_DIM = 32
BATCH = 16384

def setup_inputs(seed: int = 0) -> dict:
    key = jax.random.key(seed)
    k1, k2, k3, k4 = jax.random.split(key, 4)
    users = jax.random.randint(k1, (BATCH,), 0, NUM_USERS, dtype=jnp.int64 if jax.config.jax_enable_x64 else jnp.int32).astype(jnp.int32)
    items = jax.random.randint(k2, (BATCH,), 0, NUM_ITEMS, dtype=jnp.int32)
    # Learned parameters: N(0,1) init as in the original module
    user_table = jax.random.normal(k3, (NUM_USERS, EMBED_DIM), dtype=jnp.float32)
    item_table = jax.random.normal(k4, (NUM_ITEMS, EMBED_DIM), dtype=jnp.float32)
    return {"users": users, "items": items, "user_table": user_table, "item_table": item_table}

def reference(users, items, user_table, item_table):
    users_emb = jnp.take(user_table, users, axis=0)   # [B, D] gather
    items_emb = jnp.take(item_table, items, axis=0)   # [B, D] gather
    scores = jnp.sum(users_emb * items_emb, axis=1)   # [B]
    return jax.nn.sigmoid(scores)

if __name__ == "__main__":
    import jax
    _d = setup_inputs()
    print(jax.jit(kernel)(*tuple(_d.values())))

</pallas_src>

<mosaic_0001>
#map = affine_map<(d0, d1) -> (0)>
#map1 = affine_map<(d0, d1) -> (0, 0)>
module attributes {stable_mosaic.version = 14 : i64} {
  func.func @_body(%arg0: i32, %arg1: i32, %arg2: memref<16384xi32, #tpu.memory_space<hbm>>, %arg3: memref<16384xi32, #tpu.memory_space<hbm>>, %arg4: memref<32x1000000xf32, #tpu.memory_space<hbm>>, %arg5: memref<32x1000000xf32, #tpu.memory_space<hbm>>, %arg6: memref<16384xf32, #tpu.memory_space<hbm>>, %arg7: memref<528xi32, #tpu.memory_space<vmem>>, %arg8: memref<528xi32, #tpu.memory_space<vmem>>, %arg9: memref<8x32x128xf32, #tpu.memory_space<vmem>>, %arg10: memref<8x32x128xf32, #tpu.memory_space<vmem>>, %arg11: memref<16384xf32, #tpu.memory_space<vmem>>, %arg12: memref<16384xf32, #tpu.memory_space<vmem>>, %arg13: memref<512xf32, #tpu.memory_space<vmem>>, %arg14: memref<!tpu.dma_semaphore, #tpu.memory_space<semaphore_mem>>, %arg15: memref<!tpu.dma_semaphore, #tpu.memory_space<semaphore_mem>>) attributes {dimension_semantics = [#tpu.dimension_semantics<core_parallel>, #tpu.dimension_semantics<subcore_parallel>], iteration_bounds = array<i64: 2, 16>, scalar_prefetch = 0 : i64, scratch_operands = 9 : i64, tpu.core_type = #tpu.core_type<sc_vector_subcore>, window_params = [{transform_indices = #map}, {transform_indices = #map}, {transform_indices = #map1}, {transform_indices = #map1}, {transform_indices = #map}]} {
    %mul3A = arith.constant 2 : i32
    %mul3A_0 = arith.muli %arg1, %mul3A : i32
    %add3A = arith.addi %mul3A_0, %arg0 : i32
    %mul3A_1 = arith.constant 512 : i32
    %mul3A_2 = arith.muli %add3A, %mul3A_1 : i32
    "tpu.region"() ({
      %run_scoped3A = tpu.sem_alloc : memref<!tpu.dma_semaphore, #tpu.memory_space<semaphore_mem>>
      %dma_start3A_288 = arith.constant 0 : i32
      %dma_start3A_289 = tpu.memref_slice %arg7[%dma_start3A_288] : memref<528xi32, #tpu.memory_space<vmem>> -> memref<512xi32, #tpu.memory_space<vmem>>
      %dma_start3A_290 = tpu.memref_slice %arg2[%mul3A_2] : memref<16384xi32, #tpu.memory_space<hbm>> -> memref<512xi32, #tpu.memory_space<hbm>>
      %dma_start3A_291 = arith.constant 0 : i32
      %dma_start3A_292 = tpu.memref_slice %arg7[%dma_start3A_291] : memref<528xi32, #tpu.memory_space<vmem>> -> memref<512xi32, #tpu.memory_space<vmem>>
      %dma_start3A_293 = tpu.memref_slice %arg2[%mul3A_2] : memref<16384xi32, #tpu.memory_space<hbm>> -> memref<512xi32, #tpu.memory_space<hbm>>
      tpu.enqueue_dma source(%dma_start3A_293 : memref<512xi32, #tpu.memory_space<hbm>>) target(%dma_start3A_292 : memref<512xi32, #tpu.memory_space<vmem>>) target_semaphore(%run_scoped3A : memref<!tpu.dma_semaphore, #tpu.memory_space<semaphore_mem>>)
      %dma_wait3A = arith.constant 0 : i32
      %dma_wait3A_294 = tpu.memref_slice %arg7[%dma_wait3A] : memref<528xi32, #tpu.memory_space<vmem>> -> memref<512xi32, #tpu.memory_space<vmem>>
      %dma_wait3A_295 = tpu.memref_slice %arg2[%mul3A_2] : memref<16384xi32, #tpu.memory_space<hbm>> -> memref<512xi32, #tpu.memory_space<hbm>>
      %dma_wait3A_296 = arith.constant 0 : i32
      %dma_wait3A_297 = tpu.memref_slice %arg7[%dma_wait3A_296] : memref<528xi32, #tpu.memory_space<vmem>> -> memref<512xi32, #tpu.memory_space<vmem>>
      %dma_wait3A_298 = tpu.memref_slice %arg2[%mul3A_2] : memref<16384xi32, #tpu.memory_space<hbm>> -> memref<512xi32, #tpu.memory_space<hbm>>
      tpu.wait_dma2 semaphore(%run_scoped3A : memref<!tpu.dma_semaphore, #tpu.memory_space<semaphore_mem>>) src(%dma_wait3A_298 : memref<512xi32, #tpu.memory_space<hbm>>) dst(%dma_wait3A_297 : memref<512xi32, #tpu.memory_space<vmem>>)
      tpu.yield
    }) : () -> ()
    "tpu.region"() ({
      %run_scoped3A = tpu.sem_alloc : memref<!tpu.dma_semaphore, #tpu.memory_space<semaphore_mem>>
      %dma_start3A_288 = arith.constant 0 : i32
      %dma_start3A_289 = tpu.memref_slice %arg8[%dma_start3A_288] : memref<528xi32, #tpu.memory_space<vmem>> -> memref<512xi32, #tpu.memory_space<vmem>>
      %dma_start3A_290 = tpu.memref_slice %arg3[%mul3A_2] : memref<16384xi32, #tpu.memory_space<hbm>> -> memref<512xi32, #tpu.memory_space<hbm>>
      %dma_start3A_291 = arith.constant 0 : i32
      %dma_start3A_292 = tpu.memref_slice %arg8[%dma_start3A_291] : memref<528xi32, #tpu.memory_space<vmem>> -> memref<512xi32, #tpu.memory_space<vmem>>
      %dma_start3A_293 = tpu.memref_slice %arg3[%mul3A_2] : memref<16384xi32, #tpu.memory_space<hbm>> -> memref<512xi32, #tpu.memory_space<hbm>>
      tpu.enqueue_dma source(%dma_start3A_293 : memref<512xi32, #tpu.memory_space<hbm>>) target(%dma_start3A_292 : memref<512xi32, #tpu.memory_space<vmem>>) target_semaphore(%run_scoped3A : memref<!tpu.dma_semaphore, #tpu.memory_space<semaphore_mem>>)
      %dma_wait3A = arith.constant 0 : i32
      %dma_wait3A_294 = tpu.memref_slice %arg8[%dma_wait3A] : memref<528xi32, #tpu.memory_space<vmem>> -> memref<512xi32, #tpu.memory_space<vmem>>
      %dma_wait3A_295 = tpu.memref_slice %arg3[%mul3A_2] : memref<16384xi32, #tpu.memory_space<hbm>> -> memref<512xi32, #tpu.memory_space<hbm>>
      %dma_wait3A_296 = arith.constant 0 : i32
      %dma_wait3A_297 = tpu.memref_slice %arg8[%dma_wait3A_296] : memref<528xi32, #tpu.memory_space<vmem>> -> memref<512xi32, #tpu.memory_space<vmem>>
      %dma_wait3A_298 = tpu.memref_slice %arg3[%mul3A_2] : memref<16384xi32, #tpu.memory_space<hbm>> -> memref<512xi32, #tpu.memory_space<hbm>>
      tpu.wait_dma2 semaphore(%run_scoped3A : memref<!tpu.dma_semaphore, #tpu.memory_space<semaphore_mem>>) src(%dma_wait3A_298 : memref<512xi32, #tpu.memory_space<hbm>>) dst(%dma_wait3A_297 : memref<512xi32, #tpu.memory_space<vmem>>)
      tpu.yield
    }) : () -> ()
    %iota3A = tpu.iota {dimensions = array<i32: 0>} : vector<16xi32>
    %get3A = arith.constant 0 : index
    %get3A_3 = tpu.vector_load %arg7[%get3A] {strides = array<i32>} : memref<528xi32, #tpu.memory_space<vmem>>, vector<16xi32>,
    %shift_right_arithmetic3A = arith.constant 7 : i32
    %shift_right_arithmetic3A_4 = vector.broadcast %shift_right_arithmetic3A : i32 to vector<16xi32>
    %shift_right_arithmetic3A_5 = arith.shrsi %get3A_3, %shift_right_arithmetic3A_4 : vector<16xi32>
    %shift_left3A = arith.constant 7 : i32
    %shift_left3A_6 = vector.broadcast %shift_left3A : i32 to vector<16xi32>
    %shift_left3A_7 = arith.shli %shift_right_arithmetic3A_5, %shift_left3A_6 : vector<16xi32>
    %slice3A = vector.extract_strided_slice %shift_left3A_7 {offsets = [0], sizes = [1], strides = [1]} : vector<16xi32> to vector<1xi32>
    %squeeze3A = vector.extract %slice3A[0] : i32 from vector<1xi32>
    %multiple_of3A = tpu.assume_multiple %squeeze3A, 128 : i32
    %dma_start3A = arith.constant 0 : i32
    %dma_start3A_8 = arith.constant 0 : i32
    %dma_start3A_9 = arith.constant 0 : i32
    %dma_start3A_10 = tpu.memref_slice %arg9[%dma_start3A, %dma_start3A_8, %dma_start3A_9] : memref<8x32x128xf32, #tpu.memory_space<vmem>> -> memref<1x32x128xf32, #tpu.memory_space<vmem>>
    %dma_start3A_11 = tpu.memref_squeeze %dma_start3A_10 : memref<1x32x128xf32, #tpu.memory_space<vmem>> -> memref<32x128xf32, #tpu.memory_space<vmem>>
    %dma_start3A_12 = arith.constant 0 : i32
    %dma_start3A_13 = tpu.memref_slice %arg4[%dma_start3A_12, %multiple_of3A] : memref<32x1000000xf32, #tpu.memory_space<hbm>> -> memref<32x128xf32, #tpu.memory_space<hbm>>
    %dma_start3A_14 = arith.constant 0 : i32
    %dma_start3A_15 = arith.constant 0 : i32
    %dma_start3A_16 = tpu.memref_slice %arg9[%dma_start3A, %dma_start3A_14, %dma_start3A_15] : memref<8x32x128xf32, #tpu.memory_space<vmem>> -> memref<1x32x128xf32, #tpu.memory_space<vmem>>
    %dma_start3A_17 = tpu.memref_squeeze %dma_start3A_16 : memref<1x32x128xf32, #tpu.memory_space<vmem>> -> memref<32x128xf32, #tpu.memory_space<vmem>>
    %dma_start3A_18 = arith.constant 0 : i32
    %dma_start3A_19 = tpu.memref_slice %arg4[%dma_start3A_18, %multiple_of3A] : memref<32x1000000xf32, #tpu.memory_space<hbm>> -> memref<32x128xf32, #tpu.memory_space<hbm>>
    tpu.enqueue_dma source(%dma_start3A_19 : memref<32x128xf32, #tpu.memory_space<hbm>>) target(%dma_start3A_17 : memref<32x128xf32, #tpu.memory_space<vmem>>) target_semaphore(%arg14 : memref<!tpu.dma_semaphore, #tpu.memory_space<semaphore_mem>>)
    %slice3A_20 = vector.extract_strided_slice %shift_left3A_7 {offsets = [1], sizes = [1], strides = [1]} : vector<16xi32> to vector<1xi32>
    %squeeze3A_21 = vector.extract %slice3A_20[0] : i32 from vector<1xi32>
    %multiple_of3A_22 = tpu.assume_multiple %squeeze3A_21, 128 : i32
    %dma_start3A_23 = arith.constant 1 : i32
    %dma_start3A_24 = arith.constant 0 : i32
    %dma_start3A_25 = arith.constant 0 : i32
    %dma_start3A_26 = tpu.memref_slice %arg9[%dma_start3A_23, %dma_start3A_24, %dma_start3A_25] : memref<8x32x128xf32, #tpu.memory_space<vmem>> -> memref<1x32x128xf32, #tpu.memory_space<vmem>>
    %dma_start3A_27 = tpu.memref_squeeze %dma_start3A_26 : memref<1x32x128xf32, #tpu.memory_space<vmem>> -> memref<32x128xf32, #tpu.memory_space<vmem>>
    %dma_start3A_28 = arith.constant 0 : i32
    %dma_start3A_29 = tpu.memref_slice %arg4[%dma_start3A_28, %multiple_of3A_22] : memref<32x1000000xf32, #tpu.memory_space<hbm>> -> memref<32x128xf32, #tpu.memory_space<hbm>>
    %dma_start3A_30 = arith.constant 0 : i32
    %dma_start3A_31 = arith.constant 0 : i32
    %dma_start3A_32 = tpu.memref_slice %arg9[%dma_start3A_23, %dma_start3A_30, %dma_start3A_31] : memref<8x32x128xf32, #tpu.memory_space<vmem>> -> memref<1x32x128xf32, #tpu.memory_space<vmem>>
    %dma_start3A_33 = tpu.memref_squeeze %dma_start3A_32 : memref<1x32x128xf32, #tpu.memory_space<vmem>> -> memref<32x128xf32, #tpu.memory_space<vmem>>
    %dma_start3A_34 = arith.constant 0 : i32
    %dma_start3A_35 = tpu.memref_slice %arg4[%dma_start3A_34, %multiple_of3A_22] : memref<32x1000000xf32, #tpu.memory_space<hbm>> -> memref<32x128xf32, #tpu.memory_space<hbm>>
    tpu.enqueue_dma source(%dma_start3A_35 : memref<32x128xf32, #tpu.memory_space<hbm>>) target(%dma_start3A_33 : memref<32x128xf32, #tpu.memory_space<vmem>>) target_semaphore(%arg14 : memref<!tpu.dma_semaphore, #tpu.memory_space<semaphore_mem>>)
    %slice3A_36 = vector.extract_strided_slice %shift_left3A_7 {offsets = [2], sizes = [1], strides = [1]} : vector<16xi32> to vector<1xi32>
    %squeeze3A_37 = vector.extract %slice3A_36[0] : i32 from vector<1xi32>
    %multiple_of3A_38 = tpu.assume_multiple %squeeze3A_37, 128 : i32
    %dma_start3A_39 = arith.constant 2 : i32
    %dma_start3A_40 = arith.constant 0 : i32
    %dma_start3A_41 = arith.constant 0 : i32
    %dma_start3A_42 = tpu.memref_slice %arg9[%dma_start3A_39, %dma_start3A_40, %dma_start3A_41] : memref<8x32x128xf32, #tpu.memory_space<vmem>> -> memref<1x32x128xf32, #tpu.memory_space<vmem>>
    %dma_start3A_43 = tpu.memref_squeeze %dma_start3A_42 : memref<1x32x128xf32, #tpu.memory_space<vmem>> -> memref<32x128xf32, #tpu.memory_space<vmem>>
    %dma_start3A_44 = arith.constant 0 : i32
    %dma_start3A_45 = tpu.memref_slice %arg4[%dma_start3A_44, %multiple_of3A_38] : memref<32x1000000xf32, #tpu.memory_space<hbm>> -> memref<32x128xf32, #tpu.memory_space<hbm>>
    %dma_start3A_46 = arith.constant 0 : i32
    %dma_start3A_47 = arith.constant 0 : i32
    %dma_start3A_48 = tpu.memref_slice %arg9[%dma_start3A_39, %dma_start3A_46, %dma_start3A_47] : memref<8x32x128xf32, #tpu.memory_space<vmem>> -> memref<1x32x128xf32, #tpu.memory_space<vmem>>
    %dma_start3A_49 = tpu.memref_squeeze %dma_start3A_48 : memref<1x32x128xf32, #tpu.memory_space<vmem>> -> memref<32x128xf32, #tpu.memory_space<vmem>>
    %dma_start3A_50 = arith.constant 0 : i32
    %dma_start3A_51 = tpu.memref_slice %arg4[%dma_start3A_50, %multiple_of3A_38] : memref<32x1000000xf32, #tpu.memory_space<hbm>> -> memref<32x128xf32, #tpu.memory_space<hbm>>
    tpu.enqueue_dma source(%dma_start3A_51 : memref<32x128xf32, #tpu.memory_space<hbm>>) target(%dma_start3A_49 : memref<32x128xf32, #tpu.memory_space<vmem>>) target_semaphore(%arg14 : memref<!tpu.dma_semaphore, #tpu.memory_space<semaphore_mem>>)
    %slice3A_52 = vector.extract_strided_slice %shift_left3A_7 {offsets = [3], sizes = [1], strides = [1]} : vector<16xi32> to vector<1xi32>
    %squeeze3A_53 = vector.extract %slice3A_52[0] : i32 from vector<1xi32>
    %multiple_of3A_54 = tpu.assume_multiple %squeeze3A_53, 128 : i32
    %dma_start3A_55 = arith.constant 3 : i32
    %dma_start3A_56 = arith.constant 0 : i32
    %dma_start3A_57 = arith.constant 0 : i32
    %dma_start3A_58 = tpu.memref_slice %arg9[%dma_start3A_55, %dma_start3A_56, %dma_start3A_57] : memref<8x32x128xf32, #tpu.memory_space<vmem>> -> memref<1x32x128xf32, #tpu.memory_space<vmem>>
    %dma_start3A_59 = tpu.memref_squeeze %dma_start3A_58 : memref<1x32x128xf32, #tpu.memory_space<vmem>> -> memref<32x128xf32, #tpu.memory_space<vmem>>
    %dma_start3A_60 = arith.constant 0 : i32
    %dma_start3A_61 = tpu.memref_slice %arg4[%dma_start3A_60, %multiple_of3A_54] : memref<32x1000000xf32, #tpu.memory_space<hbm>> -> memref<32x128xf32, #tpu.memory_space<hbm>>
    %dma_start3A_62 = arith.constant 0 : i32
    %dma_start3A_63 = arith.constant 0 : i32
    %dma_start3A_64 = tpu.memref_slice %arg9[%dma_start3A_55, %dma_start3A_62, %dma_start3A_63] : memref<8x32x128xf32, #tpu.memory_space<vmem>> -> memref<1x32x128xf32, #tpu.memory_space<vmem>>
    %dma_start3A_65 = tpu.memref_squeeze %dma_start3A_64 : memref<1x32x128xf32, #tpu.memory_space<vmem>> -> memref<32x128xf32, #tpu.memory_space<vmem>>
    %dma_start3A_66 = arith.constant 0 : i32
    %dma_start3A_67 = tpu.memref_slice %arg4[%dma_start3A_66, %multiple_of3A_54] : memref<32x1000000xf32, #tpu.memory_space<hbm>> -> memref<32x128xf32, #tpu.memory_space<hbm>>
    tpu.enqueue_dma source(%dma_start3A_67 : memref<32x128xf32, #tpu.memory_space<hbm>>) target(%dma_start3A_65 : memref<32x128xf32, #tpu.memory_space<vmem>>) target_semaphore(%arg14 : memref<!tpu.dma_semaphore, #tpu.memory_space<semaphore_mem>>)
    %slice3A_68 = vector.extract_strided_slice %shift_left3A_7 {offsets = [4], sizes = [1], strides = [1]} : vector<16xi32> to vector<1xi32>
    %squeeze3A_69 = vector.extract %slice3A_68[0] : i32 from vector<1xi32>
    %multiple_of3A_70 = tpu.assume_multiple %squeeze3A_69, 128 : i32
    %dma_start3A_71 = arith.constant 4 : i32
    %dma_start3A_72 = arith.constant 0 : i32
    %dma_start3A_73 = arith.constant 0 : i32
    %dma_start3A_74 = tpu.memref_slice %arg9[%dma_start3A_71, %dma_start3A_72, %dma_start3A_73] : memref<8x32x128xf32, #tpu.memory_space<vmem>> -> memref<1x32x128xf32, #tpu.memory_space<vmem>>
    %dma_start3A_75 = tpu.memref_squeeze %dma_start3A_74 : memref<1x32x128xf32, #tpu.memory_space<vmem>> -> memref<32x128xf32, #tpu.memory_space<vmem>>
    %dma_start3A_76 = arith.constant 0 : i32
    %dma_start3A_77 = tpu.memref_slice %arg4[%dma_start3A_76, %multiple_of3A_70] : memref<32x1000000xf32, #tpu.memory_space<hbm>> -> memref<32x128xf32, #tpu.memory_space<hbm>>
    %dma_start3A_78 = arith.constant 0 : i32
    %dma_start3A_79 = arith.constant 0 : i32
    %dma_start3A_80 = tpu.memref_slice %arg9[%dma_start3A_71, %dma_start3A_78, %dma_start3A_79] : memref<8x32x128xf32, #tpu.memory_space<vmem>> -> memref<1x32x128xf32, #tpu.memory_space<vmem>>
    %dma_start3A_81 = tpu.memref_squeeze %dma_start3A_80 : memref<1x32x128xf32, #tpu.memory_space<vmem>> -> memref<32x128xf32, #tpu.memory_space<vmem>>
    %dma_start3A_82 = arith.constant 0 : i32
    %dma_start3A_83 = tpu.memref_slice %arg4[%dma_start3A_82, %multiple_of3A_70] : memref<32x1000000xf32, #tpu.memory_space<hbm>> -> memref<32x128xf32, #tpu.memory_space<hbm>>
    tpu.enqueue_dma source(%dma_start3A_83 : memref<32x128xf32, #tpu.memory_space<hbm>>) target(%dma_start3A_81 : memref<32x128xf32, #tpu.memory_space<vmem>>) target_semaphore(%arg14 : memref<!tpu.dma_semaphore, #tpu.memory_space<semaphore_mem>>)
    %slice3A_84 = vector.extract_strided_slice %shift_left3A_7 {offsets = [5], sizes = [1], strides = [1]} : vector<16xi32> to vector<1xi32>
    %squeeze3A_85 = vector.extract %slice3A_84[0] : i32 from vector<1xi32>
    %multiple_of3A_86 = tpu.assume_multiple %squeeze3A_85, 128 : i32
    %dma_start3A_87 = arith.constant 5 : i32
    %dma_start3A_88 = arith.constant 0 : i32
    %dma_start3A_89 = arith.constant 0 : i32
    %dma_start3A_90 = tpu.memref_slice %arg9[%dma_start3A_87, %dma_start3A_88, %dma_start3A_89] : memref<8x32x128xf32, #tpu.memory_space<vmem>> -> memref<1x32x128xf32, #tpu.memory_space<vmem>>
    %dma_start3A_91 = tpu.memref_squeeze %dma_start3A_90 : memref<1x32x128xf32, #tpu.memory_space<vmem>> -> memref<32x128xf32, #tpu.memory_space<vmem>>
    %dma_start3A_92 = arith.constant 0 : i32
    %dma_start3A_93 = tpu.memref_slice %arg4[%dma_start3A_92, %multiple_of3A_86] : memref<32x1000000xf32, #tpu.memory_space<hbm>> -> memref<32x128xf32, #tpu.memory_space<hbm>>
    %dma_start3A_94 = arith.constant 0 : i32
    %dma_start3A_95 = arith.constant 0 : i32
    %dma_start3A_96 = tpu.memref_slice %arg9[%dma_start3A_87, %dma_start3A_94, %dma_start3A_95] : memref<8x32x128xf32, #tpu.memory_space<vmem>> -> memref<1x32x128xf32, #tpu.memory_space<vmem>>
    %dma_start3A_97 = tpu.memref_squeeze %dma_start3A_96 : memref<1x32x128xf32, #tpu.memory_space<vmem>> -> memref<32x128xf32, #tpu.memory_space<vmem>>
    %dma_start3A_98 = arith.constant 0 : i32
    %dma_start3A_99 = tpu.memref_slice %arg4[%dma_start3A_98, %multiple_of3A_86] : memref<32x1000000xf32, #tpu.memory_space<hbm>> -> memref<32x128xf32, #tpu.memory_space<hbm>>
    tpu.enqueue_dma source(%dma_start3A_99 : memref<32x128xf32, #tpu.memory_space<hbm>>) target(%dma_start3A_97 : memref<32x128xf32, #tpu.memory_space<vmem>>) target_semaphore(%arg14 : memref<!tpu.dma_semaphore, #tpu.memory_space<semaphore_mem>>)
    %slice3A_100 = vector.extract_strided_slice %shift_left3A_7 {offsets = [6], sizes = [1], strides = [1]} : vector<16xi32> to vector<1xi32>
    %squeeze3A_101 = vector.extract %slice3A_100[0] : i32 from vector<1xi32>
    %multiple_of3A_102 = tpu.assume_multiple %squeeze3A_101, 128 : i32
    %dma_start3A_103 = arith.constant 6 : i32
    %dma_start3A_104 = arith.constant 0 : i32
    %dma_start3A_105 = arith.constant 0 : i32
    %dma_start3A_106 = tpu.memref_slice %arg9[%dma_start3A_103, %dma_start3A_104, %dma_start3A_105] : memref<8x32x128xf32, #tpu.memory_space<vmem>> -> memref<1x32x128xf32, #tpu.memory_space<vmem>>
    %dma_start3A_107 = tpu.memref_squeeze %dma_start3A_106 : memref<1x32x128xf32, #tpu.memory_space<vmem>> -> memref<32x128xf32, #tpu.memory_space<vmem>>
    %dma_start3A_108 = arith.constant 0 : i32
    %dma_start3A_109 = tpu.memref_slice %arg4[%dma_start3A_108, %multiple_of3A_102] : memref<32x1000000xf32, #tpu.memory_space<hbm>> -> memref<32x128xf32, #tpu.memory_space<hbm>>
    %dma_start3A_110 = arith.constant 0 : i32
    %dma_start3A_111 = arith.constant 0 : i32
    %dma_start3A_112 = tpu.memref_slice %arg9[%dma_start3A_103, %dma_start3A_110, %dma_start3A_111] : memref<8x32x128xf32, #tpu.memory_space<vmem>> -> memref<1x32x128xf32, #tpu.memory_space<vmem>>
    %dma_start3A_113 = tpu.memref_squeeze %dma_start3A_112 : memref<1x32x128xf32, #tpu.memory_space<vmem>> -> memref<32x128xf32, #tpu.memory_space<vmem>>
    %dma_start3A_114 = arith.constant 0 : i32
    %dma_start3A_115 = tpu.memref_slice %arg4[%dma_start3A_114, %multiple_of3A_102] : memref<32x1000000xf32, #tpu.memory_space<hbm>> -> memref<32x128xf32, #tpu.memory_space<hbm>>
    tpu.enqueue_dma source(%dma_start3A_115 : memref<32x128xf32, #tpu.memory_space<hbm>>) target(%dma_start3A_113 : memref<32x128xf32, #tpu.memory_space<vmem>>) target_semaphore(%arg14 : memref<!tpu.dma_semaphore, #tpu.memory_space<semaphore_mem>>)
    %slice3A_116 = vector.extract_strided_slice %shift_left3A_7 {offsets = [7], sizes = [1], strides = [1]} : vector<16xi32> to vector<1xi32>
    %squeeze3A_117 = vector.extract %slice3A_116[0] : i32 from vector<1xi32>
    %multiple_of3A_118 = tpu.assume_multiple %squeeze3A_117, 128 : i32
    %dma_start3A_119 = arith.constant 7 : i32
    %dma_start3A_120 = arith.constant 0 : i32
    %dma_start3A_121 = arith.constant 0 : i32
    %dma_start3A_122 = tpu.memref_slice %arg9[%dma_start3A_119, %dma_start3A_120, %dma_start3A_121] : memref<8x32x128xf32, #tpu.memory_space<vmem>> -> memref<1x32x128xf32, #tpu.memory_space<vmem>>
    %dma_start3A_123 = tpu.memref_squeeze %dma_start3A_122 : memref<1x32x128xf32, #tpu.memory_space<vmem>> -> memref<32x128xf32, #tpu.memory_space<vmem>>
    %dma_start3A_124 = arith.constant 0 : i32
    %dma_start3A_125 = tpu.memref_slice %arg4[%dma_start3A_124, %multiple_of3A_118] : memref<32x1000000xf32, #tpu.memory_space<hbm>> -> memref<32x128xf32, #tpu.memory_space<hbm>>
    %dma_start3A_126 = arith.constant 0 : i32
    %dma_start3A_127 = arith.constant 0 : i32
    %dma_start3A_128 = tpu.memref_slice %arg9[%dma_start3A_119, %dma_start3A_126, %dma_start3A_127] : memref<8x32x128xf32, #tpu.memory_space<vmem>> -> memref<1x32x128xf32, #tpu.memory_space<vmem>>
    %dma_start3A_129 = tpu.memref_squeeze %dma_start3A_128 : memref<1x32x128xf32, #tpu.memory_space<vmem>> -> memref<32x128xf32, #tpu.memory_space<vmem>>
    %dma_start3A_130 = arith.constant 0 : i32
    %dma_start3A_131 = tpu.memref_slice %arg4[%dma_start3A_130, %multiple_of3A_118] : memref<32x1000000xf32, #tpu.memory_space<hbm>> -> memref<32x128xf32, #tpu.memory_space<hbm>>
    tpu.enqueue_dma source(%dma_start3A_131 : memref<32x128xf32, #tpu.memory_space<hbm>>) target(%dma_start3A_129 : memref<32x128xf32, #tpu.memory_space<vmem>>) target_semaphore(%arg14 : memref<!tpu.dma_semaphore, #tpu.memory_space<semaphore_mem>>)
    %scan3A = arith.constant 0 : i32
    %scan3A_132 = arith.constant 0 : i32
    %scan3A_133 = arith.constant 32 : i32
    %scan3A_134 = arith.addi %scan3A_132, %scan3A_133 : i32
    %scan3A_135 = arith.constant 1 : i32
    %scan3A_136 = scf.for %scan3A_288 = %scan3A_132 to %scan3A_134 step %scan3A_135 iter_args(%scan3A_289 = %scan3A) -> (i32)  : i32 {
      %mul3A_290 = arith.constant 2 : i32
      %mul3A_291 = arith.muli %mul3A_290, %scan3A_288 : i32
      %mul3A_292 = arith.constant 2 : i32
      %mul3A_293 = arith.muli %mul3A_292, %scan3A_288 : i32
      %add3A_294 = arith.constant 1 : i32
      %add3A_295 = arith.addi %mul3A_293, %add3A_294 : i32
      %mul3A_296 = arith.constant 8 : i32
      %mul3A_297 = arith.muli %add3A_295, %mul3A_296 : i32
      %get3A_298 = arith.index_cast %mul3A_297 : i32 to index
      %get3A_299 = tpu.vector_load %arg7[%get3A_298] {strides = array<i32>} : memref<528xi32, #tpu.memory_space<vmem>>, vector<16xi32>,
      %shift_right_arithmetic3A_300 = arith.constant 7 : i32
      %shift_right_arithmetic3A_301 = vector.broadcast %shift_right_arithmetic3A_300 : i32 to vector<16xi32>
      %shift_right_arithmetic3A_302 = arith.shrsi %get3A_299, %shift_right_arithmetic3A_301 : vector<16xi32>
      %shift_left3A_303 = arith.constant 7 : i32
      %shift_left3A_304 = vector.broadcast %shift_left3A_303 : i32 to vector<16xi32>
      %shift_left3A_305 = arith.shli %shift_right_arithmetic3A_302, %shift_left3A_304 : vector<16xi32>
      %slice3A_306 = vector.extract_strided_slice %shift_left3A_305 {offsets = [0], sizes = [1], strides = [1]} : vector<16xi32> to vector<1xi32>
      %squeeze3A_307 = vector.extract %slice3A_306[0] : i32 from vector<1xi32>
      %multiple_of3A_308 = tpu.assume_multiple %squeeze3A_307, 128 : i32
      %dma_start3A_309 = arith.constant 0 : i32
      %dma_start3A_310 = arith.constant 0 : i32
      %dma_start3A_311 = arith.constant 0 : i32
      %dma_start3A_312 = tpu.memref_slice %arg10[%dma_start3A_309, %dma_start3A_310, %dma_start3A_311] : memref<8x32x128xf32, #tpu.memory_space<vmem>> -> memref<1x32x128xf32, #tpu.memory_space<vmem>>
      %dma_start3A_313 = tpu.memref_squeeze %dma_start3A_312 : memref<1x32x128xf32, #tpu.memory_space<vmem>> -> memref<32x128xf32, #tpu.memory_space<vmem>>
      %dma_start3A_314 = arith.constant 0 : i32
      %dma_start3A_315 = tpu.memref_slice %arg4[%dma_start3A_314, %multiple_of3A_308] : memref<32x1000000xf32, #tpu.memory_space<hbm>> -> memref<32x128xf32, #tpu.memory_space<hbm>>
      %dma_start3A_316 = arith.constant 0 : i32
      %dma_start3A_317 = arith.constant 0 : i32
      %dma_start3A_318 = tpu.memref_slice %arg10[%dma_start3A_309, %dma_start3A_316, %dma_start3A_317] : memref<8x32x128xf32, #tpu.memory_space<vmem>> -> memref<1x32x128xf32, #tpu.memory_space<vmem>>
      %dma_start3A_319 = tpu.memref_squeeze %dma_start3A_318 : memref<1x32x128xf32, #tpu.memory_space<vmem>> -> memref<32x128xf32, #tpu.memory_space<vmem>>
      %dma_start3A_320 = arith.constant 0 : i32
      %dma_start3A_321 = tpu.memref_slice %arg4[%dma_start3A_320, %multiple_of3A_308] : memref<32x1000000xf32, #tpu.memory_space<hbm>> -> memref<32x128xf32, #tpu.memory_space<hbm>>
      tpu.enqueue_dma source(%dma_start3A_321 : memref<32x128xf32, #tpu.memory_space<hbm>>) target(%dma_start3A_319 : memref<32x128xf32, #tpu.memory_space<vmem>>) target_semaphore(%arg15 : memref<!tpu.dma_semaphore, #tpu.memory_space<semaphore_mem>>)
      %slice3A_322 = vector.extract_strided_slice %shift_left3A_305 {offsets = [1], sizes = [1], strides = [1]} : vector<16xi32> to vector<1xi32>
      %squeeze3A_323 = vector.extract %slice3A_322[0] : i32 from vector<1xi32>
      %multiple_of3A_324 = tpu.assume_multiple %squeeze3A_323, 128 : i32
      %dma_start3A_325 = arith.constant 1 : i32
      %dma_start3A_326 = arith.constant 0 : i32
      %dma_start3A_327 = arith.constant 0 : i32
      %dma_start3A_328 = tpu.memref_slice %arg10[%dma_start3A_325, %dma_start3A_326, %dma_start3A_327] : memref<8x32x128xf32, #tpu.memory_space<vmem>> -> memref<1x32x128xf32, #tpu.memory_space<vmem>>
      %dma_start3A_329 = tpu.memref_squeeze %dma_start3A_328 : memref<1x32x128xf32, #tpu.memory_space<vmem>> -> memref<32x128xf32, #tpu.memory_space<vmem>>
      %dma_start3A_330 = arith.constant 0 : i32
      %dma_start3A_331 = tpu.memref_slice %arg4[%dma_start3A_330, %multiple_of3A_324] : memref<32x1000000xf32, #tpu.memory_space<hbm>> -> memref<32x128xf32, #tpu.memory_space<hbm>>
      %dma_start3A_332 = arith.constant 0 : i32
      %dma_start3A_333 = arith.constant 0 : i32
      %dma_start3A_334 = tpu.memref_slice %arg10[%dma_start3A_325, %dma_start3A_332, %dma_start3A_333] : memref<8x32x128xf32, #tpu.memory_space<vmem>> -> memref<1x32x128xf32, #tpu.memory_space<vmem>>
      %dma_start3A_335 = tpu.memref_squeeze %dma_start3A_334 : memref<1x32x128xf32, #tpu.memory_space<vmem>> -> memref<32x128xf32, #tpu.memory_space<vmem>>
      %dma_start3A_336 = arith.constant 0 : i32
      %dma_start3A_337 = tpu.memref_slice %arg4[%dma_start3A_336, %multiple_of3A_324] : memref<32x1000000xf32, #tpu.memory_space<hbm>> -> memref<32x128xf32, #tpu.memory_space<hbm>>
      tpu.enqueue_dma source(%dma_start3A_337 : memref<32x128xf32, #tpu.memory_space<hbm>>) target(%dma_start3A_335 : memref<32x128xf32, #tpu.memory_space<vmem>>) target_semaphore(%arg15 : memref<!tpu.dma_semaphore, #tpu.memory_space<semaphore_mem>>)
      %slice3A_338 = vector.extract_strided_slice %shift_left3A_305 {offsets = [2], sizes = [1], strides = [1]} : vector<16xi32> to vector<1xi32>
      %squeeze3A_339 = vector.extract %slice3A_338[0] : i32 from vector<1xi32>
      %multiple_of3A_340 = tpu.assume_multiple %squeeze3A_339, 128 : i32
      %dma_start3A_341 = arith.constant 2 : i32
      %dma_start3A_342 = arith.constant 0 : i32
      %dma_start3A_343 = arith.constant 0 : i32
      %dma_start3A_344 = tpu.memref_slice %arg10[%dma_start3A_341, %dma_start3A_342, %dma_start3A_343] : memref<8x32x128xf32, #tpu.memory_space<vmem>> -> memref<1x32x128xf32, #tpu.memory_space<vmem>>
      %dma_start3A_345 = tpu.memref_squeeze %dma_start3A_344 : memref<1x32x128xf32, #tpu.memory_space<vmem>> -> memref<32x128xf32, #tpu.memory_space<vmem>>
      %dma_start3A_346 = arith.constant 0 : i32
      %dma_start3A_347 = tpu.memref_slice %arg4[%dma_start3A_346, %multiple_of3A_340] : memref<32x1000000xf32, #tpu.memory_space<hbm>> -> memref<32x128xf32, #tpu.memory_space<hbm>>
      %dma_start3A_348 = arith.constant 0 : i32
      %dma_start3A_349 = arith.constant 0 : i32
      %dma_start3A_350 = tpu.memref_slice %arg10[%dma_start3A_341, %dma_start3A_348, %dma_start3A_349] : memref<8x32x128xf32, #tpu.memory_space<vmem>> -> memref<1x32x128xf32, #tpu.memory_space<vmem>>
      %dma_start3A_351 = tpu.memref_squeeze %dma_start3A_350 : memref<1x32x128xf32, #tpu.memory_space<vmem>> -> memref<32x128xf32, #tpu.memory_space<vmem>>
      %dma_start3A_352 = arith.constant 0 : i32
      %dma_start3A_353 = tpu.memref_slice %arg4[%dma_start3A_352, %multiple_of3A_340] : memref<32x1000000xf32, #tpu.memory_space<hbm>> -> memref<32x128xf32, #tpu.memory_space<hbm>>
      tpu.enqueue_dma source(%dma_start3A_353 : memref<32x128xf32, #tpu.memory_space<hbm>>) target(%dma_start3A_351 : memref<32x128xf32, #tpu.memory_space<vmem>>) target_semaphore(%arg15 : memref<!tpu.dma_semaphore, #tpu.memory_space<semaphore_mem>>)
      %slice3A_354 = vector.extract_strided_slice %shift_left3A_305 {offsets = [3], sizes = [1], strides = [1]} : vector<16xi32> to vector<1xi32>
      %squeeze3A_355 = vector.extract %slice3A_354[0] : i32 from vector<1xi32>
      %multiple_of3A_356 = tpu.assume_multiple %squeeze3A_355, 128 : i32
      %dma_start3A_357 = arith.constant 3 : i32
      %dma_start3A_358 = arith.constant 0 : i32
      %dma_start3A_359 = arith.constant 0 : i32
      %dma_start3A_360 = tpu.memref_slice %arg10[%dma_start3A_357, %dma_start3A_358, %dma_start3A_359] : memref<8x32x128xf32, #tpu.memory_space<vmem>> -> memref<1x32x128xf32, #tpu.memory_space<vmem>>
      %dma_start3A_361 = tpu.memref_squeeze %dma_start3A_360 : memref<1x32x128xf32, #tpu.memory_space<vmem>> -> memref<32x128xf32, #tpu.memory_space<vmem>>
      %dma_start3A_362 = arith.constant 0 : i32
      %dma_start3A_363 = tpu.memref_slice %arg4[%dma_start3A_362, %multiple_of3A_356] : memref<32x1000000xf32, #tpu.memory_space<hbm>> -> memref<32x128xf32, #tpu.memory_space<hbm>>
      %dma_start3A_364 = arith.constant 0 : i32
      %dma_start3A_365 = arith.constant 0 : i32
      %dma_start3A_366 = tpu.memref_slice %arg10[%dma_start3A_357, %dma_start3A_364, %dma_start3A_365] : memref<8x32x128xf32, #tpu.memory_space<vmem>> -> memref<1x32x128xf32, #tpu.memory_space<vmem>>
      %dma_start3A_367 = tpu.memref_squeeze %dma_start3A_366 : memref<1x32x128xf32, #tpu.memory_space<vmem>> -> memref<32x128xf32, #tpu.memory_space<vmem>>
      %dma_start3A_368 = arith.constant 0 : i32
      %dma_start3A_369 = tpu.memref_slice %arg4[%dma_start3A_368, %multiple_of3A_356] : memref<32x1000000xf32, #tpu.memory_space<hbm>> -> memref<32x128xf32, #tpu.memory_space<hbm>>
      tpu.enqueue_dma source(%dma_start3A_369 : memref<32x128xf32, #tpu.memory_space<hbm>>) target(%dma_start3A_367 : memref<32x128xf32, #tpu.memory_space<vmem>>) target_semaphore(%arg15 : memref<!tpu.dma_semaphore, #tpu.memory_space<semaphore_mem>>)
      %slice3A_370 = vector.extract_strided_slice %shift_left3A_305 {offsets = [4], sizes = [1], strides = [1]} : vector<16xi32> to vector<1xi32>
      %squeeze3A_371 = vector.extract %slice3A_370[0] : i32 from vector<1xi32>
      %multiple_of3A_372 = tpu.assume_multiple %squeeze3A_371, 128 : i32
      %dma_start3A_373 = arith.constant 4 : i32
      %dma_start3A_374 = arith.constant 0 : i32
      %dma_start3A_375 = arith.constant 0 : i32
      %dma_start3A_376 = tpu.memref_slice %arg10[%dma_start3A_373, %dma_start3A_374, %dma_start3A_375] : memref<8x32x128xf32, #tpu.memory_space<vmem>> -> memref<1x32x128xf32, #tpu.memory_space<vmem>>
      %dma_start3A_377 = tpu.memref_squeeze %dma_start3A_376 : memref<1x32x128xf32, #tpu.memory_space<vmem>> -> memref<32x128xf32, #tpu.memory_space<vmem>>
      %dma_start3A_378 = arith.constant 0 : i32
      %dma_start3A_379 = tpu.memref_slice %arg4[%dma_start3A_378, %multiple_of3A_372] : memref<32x1000000xf32, #tpu.memory_space<hbm>> -> memref<32x128xf32, #tpu.memory_space<hbm>>
      %dma_start3A_380 = arith.constant 0 : i32
      %dma_start3A_381 = arith.constant 0 : i32
      %dma_start3A_382 = tpu.memref_slice %arg10[%dma_start3A_373, %dma_start3A_380, %dma_start3A_381] : memref<8x32x128xf32, #tpu.memory_space<vmem>> -> memref<1x32x128xf32, #tpu.memory_space<vmem>>
      %dma_start3A_383 = tpu.memref_squeeze %dma_start3A_382 : memref<1x32x128xf32, #tpu.memory_space<vmem>> -> memref<32x128xf32, #tpu.memory_space<vmem>>
      %dma_start3A_384 = arith.constant 0 : i32
      %dma_start3A_385 = tpu.memref_slice %arg4[%dma_start3A_384, %multiple_of3A_372] : memref<32x1000000xf32, #tpu.memory_space<hbm>> -> memref<32x128xf32, #tpu.memory_space<hbm>>
      tpu.enqueue_dma source(%dma_start3A_385 : memref<32x128xf32, #tpu.memory_space<hbm>>) target(%dma_start3A_383 : memref<32x128xf32, #tpu.memory_space<vmem>>) target_semaphore(%arg15 : memref<!tpu.dma_semaphore, #tpu.memory_space<semaphore_mem>>)
      %slice3A_386 = vector.extract_strided_slice %shift_left3A_305 {offsets = [5], sizes = [1], strides = [1]} : vector<16xi32> to vector<1xi32>
      %squeeze3A_387 = vector.extract %slice3A_386[0] : i32 from vector<1xi32>
      %multiple_of3A_388 = tpu.assume_multiple %squeeze3A_387, 128 : i32
      %dma_start3A_389 = arith.constant 5 : i32
      %dma_start3A_390 = arith.constant 0 : i32
      %dma_start3A_391 = arith.constant 0 : i32
      %dma_start3A_392 = tpu.memref_slice %arg10[%dma_start3A_389, %dma_start3A_390, %dma_start3A_391] : memref<8x32x128xf32, #tpu.memory_space<vmem>> -> memref<1x32x128xf32, #tpu.memory_space<vmem>>
      %dma_start3A_393 = tpu.memref_squeeze %dma_start3A_392 : memref<1x32x128xf32, #tpu.memory_space<vmem>> -> memref<32x128xf32, #tpu.memory_space<vmem>>
      %dma_start3A_394 = arith.constant 0 : i32
      %dma_start3A_395 = tpu.memref_slice %arg4[%dma_start3A_394, %multiple_of3A_388] : memref<32x1000000xf32, #tpu.memory_space<hbm>> -> memref<32x128xf32, #tpu.memory_space<hbm>>
      %dma_start3A_396 = arith.constant 0 : i32
      %dma_start3A_397 = arith.constant 0 : i32
      %dma_start3A_398 = tpu.memref_slice %arg10[%dma_start3A_389, %dma_start3A_396, %dma_start3A_397] : memref<8x32x128xf32, #tpu.memory_space<vmem>> -> memref<1x32x128xf32, #tpu.memory_space<vmem>>
      %dma_start3A_399 = tpu.memref_squeeze %dma_start3A_398 : memref<1x32x128xf32, #tpu.memory_space<vmem>> -> memref<32x128xf32, #tpu.memory_space<vmem>>
      %dma_start3A_400 = arith.constant 0 : i32
      %dma_start3A_401 = tpu.memref_slice %arg4[%dma_start3A_400, %multiple_of3A_388] : memref<32x1000000xf32, #tpu.memory_space<hbm>> -> memref<32x128xf32, #tpu.memory_space<hbm>>
      tpu.enqueue_dma source(%dma_start3A_401 : memref<32x128xf32, #tpu.memory_space<hbm>>) target(%dma_start3A_399 : memref<32x128xf32, #tpu.memory_space<vmem>>) target_semaphore(%arg15 : memref<!tpu.dma_semaphore, #tpu.memory_space<semaphore_mem>>)
      %slice3A_402 = vector.extract_strided_slice %shift_left3A_305 {offsets = [6], sizes = [1], strides = [1]} : vector<16xi32> to vector<1xi32>
      %squeeze3A_403 = vector.extract %slice3A_402[0] : i32 from vector<1xi32>
      %multiple_of3A_404 = tpu.assume_multiple %squeeze3A_403, 128 : i32
      %dma_start3A_405 = arith.constant 6 : i32
      %dma_start3A_406 = arith.constant 0 : i32
      %dma_start3A_407 = arith.constant 0 : i32
      %dma_start3A_408 = tpu.memref_slice %arg10[%dma_start3A_405, %dma_start3A_406, %dma_start3A_407] : memref<8x32x128xf32, #tpu.memory_space<vmem>> -> memref<1x32x128xf32, #tpu.memory_space<vmem>>
      %dma_start3A_409 = tpu.memref_squeeze %dma_start3A_408 : memref<1x32x128xf32, #tpu.memory_space<vmem>> -> memref<32x128xf32, #tpu.memory_space<vmem>>
      %dma_start3A_410 = arith.constant 0 : i32
      %dma_start3A_411 = tpu.memref_slice %arg4[%dma_start3A_410, %multiple_of3A_404] : memref<32x1000000xf32, #tpu.memory_space<hbm>> -> memref<32x128xf32, #tpu.memory_space<hbm>>
      %dma_start3A_412 = arith.constant 0 : i32
      %dma_start3A_413 = arith.constant 0 : i32
      %dma_start3A_414 = tpu.memref_slice %arg10[%dma_start3A_405, %dma_start3A_412, %dma_start3A_413] : memref<8x32x128xf32, #tpu.memory_space<vmem>> -> memref<1x32x128xf32, #tpu.memory_space<vmem>>
      %dma_start3A_415 = tpu.memref_squeeze %dma_start3A_414 : memref<1x32x128xf32, #tpu.memory_space<vmem>> -> memref<32x128xf32, #tpu.memory_space<vmem>>
      %dma_start3A_416 = arith.constant 0 : i32
      %dma_start3A_417 = tpu.memref_slice %arg4[%dma_start3A_416, %multiple_of3A_404] : memref<32x1000000xf32, #tpu.memory_space<hbm>> -> memref<32x128xf32, #tpu.memory_space<hbm>>
      tpu.enqueue_dma source(%dma_start3A_417 : memref<32x128xf32, #tpu.memory_space<hbm>>) target(%dma_start3A_415 : memref<32x128xf32, #tpu.memory_space<vmem>>) target_semaphore(%arg15 : memref<!tpu.dma_semaphore, #tpu.memory_space<semaphore_mem>>)
      %slice3A_418 = vector.extract_strided_slice %shift_left3A_305 {offsets = [7], sizes = [1], strides = [1]} : vector<16xi32> to vector<1xi32>
      %squeeze3A_419 = vector.extract %slice3A_418[0] : i32 from vector<1xi32>
      %multiple_of3A_420 = tpu.assume_multiple %squeeze3A_419, 128 : i32
      %dma_start3A_421 = arith.constant 7 : i32
      %dma_start3A_422 = arith.constant 0 : i32
      %dma_start3A_423 = arith.constant 0 : i32
      %dma_start3A_424 = tpu.memref_slice %arg10[%dma_start3A_421, %dma_start3A_422, %dma_start3A_423] : memref<8x32x128xf32, #tpu.memory_space<vmem>> -> memref<1x32x128xf32, #tpu.memory_space<vmem>>
      %dma_start3A_425 = tpu.memref_squeeze %dma_start3A_424 : memref<1x32x128xf32, #tpu.memory_space<vmem>> -> memref<32x128xf32, #tpu.memory_space<vmem>>
      %dma_start3A_426 = arith.constant 0 : i32
      %dma_start3A_427 = tpu.memref_slice %arg4[%dma_start3A_426, %multiple_of3A_420] : memref<32x1000000xf32, #tpu.memory_space<hbm>> -> memref<32x128xf32, #tpu.memory_space<hbm>>
      %dma_start3A_428 = arith.constant 0 : i32
      %dma_start3A_429 = arith.constant 0 : i32
      %dma_start3A_430 = tpu.memref_slice %arg10[%dma_start3A_421, %dma_start3A_428, %dma_start3A_429] : memref<8x32x128xf32, #tpu.memory_space<vmem>> -> memref<1x32x128xf32, #tpu.memory_space<vmem>>
      %dma_start3A_431 = tpu.memref_squeeze %dma_start3A_430 : memref<1x32x128xf32, #tpu.memory_space<vmem>> -> memref<32x128xf32, #tpu.memory_space<vmem>>
      %dma_start3A_432 = arith.constant 0 : i32
      %dma_start3A_433 = tpu.memref_slice %arg4[%dma_start3A_432, %multiple_of3A_420] : memref<32x1000000xf32, #tpu.memory_space<hbm>> -> memref<32x128xf32, #tpu.memory_space<hbm>>
      tpu.enqueue_dma source(%dma_start3A_433 : memref<32x128xf32, #tpu.memory_space<hbm>>) target(%dma_start3A_431 : memref<32x128xf32, #tpu.memory_space<vmem>>) target_semaphore(%arg15 : memref<!tpu.dma_semaphore, #tpu.memory_space<semaphore_mem>>)
      %dma_wait3A = arith.constant 0 : i32
      %dma_wait3A_434 = arith.constant 0 : i32
      %dma_wait3A_435 = arith.constant 0 : i32
      %dma_wait3A_436 = tpu.memref_slice %arg9[%dma_wait3A, %dma_wait3A_434, %dma_wait3A_435] : memref<8x32x128xf32, #tpu.memory_space<vmem>> -> memref<1x32x128xf32, #tpu.memory_space<vmem>>
      %dma_wait3A_437 = tpu.memref_squeeze %dma_wait3A_436 : memref<1x32x128xf32, #tpu.memory_space<vmem>> -> memref<32x128xf32, #tpu.memory_space<vmem>>
      %dma_wait3A_438 = arith.constant 0 : i32
      %dma_wait3A_439 = arith.constant 0 : i32
      %dma_wait3A_440 = tpu.memref_slice %arg4[%dma_wait3A_438, %dma_wait3A_439] : memref<32x1000000xf32, #tpu.memory_space<hbm>> -> memref<32x128xf32, #tpu.memory_space<hbm>>
      %dma_wait3A_441 = arith.constant 0 : i32
      %dma_wait3A_442 = arith.constant 0 : i32
      %dma_wait3A_443 = tpu.memref_slice %arg9[%dma_wait3A, %dma_wait3A_441, %dma_wait3A_442] : memref<8x32x128xf32, #tpu.memory_space<vmem>> -> memref<1x32x128xf32, #tpu.memory_space<vmem>>
      %dma_wait3A_444 = tpu.memref_squeeze %dma_wait3A_443 : memref<1x32x128xf32, #tpu.memory_space<vmem>> -> memref<32x128xf32, #tpu.memory_space<vmem>>
      %dma_wait3A_445 = arith.constant 0 : i32
      %dma_wait3A_446 = arith.constant 0 : i32
      %dma_wait3A_447 = tpu.memref_slice %arg4[%dma_wait3A_445, %dma_wait3A_446] : memref<32x1000000xf32, #tpu.memory_space<hbm>> -> memref<32x128xf32, #tpu.memory_space<hbm>>
      tpu.wait_dma2 semaphore(%arg14 : memref<!tpu.dma_semaphore, #tpu.memory_space<semaphore_mem>>) src(%dma_wait3A_447 : memref<32x128xf32, #tpu.memory_space<hbm>>) dst(%dma_wait3A_444 : memref<32x128xf32, #tpu.memory_space<vmem>>)
      %dma_wait3A_448 = arith.constant 1 : i32
      %dma_wait3A_449 = arith.constant 0 : i32
      %dma_wait3A_450 = arith.constant 0 : i32
      %dma_wait3A_451 = tpu.memref_slice %arg9[%dma_wait3A_448, %dma_wait3A_449, %dma_wait3A_450] : memref<8x32x128xf32, #tpu.memory_space<vmem>> -> memref<1x32x128xf32, #tpu.memory_space<vmem>>
      %dma_wait3A_452 = tpu.memref_squeeze %dma_wait3A_451 : memref<1x32x128xf32, #tpu.memory_space<vmem>> -> memref<32x128xf32, #tpu.memory_space<vmem>>
      %dma_wait3A_453 = arith.constant 0 : i32
      %dma_wait3A_454 = arith.constant 0 : i32
      %dma_wait3A_455 = tpu.memref_slice %arg4[%dma_wait3A_453, %dma_wait3A_454] : memref<32x1000000xf32, #tpu.memory_space<hbm>> -> memref<32x128xf32, #tpu.memory_space<hbm>>
      %dma_wait3A_456 = arith.constant 0 : i32
      %dma_wait3A_457 = arith.constant 0 : i32
      %dma_wait3A_458 = tpu.memref_slice %arg9[%dma_wait3A_448, %dma_wait3A_456, %dma_wait3A_457] : memref<8x32x128xf32, #tpu.memory_space<vmem>> -> memref<1x32x128xf32, #tpu.memory_space<vmem>>
      %dma_wait3A_459 = tpu.memref_squeeze %dma_wait3A_458 : memref<1x32x128xf32, #tpu.memory_space<vmem>> -> memref<32x128xf32, #tpu.memory_space<vmem>>
      %dma_wait3A_460 = arith.constant 0 : i32
      %dma_wait3A_461 = arith.constant 0 : i32
      %dma_wait3A_462 = tpu.memref_slice %arg4[%dma_wait3A_460, %dma_wait3A_461] : memref<32x1000000xf32, #tpu.memory_space<hbm>> -> memref<32x128xf32, #tpu.memory_space<hbm>>
      tpu.wait_dma2 semaphore(%arg14 : memref<!tpu.dma_semaphore, #tpu.memory_space<semaphore_mem>>) src(%dma_wait3A_462 : memref<32x128xf32, #tpu.memory_space<hbm>>) dst(%dma_wait3A_459 : memref<32x128xf32, #tpu.memory_space<vmem>>)
      %dma_wait3A_463 = arith.constant 2 : i32
      %dma_wait3A_464 = arith.constant 0 : i32
      %dma_wait3A_465 = arith.constant 0 : i32
      %dma_wait3A_466 = tpu.memref_slice %arg9[%dma_wait3A_463, %dma_wait3A_464, %dma_wait3A_465] : memref<8x32x128xf32, #tpu.memory_space<vmem>> -> memref<1x32x128xf32, #tpu.memory_space<vmem>>
      %dma_wait3A_467 = tpu.memref_squeeze %dma_wait3A_466 : memref<1x32x128xf32, #tpu.memory_space<vmem>> -> memref<32x128xf32, #tpu.memory_space<vmem>>
      %dma_wait3A_468 = arith.constant 0 : i32
      %dma_wait3A_469 = arith.constant 0 : i32
      %dma_wait3A_470 = tpu.memref_slice %arg4[%dma_wait3A_468, %dma_wait3A_469] : memref<32x1000000xf32, #tpu.memory_space<hbm>> -> memref<32x128xf32, #tpu.memory_space<hbm>>
      %dma_wait3A_471 = arith.constant 0 : i32
      %dma_wait3A_472 = arith.constant 0 : i32
      %dma_wait3A_473 = tpu.memref_slice %arg9[%dma_wait3A_463, %dma_wait3A_471, %dma_wait3A_472] : memref<8x32x128xf32, #tpu.memory_space<vmem>> -> memref<1x32x128xf32, #tpu.memory_space<vmem>>
      %dma_wait3A_474 = tpu.memref_squeeze %dma_wait3A_473 : memref<1x32x128xf32, #tpu.memory_space<vmem>> -> memref<32x128xf32, #tpu.memory_space<vmem>>
      %dma_wait3A_475 = arith.constant 0 : i32
      %dma_wait3A_476 = arith.constant 0 : i32
      %dma_wait3A_477 = tpu.memref_slice %arg4[%dma_wait3A_475, %dma_wait3A_476] : memref<32x1000000xf32, #tpu.memory_space<hbm>> -> memref<32x128xf32, #tpu.memory_space<hbm>>
      tpu.wait_dma2 semaphore(%arg14 : memref<!tpu.dma_semaphore, #tpu.memory_space<semaphore_mem>>) src(%dma_wait3A_477 : memref<32x128xf32, #tpu.memory_space<hbm>>) dst(%dma_wait3A_474 : memref<32x128xf32, #tpu.memory_space<vmem>>)
      %dma_wait3A_478 = arith.constant 3 : i32
      %dma_wait3A_479 = arith.constant 0 : i32
      %dma_wait3A_480 = arith.constant 0 : i32
      %dma_wait3A_481 = tpu.memref_slice %arg9[%dma_wait3A_478, %dma_wait3A_479, %dma_wait3A_480] : memref<8x32x128xf32, #tpu.memory_space<vmem>> -> memref<1x32x128xf32, #tpu.memory_space<vmem>>
      %dma_wait3A_482 = tpu.memref_squeeze %dma_wait3A_481 : memref<1x32x128xf32, #tpu.memory_space<vmem>> -> memref<32x128xf32, #tpu.memory_space<vmem>>
      %dma_wait3A_483 = arith.constant 0 : i32
      %dma_wait3A_484 = arith.constant 0 : i32
      %dma_wait3A_485 = tpu.memref_slice %arg4[%dma_wait3A_483, %dma_wait3A_484] : memref<32x1000000xf32, #tpu.memory_space<hbm>> -> memref<32x128xf32, #tpu.memory_space<hbm>>
      %dma_wait3A_486 = arith.constant 0 : i32
      %dma_wait3A_487 = arith.constant 0 : i32
      %dma_wait3A_488 = tpu.memref_slice %arg9[%dma_wait3A_478, %dma_wait3A_486, %dma_wait3A_487] : memref<8x32x128xf32, #tpu.memory_space<vmem>> -> memref<1x32x128xf32, #tpu.memory_space<vmem>>
      %dma_wait3A_489 = tpu.memref_squeeze %dma_wait3A_488 : memref<1x32x128xf32, #tpu.memory_space<vmem>> -> memref<32x128xf32, #tpu.memory_space<vmem>>
      %dma_wait3A_490 = arith.constant 0 : i32
      %dma_wait3A_491 = arith.constant 0 : i32
      %dma_wait3A_492 = tpu.memref_slice %arg4[%dma_wait3A_490, %dma_wait3A_491] : memref<32x1000000xf32, #tpu.memory_space<hbm>> -> memref<32x128xf32, #tpu.memory_space<hbm>>
      tpu.wait_dma2 semaphore(%arg14 : memref<!tpu.dma_semaphore, #tpu.memory_space<semaphore_mem>>) src(%dma_wait3A_492 : memref<32x128xf32, #tpu.memory_space<hbm>>) dst(%dma_wait3A_489 : memref<32x128xf32, #tpu.memory_space<vmem>>)
      %dma_wait3A_493 = arith.constant 4 : i32
      %dma_wait3A_494 = arith.constant 0 : i32
      %dma_wait3A_495 = arith.constant 0 : i32
      %dma_wait3A_496 = tpu.memref_slice %arg9[%dma_wait3A_493, %dma_wait3A_494, %dma_wait3A_495] : memref<8x32x128xf32, #tpu.memory_space<vmem>> -> memref<1x32x128xf32, #tpu.memory_space<vmem>>
      %dma_wait3A_497 = tpu.memref_squeeze %dma_wait3A_496 : memref<1x32x128xf32, #tpu.memory_space<vmem>> -> memref<32x128xf32, #tpu.memory_space<vmem>>
      %dma_wait3A_498 = arith.constant 0 : i32
      %dma_wait3A_499 = arith.constant 0 : i32
      %dma_wait3A_500 = tpu.memref_slice %arg4[%dma_wait3A_498, %dma_wait3A_499] : memref<32x1000000xf32, #tpu.memory_space<hbm>> -> memref<32x128xf32, #tpu.memory_space<hbm>>
      %dma_wait3A_501 = arith.constant 0 : i32
      %dma_wait3A_502 = arith.constant 0 : i32
      %dma_wait3A_503 = tpu.memref_slice %arg9[%dma_wait3A_493, %dma_wait3A_501, %dma_wait3A_502] : memref<8x32x128xf32, #tpu.memory_space<vmem>> -> memref<1x32x128xf32, #tpu.memory_space<vmem>>
      %dma_wait3A_504 = tpu.memref_squeeze %dma_wait3A_503 : memref<1x32x128xf32, #tpu.memory_space<vmem>> -> memref<32x128xf32, #tpu.memory_space<vmem>>
      %dma_wait3A_505 = arith.constant 0 : i32
      %dma_wait3A_506 = arith.constant 0 : i32
      %dma_wait3A_507 = tpu.memref_slice %arg4[%dma_wait3A_505, %dma_wait3A_506] : memref<32x1000000xf32, #tpu.memory_space<hbm>> -> memref<32x128xf32, #tpu.memory_space<hbm>>
      tpu.wait_dma2 semaphore(%arg14 : memref<!tpu.dma_semaphore, #tpu.memory_space<semaphore_mem>>) src(%dma_wait3A_507 : memref<32x128xf32, #tpu.memory_space<hbm>>) dst(%dma_wait3A_504 : memref<32x128xf32, #tpu.memory_space<vmem>>)
      %dma_wait3A_508 = arith.constant 5 : i32
      %dma_wait3A_509 = arith.constant 0 : i32
      %dma_wait3A_510 = arith.constant 0 : i32
      %dma_wait3A_511 = tpu.memref_slice %arg9[%dma_wait3A_508, %dma_wait3A_509, %dma_wait3A_510] : memref<8x32x128xf32, #tpu.memory_space<vmem>> -> memref<1x32x128xf32, #tpu.memory_space<vmem>>
      %dma_wait3A_512 = tpu.memref_squeeze %dma_wait3A_511 : memref<1x32x128xf32, #tpu.memory_space<vmem>> -> memref<32x128xf32, #tpu.memory_space<vmem>>
      %dma_wait3A_513 = arith.constant 0 : i32
      %dma_wait3A_514 = arith.constant 0 : i32
      %dma_wait3A_515 = tpu.memref_slice %arg4[%dma_wait3A_513, %dma_wait3A_514] : memref<32x1000000xf32, #tpu.memory_space<hbm>> -> memref<32x128xf32, #tpu.memory_space<hbm>>
      %dma_wait3A_516 = arith.constant 0 : i32
      %dma_wait3A_517 = arith.constant 0 : i32
      %dma_wait3A_518 = tpu.memref_slice %arg9[%dma_wait3A_508, %dma_wait3A_516, %dma_wait3A_517] : memref<8x32x128xf32, #tpu.memory_space<vmem>> -> memref<1x32x128xf32, #tpu.memory_space<vmem>>
      %dma_wait3A_519 = tpu.memref_squeeze %dma_wait3A_518 : memref<1x32x128xf32, #tpu.memory_space<vmem>> -> memref<32x128xf32, #tpu.memory_space<vmem>>
      %dma_wait3A_520 = arith.constant 0 : i32
      %dma_wait3A_521 = arith.constant 0 : i32
      %dma_wait3A_522 = tpu.memref_slice %arg4[%dma_wait3A_520, %dma_wait3A_521] : memref<32x1000000xf32, #tpu.memory_space<hbm>> -> memref<32x128xf32, #tpu.memory_space<hbm>>
      tpu.wait_dma2 semaphore(%arg14 : memref<!tpu.dma_semaphore, #tpu.memory_space<semaphore_mem>>) src(%dma_wait3A_522 : memref<32x128xf32, #tpu.memory_space<hbm>>) dst(%dma_wait3A_519 : memref<32x128xf32, #tpu.memory_space<vmem>>)
      %dma_wait3A_523 = arith.constant 6 : i32
      %dma_wait3A_524 = arith.constant 0 : i32
      %dma_wait3A_525 = arith.constant 0 : i32
      %dma_wait3A_526 = tpu.memref_slice %arg9[%dma_wait3A_523, %dma_wait3A_524, %dma_wait3A_525] : memref<8x32x128xf32, #tpu.memory_space<vmem>> -> memref<1x32x128xf32, #tpu.memory_space<vmem>>
      %dma_wait3A_527 = tpu.memref_squeeze %dma_wait3A_526 : memref<1x32x128xf32, #tpu.memory_space<vmem>> -> memref<32x128xf32, #tpu.memory_space<vmem>>
      %dma_wait3A_528 = arith.constant 0 : i32
      %dma_wait3A_529 = arith.constant 0 : i32
      %dma_wait3A_530 = tpu.memref_slice %arg4[%dma_wait3A_528, %dma_wait3A_529] : memref<32x1000000xf32, #tpu.memory_space<hbm>> -> memref<32x128xf32, #tpu.memory_space<hbm>>
      %dma_wait3A_531 = arith.constant 0 : i32
      %dma_wait3A_532 = arith.constant 0 : i32
      %dma_wait3A_533 = tpu.memref_slice %arg9[%dma_wait3A_523, %dma_wait3A_531, %dma_wait3A_532] : memref<8x32x128xf32, #tpu.memory_space<vmem>> -> memref<1x32x128xf32, #tpu.memory_space<vmem>>
      %dma_wait3A_534 = tpu.memref_squeeze %dma_wait3A_533 : memref<1x32x128xf32, #tpu.memory_space<vmem>> -> memref<32x128xf32, #tpu.memory_space<vmem>>
      %dma_wait3A_535 = arith.constant 0 : i32
      %dma_wait3A_536 = arith.constant 0 : i32
      %dma_wait3A_537 = tpu.memref_slice %arg4[%dma_wait3A_535, %dma_wait3A_536] : memref<32x1000000xf32, #tpu.memory_space<hbm>> -> memref<32x128xf32, #tpu.memory_space<hbm>>
      tpu.wait_dma2 semaphore(%arg14 : memref<!tpu.dma_semaphore, #tpu.memory_space<semaphore_mem>>) src(%dma_wait3A_537 : memref<32x128xf32, #tpu.memory_space<hbm>>) dst(%dma_wait3A_534 : memref<32x128xf32, #tpu.memory_space<vmem>>)
      %dma_wait3A_538 = arith.constant 7 : i32
      %dma_wait3A_539 = arith.constant 0 : i32
      %dma_wait3A_540 = arith.constant 0 : i32
      %dma_wait3A_541 = tpu.memref_slice %arg9[%dma_wait3A_538, %dma_wait3A_539, %dma_wait3A_540] : memref<8x32x128xf32, #tpu.memory_space<vmem>> -> memref<1x32x128xf32, #tpu.memory_space<vmem>>
      %dma_wait3A_542 = tpu.memref_squeeze %dma_wait3A_541 : memref<1x32x128xf32, #tpu.memory_space<vmem>> -> memref<32x128xf32, #tpu.memory_space<vmem>>
      %dma_wait3A_543 = arith.constant 0 : i32
      %dma_wait3A_544 = arith.constant 0 : i32
      %dma_wait3A_545 = tpu.memref_slice %arg4[%dma_wait3A_543, %dma_wait3A_544] : memref<32x1000000xf32, #tpu.memory_space<hbm>> -> memref<32x128xf32, #tpu.memory_space<hbm>>
      %dma_wait3A_546 = arith.constant 0 : i32
      %dma_wait3A_547 = arith.constant 0 : i32
      %dma_wait3A_548 = tpu.memref_slice %arg9[%dma_wait3A_538, %dma_wait3A_546, %dma_wait3A_547] : memref<8x32x128xf32, #tpu.memory_space<vmem>> -> memref<1x32x128xf32, #tpu.memory_space<vmem>>
      %dma_wait3A_549 = tpu.memref_squeeze %dma_wait3A_548 : memref<1x32x128xf32, #tpu.memory_space<vmem>> -> memref<32x128xf32, #tpu.memory_space<vmem>>
      %dma_wait3A_550 = arith.constant 0 : i32
      %dma_wait3A_551 = arith.constant 0 : i32
      %dma_wait3A_552 = tpu.memref_slice %arg4[%dma_wait3A_550, %dma_wait3A_551] : memref<32x1000000xf32, #tpu.memory_space<hbm>> -> memref<32x128xf32, #tpu.memory_space<hbm>>
      tpu.wait_dma2 semaphore(%arg14 : memref<!tpu.dma_semaphore, #tpu.memory_space<semaphore_mem>>) src(%dma_wait3A_552 : memref<32x128xf32, #tpu.memory_space<hbm>>) dst(%dma_wait3A_549 : memref<32x128xf32, #tpu.memory_space<vmem>>)
      %mul3A_553 = arith.constant 8 : i32
      %mul3A_554 = arith.muli %mul3A_291, %mul3A_553 : i32
      %get3A_555 = arith.index_cast %mul3A_554 : i32 to index
      %get3A_556 = tpu.vector_load %arg7[%get3A_555] {strides = array<i32>} : memref<528xi32, #tpu.memory_space<vmem>>, vector<16xi32>,
      %and3A = arith.constant 7 : i32
      %and3A_557 = vector.broadcast %and3A : i32 to vector<16xi32>
      %and3A_558 = arith.andi %iota3A, %and3A_557 : vector<16xi32>
      %lt3A = arith.constant 0 : i32
      %lt3A_559 = vector.broadcast %lt3A : i32 to vector<16xi32>
      %lt3A_560 = arith.cmpi slt, %and3A_558, %lt3A_559 : vector<16xi32>
      %add3A_561 = arith.constant 16 : i32
      %add3A_562 = vector.broadcast %add3A_561 : i32 to vector<16xi32>
      %add3A_563 = arith.addi %and3A_558, %add3A_562 : vector<16xi32>
      %select_n3A = arith.select %lt3A_560, %add3A_563, %and3A_558 : vector<16xi1>, vector<16xi32>
      %broadcast_in_dim3A = vector.shape_cast %select_n3A : vector<16xi32> to vector<16x1xi32>
      %gather3A = vector.shape_cast %broadcast_in_dim3A : vector<16x1xi32> to vector<16xi32>
      %gather3A_564 = tpu.dynamic_gather %get3A_556[%gather3A] in [0] : vector<16xi32>, vector<16xi32> -> vector<16xi32>
      %and3A_565 = arith.constant 127 : i32
      %and3A_566 = vector.broadcast %and3A_565 : i32 to vector<16xi32>
      %and3A_567 = arith.andi %gather3A_564, %and3A_566 : vector<16xi32>
      %and3A_568 = arith.constant 7 : i32
      %and3A_569 = vector.broadcast %and3A_568 : i32 to vector<16xi32>
      %and3A_570 = arith.andi %iota3A, %and3A_569 : vector<16xi32>
      %shift_right_arithmetic3A_571 = arith.constant 3 : i32
      %shift_right_arithmetic3A_572 = vector.broadcast %shift_right_arithmetic3A_571 : i32 to vector<16xi32>
      %shift_right_arithmetic3A_573 = arith.shrsi %iota3A, %shift_right_arithmetic3A_572 : vector<16xi32>
      %add3A_574 = arith.constant 0 : i32
      %add3A_575 = vector.broadcast %add3A_574 : i32 to vector<16xi32>
      %add3A_576 = arith.addi %add3A_575, %shift_right_arithmetic3A_573 : vector<16xi32>
      %mul3A_577 = arith.constant 128 : i32
      %mul3A_578 = vector.broadcast %mul3A_577 : i32 to vector<16xi32>
      %mul3A_579 = arith.muli %add3A_576, %mul3A_578 : vector<16xi32>
      %add3A_580 = arith.addi %and3A_567, %mul3A_579 : vector<16xi32>
      %gather3A_581 = tpu.memref_reshape %arg9 : memref<8x32x128xf32, #tpu.memory_space<vmem>> -> memref<8x4096xf32, #tpu.memory_space<vmem>>
      %gather3A_582 = tpu.vector_load_idx %gather3A_581[%and3A_570, %add3A_580] : memref<8x4096xf32, #tpu.memory_space<vmem>>[vector<16xi32>, vector<16xi32>], vector<16xf32>,
      %mul3A_583 = arith.constant 512 : i32
      %mul3A_584 = vector.broadcast %mul3A_583 : i32 to vector<16xi32>
      %mul3A_585 = arith.muli %add3A_576, %mul3A_584 : vector<16xi32>
      %mul3A_586 = arith.constant 8 : i32
      %mul3A_587 = arith.muli %mul3A_291, %mul3A_586 : i32
      %add3A_588 = vector.broadcast %mul3A_587 : i32 to vector<16xi32>
      %add3A_589 = arith.addi %mul3A_585, %add3A_588 : vector<16xi32>
      %add3A_590 = arith.addi %add3A_589, %and3A_570 : vector<16xi32>
      tpu.vector_store_idx %arg11[%add3A_590], %gather3A_582 : memref<16384xf32, #tpu.memory_space<vmem>>[vector<16xi32>], vector<16xf32>,
      %add3A_591 = arith.constant 2 : i32
      %add3A_592 = vector.broadcast %add3A_591 : i32 to vector<16xi32>
      %add3A_593 = arith.addi %add3A_592, %shift_right_arithmetic3A_573 : vector<16xi32>
      %mul3A_594 = arith.constant 128 : i32
      %mul3A_595 = vector.broadcast %mul3A_594 : i32 to vector<16xi32>
      %mul3A_596 = arith.muli %add3A_593, %mul3A_595 : vector<16xi32>
      %add3A_597 = arith.addi %and3A_567, %mul3A_596 : vector<16xi32>
      %gather3A_598 = tpu.memref_reshape %arg9 : memref<8x32x128xf32, #tpu.memory_space<vmem>> -> memref<8x4096xf32, #tpu.memory_space<vmem>>
      %gather3A_599 = tpu.vector_load_idx %gather3A_598[%and3A_570, %add3A_597] : memref<8x4096xf32, #tpu.memory_space<vmem>>[vector<16xi32>, vector<16xi32>], vector<16xf32>,
      %mul3A_600 = arith.constant 512 : i32
      %mul3A_601 = vector.broadcast %mul3A_600 : i32 to vector<16xi32>
      %mul3A_602 = arith.muli %add3A_593, %mul3A_601 : vector<16xi32>
      %mul3A_603 = arith.constant 8 : i32
      %mul3A_604 = arith.muli %mul3A_291, %mul3A_603 : i32
      %add3A_605 = vector.broadcast %mul3A_604 : i32 to vector<16xi32>
      %add3A_606 = arith.addi %mul3A_602, %add3A_605 : vector<16xi32>
      %add3A_607 = arith.addi %add3A_606, %and3A_570 : vector<16xi32>
      tpu.vector_store_idx %arg11[%add3A_607], %gather3A_599 : memref<16384xf32, #tpu.memory_space<vmem>>[vector<16xi32>], vector<16xf32>,
      %add3A_608 = arith.constant 4 : i32
      %add3A_609 = vector.broadcast %add3A_608 : i32 to vector<16xi32>
      %add3A_610 = arith.addi %add3A_609, %shift_right_arithmetic3A_573 : vector<16xi32>
      %mul3A_611 = arith.constant 128 : i32
      %mul3A_612 = vector.broadcast %mul3A_611 : i32 to vector<16xi32>
      %mul3A_613 = arith.muli %add3A_610, %mul3A_612 : vector<16xi32>
      %add3A_614 = arith.addi %and3A_567, %mul3A_613 : vector<16xi32>
      %gather3A_615 = tpu.memref_reshape %arg9 : memref<8x32x128xf32, #tpu.memory_space<vmem>> -> memref<8x4096xf32, #tpu.memory_space<vmem>>
      %gather3A_616 = tpu.vector_load_idx %gather3A_615[%and3A_570, %add3A_614] : memref<8x4096xf32, #tpu.memory_space<vmem>>[vector<16xi32>, vector<16xi32>], vector<16xf32>,
      %mul3A_617 = arith.constant 512 : i32
      %mul3A_618 = vector.broadcast %mul3A_617 : i32 to vector<16xi32>
      %mul3A_619 = arith.muli %add3A_610, %mul3A_618 : vector<16xi32>
      %mul3A_620 = arith.constant 8 : i32
      %mul3A_621 = arith.muli %mul3A_291, %mul3A_620 : i32
      %add3A_622 = vector.broadcast %mul3A_621 : i32 to vector<16xi32>
      %add3A_623 = arith.addi %mul3A_619, %add3A_622 : vector<16xi32>
      %add3A_624 = arith.addi %add3A_623, %and3A_570 : vector<16xi32>
      tpu.vector_store_idx %arg11[%add3A_624], %gather3A_616 : memref<16384xf32, #tpu.memory_space<vmem>>[vector<16xi32>], vector<16xf32>,
      %add3A_625 = arith.constant 6 : i32
      %add3A_626 = vector.broadcast %add3A_625 : i32 to vector<16xi32>
      %add3A_627 = arith.addi %add3A_626, %shift_right_arithmetic3A_573 : vector<16xi32>
      %mul3A_628 = arith.constant 128 : i32
      %mul3A_629 = vector.broadcast %mul3A_628 : i32 to vector<16xi32>
      %mul3A_630 = arith.muli %add3A_627, %mul3A_629 : vector<16xi32>
      %add3A_631 = arith.addi %and3A_567, %mul3A_630 : vector<16xi32>
      %gather3A_632 = tpu.memref_reshape %arg9 : memref<8x32x128xf32, #tpu.memory_space<vmem>> -> memref<8x4096xf32, #tpu.memory_space<vmem>>
      %gather3A_633 = tpu.vector_load_idx %gather3A_632[%and3A_570, %add3A_631] : memref<8x4096xf32, #tpu.memory_space<vmem>>[vector<16xi32>, vector<16xi32>], vector<16xf32>,
      %mul3A_634 = arith.constant 512 : i32
      %mul3A_635 = vector.broadcast %mul3A_634 : i32 to vector<16xi32>
      %mul3A_636 = arith.muli %add3A_627, %mul3A_635 : vector<16xi32>
      %mul3A_637 = arith.constant 8 : i32
      %mul3A_638 = arith.muli %mul3A_291, %mul3A_637 : i32
      %add3A_639 = vector.broadcast %mul3A_638 : i32 to vector<16xi32>
      %add3A_640 = arith.addi %mul3A_636, %add3A_639 : vector<16xi32>
      %add3A_641 = arith.addi %add3A_640, %and3A_570 : vector<16xi32>
      tpu.vector_store_idx %arg11[%add3A_641], %gather3A_633 : memref<16384xf32, #tpu.memory_space<vmem>>[vector<16xi32>], vector<16xf32>,
      %add3A_642 = arith.constant 8 : i32
      %add3A_643 = vector.broadcast %add3A_642 : i32 to vector<16xi32>
      %add3A_644 = arith.addi %add3A_643, %shift_right_arithmetic3A_573 : vector<16xi32>
      %mul3A_645 = arith.constant 128 : i32
      %mul3A_646 = vector.broadcast %mul3A_645 : i32 to vector<16xi32>
      %mul3A_647 = arith.muli %add3A_644, %mul3A_646 : vector<16xi32>
      %add3A_648 = arith.addi %and3A_567, %mul3A_647 : vector<16xi32>
      %gather3A_649 = tpu.memref_reshape %arg9 : memref<8x32x128xf32, #tpu.memory_space<vmem>> -> memref<8x4096xf32, #tpu.memory_space<vmem>>
      %gather3A_650 = tpu.vector_load_idx %gather3A_649[%and3A_570, %add3A_648] : memref<8x4096xf32, #tpu.memory_space<vmem>>[vector<16xi32>, vector<16xi32>], vector<16xf32>,
      %mul3A_651 = arith.constant 512 : i32
      %mul3A_652 = vector.broadcast %mul3A_651 : i32 to vector<16xi32>
      %mul3A_653 = arith.muli %add3A_644, %mul3A_652 : vector<16xi32>
      %mul3A_654 = arith.constant 8 : i32
      %mul3A_655 = arith.muli %mul3A_291, %mul3A_654 : i32
      %add3A_656 = vector.broadcast %mul3A_655 : i32 to vector<16xi32>
      %add3A_657 = arith.addi %mul3A_653, %add3A_656 : vector<16xi32>
      %add3A_658 = arith.addi %add3A_657, %and3A_570 : vector<16xi32>
      tpu.vector_store_idx %arg11[%add3A_658], %gather3A_650 : memref<16384xf32, #tpu.memory_space<vmem>>[vector<16xi32>], vector<16xf32>,
      %add3A_659 = arith.constant 10 : i32
      %add3A_660 = vector.broadcast %add3A_659 : i32 to vector<16xi32>
      %add3A_661 = arith.addi %add3A_660, %shift_right_arithmetic3A_573 : vector<16xi32>
      %mul3A_662 = arith.constant 128 : i32
      %mul3A_663 = vector.broadcast %mul3A_662 : i32 to vector<16xi32>
      %mul3A_664 = arith.muli %add3A_661, %mul3A_663 : vector<16xi32>
      %add3A_665 = arith.addi %and3A_567, %mul3A_664 : vector<16xi32>
      %gather3A_666 = tpu.memref_reshape %arg9 : memref<8x32x128xf32, #tpu.memory_space<vmem>> -> memref<8x4096xf32, #tpu.memory_space<vmem>>
      %gather3A_667 = tpu.vector_load_idx %gather3A_666[%and3A_570, %add3A_665] : memref<8x4096xf32, #tpu.memory_space<vmem>>[vector<16xi32>, vector<16xi32>], vector<16xf32>,
      %mul3A_668 = arith.constant 512 : i32
      %mul3A_669 = vector.broadcast %mul3A_668 : i32 to vector<16xi32>
      %mul3A_670 = arith.muli %add3A_661, %mul3A_669 : vector<16xi32>
      %mul3A_671 = arith.constant 8 : i32
      %mul3A_672 = arith.muli %mul3A_291, %mul3A_671 : i32
      %add3A_673 = vector.broadcast %mul3A_672 : i32 to vector<16xi32>
      %add3A_674 = arith.addi %mul3A_670, %add3A_673 : vector<16xi32>
      %add3A_675 = arith.addi %add3A_674, %and3A_570 : vector<16xi32>
      tpu.vector_store_idx %arg11[%add3A_675], %gather3A_667 : memref<16384xf32, #tpu.memory_space<vmem>>[vector<16xi32>], vector<16xf32>,
      %add3A_676 = arith.constant 12 : i32
      %add3A_677 = vector.broadcast %add3A_676 : i32 to vector<16xi32>
      %add3A_678 = arith.addi %add3A_677, %shift_right_arithmetic3A_573 : vector<16xi32>
      %mul3A_679 = arith.constant 128 : i32
      %mul3A_680 = vector.broadcast %mul3A_679 : i32 to vector<16xi32>
      %mul3A_681 = arith.muli %add3A_678, %mul3A_680 : vector<16xi32>
      %add3A_682 = arith.addi %and3A_567, %mul3A_681 : vector<16xi32>
      %gather3A_683 = tpu.memref_reshape %arg9 : memref<8x32x128xf32, #tpu.memory_space<vmem>> -> memref<8x4096xf32, #tpu.memory_space<vmem>>
      %gather3A_684 = tpu.vector_load_idx %gather3A_683[%and3A_570, %add3A_682] : memref<8x4096xf32, #tpu.memory_space<vmem>>[vector<16xi32>, vector<16xi32>], vector<16xf32>,
      %mul3A_685 = arith.constant 512 : i32
      %mul3A_686 = vector.broadcast %mul3A_685 : i32 to vector<16xi32>
      %mul3A_687 = arith.muli %add3A_678, %mul3A_686 : vector<16xi32>
      %mul3A_688 = arith.constant 8 : i32
      %mul3A_689 = arith.muli %mul3A_291, %mul3A_688 : i32
      %add3A_690 = vector.broadcast %mul3A_689 : i32 to vector<16xi32>
      %add3A_691 = arith.addi %mul3A_687, %add3A_690 : vector<16xi32>
      %add3A_692 = arith.addi %add3A_691, %and3A_570 : vector<16xi32>
      tpu.vector_store_idx %arg11[%add3A_692], %gather3A_684 : memref<16384xf32, #tpu.memory_space<vmem>>[vector<16xi32>], vector<16xf32>,
      %add3A_693 = arith.constant 14 : i32
      %add3A_694 = vector.broadcast %add3A_693 : i32 to vector<16xi32>
      %add3A_695 = arith.addi %add3A_694, %shift_right_arithmetic3A_573 : vector<16xi32>
      %mul3A_696 = arith.constant 128 : i32
      %mul3A_697 = vector.broadcast %mul3A_696 : i32 to vector<16xi32>
      %mul3A_698 = arith.muli %add3A_695, %mul3A_697 : vector<16xi32>
      %add3A_699 = arith.addi %and3A_567, %mul3A_698 : vector<16xi32>
      %gather3A_700 = tpu.memref_reshape %arg9 : memref<8x32x128xf32, #tpu.memory_space<vmem>> -> memref<8x4096xf32, #tpu.memory_space<vmem>>
      %gather3A_701 = tpu.vector_load_idx %gather3A_700[%and3A_570, %add3A_699] : memref<8x4096xf32, #tpu.memory_space<vmem>>[vector<16xi32>, vector<16xi32>], vector<16xf32>,
      %mul3A_702 = arith.constant 512 : i32
      %mul3A_703 = vector.broadcast %mul3A_702 : i32 to vector<16xi32>
      %mul3A_704 = arith.muli %add3A_695, %mul3A_703 : vector<16xi32>
      %mul3A_705 = arith.constant 8 : i32
      %mul3A_706 = arith.muli %mul3A_291, %mul3A_705 : i32
      %add3A_707 = vector.broadcast %mul3A_706 : i32 to vector<16xi32>
      %add3A_708 = arith.addi %mul3A_704, %add3A_707 : vector<16xi32>
      %add3A_709 = arith.addi %add3A_708, %and3A_570 : vector<16xi32>
      tpu.vector_store_idx %arg11[%add3A_709], %gather3A_701 : memref<16384xf32, #tpu.memory_space<vmem>>[vector<16xi32>], vector<16xf32>,
      %add3A_710 = arith.constant 16 : i32
      %add3A_711 = vector.broadcast %add3A_710 : i32 to vector<16xi32>
      %add3A_712 = arith.addi %add3A_711, %shift_right_arithmetic3A_573 : vector<16xi32>
      %mul3A_713 = arith.constant 128 : i32
      %mul3A_714 = vector.broadcast %mul3A_713 : i32 to vector<16xi32>
      %mul3A_715 = arith.muli %add3A_712, %mul3A_714 : vector<16xi32>
      %add3A_716 = arith.addi %and3A_567, %mul3A_715 : vector<16xi32>
      %gather3A_717 = tpu.memref_reshape %arg9 : memref<8x32x128xf32, #tpu.memory_space<vmem>> -> memref<8x4096xf32, #tpu.memory_space<vmem>>
      %gather3A_718 = tpu.vector_load_idx %gather3A_717[%and3A_570, %add3A_716] : memref<8x4096xf32, #tpu.memory_space<vmem>>[vector<16xi32>, vector<16xi32>], vector<16xf32>,
      %mul3A_719 = arith.constant 512 : i32
      %mul3A_720 = vector.broadcast %mul3A_719 : i32 to vector<16xi32>
      %mul3A_721 = arith.muli %add3A_712, %mul3A_720 : vector<16xi32>
      %mul3A_722 = arith.constant 8 : i32
      %mul3A_723 = arith.muli %mul3A_291, %mul3A_722 : i32
      %add3A_724 = vector.broadcast %mul3A_723 : i32 to vector<16xi32>
      %add3A_725 = arith.addi %mul3A_721, %add3A_724 : vector<16xi32>
      %add3A_726 = arith.addi %add3A_725, %and3A_570 : vector<16xi32>
      tpu.vector_store_idx %arg11[%add3A_726], %gather3A_718 : memref<16384xf32, #tpu.memory_space<vmem>>[vector<16xi32>], vector<16xf32>,
      %add3A_727 = arith.constant 18 : i32
      %add3A_728 = vector.broadcast %add3A_727 : i32 to vector<16xi32>
      %add3A_729 = arith.addi %add3A_728, %shift_right_arithmetic3A_573 : vector<16xi32>
      %mul3A_730 = arith.constant 128 : i32
      %mul3A_731 = vector.broadcast %mul3A_730 : i32 to vector<16xi32>
      %mul3A_732 = arith.muli %add3A_729, %mul3A_731 : vector<16xi32>
      %add3A_733 = arith.addi %and3A_567, %mul3A_732 : vector<16xi32>
      %gather3A_734 = tpu.memref_reshape %arg9 : memref<8x32x128xf32, #tpu.memory_space<vmem>> -> memref<8x4096xf32, #tpu.memory_space<vmem>>
      %gather3A_735 = tpu.vector_load_idx %gather3A_734[%and3A_570, %add3A_733] : memref<8x4096xf32, #tpu.memory_space<vmem>>[vector<16xi32>, vector<16xi32>], vector<16xf32>,
      %mul3A_736 = arith.constant 512 : i32
      %mul3A_737 = vector.broadcast %mul3A_736 : i32 to vector<16xi32>
      %mul3A_738 = arith.muli %add3A_729, %mul3A_737 : vector<16xi32>
      %mul3A_739 = arith.constant 8 : i32
      %mul3A_740 = arith.muli %mul3A_291, %mul3A_739 : i32
      %add3A_741 = vector.broadcast %mul3A_740 : i32 to vector<16xi32>
      %add3A_742 = arith.addi %mul3A_738, %add3A_741 : vector<16xi32>
      %add3A_743 = arith.addi %add3A_742, %and3A_570 : vector<16xi32>
      tpu.vector_store_idx %arg11[%add3A_743], %gather3A_735 : memref<16384xf32, #tpu.memory_space<vmem>>[vector<16xi32>], vector<16xf32>,
      %add3A_744 = arith.constant 20 : i32
      %add3A_745 = vector.broadcast %add3A_744 : i32 to vector<16xi32>
      %add3A_746 = arith.addi %add3A_745, %shift_right_arithmetic3A_573 : vector<16xi32>
      %mul3A_747 = arith.constant 128 : i32
      %mul3A_748 = vector.broadcast %mul3A_747 : i32 to vector<16xi32>
      %mul3A_749 = arith.muli %add3A_746, %mul3A_748 : vector<16xi32>
      %add3A_750 = arith.addi %and3A_567, %mul3A_749 : vector<16xi32>
      %gather3A_751 = tpu.memref_reshape %arg9 : memref<8x32x128xf32, #tpu.memory_space<vmem>> -> memref<8x4096xf32, #tpu.memory_space<vmem>>
      %gather3A_752 = tpu.vector_load_idx %gather3A_751[%and3A_570, %add3A_750] : memref<8x4096xf32, #tpu.memory_space<vmem>>[vector<16xi32>, vector<16xi32>], vector<16xf32>,
      %mul3A_753 = arith.constant 512 : i32
      %mul3A_754 = vector.broadcast %mul3A_753 : i32 to vector<16xi32>
      %mul3A_755 = arith.muli %add3A_746, %mul3A_754 : vector<16xi32>
      %mul3A_756 = arith.constant 8 : i32
      %mul3A_757 = arith.muli %mul3A_291, %mul3A_756 : i32
      %add3A_758 = vector.broadcast %mul3A_757 : i32 to vector<16xi32>
      %add3A_759 = arith.addi %mul3A_755, %add3A_758 : vector<16xi32>
      %add3A_760 = arith.addi %add3A_759, %and3A_570 : vector<16xi32>
      tpu.vector_store_idx %arg11[%add3A_760], %gather3A_752 : memref<16384xf32, #tpu.memory_space<vmem>>[vector<16xi32>], vector<16xf32>,
      %add3A_761 = arith.constant 22 : i32
      %add3A_762 = vector.broadcast %add3A_761 : i32 to vector<16xi32>
      %add3A_763 = arith.addi %add3A_762, %shift_right_arithmetic3A_573 : vector<16xi32>
      %mul3A_764 = arith.constant 128 : i32
      %mul3A_765 = vector.broadcast %mul3A_764 : i32 to vector<16xi32>
      %mul3A_766 = arith.muli %add3A_763, %mul3A_765 : vector<16xi32>
      %add3A_767 = arith.addi %and3A_567, %mul3A_766 : vector<16xi32>
      %gather3A_768 = tpu.memref_reshape %arg9 : memref<8x32x128xf32, #tpu.memory_space<vmem>> -> memref<8x4096xf32, #tpu.memory_space<vmem>>
      %gather3A_769 = tpu.vector_load_idx %gather3A_768[%and3A_570, %add3A_767] : memref<8x4096xf32, #tpu.memory_space<vmem>>[vector<16xi32>, vector<16xi32>], vector<16xf32>,
      %mul3A_770 = arith.constant 512 : i32
      %mul3A_771 = vector.broadcast %mul3A_770 : i32 to vector<16xi32>
      %mul3A_772 = arith.muli %add3A_763, %mul3A_771 : vector<16xi32>
      %mul3A_773 = arith.constant 8 : i32
      %mul3A_774 = arith.muli %mul3A_291, %mul3A_773 : i32
      %add3A_775 = vector.broadcast %mul3A_774 : i32 to vector<16xi32>
      %add3A_776 = arith.addi %mul3A_772, %add3A_775 : vector<16xi32>
      %add3A_777 = arith.addi %add3A_776, %and3A_570 : vector<16xi32>
      tpu.vector_store_idx %arg11[%add3A_777], %gather3A_769 : memref<16384xf32, #tpu.memory_space<vmem>>[vector<16xi32>], vector<16xf32>,
      %add3A_778 = arith.constant 24 : i32
      %add3A_779 = vector.broadcast %add3A_778 : i32 to vector<16xi32>
      %add3A_780 = arith.addi %add3A_779, %shift_right_arithmetic3A_573 : vector<16xi32>
      %mul3A_781 = arith.constant 128 : i32
      %mul3A_782 = vector.broadcast %mul3A_781 : i32 to vector<16xi32>
      %mul3A_783 = arith.muli %add3A_780, %mul3A_782 : vector<16xi32>
      %add3A_784 = arith.addi %and3A_567, %mul3A_783 : vector<16xi32>
      %gather3A_785 = tpu.memref_reshape %arg9 : memref<8x32x128xf32, #tpu.memory_space<vmem>> -> memref<8x4096xf32, #tpu.memory_space<vmem>>
      %gather3A_786 = tpu.vector_load_idx %gather3A_785[%and3A_570, %add3A_784] : memref<8x4096xf32, #tpu.memory_space<vmem>>[vector<16xi32>, vector<16xi32>], vector<16xf32>,
      %mul3A_787 = arith.constant 512 : i32
      %mul3A_788 = vector.broadcast %mul3A_787 : i32 to vector<16xi32>
      %mul3A_789 = arith.muli %add3A_780, %mul3A_788 : vector<16xi32>
      %mul3A_790 = arith.constant 8 : i32
      %mul3A_791 = arith.muli %mul3A_291, %mul3A_790 : i32
      %add3A_792 = vector.broadcast %mul3A_791 : i32 to vector<16xi32>
      %add3A_793 = arith.addi %mul3A_789, %add3A_792 : vector<16xi32>
      %add3A_794 = arith.addi %add3A_793, %and3A_570 : vector<16xi32>
      tpu.vector_store_idx %arg11[%add3A_794], %gather3A_786 : memref<16384xf32, #tpu.memory_space<vmem>>[vector<16xi32>], vector<16xf32>,
      %add3A_795 = arith.constant 26 : i32
      %add3A_796 = vector.broadcast %add3A_795 : i32 to vector<16xi32>
      %add3A_797 = arith.addi %add3A_796, %shift_right_arithmetic3A_573 : vector<16xi32>
      %mul3A_798 = arith.constant 128 : i32
      %mul3A_799 = vector.broadcast %mul3A_798 : i32 to vector<16xi32>
      %mul3A_800 = arith.muli %add3A_797, %mul3A_799 : vector<16xi32>
      %add3A_801 = arith.addi %and3A_567, %mul3A_800 : vector<16xi32>
      %gather3A_802 = tpu.memref_reshape %arg9 : memref<8x32x128xf32, #tpu.memory_space<vmem>> -> memref<8x4096xf32, #tpu.memory_space<vmem>>
      %gather3A_803 = tpu.vector_load_idx %gather3A_802[%and3A_570, %add3A_801] : memref<8x4096xf32, #tpu.memory_space<vmem>>[vector<16xi32>, vector<16xi32>], vector<16xf32>,
      %mul3A_804 = arith.constant 512 : i32
      %mul3A_805 = vector.broadcast %mul3A_804 : i32 to vector<16xi32>
      %mul3A_806 = arith.muli %add3A_797, %mul3A_805 : vector<16xi32>
      %mul3A_807 = arith.constant 8 : i32
      %mul3A_808 = arith.muli %mul3A_291, %mul3A_807 : i32
      %add3A_809 = vector.broadcast %mul3A_808 : i32 to vector<16xi32>
      %add3A_810 = arith.addi %mul3A_806, %add3A_809 : vector<16xi32>
      %add3A_811 = arith.addi %add3A_810, %and3A_570 : vector<16xi32>
      tpu.vector_store_idx %arg11[%add3A_811], %gather3A_803 : memref<16384xf32, #tpu.memory_space<vmem>>[vector<16xi32>], vector<16xf32>,
      %add3A_812 = arith.constant 28 : i32
      %add3A_813 = vector.broadcast %add3A_812 : i32 to vector<16xi32>
      %add3A_814 = arith.addi %add3A_813, %shift_right_arithmetic3A_573 : vector<16xi32>
      %mul3A_815 = arith.constant 128 : i32
      %mul3A_816 = vector.broadcast %mul3A_815 : i32 to vector<16xi32>
      %mul3A_817 = arith.muli %add3A_814, %mul3A_816 : vector<16xi32>
      %add3A_818 = arith.addi %and3A_567, %mul3A_817 : vector<16xi32>
      %gather3A_819 = tpu.memref_reshape %arg9 : memref<8x32x128xf32, #tpu.memory_space<vmem>> -> memref<8x4096xf32, #tpu.memory_space<vmem>>
      %gather3A_820 = tpu.vector_load_idx %gather3A_819[%and3A_570, %add3A_818] : memref<8x4096xf32, #tpu.memory_space<vmem>>[vector<16xi32>, vector<16xi32>], vector<16xf32>,
      %mul3A_821 = arith.constant 512 : i32
      %mul3A_822 = vector.broadcast %mul3A_821 : i32 to vector<16xi32>
      %mul3A_823 = arith.muli %add3A_814, %mul3A_822 : vector<16xi32>
      %mul3A_824 = arith.constant 8 : i32
      %mul3A_825 = arith.muli %mul3A_291, %mul3A_824 : i32
      %add3A_826 = vector.broadcast %mul3A_825 : i32 to vector<16xi32>
      %add3A_827 = arith.addi %mul3A_823, %add3A_826 : vector<16xi32>
      %add3A_828 = arith.addi %add3A_827, %and3A_570 : vector<16xi32>
      tpu.vector_store_idx %arg11[%add3A_828], %gather3A_820 : memref<16384xf32, #tpu.memory_space<vmem>>[vector<16xi32>], vector<16xf32>,
      %add3A_829 = arith.constant 30 : i32
      %add3A_830 = vector.broadcast %add3A_829 : i32 to vector<16xi32>
      %add3A_831 = arith.addi %add3A_830, %shift_right_arithmetic3A_573 : vector<16xi32>
      %mul3A_832 = arith.constant 128 : i32
      %mul3A_833 = vector.broadcast %mul3A_832 : i32 to vector<16xi32>
      %mul3A_834 = arith.muli %add3A_831, %mul3A_833 : vector<16xi32>
      %add3A_835 = arith.addi %and3A_567, %mul3A_834 : vector<16xi32>
      %gather3A_836 = tpu.memref_reshape %arg9 : memref<8x32x128xf32, #tpu.memory_space<vmem>> -> memref<8x4096xf32, #tpu.memory_space<vmem>>
      %gather3A_837 = tpu.vector_load_idx %gather3A_836[%and3A_570, %add3A_835] : memref<8x4096xf32, #tpu.memory_space<vmem>>[vector<16xi32>, vector<16xi32>], vector<16xf32>,
      %mul3A_838 = arith.constant 512 : i32
      %mul3A_839 = vector.broadcast %mul3A_838 : i32 to vector<16xi32>
      %mul3A_840 = arith.muli %add3A_831, %mul3A_839 : vector<16xi32>
      %mul3A_841 = arith.constant 8 : i32
      %mul3A_842 = arith.muli %mul3A_291, %mul3A_841 : i32
      %add3A_843 = vector.broadcast %mul3A_842 : i32 to vector<16xi32>
      %add3A_844 = arith.addi %mul3A_840, %add3A_843 : vector<16xi32>
      %add3A_845 = arith.addi %add3A_844, %and3A_570 : vector<16xi32>
      tpu.vector_store_idx %arg11[%add3A_845], %gather3A_837 : memref<16384xf32, #tpu.memory_space<vmem>>[vector<16xi32>], vector<16xf32>,
      %add3A_846 = arith.constant 2 : i32
      %add3A_847 = arith.addi %mul3A_291, %add3A_846 : i32
      %lt3A_848 = arith.constant 64 : i32
      %lt3A_849 = arith.cmpi slt, %add3A_847, %lt3A_848 : i32
      %convert_element_type3A = arith.extui %lt3A_849 : i1 to i32
      %cond3A = arith.constant 0 : i32
      %cond3A_850 = arith.cmpi ne, %convert_element_type3A, %cond3A : i32
      scf.if %cond3A_850 {
        %add3A_1270 = arith.constant 2 : i32
        %add3A_1271 = arith.addi %mul3A_291, %add3A_1270 : i32
        %mul3A_1272 = arith.constant 8 : i32
        %mul3A_1273 = arith.muli %add3A_1271, %mul3A_1272 : i32
        %get3A_1274 = arith.index_cast %mul3A_1273 : i32 to index
        %get3A_1275 = tpu.vector_load %arg7[%get3A_1274] {strides = array<i32>} : memref<528xi32, #tpu.memory_space<vmem>>, vector<16xi32>,
        %shift_right_arithmetic3A_1276 = arith.constant 7 : i32
        %shift_right_arithmetic3A_1277 = vector.broadcast %shift_right_arithmetic3A_1276 : i32 to vector<16xi32>
        %shift_right_arithmetic3A_1278 = arith.shrsi %get3A_1275, %shift_right_arithmetic3A_1277 : vector<16xi32>
        %shift_left3A_1279 = arith.constant 7 : i32
        %shift_left3A_1280 = vector.broadcast %shift_left3A_1279 : i32 to vector<16xi32>
        %shift_left3A_1281 = arith.shli %shift_right_arithmetic3A_1278, %shift_left3A_1280 : vector<16xi32>
        %slice3A_1282 = vector.extract_strided_slice %shift_left3A_1281 {offsets = [0], sizes = [1], strides = [1]} : vector<16xi32> to vector<1xi32>
        %squeeze3A_1283 = vector.extract %slice3A_1282[0] : i32 from vector<1xi32>
        %multiple_of3A_1284 = tpu.assume_multiple %squeeze3A_1283, 128 : i32
        %dma_start3A_1285 = arith.constant 0 : i32
        %dma_start3A_1286 = arith.constant 0 : i32
        %dma_start3A_1287 = arith.constant 0 : i32
        %dma_start3A_1288 = tpu.memref_slice %arg9[%dma_start3A_1285, %dma_start3A_1286, %dma_start3A_1287] : memref<8x32x128xf32, #tpu.memory_space<vmem>> -> memref<1x32x128xf32, #tpu.memory_space<vmem>>
        %dma_start3A_1289 = tpu.memref_squeeze %dma_start3A_1288 : memref<1x32x128xf32, #tpu.memory_space<vmem>> -> memref<32x128xf32, #tpu.memory_space<vmem>>
        %dma_start3A_1290 = arith.constant 0 : i32
        %dma_start3A_1291 = tpu.memref_slice %arg4[%dma_start3A_1290, %multiple_of3A_1284] : memref<32x1000000xf32, #tpu.memory_space<hbm>> -> memref<32x128xf32, #tpu.memory_space<hbm>>
        %dma_start3A_1292 = arith.constant 0 : i32
        %dma_start3A_1293 = arith.constant 0 : i32
        %dma_start3A_1294 = tpu.memref_slice %arg9[%dma_start3A_1285, %dma_start3A_1292, %dma_start3A_1293] : memref<8x32x128xf32, #tpu.memory_space<vmem>> -> memref<1x32x128xf32, #tpu.memory_space<vmem>>
        %dma_start3A_1295 = tpu.memref_squeeze %dma_start3A_1294 : memref<1x32x128xf32, #tpu.memory_space<vmem>> -> memref<32x128xf32, #tpu.memory_space<vmem>>
        %dma_start3A_1296 = arith.constant 0 : i32
        %dma_start3A_1297 = tpu.memref_slice %arg4[%dma_start3A_1296, %multiple_of3A_1284] : memref<32x1000000xf32, #tpu.memory_space<hbm>> -> memref<32x128xf32, #tpu.memory_space<hbm>>
        tpu.enqueue_dma source(%dma_start3A_1297 : memref<32x128xf32, #tpu.memory_space<hbm>>) target(%dma_start3A_1295 : memref<32x128xf32, #tpu.memory_space<vmem>>) target_semaphore(%arg14 : memref<!tpu.dma_semaphore, #tpu.memory_space<semaphore_mem>>)
        %slice3A_1298 = vector.extract_strided_slice %shift_left3A_1281 {offsets = [1], sizes = [1], strides = [1]} : vector<16xi32> to vector<1xi32>
        %squeeze3A_1299 = vector.extract %slice3A_1298[0] : i32 from vector<1xi32>
        %multiple_of3A_1300 = tpu.assume_multiple %squeeze3A_1299, 128 : i32
        %dma_start3A_1301 = arith.constant 1 : i32
        %dma_start3A_1302 = arith.constant 0 : i32
        %dma_start3A_1303 = arith.constant 0 : i32
        %dma_start3A_1304 = tpu.memref_slice %arg9[%dma_start3A_1301, %dma_start3A_1302, %dma_start3A_1303] : memref<8x32x128xf32, #tpu.memory_space<vmem>> -> memref<1x32x128xf32, #tpu.memory_space<vmem>>
        %dma_start3A_1305 = tpu.memref_squeeze %dma_start3A_1304 : memref<1x32x128xf32, #tpu.memory_space<vmem>> -> memref<32x128xf32, #tpu.memory_space<vmem>>
        %dma_start3A_1306 = arith.constant 0 : i32
        %dma_start3A_1307 = tpu.memref_slice %arg4[%dma_start3A_1306, %multiple_of3A_1300] : memref<32x1000000xf32, #tpu.memory_space<hbm>> -> memref<32x128xf32, #tpu.memory_space<hbm>>
        %dma_start3A_1308 = arith.constant 0 : i32
        %dma_start3A_1309 = arith.constant 0 : i32
        %dma_start3A_1310 = tpu.memref_slice %arg9[%dma_start3A_1301, %dma_start3A_1308, %dma_start3A_1309] : memref<8x32x128xf32, #tpu.memory_space<vmem>> -> memref<1x32x128xf32, #tpu.memory_space<vmem>>
        %dma_start3A_1311 = tpu.memref_squeeze %dma_start3A_1310 : memref<1x32x128xf32, #tpu.memory_space<vmem>> -> memref<32x128xf32, #tpu.memory_space<vmem>>
        %dma_start3A_1312 = arith.constant 0 : i32
        %dma_start3A_1313 = tpu.memref_slice %arg4[%dma_start3A_1312, %multiple_of3A_1300] : memref<32x1000000xf32, #tpu.memory_space<hbm>> -> memref<32x128xf32, #tpu.memory_space<hbm>>
        tpu.enqueue_dma source(%dma_start3A_1313 : memref<32x128xf32, #tpu.memory_space<hbm>>) target(%dma_start3A_1311 : memref<32x128xf32, #tpu.memory_space<vmem>>) target_semaphore(%arg14 : memref<!tpu.dma_semaphore, #tpu.memory_space<semaphore_mem>>)
        %slice3A_1314 = vector.extract_strided_slice %shift_left3A_1281 {offsets = [2], sizes = [1], strides = [1]} : vector<16xi32> to vector<1xi32>
        %squeeze3A_1315 = vector.extract %slice3A_1314[0] : i32 from vector<1xi32>
        %multiple_of3A_1316 = tpu.assume_multiple %squeeze3A_1315, 128 : i32
        %dma_start3A_1317 = arith.constant 2 : i32
        %dma_start3A_1318 = arith.constant 0 : i32
        %dma_start3A_1319 = arith.constant 0 : i32
        %dma_start3A_1320 = tpu.memref_slice %arg9[%dma_start3A_1317, %dma_start3A_1318, %dma_start3A_1319] : memref<8x32x128xf32, #tpu.memory_space<vmem>> -> memref<1x32x128xf32, #tpu.memory_space<vmem>>
        %dma_start3A_1321 = tpu.memref_squeeze %dma_start3A_1320 : memref<1x32x128xf32, #tpu.memory_space<vmem>> -> memref<32x128xf32, #tpu.memory_space<vmem>>
        %dma_start3A_1322 = arith.constant 0 : i32
        %dma_start3A_1323 = tpu.memref_slice %arg4[%dma_start3A_1322, %multiple_of3A_1316] : memref<32x1000000xf32, #tpu.memory_space<hbm>> -> memref<32x128xf32, #tpu.memory_space<hbm>>
        %dma_start3A_1324 = arith.constant 0 : i32
        %dma_start3A_1325 = arith.constant 0 : i32
        %dma_start3A_1326 = tpu.memref_slice %arg9[%dma_start3A_1317, %dma_start3A_1324, %dma_start3A_1325] : memref<8x32x128xf32, #tpu.memory_space<vmem>> -> memref<1x32x128xf32, #tpu.memory_space<vmem>>
        %dma_start3A_1327 = tpu.memref_squeeze %dma_start3A_1326 : memref<1x32x128xf32, #tpu.memory_space<vmem>> -> memref<32x128xf32, #tpu.memory_space<vmem>>
        %dma_start3A_1328 = arith.constant 0 : i32
        %dma_start3A_1329 = tpu.memref_slice %arg4[%dma_start3A_1328, %multiple_of3A_1316] : memref<32x1000000xf32, #tpu.memory_space<hbm>> -> memref<32x128xf32, #tpu.memory_space<hbm>>
        tpu.enqueue_dma source(%dma_start3A_1329 : memref<32x128xf32, #tpu.memory_space<hbm>>) target(%dma_start3A_1327 : memref<32x128xf32, #tpu.memory_space<vmem>>) target_semaphore(%arg14 : memref<!tpu.dma_semaphore, #tpu.memory_space<semaphore_mem>>)
        %slice3A_1330 = vector.extract_strided_slice %shift_left3A_1281 {offsets = [3], sizes = [1], strides = [1]} : vector<16xi32> to vector<1xi32>
        %squeeze3A_1331 = vector.extract %slice3A_1330[0] : i32 from vector<1xi32>
        %multiple_of3A_1332 = tpu.assume_multiple %squeeze3A_1331, 128 : i32
        %dma_start3A_1333 = arith.constant 3 : i32
        %dma_start3A_1334 = arith.constant 0 : i32
        %dma_start3A_1335 = arith.constant 0 : i32
        %dma_start3A_1336 = tpu.memref_slice %arg9[%dma_start3A_1333, %dma_start3A_1334, %dma_start3A_1335] : memref<8x32x128xf32, #tpu.memory_space<vmem>> -> memref<1x32x128xf32, #tpu.memory_space<vmem>>
        %dma_start3A_1337 = tpu.memref_squeeze %dma_start3A_1336 : memref<1x32x128xf32, #tpu.memory_space<vmem>> -> memref<32x128xf32, #tpu.memory_space<vmem>>
        %dma_start3A_1338 = arith.constant 0 : i32
        %dma_start3A_1339 = tpu.memref_slice %arg4[%dma_start3A_1338, %multiple_of3A_1332] : memref<32x1000000xf32, #tpu.memory_space<hbm>> -> memref<32x128xf32, #tpu.memory_space<hbm>>
        %dma_start3A_1340 = arith.constant 0 : i32
        %dma_start3A_1341 = arith.constant 0 : i32
        %dma_start3A_1342 = tpu.memref_slice %arg9[%dma_start3A_1333, %dma_start3A_1340, %dma_start3A_1341] : memref<8x32x128xf32, #tpu.memory_space<vmem>> -> memref<1x32x128xf32, #tpu.memory_space<vmem>>
        %dma_start3A_1343 = tpu.memref_squeeze %dma_start3A_1342 : memref<1x32x128xf32, #tpu.memory_space<vmem>> -> memref<32x128xf32, #tpu.memory_space<vmem>>
        %dma_start3A_1344 = arith.constant 0 : i32
        %dma_start3A_1345 = tpu.memref_slice %arg4[%dma_start3A_1344, %multiple_of3A_1332] : memref<32x1000000xf32, #tpu.memory_space<hbm>> -> memref<32x128xf32, #tpu.memory_space<hbm>>
        tpu.enqueue_dma source(%dma_start3A_1345 : memref<32x128xf32, #tpu.memory_space<hbm>>) target(%dma_start3A_1343 : memref<32x128xf32, #tpu.memory_space<vmem>>) target_semaphore(%arg14 : memref<!tpu.dma_semaphore, #tpu.memory_space<semaphore_mem>>)
        %slice3A_1346 = vector.extract_strided_slice %shift_left3A_1281 {offsets = [4], sizes = [1], strides = [1]} : vector<16xi32> to vector<1xi32>
        %squeeze3A_1347 = vector.extract %slice3A_1346[0] : i32 from vector<1xi32>
        %multiple_of3A_1348 = tpu.assume_multiple %squeeze3A_1347, 128 : i32
        %dma_start3A_1349 = arith.constant 4 : i32
        %dma_start3A_1350 = arith.constant 0 : i32
        %dma_start3A_1351 = arith.constant 0 : i32
        %dma_start3A_1352 = tpu.memref_slice %arg9[%dma_start3A_1349, %dma_start3A_1350, %dma_start3A_1351] : memref<8x32x128xf32, #tpu.memory_space<vmem>> -> memref<1x32x128xf32, #tpu.memory_space<vmem>>
        %dma_start3A_1353 = tpu.memref_squeeze %dma_start3A_1352 : memref<1x32x128xf32, #tpu.memory_space<vmem>> -> memref<32x128xf32, #tpu.memory_space<vmem>>
        %dma_start3A_1354 = arith.constant 0 : i32
        %dma_start3A_1355 = tpu.memref_slice %arg4[%dma_start3A_1354, %multiple_of3A_1348] : memref<32x1000000xf32, #tpu.memory_space<hbm>> -> memref<32x128xf32, #tpu.memory_space<hbm>>
        %dma_start3A_1356 = arith.constant 0 : i32
        %dma_start3A_1357 = arith.constant 0 : i32
        %dma_start3A_1358 = tpu.memref_slice %arg9[%dma_start3A_1349, %dma_start3A_1356, %dma_start3A_1357] : memref<8x32x128xf32, #tpu.memory_space<vmem>> -> memref<1x32x128xf32, #tpu.memory_space<vmem>>
        %dma_start3A_1359 = tpu.memref_squeeze %dma_start3A_1358 : memref<1x32x128xf32, #tpu.memory_space<vmem>> -> memref<32x128xf32, #tpu.memory_space<vmem>>
        %dma_start3A_1360 = arith.constant 0 : i32
        %dma_start3A_1361 = tpu.memref_slice %arg4[%dma_start3A_1360, %multiple_of3A_1348] : memref<32x1000000xf32, #tpu.memory_space<hbm>> -> memref<32x128xf32, #tpu.memory_space<hbm>>
        tpu.enqueue_dma source(%dma_start3A_1361 : memref<32x128xf32, #tpu.memory_space<hbm>>) target(%dma_start3A_1359 : memref<32x128xf32, #tpu.memory_space<vmem>>) target_semaphore(%arg14 : memref<!tpu.dma_semaphore, #tpu.memory_space<semaphore_mem>>)
        %slice3A_1362 = vector.extract_strided_slice %shift_left3A_1281 {offsets = [5], sizes = [1], strides = [1]} : vector<16xi32> to vector<1xi32>
        %squeeze3A_1363 = vector.extract %slice3A_1362[0] : i32 from vector<1xi32>
        %multiple_of3A_1364 = tpu.assume_multiple %squeeze3A_1363, 128 : i32
        %dma_start3A_1365 = arith.constant 5 : i32
        %dma_start3A_1366 = arith.constant 0 : i32
        %dma_start3A_1367 = arith.constant 0 : i32
        %dma_start3A_1368 = tpu.memref_slice %arg9[%dma_start3A_1365, %dma_start3A_1366, %dma_start3A_1367] : memref<8x32x128xf32, #tpu.memory_space<vmem>> -> memref<1x32x128xf32, #tpu.memory_space<vmem>>
        %dma_start3A_1369 = tpu.memref_squeeze %dma_start3A_1368 : memref<1x32x128xf32, #tpu.memory_space<vmem>> -> memref<32x128xf32, #tpu.memory_space<vmem>>
        %dma_start3A_1370 = arith.constant 0 : i32
        %dma_start3A_1371 = tpu.memref_slice %arg4[%dma_start3A_1370, %multiple_of3A_1364] : memref<32x1000000xf32, #tpu.memory_space<hbm>> -> memref<32x128xf32, #tpu.memory_space<hbm>>
        %dma_start3A_1372 = arith.constant 0 : i32
        %dma_start3A_1373 = arith.constant 0 : i32
        %dma_start3A_1374 = tpu.memref_slice %arg9[%dma_start3A_1365, %dma_start3A_1372, %dma_start3A_1373] : memref<8x32x128xf32, #tpu.memory_space<vmem>> -> memref<1x32x128xf32, #tpu.memory_space<vmem>>
        %dma_start3A_1375 = tpu.memref_squeeze %dma_start3A_1374 : memref<1x32x128xf32, #tpu.memory_space<vmem>> -> memref<32x128xf32, #tpu.memory_space<vmem>>
        %dma_start3A_1376 = arith.constant 0 : i32
        %dma_start3A_1377 = tpu.memref_slice %arg4[%dma_start3A_1376, %multiple_of3A_1364] : memref<32x1000000xf32, #tpu.memory_space<hbm>> -> memref<32x128xf32, #tpu.memory_space<hbm>>
        tpu.enqueue_dma source(%dma_start3A_1377 : memref<32x128xf32, #tpu.memory_space<hbm>>) target(%dma_start3A_1375 : memref<32x128xf32, #tpu.memory_space<vmem>>) target_semaphore(%arg14 : memref<!tpu.dma_semaphore, #tpu.memory_space<semaphore_mem>>)
        %slice3A_1378 = vector.extract_strided_slice %shift_left3A_1281 {offsets = [6], sizes = [1], strides = [1]} : vector<16xi32> to vector<1xi32>
        %squeeze3A_1379 = vector.extract %slice3A_1378[0] : i32 from vector<1xi32>
        %multiple_of3A_1380 = tpu.assume_multiple %squeeze3A_1379, 128 : i32
        %dma_start3A_1381 = arith.constant 6 : i32
        %dma_start3A_1382 = arith.constant 0 : i32
        %dma_start3A_1383 = arith.constant 0 : i32
        %dma_start3A_1384 = tpu.memref_slice %arg9[%dma_start3A_1381, %dma_start3A_1382, %dma_start3A_1383] : memref<8x32x128xf32, #tpu.memory_space<vmem>> -> memref<1x32x128xf32, #tpu.memory_space<vmem>>
        %dma_start3A_1385 = tpu.memref_squeeze %dma_start3A_1384 : memref<1x32x128xf32, #tpu.memory_space<vmem>> -> memref<32x128xf32, #tpu.memory_space<vmem>>
        %dma_start3A_1386 = arith.constant 0 : i32
        %dma_start3A_1387 = tpu.memref_slice %arg4[%dma_start3A_1386, %multiple_of3A_1380] : memref<32x1000000xf32, #tpu.memory_space<hbm>> -> memref<32x128xf32, #tpu.memory_space<hbm>>
        %dma_start3A_1388 = arith.constant 0 : i32
        %dma_start3A_1389 = arith.constant 0 : i32
        %dma_start3A_1390 = tpu.memref_slice %arg9[%dma_start3A_1381, %dma_start3A_1388, %dma_start3A_1389] : memref<8x32x128xf32, #tpu.memory_space<vmem>> -> memref<1x32x128xf32, #tpu.memory_space<vmem>>
        %dma_start3A_1391 = tpu.memref_squeeze %dma_start3A_1390 : memref<1x32x128xf32, #tpu.memory_space<vmem>> -> memref<32x128xf32, #tpu.memory_space<vmem>>
        %dma_start3A_1392 = arith.constant 0 : i32
        %dma_start3A_1393 = tpu.memref_slice %arg4[%dma_start3A_1392, %multiple_of3A_1380] : memref<32x1000000xf32, #tpu.memory_space<hbm>> -> memref<32x128xf32, #tpu.memory_space<hbm>>
        tpu.enqueue_dma source(%dma_start3A_1393 : memref<32x128xf32, #tpu.memory_space<hbm>>) target(%dma_start3A_1391 : memref<32x128xf32, #tpu.memory_space<vmem>>) target_semaphore(%arg14 : memref<!tpu.dma_semaphore, #tpu.memory_space<semaphore_mem>>)
        %slice3A_1394 = vector.extract_strided_slice %shift_left3A_1281 {offsets = [7], sizes = [1], strides = [1]} : vector<16xi32> to vector<1xi32>
        %squeeze3A_1395 = vector.extract %slice3A_1394[0] : i32 from vector<1xi32>
        %multiple_of3A_1396 = tpu.assume_multiple %squeeze3A_1395, 128 : i32
        %dma_start3A_1397 = arith.constant 7 : i32
        %dma_start3A_1398 = arith.constant 0 : i32
        %dma_start3A_1399 = arith.constant 0 : i32
        %dma_start3A_1400 = tpu.memref_slice %arg9[%dma_start3A_1397, %dma_start3A_1398, %dma_start3A_1399] : memref<8x32x128xf32, #tpu.memory_space<vmem>> -> memref<1x32x128xf32, #tpu.memory_space<vmem>>
        %dma_start3A_1401 = tpu.memref_squeeze %dma_start3A_1400 : memref<1x32x128xf32, #tpu.memory_space<vmem>> -> memref<32x128xf32, #tpu.memory_space<vmem>>
        %dma_start3A_1402 = arith.constant 0 : i32
        %dma_start3A_1403 = tpu.memref_slice %arg4[%dma_start3A_1402, %multiple_of3A_1396] : memref<32x1000000xf32, #tpu.memory_space<hbm>> -> memref<32x128xf32, #tpu.memory_space<hbm>>
        %dma_start3A_1404 = arith.constant 0 : i32
        %dma_start3A_1405 = arith.constant 0 : i32
        %dma_start3A_1406 = tpu.memref_slice %arg9[%dma_start3A_1397, %dma_start3A_1404, %dma_start3A_1405] : memref<8x32x128xf32, #tpu.memory_space<vmem>> -> memref<1x32x128xf32, #tpu.memory_space<vmem>>
        %dma_start3A_1407 = tpu.memref_squeeze %dma_start3A_1406 : memref<1x32x128xf32, #tpu.memory_space<vmem>> -> memref<32x128xf32, #tpu.memory_space<vmem>>
        %dma_start3A_1408 = arith.constant 0 : i32
        %dma_start3A_1409 = tpu.memref_slice %arg4[%dma_start3A_1408, %multiple_of3A_1396] : memref<32x1000000xf32, #tpu.memory_space<hbm>> -> memref<32x128xf32, #tpu.memory_space<hbm>>
        tpu.enqueue_dma source(%dma_start3A_1409 : memref<32x128xf32, #tpu.memory_space<hbm>>) target(%dma_start3A_1407 : memref<32x128xf32, #tpu.memory_space<vmem>>) target_semaphore(%arg14 : memref<!tpu.dma_semaphore, #tpu.memory_space<semaphore_mem>>)
      } else {
      }
      %dma_wait3A_851 = arith.constant 0 : i32
      %dma_wait3A_852 = arith.constant 0 : i32
      %dma_wait3A_853 = arith.constant 0 : i32
      %dma_wait3A_854 = tpu.memref_slice %arg10[%dma_wait3A_851, %dma_wait3A_852, %dma_wait3A_853] : memref<8x32x128xf32, #tpu.memory_space<vmem>> -> memref<1x32x128xf32, #tpu.memory_space<vmem>>
      %dma_wait3A_855 = tpu.memref_squeeze %dma_wait3A_854 : memref<1x32x128xf32, #tpu.memory_space<vmem>> -> memref<32x128xf32, #tpu.memory_space<vmem>>
      %dma_wait3A_856 = arith.constant 0 : i32
      %dma_wait3A_857 = arith.constant 0 : i32
      %dma_wait3A_858 = tpu.memref_slice %arg4[%dma_wait3A_856, %dma_wait3A_857] : memref<32x1000000xf32, #tpu.memory_space<hbm>> -> memref<32x128xf32, #tpu.memory_space<hbm>>
      %dma_wait3A_859 = arith.constant 0 : i32
      %dma_wait3A_860 = arith.constant 0 : i32
      %dma_wait3A_861 = tpu.memref_slice %arg10[%dma_wait3A_851, %dma_wait3A_859, %dma_wait3A_860] : memref<8x32x128xf32, #tpu.memory_space<vmem>> -> memref<1x32x128xf32, #tpu.memory_space<vmem>>
      %dma_wait3A_862 = tpu.memref_squeeze %dma_wait3A_861 : memref<1x32x128xf32, #tpu.memory_space<vmem>> -> memref<32x128xf32, #tpu.memory_space<vmem>>
      %dma_wait3A_863 = arith.constant 0 : i32
      %dma_wait3A_864 = arith.constant 0 : i32
      %dma_wait3A_865 = tpu.memref_slice %arg4[%dma_wait3A_863, %dma_wait3A_864] : memref<32x1000000xf32, #tpu.memory_space<hbm>> -> memref<32x128xf32, #tpu.memory_space<hbm>>
      tpu.wait_dma2 semaphore(%arg15 : memref<!tpu.dma_semaphore, #tpu.memory_space<semaphore_mem>>) src(%dma_wait3A_865 : memref<32x128xf32, #tpu.memory_space<hbm>>) dst(%dma_wait3A_862 : memref<32x128xf32, #tpu.memory_space<vmem>>)
      %dma_wait3A_866 = arith.constant 1 : i32
      %dma_wait3A_867 = arith.constant 0 : i32
      %dma_wait3A_868 = arith.constant 0 : i32
      %dma_wait3A_869 = tpu.memref_slice %arg10[%dma_wait3A_866, %dma_wait3A_867, %dma_wait3A_868] : memref<8x32x128xf32, #tpu.memory_space<vmem>> -> memref<1x32x128xf32, #tpu.memory_space<vmem>>
      %dma_wait3A_870 = tpu.memref_squeeze %dma_wait3A_869 : memref<1x32x128xf32, #tpu.memory_space<vmem>> -> memref<32x128xf32, #tpu.memory_space<vmem>>
      %dma_wait3A_871 = arith.constant 0 : i32
      %dma_wait3A_872 = arith.constant 0 : i32
      %dma_wait3A_873 = tpu.memref_slice %arg4[%dma_wait3A_871, %dma_wait3A_872] : memref<32x1000000xf32, #tpu.memory_space<hbm>> -> memref<32x128xf32, #tpu.memory_space<hbm>>
      %dma_wait3A_874 = arith.constant 0 : i32
      %dma_wait3A_875 = arith.constant 0 : i32
      %dma_wait3A_876 = tpu.memref_slice %arg10[%dma_wait3A_866, %dma_wait3A_874, %dma_wait3A_875] : memref<8x32x128xf32, #tpu.memory_space<vmem>> -> memref<1x32x128xf32, #tpu.memory_space<vmem>>
      %dma_wait3A_877 = tpu.memref_squeeze %dma_wait3A_876 : memref<1x32x128xf32, #tpu.memory_space<vmem>> -> memref<32x128xf32, #tpu.memory_space<vmem>>
      %dma_wait3A_878 = arith.constant 0 : i32
      %dma_wait3A_879 = arith.constant 0 : i32
      %dma_wait3A_880 = tpu.memref_slice %arg4[%dma_wait3A_878, %dma_wait3A_879] : memref<32x1000000xf32, #tpu.memory_space<hbm>> -> memref<32x128xf32, #tpu.memory_space<hbm>>
      tpu.wait_dma2 semaphore(%arg15 : memref<!tpu.dma_semaphore, #tpu.memory_space<semaphore_mem>>) src(%dma_wait3A_880 : memref<32x128xf32, #tpu.memory_space<hbm>>) dst(%dma_wait3A_877 : memref<32x128xf32, #tpu.memory_space<vmem>>)
      %dma_wait3A_881 = arith.constant 2 : i32
      %dma_wait3A_882 = arith.constant 0 : i32
      %dma_wait3A_883 = arith.constant 0 : i32
      %dma_wait3A_884 = tpu.memref_slice %arg10[%dma_wait3A_881, %dma_wait3A_882, %dma_wait3A_883] : memref<8x32x128xf32, #tpu.memory_space<vmem>> -> memref<1x32x128xf32, #tpu.memory_space<vmem>>
      %dma_wait3A_885 = tpu.memref_squeeze %dma_wait3A_884 : memref<1x32x128xf32, #tpu.memory_space<vmem>> -> memref<32x128xf32, #tpu.memory_space<vmem>>
      %dma_wait3A_886 = arith.constant 0 : i32
      %dma_wait3A_887 = arith.constant 0 : i32
      %dma_wait3A_888 = tpu.memref_slice %arg4[%dma_wait3A_886, %dma_wait3A_887] : memref<32x1000000xf32, #tpu.memory_space<hbm>> -> memref<32x128xf32, #tpu.memory_space<hbm>>
      %dma_wait3A_889 = arith.constant 0 : i32
      %dma_wait3A_890 = arith.constant 0 : i32
      %dma_wait3A_891 = tpu.memref_slice %arg10[%dma_wait3A_881, %dma_wait3A_889, %dma_wait3A_890] : memref<8x32x128xf32, #tpu.memory_space<vmem>> -> memref<1x32x128xf32, #tpu.memory_space<vmem>>
      %dma_wait3A_892 = tpu.memref_squeeze %dma_wait3A_891 : memref<1x32x128xf32, #tpu.memory_space<vmem>> -> memref<32x128xf32, #tpu.memory_space<vmem>>
      %dma_wait3A_893 = arith.constant 0 : i32
      %dma_wait3A_894 = arith.constant 0 : i32
      %dma_wait3A_895 = tpu.memref_slice %arg4[%dma_wait3A_893, %dma_wait3A_894] : memref<32x1000000xf32, #tpu.memory_space<hbm>> -> memref<32x128xf32, #tpu.memory_space<hbm>>
      tpu.wait_dma2 semaphore(%arg15 : memref<!tpu.dma_semaphore, #tpu.memory_space<semaphore_mem>>) src(%dma_wait3A_895 : memref<32x128xf32, #tpu.memory_space<hbm>>) dst(%dma_wait3A_892 : memref<32x128xf32, #tpu.memory_space<vmem>>)
      %dma_wait3A_896 = arith.constant 3 : i32
      %dma_wait3A_897 = arith.constant 0 : i32
      %dma_wait3A_898 = arith.constant 0 : i32
      %dma_wait3A_899 = tpu.memref_slice %arg10[%dma_wait3A_896, %dma_wait3A_897, %dma_wait3A_898] : memref<8x32x128xf32, #tpu.memory_space<vmem>> -> memref<1x32x128xf32, #tpu.memory_space<vmem>>
      %dma_wait3A_900 = tpu.memref_squeeze %dma_wait3A_899 : memref<1x32x128xf32, #tpu.memory_space<vmem>> -> memref<32x128xf32, #tpu.memory_space<vmem>>
      %dma_wait3A_901 = arith.constant 0 : i32
      %dma_wait3A_902 = arith.constant 0 : i32
      %dma_wait3A_903 = tpu.memref_slice %arg4[%dma_wait3A_901, %dma_wait3A_902] : memref<32x1000000xf32, #tpu.memory_space<hbm>> -> memref<32x128xf32, #tpu.memory_space<hbm>>
      %dma_wait3A_904 = arith.constant 0 : i32
      %dma_wait3A_905 = arith.constant 0 : i32
      %dma_wait3A_906 = tpu.memref_slice %arg10[%dma_wait3A_896, %dma_wait3A_904, %dma_wait3A_905] : memref<8x32x128xf32, #tpu.memory_space<vmem>> -> memref<1x32x128xf32, #tpu.memory_space<vmem>>
      %dma_wait3A_907 = tpu.memref_squeeze %dma_wait3A_906 : memref<1x32x128xf32, #tpu.memory_space<vmem>> -> memref<32x128xf32, #tpu.memory_space<vmem>>
      %dma_wait3A_908 = arith.constant 0 : i32
      %dma_wait3A_909 = arith.constant 0 : i32
      %dma_wait3A_910 = tpu.memref_slice %arg4[%dma_wait3A_908, %dma_wait3A_909] : memref<32x1000000xf32, #tpu.memory_space<hbm>> -> memref<32x128xf32, #tpu.memory_space<hbm>>
      tpu.wait_dma2 semaphore(%arg15 : memref<!tpu.dma_semaphore, #tpu.memory_space<semaphore_mem>>) src(%dma_wait3A_910 : memref<32x128xf32, #tpu.memory_space<hbm>>) dst(%dma_wait3A_907 : memref<32x128xf32, #tpu.memory_space<vmem>>)
      %dma_wait3A_911 = arith.constant 4 : i32
      %dma_wait3A_912 = arith.constant 0 : i32
      %dma_wait3A_913 = arith.constant 0 : i32
      %dma_wait3A_914 = tpu.memref_slice %arg10[%dma_wait3A_911, %dma_wait3A_912, %dma_wait3A_913] : memref<8x32x128xf32, #tpu.memory_space<vmem>> -> memref<1x32x128xf32, #tpu.memory_space<vmem>>
      %dma_wait3A_915 = tpu.memref_squeeze %dma_wait3A_914 : memref<1x32x128xf32, #tpu.memory_space<vmem>> -> memref<32x128xf32, #tpu.memory_space<vmem>>
      %dma_wait3A_916 = arith.constant 0 : i32
      %dma_wait3A_917 = arith.constant 0 : i32
      %dma_wait3A_918 = tpu.memref_slice %arg4[%dma_wait3A_916, %dma_wait3A_917] : memref<32x1000000xf32, #tpu.memory_space<hbm>> -> memref<32x128xf32, #tpu.memory_space<hbm>>
      %dma_wait3A_919 = arith.constant 0 : i32
      %dma_wait3A_920 = arith.constant 0 : i32
      %dma_wait3A_921 = tpu.memref_slice %arg10[%dma_wait3A_911, %dma_wait3A_919, %dma_wait3A_920] : memref<8x32x128xf32, #tpu.memory_space<vmem>> -> memref<1x32x128xf32, #tpu.memory_space<vmem>>
      %dma_wait3A_922 = tpu.memref_squeeze %dma_wait3A_921 : memref<1x32x128xf32, #tpu.memory_space<vmem>> -> memref<32x128xf32, #tpu.memory_space<vmem>>
      %dma_wait3A_923 = arith.constant 0 : i32
      %dma_wait3A_924 = arith.constant 0 : i32
      %dma_wait3A_925 = tpu.memref_slice %arg4[%dma_wait3A_923, %dma_wait3A_924] : memref<32x1000000xf32, #tpu.memory_space<hbm>> -> memref<32x128xf32, #tpu.memory_space<hbm>>
      tpu.wait_dma2 semaphore(%arg15 : memref<!tpu.dma_semaphore, #tpu.memory_space<semaphore_mem>>) src(%dma_wait3A_925 : memref<32x128xf32, #tpu.memory_space<hbm>>) dst(%dma_wait3A_922 : memref<32x128xf32, #tpu.memory_space<vmem>>)
      %dma_wait3A_926 = arith.constant 5 : i32
      %dma_wait3A_927 = arith.constant 0 : i32
      %dma_wait3A_928 = arith.constant 0 : i32
      %dma_wait3A_929 = tpu.memref_slice %arg10[%dma_wait3A_926, %dma_wait3A_927, %dma_wait3A_928] : memref<8x32x128xf32, #tpu.memory_space<vmem>> -> memref<1x32x128xf32, #tpu.memory_space<vmem>>
      %dma_wait3A_930 = tpu.memref_squeeze %dma_wait3A_929 : memref<1x32x128xf32, #tpu.memory_space<vmem>> -> memref<32x128xf32, #tpu.memory_space<vmem>>
      %dma_wait3A_931 = arith.constant 0 : i32
      %dma_wait3A_932 = arith.constant 0 : i32
      %dma_wait3A_933 = tpu.memref_slice %arg4[%dma_wait3A_931, %dma_wait3A_932] : memref<32x1000000xf32, #tpu.memory_space<hbm>> -> memref<32x128xf32, #tpu.memory_space<hbm>>
      %dma_wait3A_934 = arith.constant 0 : i32
      %dma_wait3A_935 = arith.constant 0 : i32
      %dma_wait3A_936 = tpu.memref_slice %arg10[%dma_wait3A_926, %dma_wait3A_934, %dma_wait3A_935] : memref<8x32x128xf32, #tpu.memory_space<vmem>> -> memref<1x32x128xf32, #tpu.memory_space<vmem>>
      %dma_wait3A_937 = tpu.memref_squeeze %dma_wait3A_936 : memref<1x32x128xf32, #tpu.memory_space<vmem>> -> memref<32x128xf32, #tpu.memory_space<vmem>>
      %dma_wait3A_938 = arith.constant 0 : i32
      %dma_wait3A_939 = arith.constant 0 : i32
      %dma_wait3A_940 = tpu.memref_slice %arg4[%dma_wait3A_938, %dma_wait3A_939] : memref<32x1000000xf32, #tpu.memory_space<hbm>> -> memref<32x128xf32, #tpu.memory_space<hbm>>
      tpu.wait_dma2 semaphore(%arg15 : memref<!tpu.dma_semaphore, #tpu.memory_space<semaphore_mem>>) src(%dma_wait3A_940 : memref<32x128xf32, #tpu.memory_space<hbm>>) dst(%dma_wait3A_937 : memref<32x128xf32, #tpu.memory_space<vmem>>)
      %dma_wait3A_941 = arith.constant 6 : i32
      %dma_wait3A_942 = arith.constant 0 : i32
      %dma_wait3A_943 = arith.constant 0 : i32
      %dma_wait3A_944 = tpu.memref_slice %arg10[%dma_wait3A_941, %dma_wait3A_942, %dma_wait3A_943] : memref<8x32x128xf32, #tpu.memory_space<vmem>> -> memref<1x32x128xf32, #tpu.memory_space<vmem>>
      %dma_wait3A_945 = tpu.memref_squeeze %dma_wait3A_944 : memref<1x32x128xf32, #tpu.memory_space<vmem>> -> memref<32x128xf32, #tpu.memory_space<vmem>>
      %dma_wait3A_946 = arith.constant 0 : i32
      %dma_wait3A_947 = arith.constant 0 : i32
      %dma_wait3A_948 = tpu.memref_slice %arg4[%dma_wait3A_946, %dma_wait3A_947] : memref<32x1000000xf32, #tpu.memory_space<hbm>> -> memref<32x128xf32, #tpu.memory_space<hbm>>
      %dma_wait3A_949 = arith.constant 0 : i32
      %dma_wait3A_950 = arith.constant 0 : i32
      %dma_wait3A_951 = tpu.memref_slice %arg10[%dma_wait3A_941, %dma_wait3A_949, %dma_wait3A_950] : memref<8x32x128xf32, #tpu.memory_space<vmem>> -> memref<1x32x128xf32, #tpu.memory_space<vmem>>
      %dma_wait3A_952 = tpu.memref_squeeze %dma_wait3A_951 : memref<1x32x128xf32, #tpu.memory_space<vmem>> -> memref<32x128xf32, #tpu.memory_space<vmem>>
      %dma_wait3A_953 = arith.constant 0 : i32
      %dma_wait3A_954 = arith.constant 0 : i32
      %dma_wait3A_955 = tpu.memref_slice %arg4[%dma_wait3A_953, %dma_wait3A_954] : memref<32x1000000xf32, #tpu.memory_space<hbm>> -> memref<32x128xf32, #tpu.memory_space<hbm>>
      tpu.wait_dma2 semaphore(%arg15 : memref<!tpu.dma_semaphore, #tpu.memory_space<semaphore_mem>>) src(%dma_wait3A_955 : memref<32x128xf32, #tpu.memory_space<hbm>>) dst(%dma_wait3A_952 : memref<32x128xf32, #tpu.memory_space<vmem>>)
      %dma_wait3A_956 = arith.constant 7 : i32
      %dma_wait3A_957 = arith.constant 0 : i32
      %dma_wait3A_958 = arith.constant 0 : i32
      %dma_wait3A_959 = tpu.memref_slice %arg10[%dma_wait3A_956, %dma_wait3A_957, %dma_wait3A_958] : memref<8x32x128xf32, #tpu.memory_space<vmem>> -> memref<1x32x128xf32, #tpu.memory_space<vmem>>
      %dma_wait3A_960 = tpu.memref_squeeze %dma_wait3A_959 : memref<1x32x128xf32, #tpu.memory_space<vmem>> -> memref<32x128xf32, #tpu.memory_space<vmem>>
      %dma_wait3A_961 = arith.constant 0 : i32
      %dma_wait3A_962 = arith.constant 0 : i32
      %dma_wait3A_963 = tpu.memref_slice %arg4[%dma_wait3A_961, %dma_wait3A_962] : memref<32x1000000xf32, #tpu.memory_space<hbm>> -> memref<32x128xf32, #tpu.memory_space<hbm>>
      %dma_wait3A_964 = arith.constant 0 : i32
      %dma_wait3A_965 = arith.constant 0 : i32
      %dma_wait3A_966 = tpu.memref_slice %arg10[%dma_wait3A_956, %dma_wait3A_964, %dma_wait3A_965] : memref<8x32x128xf32, #tpu.memory_space<vmem>> -> memref<1x32x128xf32, #tpu.memory_space<vmem>>
      %dma_wait3A_967 = tpu.memref_squeeze %dma_wait3A_966 : memref<1x32x128xf32, #tpu.memory_space<vmem>> -> memref<32x128xf32, #tpu.memory_space<vmem>>
      %dma_wait3A_968 = arith.constant 0 : i32
      %dma_wait3A_969 = arith.constant 0 : i32
      %dma_wait3A_970 = tpu.memref_slice %arg4[%dma_wait3A_968, %dma_wait3A_969] : memref<32x1000000xf32, #tpu.memory_space<hbm>> -> memref<32x128xf32, #tpu.memory_space<hbm>>
      tpu.wait_dma2 semaphore(%arg15 : memref<!tpu.dma_semaphore, #tpu.memory_space<semaphore_mem>>) src(%dma_wait3A_970 : memref<32x128xf32, #tpu.memory_space<hbm>>) dst(%dma_wait3A_967 : memref<32x128xf32, #tpu.memory_space<vmem>>)
      %mul3A_971 = arith.constant 8 : i32
      %mul3A_972 = arith.muli %add3A_295, %mul3A_971 : i32
      %get3A_973 = arith.index_cast %mul3A_972 : i32 to index
      %get3A_974 = tpu.vector_load %arg7[%get3A_973] {strides = array<i32>} : memref<528xi32, #tpu.memory_space<vmem>>, vector<16xi32>,
      %and3A_975 = arith.constant 7 : i32
      %and3A_976 = vector.broadcast %and3A_975 : i32 to vector<16xi32>
      %and3A_977 = arith.andi %iota3A, %and3A_976 : vector<16xi32>
      %lt3A_978 = arith.constant 0 : i32
      %lt3A_979 = vector.broadcast %lt3A_978 : i32 to vector<16xi32>
      %lt3A_980 = arith.cmpi slt, %and3A_977, %lt3A_979 : vector<16xi32>
      %add3A_981 = arith.constant 16 : i32
      %add3A_982 = vector.broadcast %add3A_981 : i32 to vector<16xi32>
      %add3A_983 = arith.addi %and3A_977, %add3A_982 : vector<16xi32>
      %select_n3A_984 = arith.select %lt3A_980, %add3A_983, %and3A_977 : vector<16xi1>, vector<16xi32>
      %broadcast_in_dim3A_985 = vector.shape_cast %select_n3A_984 : vector<16xi32> to vector<16x1xi32>
      %gather3A_986 = vector.shape_cast %broadcast_in_dim3A_985 : vector<16x1xi32> to vector<16xi32>
      %gather3A_987 = tpu.dynamic_gather %get3A_974[%gather3A_986] in [0] : vector<16xi32>, vector<16xi32> -> vector<16xi32>
      %and3A_988 = arith.constant 127 : i32
      %and3A_989 = vector.broadcast %and3A_988 : i32 to vector<16xi32>
      %and3A_990 = arith.andi %gather3A_987, %and3A_989 : vector<16xi32>
      %and3A_991 = arith.constant 7 : i32
      %and3A_992 = vector.broadcast %and3A_991 : i32 to vector<16xi32>
      %and3A_993 = arith.andi %iota3A, %and3A_992 : vector<16xi32>
      %shift_right_arithmetic3A_994 = arith.constant 3 : i32
      %shift_right_arithmetic3A_995 = vector.broadcast %shift_right_arithmetic3A_994 : i32 to vector<16xi32>
      %shift_right_arithmetic3A_996 = arith.shrsi %iota3A, %shift_right_arithmetic3A_995 : vector<16xi32>
      %add3A_997 = arith.constant 0 : i32
      %add3A_998 = vector.broadcast %add3A_997 : i32 to vector<16xi32>
      %add3A_999 = arith.addi %add3A_998, %shift_right_arithmetic3A_996 : vector<16xi32>
      %mul3A_1000 = arith.constant 128 : i32
      %mul3A_1001 = vector.broadcast %mul3A_1000 : i32 to vector<16xi32>
      %mul3A_1002 = arith.muli %add3A_999, %mul3A_1001 : vector<16xi32>
      %add3A_1003 = arith.addi %and3A_990, %mul3A_1002 : vector<16xi32>
      %gather3A_1004 = tpu.memref_reshape %arg10 : memref<8x32x128xf32, #tpu.memory_space<vmem>> -> memref<8x4096xf32, #tpu.memory_space<vmem>>
      %gather3A_1005 = tpu.vector_load_idx %gather3A_1004[%and3A_993, %add3A_1003] : memref<8x4096xf32, #tpu.memory_space<vmem>>[vector<16xi32>, vector<16xi32>], vector<16xf32>,
      %mul3A_1006 = arith.constant 512 : i32
      %mul3A_1007 = vector.broadcast %mul3A_1006 : i32 to vector<16xi32>
      %mul3A_1008 = arith.muli %add3A_999, %mul3A_1007 : vector<16xi32>
      %mul3A_1009 = arith.constant 8 : i32
      %mul3A_1010 = arith.muli %add3A_295, %mul3A_1009 : i32
      %add3A_1011 = vector.broadcast %mul3A_1010 : i32 to vector<16xi32>
      %add3A_1012 = arith.addi %mul3A_1008, %add3A_1011 : vector<16xi32>
      %add3A_1013 = arith.addi %add3A_1012, %and3A_993 : vector<16xi32>
      tpu.vector_store_idx %arg11[%add3A_1013], %gather3A_1005 : memref<16384xf32, #tpu.memory_space<vmem>>[vector<16xi32>], vector<16xf32>,
      %add3A_1014 = arith.constant 2 : i32
      %add3A_1015 = vector.broadcast %add3A_1014 : i32 to vector<16xi32>
      %add3A_1016 = arith.addi %add3A_1015, %shift_right_arithmetic3A_996 : vector<16xi32>
      %mul3A_1017 = arith.constant 128 : i32
      %mul3A_1018 = vector.broadcast %mul3A_1017 : i32 to vector<16xi32>
      %mul3A_1019 = arith.muli %add3A_1016, %mul3A_1018 : vector<16xi32>
      %add3A_1020 = arith.addi %and3A_990, %mul3A_1019 : vector<16xi32>
      %gather3A_1021 = tpu.memref_reshape %arg10 : memref<8x32x128xf32, #tpu.memory_space<vmem>> -> memref<8x4096xf32, #tpu.memory_space<vmem>>
      %gather3A_1022 = tpu.vector_load_idx %gather3A_1021[%and3A_993, %add3A_1020] : memref<8x4096xf32, #tpu.memory_space<vmem>>[vector<16xi32>, vector<16xi32>], vector<16xf32>,
      %mul3A_1023 = arith.constant 512 : i32
      %mul3A_1024 = vector.broadcast %mul3A_1023 : i32 to vector<16xi32>
      %mul3A_1025 = arith.muli %add3A_1016, %mul3A_1024 : vector<16xi32>
      %mul3A_1026 = arith.constant 8 : i32
      %mul3A_1027 = arith.muli %add3A_295, %mul3A_1026 : i32
      %add3A_1028 = vector.broadcast %mul3A_1027 : i32 to vector<16xi32>
      %add3A_1029 = arith.addi %mul3A_1025, %add3A_1028 : vector<16xi32>
      %add3A_1030 = arith.addi %add3A_1029, %and3A_993 : vector<16xi32>
      tpu.vector_store_idx %arg11[%add3A_1030], %gather3A_1022 : memref<16384xf32, #tpu.memory_space<vmem>>[vector<16xi32>], vector<16xf32>,
      %add3A_1031 = arith.constant 4 : i32
      %add3A_1032 = vector.broadcast %add3A_1031 : i32 to vector<16xi32>
      %add3A_1033 = arith.addi %add3A_1032, %shift_right_arithmetic3A_996 : vector<16xi32>
      %mul3A_1034 = arith.constant 128 : i32
      %mul3A_1035 = vector.broadcast %mul3A_1034 : i32 to vector<16xi32>
      %mul3A_1036 = arith.muli %add3A_1033, %mul3A_1035 : vector<16xi32>
      %add3A_1037 = arith.addi %and3A_990, %mul3A_1036 : vector<16xi32>
      %gather3A_1038 = tpu.memref_reshape %arg10 : memref<8x32x128xf32, #tpu.memory_space<vmem>> -> memref<8x4096xf32, #tpu.memory_space<vmem>>
      %gather3A_1039 = tpu.vector_load_idx %gather3A_1038[%and3A_993, %add3A_1037] : memref<8x4096xf32, #tpu.memory_space<vmem>>[vector<16xi32>, vector<16xi32>], vector<16xf32>,
      %mul3A_1040 = arith.constant 512 : i32
      %mul3A_1041 = vector.broadcast %mul3A_1040 : i32 to vector<16xi32>
      %mul3A_1042 = arith.muli %add3A_1033, %mul3A_1041 : vector<16xi32>
      %mul3A_1043 = arith.constant 8 : i32
      %mul3A_1044 = arith.muli %add3A_295, %mul3A_1043 : i32
      %add3A_1045 = vector.broadcast %mul3A_1044 : i32 to vector<16xi32>
      %add3A_1046 = arith.addi %mul3A_1042, %add3A_1045 : vector<16xi32>
      %add3A_1047 = arith.addi %add3A_1046, %and3A_993 : vector<16xi32>
      tpu.vector_store_idx %arg11[%add3A_1047], %gather3A_1039 : memref<16384xf32, #tpu.memory_space<vmem>>[vector<16xi32>], vector<16xf32>,
      %add3A_1048 = arith.constant 6 : i32
      %add3A_1049 = vector.broadcast %add3A_1048 : i32 to vector<16xi32>
      %add3A_1050 = arith.addi %add3A_1049, %shift_right_arithmetic3A_996 : vector<16xi32>
      %mul3A_1051 = arith.constant 128 : i32
      %mul3A_1052 = vector.broadcast %mul3A_1051 : i32 to vector<16xi32>
      %mul3A_1053 = arith.muli %add3A_1050, %mul3A_1052 : vector<16xi32>
      %add3A_1054 = arith.addi %and3A_990, %mul3A_1053 : vector<16xi32>
      %gather3A_1055 = tpu.memref_reshape %arg10 : memref<8x32x128xf32, #tpu.memory_space<vmem>> -> memref<8x4096xf32, #tpu.memory_space<vmem>>
      %gather3A_1056 = tpu.vector_load_idx %gather3A_1055[%and3A_993, %add3A_1054] : memref<8x4096xf32, #tpu.memory_space<vmem>>[vector<16xi32>, vector<16xi32>], vector<16xf32>,
      %mul3A_1057 = arith.constant 512 : i32
      %mul3A_1058 = vector.broadcast %mul3A_1057 : i32 to vector<16xi32>
      %mul3A_1059 = arith.muli %add3A_1050, %mul3A_1058 : vector<16xi32>
      %mul3A_1060 = arith.constant 8 : i32
      %mul3A_1061 = arith.muli %add3A_295, %mul3A_1060 : i32
      %add3A_1062 = vector.broadcast %mul3A_1061 : i32 to vector<16xi32>
      %add3A_1063 = arith.addi %mul3A_1059, %add3A_1062 : vector<16xi32>
      %add3A_1064 = arith.addi %add3A_1063, %and3A_993 : vector<16xi32>
      tpu.vector_store_idx %arg11[%add3A_1064], %gather3A_1056 : memref<16384xf32, #tpu.memory_space<vmem>>[vector<16xi32>], vector<16xf32>,
      %add3A_1065 = arith.constant 8 : i32
      %add3A_1066 = vector.broadcast %add3A_1065 : i32 to vector<16xi32>
      %add3A_1067 = arith.addi %add3A_1066, %shift_right_arithmetic3A_996 : vector<16xi32>
      %mul3A_1068 = arith.constant 128 : i32
      %mul3A_1069 = vector.broadcast %mul3A_1068 : i32 to vector<16xi32>
      %mul3A_1070 = arith.muli %add3A_1067, %mul3A_1069 : vector<16xi32>
      %add3A_1071 = arith.addi %and3A_990, %mul3A_1070 : vector<16xi32>
      %gather3A_1072 = tpu.memref_reshape %arg10 : memref<8x32x128xf32, #tpu.memory_space<vmem>> -> memref<8x4096xf32, #tpu.memory_space<vmem>>
      %gather3A_1073 = tpu.vector_load_idx %gather3A_1072[%and3A_993, %add3A_1071] : memref<8x4096xf32, #tpu.memory_space<vmem>>[vector<16xi32>, vector<16xi32>], vector<16xf32>,
      %mul3A_1074 = arith.constant 512 : i32
      %mul3A_1075 = vector.broadcast %mul3A_1074 : i32 to vector<16xi32>
      %mul3A_1076 = arith.muli %add3A_1067, %mul3A_1075 : vector<16xi32>
      %mul3A_1077 = arith.constant 8 : i32
      %mul3A_1078 = arith.muli %add3A_295, %mul3A_1077 : i32
      %add3A_1079 = vector.broadcast %mul3A_1078 : i32 to vector<16xi32>
      %add3A_1080 = arith.addi %mul3A_1076, %add3A_1079 : vector<16xi32>
      %add3A_1081 = arith.addi %add3A_1080, %and3A_993 : vector<16xi32>
      tpu.vector_store_idx %arg11[%add3A_1081], %gather3A_1073 : memref<16384xf32, #tpu.memory_space<vmem>>[vector<16xi32>], vector<16xf32>,
      %add3A_1082 = arith.constant 10 : i32
      %add3A_1083 = vector.broadcast %add3A_1082 : i32 to vector<16xi32>
      %add3A_1084 = arith.addi %add3A_1083, %shift_right_arithmetic3A_996 : vector<16xi32>
      %mul3A_1085 = arith.constant 128 : i32
      %mul3A_1086 = vector.broadcast %mul3A_1085 : i32 to vector<16xi32>
      %mul3A_1087 = arith.muli %add3A_1084, %mul3A_1086 : vector<16xi32>
      %add3A_1088 = arith.addi %and3A_990, %mul3A_1087 : vector<16xi32>
      %gather3A_1089 = tpu.memref_reshape %arg10 : memref<8x32x128xf32, #tpu.memory_space<vmem>> -> memref<8x4096xf32, #tpu.memory_space<vmem>>
      %gather3A_1090 = tpu.vector_load_idx %gather3A_1089[%and3A_993, %add3A_1088] : memref<8x4096xf32, #tpu.memory_space<vmem>>[vector<16xi32>, vector<16xi32>], vector<16xf32>,
      %mul3A_1091 = arith.constant 512 : i32
      %mul3A_1092 = vector.broadcast %mul3A_1091 : i32 to vector<16xi32>
      %mul3A_1093 = arith.muli %add3A_1084, %mul3A_1092 : vector<16xi32>
      %mul3A_1094 = arith.constant 8 : i32
      %mul3A_1095 = arith.muli %add3A_295, %mul3A_1094 : i32
      %add3A_1096 = vector.broadcast %mul3A_1095 : i32 to vector<16xi32>
      %add3A_1097 = arith.addi %mul3A_1093, %add3A_1096 : vector<16xi32>
      %add3A_1098 = arith.addi %add3A_1097, %and3A_993 : vector<16xi32>
      tpu.vector_store_idx %arg11[%add3A_1098], %gather3A_1090 : memref<16384xf32, #tpu.memory_space<vmem>>[vector<16xi32>], vector<16xf32>,
      %add3A_1099 = arith.constant 12 : i32
      %add3A_1100 = vector.broadcast %add3A_1099 : i32 to vector<16xi32>
      %add3A_1101 = arith.addi %add3A_1100, %shift_right_arithmetic3A_996 : vector<16xi32>
      %mul3A_1102 = arith.constant 128 : i32
      %mul3A_1103 = vector.broadcast %mul3A_1102 : i32 to vector<16xi32>
      %mul3A_1104 = arith.muli %add3A_1101, %mul3A_1103 : vector<16xi32>
      %add3A_1105 = arith.addi %and3A_990, %mul3A_1104 : vector<16xi32>
      %gather3A_1106 = tpu.memref_reshape %arg10 : memref<8x32x128xf32, #tpu.memory_space<vmem>> -> memref<8x4096xf32, #tpu.memory_space<vmem>>
      %gather3A_1107 = tpu.vector_load_idx %gather3A_1106[%and3A_993, %add3A_1105] : memref<8x4096xf32, #tpu.memory_space<vmem>>[vector<16xi32>, vector<16xi32>], vector<16xf32>,
      %mul3A_1108 = arith.constant 512 : i32
      %mul3A_1109 = vector.broadcast %mul3A_1108 : i32 to vector<16xi32>
      %mul3A_1110 = arith.muli %add3A_1101, %mul3A_1109 : vector<16xi32>
      %mul3A_1111 = arith.constant 8 : i32
      %mul3A_1112 = arith.muli %add3A_295, %mul3A_1111 : i32
      %add3A_1113 = vector.broadcast %mul3A_1112 : i32 to vector<16xi32>
      %add3A_1114 = arith.addi %mul3A_1110, %add3A_1113 : vector<16xi32>
      %add3A_1115 = arith.addi %add3A_1114, %and3A_993 : vector<16xi32>
      tpu.vector_store_idx %arg11[%add3A_1115], %gather3A_1107 : memref<16384xf32, #tpu.memory_space<vmem>>[vector<16xi32>], vector<16xf32>,
      %add3A_1116 = arith.constant 14 : i32
      %add3A_1117 = vector.broadcast %add3A_1116 : i32 to vector<16xi32>
      %add3A_1118 = arith.addi %add3A_1117, %shift_right_arithmetic3A_996 : vector<16xi32>
      %mul3A_1119 = arith.constant 128 : i32
      %mul3A_1120 = vector.broadcast %mul3A_1119 : i32 to vector<16xi32>
      %mul3A_1121 = arith.muli %add3A_1118, %mul3A_1120 : vector<16xi32>
      %add3A_1122 = arith.addi %and3A_990, %mul3A_1121 : vector<16xi32>
      %gather3A_1123 = tpu.memref_reshape %arg10 : memref<8x32x128xf32, #tpu.memory_space<vmem>> -> memref<8x4096xf32, #tpu.memory_space<vmem>>
      %gather3A_1124 = tpu.vector_load_idx %gather3A_1123[%and3A_993, %add3A_1122] : memref<8x4096xf32, #tpu.memory_space<vmem>>[vector<16xi32>, vector<16xi32>], vector<16xf32>,
      %mul3A_1125 = arith.constant 512 : i32
      %mul3A_1126 = vector.broadcast %mul3A_1125 : i32 to vector<16xi32>
      %mul3A_1127 = arith.muli %add3A_1118, %mul3A_1126 : vector<16xi32>
      %mul3A_1128 = arith.constant 8 : i32
      %mul3A_1129 = arith.muli %add3A_295, %mul3A_1128 : i32
      %add3A_1130 = vector.broadcast %mul3A_1129 : i32 to vector<16xi32>
      %add3A_1131 = arith.addi %mul3A_1127, %add3A_1130 : vector<16xi32>
      %add3A_1132 = arith.addi %add3A_1131, %and3A_993 : vector<16xi32>
      tpu.vector_store_idx %arg11[%add3A_1132], %gather3A_1124 : memref<16384xf32, #tpu.memory_space<vmem>>[vector<16xi32>], vector<16xf32>,
      %add3A_1133 = arith.constant 16 : i32
      %add3A_1134 = vector.broadcast %add3A_1133 : i32 to vector<16xi32>
      %add3A_1135 = arith.addi %add3A_1134, %shift_right_arithmetic3A_996 : vector<16xi32>
      %mul3A_1136 = arith.constant 128 : i32
      %mul3A_1137 = vector.broadcast %mul3A_1136 : i32 to vector<16xi32>
      %mul3A_1138 = arith.muli %add3A_1135, %mul3A_1137 : vector<16xi32>
      %add3A_1139 = arith.addi %and3A_990, %mul3A_1138 : vector<16xi32>
      %gather3A_1140 = tpu.memref_reshape %arg10 : memref<8x32x128xf32, #tpu.memory_space<vmem>> -> memref<8x4096xf32, #tpu.memory_space<vmem>>
      %gather3A_1141 = tpu.vector_load_idx %gather3A_1140[%and3A_993, %add3A_1139] : memref<8x4096xf32, #tpu.memory_space<vmem>>[vector<16xi32>, vector<16xi32>], vector<16xf32>,
      %mul3A_1142 = arith.constant 512 : i32
      %mul3A_1143 = vector.broadcast %mul3A_1142 : i32 to vector<16xi32>
      %mul3A_1144 = arith.muli %add3A_1135, %mul3A_1143 : vector<16xi32>
      %mul3A_1145 = arith.constant 8 : i32
      %mul3A_1146 = arith.muli %add3A_295, %mul3A_1145 : i32
      %add3A_1147 = vector.broadcast %mul3A_1146 : i32 to vector<16xi32>
      %add3A_1148 = arith.addi %mul3A_1144, %add3A_1147 : vector<16xi32>
      %add3A_1149 = arith.addi %add3A_1148, %and3A_993 : vector<16xi32>
      tpu.vector_store_idx %arg11[%add3A_1149], %gather3A_1141 : memref<16384xf32, #tpu.memory_space<vmem>>[vector<16xi32>], vector<16xf32>,
      %add3A_1150 = arith.constant 18 : i32
      %add3A_1151 = vector.broadcast %add3A_1150 : i32 to vector<16xi32>
      %add3A_1152 = arith.addi %add3A_1151, %shift_right_arithmetic3A_996 : vector<16xi32>
      %mul3A_1153 = arith.constant 128 : i32
      %mul3A_1154 = vector.broadcast %mul3A_1153 : i32 to vector<16xi32>
      %mul3A_1155 = arith.muli %add3A_1152, %mul3A_1154 : vector<16xi32>
      %add3A_1156 = arith.addi %and3A_990, %mul3A_1155 : vector<16xi32>
      %gather3A_1157 = tpu.memref_reshape %arg10 : memref<8x32x128xf32, #tpu.memory_space<vmem>> -> memref<8x4096xf32, #tpu.memory_space<vmem>>
      %gather3A_1158 = tpu.vector_load_idx %gather3A_1157[%and3A_993, %add3A_1156] : memref<8x4096xf32, #tpu.memory_space<vmem>>[vector<16xi32>, vector<16xi32>], vector<16xf32>,
      %mul3A_1159 = arith.constant 512 : i32
      %mul3A_1160 = vector.broadcast %mul3A_1159 : i32 to vector<16xi32>
      %mul3A_1161 = arith.muli %add3A_1152, %mul3A_1160 : vector<16xi32>
      %mul3A_1162 = arith.constant 8 : i32
      %mul3A_1163 = arith.muli %add3A_295, %mul3A_1162 : i32
      %add3A_1164 = vector.broadcast %mul3A_1163 : i32 to vector<16xi32>
      %add3A_1165 = arith.addi %mul3A_1161, %add3A_1164 : vector<16xi32>
      %add3A_1166 = arith.addi %add3A_1165, %and3A_993 : vector<16xi32>
      tpu.vector_store_idx %arg11[%add3A_1166], %gather3A_1158 : memref<16384xf32, #tpu.memory_space<vmem>>[vector<16xi32>], vector<16xf32>,
      %add3A_1167 = arith.constant 20 : i32
      %add3A_1168 = vector.broadcast %add3A_1167 : i32 to vector<16xi32>
      %add3A_1169 = arith.addi %add3A_1168, %shift_right_arithmetic3A_996 : vector<16xi32>
      %mul3A_1170 = arith.constant 128 : i32
      %mul3A_1171 = vector.broadcast %mul3A_1170 : i32 to vector<16xi32>
      %mul3A_1172 = arith.muli %add3A_1169, %mul3A_1171 : vector<16xi32>
      %add3A_1173 = arith.addi %and3A_990, %mul3A_1172 : vector<16xi32>
      %gather3A_1174 = tpu.memref_reshape %arg10 : memref<8x32x128xf32, #tpu.memory_space<vmem>> -> memref<8x4096xf32, #tpu.memory_space<vmem>>
      %gather3A_1175 = tpu.vector_load_idx %gather3A_1174[%and3A_993, %add3A_1173] : memref<8x4096xf32, #tpu.memory_space<vmem>>[vector<16xi32>, vector<16xi32>], vector<16xf32>,
      %mul3A_1176 = arith.constant 512 : i32
      %mul3A_1177 = vector.broadcast %mul3A_1176 : i32 to vector<16xi32>
      %mul3A_1178 = arith.muli %add3A_1169, %mul3A_1177 : vector<16xi32>
      %mul3A_1179 = arith.constant 8 : i32
      %mul3A_1180 = arith.muli %add3A_295, %mul3A_1179 : i32
      %add3A_1181 = vector.broadcast %mul3A_1180 : i32 to vector<16xi32>
      %add3A_1182 = arith.addi %mul3A_1178, %add3A_1181 : vector<16xi32>
      %add3A_1183 = arith.addi %add3A_1182, %and3A_993 : vector<16xi32>
      tpu.vector_store_idx %arg11[%add3A_1183], %gather3A_1175 : memref<16384xf32, #tpu.memory_space<vmem>>[vector<16xi32>], vector<16xf32>,
      %add3A_1184 = arith.constant 22 : i32
      %add3A_1185 = vector.broadcast %add3A_1184 : i32 to vector<16xi32>
      %add3A_1186 = arith.addi %add3A_1185, %shift_right_arithmetic3A_996 : vector<16xi32>
      %mul3A_1187 = arith.constant 128 : i32
      %mul3A_1188 = vector.broadcast %mul3A_1187 : i32 to vector<16xi32>
      %mul3A_1189 = arith.muli %add3A_1186, %mul3A_1188 : vector<16xi32>
      %add3A_1190 = arith.addi %and3A_990, %mul3A_1189 : vector<16xi32>
      %gather3A_1191 = tpu.memref_reshape %arg10 : memref<8x32x128xf32, #tpu.memory_space<vmem>> -> memref<8x4096xf32, #tpu.memory_space<vmem>>
      %gather3A_1192 = tpu.vector_load_idx %gather3A_1191[%and3A_993, %add3A_1190] : memref<8x4096xf32, #tpu.memory_space<vmem>>[vector<16xi32>, vector<16xi32>], vector<16xf32>,
      %mul3A_1193 = arith.constant 512 : i32
      %mul3A_1194 = vector.broadcast %mul3A_1193 : i32 to vector<16xi32>
      %mul3A_1195 = arith.muli %add3A_1186, %mul3A_1194 : vector<16xi32>
      %mul3A_1196 = arith.constant 8 : i32
      %mul3A_1197 = arith.muli %add3A_295, %mul3A_1196 : i32
      %add3A_1198 = vector.broadcast %mul3A_1197 : i32 to vector<16xi32>
      %add3A_1199 = arith.addi %mul3A_1195, %add3A_1198 : vector<16xi32>
      %add3A_1200 = arith.addi %add3A_1199, %and3A_993 : vector<16xi32>
      tpu.vector_store_idx %arg11[%add3A_1200], %gather3A_1192 : memref<16384xf32, #tpu.memory_space<vmem>>[vector<16xi32>], vector<16xf32>,
      %add3A_1201 = arith.constant 24 : i32
      %add3A_1202 = vector.broadcast %add3A_1201 : i32 to vector<16xi32>
      %add3A_1203 = arith.addi %add3A_1202, %shift_right_arithmetic3A_996 : vector<16xi32>
      %mul3A_1204 = arith.constant 128 : i32
      %mul3A_1205 = vector.broadcast %mul3A_1204 : i32 to vector<16xi32>
      %mul3A_1206 = arith.muli %add3A_1203, %mul3A_1205 : vector<16xi32>
      %add3A_1207 = arith.addi %and3A_990, %mul3A_1206 : vector<16xi32>
      %gather3A_1208 = tpu.memref_reshape %arg10 : memref<8x32x128xf32, #tpu.memory_space<vmem>> -> memref<8x4096xf32, #tpu.memory_space<vmem>>
      %gather3A_1209 = tpu.vector_load_idx %gather3A_1208[%and3A_993, %add3A_1207] : memref<8x4096xf32, #tpu.memory_space<vmem>>[vector<16xi32>, vector<16xi32>], vector<16xf32>,
      %mul3A_1210 = arith.constant 512 : i32
      %mul3A_1211 = vector.broadcast %mul3A_1210 : i32 to vector<16xi32>
      %mul3A_1212 = arith.muli %add3A_1203, %mul3A_1211 : vector<16xi32>
      %mul3A_1213 = arith.constant 8 : i32
      %mul3A_1214 = arith.muli %add3A_295, %mul3A_1213 : i32
      %add3A_1215 = vector.broadcast %mul3A_1214 : i32 to vector<16xi32>
      %add3A_1216 = arith.addi %mul3A_1212, %add3A_1215 : vector<16xi32>
      %add3A_1217 = arith.addi %add3A_1216, %and3A_993 : vector<16xi32>
      tpu.vector_store_idx %arg11[%add3A_1217], %gather3A_1209 : memref<16384xf32, #tpu.memory_space<vmem>>[vector<16xi32>], vector<16xf32>,
      %add3A_1218 = arith.constant 26 : i32
      %add3A_1219 = vector.broadcast %add3A_1218 : i32 to vector<16xi32>
      %add3A_1220 = arith.addi %add3A_1219, %shift_right_arithmetic3A_996 : vector<16xi32>
      %mul3A_1221 = arith.constant 128 : i32
      %mul3A_1222 = vector.broadcast %mul3A_1221 : i32 to vector<16xi32>
      %mul3A_1223 = arith.muli %add3A_1220, %mul3A_1222 : vector<16xi32>
      %add3A_1224 = arith.addi %and3A_990, %mul3A_1223 : vector<16xi32>
      %gather3A_1225 = tpu.memref_reshape %arg10 : memref<8x32x128xf32, #tpu.memory_space<vmem>> -> memref<8x4096xf32, #tpu.memory_space<vmem>>
      %gather3A_1226 = tpu.vector_load_idx %gather3A_1225[%and3A_993, %add3A_1224] : memref<8x4096xf32, #tpu.memory_space<vmem>>[vector<16xi32>, vector<16xi32>], vector<16xf32>,
      %mul3A_1227 = arith.constant 512 : i32
      %mul3A_1228 = vector.broadcast %mul3A_1227 : i32 to vector<16xi32>
      %mul3A_1229 = arith.muli %add3A_1220, %mul3A_1228 : vector<16xi32>
      %mul3A_1230 = arith.constant 8 : i32
      %mul3A_1231 = arith.muli %add3A_295, %mul3A_1230 : i32
      %add3A_1232 = vector.broadcast %mul3A_1231 : i32 to vector<16xi32>
      %add3A_1233 = arith.addi %mul3A_1229, %add3A_1232 : vector<16xi32>
      %add3A_1234 = arith.addi %add3A_1233, %and3A_993 : vector<16xi32>
      tpu.vector_store_idx %arg11[%add3A_1234], %gather3A_1226 : memref<16384xf32, #tpu.memory_space<vmem>>[vector<16xi32>], vector<16xf32>,
      %add3A_1235 = arith.constant 28 : i32
      %add3A_1236 = vector.broadcast %add3A_1235 : i32 to vector<16xi32>
      %add3A_1237 = arith.addi %add3A_1236, %shift_right_arithmetic3A_996 : vector<16xi32>
      %mul3A_1238 = arith.constant 128 : i32
      %mul3A_1239 = vector.broadcast %mul3A_1238 : i32 to vector<16xi32>
      %mul3A_1240 = arith.muli %add3A_1237, %mul3A_1239 : vector<16xi32>
      %add3A_1241 = arith.addi %and3A_990, %mul3A_1240 : vector<16xi32>
      %gather3A_1242 = tpu.memref_reshape %arg10 : memref<8x32x128xf32, #tpu.memory_space<vmem>> -> memref<8x4096xf32, #tpu.memory_space<vmem>>
      %gather3A_1243 = tpu.vector_load_idx %gather3A_1242[%and3A_993, %add3A_1241] : memref<8x4096xf32, #tpu.memory_space<vmem>>[vector<16xi32>, vector<16xi32>], vector<16xf32>,
      %mul3A_1244 = arith.constant 512 : i32
      %mul3A_1245 = vector.broadcast %mul3A_1244 : i32 to vector<16xi32>
      %mul3A_1246 = arith.muli %add3A_1237, %mul3A_1245 : vector<16xi32>
      %mul3A_1247 = arith.constant 8 : i32
      %mul3A_1248 = arith.muli %add3A_295, %mul3A_1247 : i32
      %add3A_1249 = vector.broadcast %mul3A_1248 : i32 to vector<16xi32>
      %add3A_1250 = arith.addi %mul3A_1246, %add3A_1249 : vector<16xi32>
      %add3A_1251 = arith.addi %add3A_1250, %and3A_993 : vector<16xi32>
      tpu.vector_store_idx %arg11[%add3A_1251], %gather3A_1243 : memref<16384xf32, #tpu.memory_space<vmem>>[vector<16xi32>], vector<16xf32>,
      %add3A_1252 = arith.constant 30 : i32
      %add3A_1253 = vector.broadcast %add3A_1252 : i32 to vector<16xi32>
      %add3A_1254 = arith.addi %add3A_1253, %shift_right_arithmetic3A_996 : vector<16xi32>
      %mul3A_1255 = arith.constant 128 : i32
      %mul3A_1256 = vector.broadcast %mul3A_1255 : i32 to vector<16xi32>
      %mul3A_1257 = arith.muli %add3A_1254, %mul3A_1256 : vector<16xi32>
      %add3A_1258 = arith.addi %and3A_990, %mul3A_1257 : vector<16xi32>
      %gather3A_1259 = tpu.memref_reshape %arg10 : memref<8x32x128xf32, #tpu.memory_space<vmem>> -> memref<8x4096xf32, #tpu.memory_space<vmem>>
      %gather3A_1260 = tpu.vector_load_idx %gather3A_1259[%and3A_993, %add3A_1258] : memref<8x4096xf32, #tpu.memory_space<vmem>>[vector<16xi32>, vector<16xi32>], vector<16xf32>,
      %mul3A_1261 = arith.constant 512 : i32
      %mul3A_1262 = vector.broadcast %mul3A_1261 : i32 to vector<16xi32>
      %mul3A_1263 = arith.muli %add3A_1254, %mul3A_1262 : vector<16xi32>
      %mul3A_1264 = arith.constant 8 : i32
      %mul3A_1265 = arith.muli %add3A_295, %mul3A_1264 : i32
      %add3A_1266 = vector.broadcast %mul3A_1265 : i32 to vector<16xi32>
      %add3A_1267 = arith.addi %mul3A_1263, %add3A_1266 : vector<16xi32>
      %add3A_1268 = arith.addi %add3A_1267, %and3A_993 : vector<16xi32>
      tpu.vector_store_idx %arg11[%add3A_1268], %gather3A_1260 : memref<16384xf32, #tpu.memory_space<vmem>>[vector<16xi32>], vector<16xf32>,
      %scan3A_1269 = arith.constant 0 : i32
      scf.yield %scan3A_1269 : i32
    }
    %scan3A_137 = arith.constant 32 : i32
    %get3A_138 = arith.constant 0 : index
    %get3A_139 = tpu.vector_load %arg8[%get3A_138] {strides = array<i32>} : memref<528xi32, #tpu.memory_space<vmem>>, vector<16xi32>,
    %shift_right_arithmetic3A_140 = arith.constant 7 : i32
    %shift_right_arithmetic3A_141 = vector.broadcast %shift_right_arithmetic3A_140 : i32 to vector<16xi32>
    %shift_right_arithmetic3A_142 = arith.shrsi %get3A_139, %shift_right_arithmetic3A_141 : vector<16xi32>
    %shift_left3A_143 = arith.constant 7 : i32
    %shift_left3A_144 = vector.broadcast %shift_left3A_143 : i32 to vector<16xi32>
    %shift_left3A_145 = arith.shli %shift_right_arithmetic3A_142, %shift_left3A_144 : vector<16xi32>
    %slice3A_146 = vector.extract_strided_slice %shift_left3A_145 {offsets = [0], sizes = [1], strides = [1]} : vector<16xi32> to vector<1xi32>
    %squeeze3A_147 = vector.extract %slice3A_146[0] : i32 from vector<1xi32>
    %multiple_of3A_148 = tpu.assume_multiple %squeeze3A_147, 128 : i32
    %dma_start3A_149 = arith.constant 0 : i32
    %dma_start3A_150 = arith.constant 0 : i32
    %dma_start3A_151 = arith.constant 0 : i32
    %dma_start3A_152 = tpu.memref_slice %arg9[%dma_start3A_149, %dma_start3A_150, %dma_start3A_151] : memref<8x32x128xf32, #tpu.memory_space<vmem>> -> memref<1x32x128xf32, #tpu.memory_space<vmem>>
    %dma_start3A_153 = tpu.memref_squeeze %dma_start3A_152 : memref<1x32x128xf32, #tpu.memory_space<vmem>> -> memref<32x128xf32, #tpu.memory_space<vmem>>
    %dma_start3A_154 = arith.constant 0 : i32
    %dma_start3A_155 = tpu.memref_slice %arg5[%dma_start3A_154, %multiple_of3A_148] : memref<32x1000000xf32, #tpu.memory_space<hbm>> -> memref<32x128xf32, #tpu.memory_space<hbm>>
    %dma_start3A_156 = arith.constant 0 : i32
    %dma_start3A_157 = arith.constant 0 : i32
    %dma_start3A_158 = tpu.memref_slice %arg9[%dma_start3A_149, %dma_start3A_156, %dma_start3A_157] : memref<8x32x128xf32, #tpu.memory_space<vmem>> -> memref<1x32x128xf32, #tpu.memory_space<vmem>>
    %dma_start3A_159 = tpu.memref_squeeze %dma_start3A_158 : memref<1x32x128xf32, #tpu.memory_space<vmem>> -> memref<32x128xf32, #tpu.memory_space<vmem>>
    %dma_start3A_160 = arith.constant 0 : i32
    %dma_start3A_161 = tpu.memref_slice %arg5[%dma_start3A_160, %multiple_of3A_148] : memref<32x1000000xf32, #tpu.memory_space<hbm>> -> memref<32x128xf32, #tpu.memory_space<hbm>>
    tpu.enqueue_dma source(%dma_start3A_161 : memref<32x128xf32, #tpu.memory_space<hbm>>) target(%dma_start3A_159 : memref<32x128xf32, #tpu.memory_space<vmem>>) target_semaphore(%arg14 : memref<!tpu.dma_semaphore, #tpu.memory_space<semaphore_mem>>)
    %slice3A_162 = vector.extract_strided_slice %shift_left3A_145 {offsets = [1], sizes = [1], strides = [1]} : vector<16xi32> to vector<1xi32>
    %squeeze3A_163 = vector.extract %slice3A_162[0] : i32 from vector<1xi32>
    %multiple_of3A_164 = tpu.assume_multiple %squeeze3A_163, 128 : i32
    %dma_start3A_165 = arith.constant 1 : i32
    %dma_start3A_166 = arith.constant 0 : i32
    %dma_start3A_167 = arith.constant 0 : i32
    %dma_start3A_168 = tpu.memref_slice %arg9[%dma_start3A_165, %dma_start3A_166, %dma_start3A_167] : memref<8x32x128xf32, #tpu.memory_space<vmem>> -> memref<1x32x128xf32, #tpu.memory_space<vmem>>
    %dma_start3A_169 = tpu.memref_squeeze %dma_start3A_168 : memref<1x32x128xf32, #tpu.memory_space<vmem>> -> memref<32x128xf32, #tpu.memory_space<vmem>>
    %dma_start3A_170 = arith.constant 0 : i32
    %dma_start3A_171 = tpu.memref_slice %arg5[%dma_start3A_170, %multiple_of3A_164] : memref<32x1000000xf32, #tpu.memory_space<hbm>> -> memref<32x128xf32, #tpu.memory_space<hbm>>
    %dma_start3A_172 = arith.constant 0 : i32
    %dma_start3A_173 = arith.constant 0 : i32
    %dma_start3A_174 = tpu.memref_slice %arg9[%dma_start3A_165, %dma_start3A_172, %dma_start3A_173] : memref<8x32x128xf32, #tpu.memory_space<vmem>> -> memref<1x32x128xf32, #tpu.memory_space<vmem>>
    %dma_start3A_175 = tpu.memref_squeeze %dma_start3A_174 : memref<1x32x128xf32, #tpu.memory_space<vmem>> -> memref<32x128xf32, #tpu.memory_space<vmem>>
    %dma_start3A_176 = arith.constant 0 : i32
    %dma_start3A_177 = tpu.memref_slice %arg5[%dma_start3A_176, %multiple_of3A_164] : memref<32x1000000xf32, #tpu.memory_space<hbm>> -> memref<32x128xf32, #tpu.memory_space<hbm>>
    tpu.enqueue_dma source(%dma_start3A_177 : memref<32x128xf32, #tpu.memory_space<hbm>>) target(%dma_start3A_175 : memref<32x128xf32, #tpu.memory_space<vmem>>) target_semaphore(%arg14 : memref<!tpu.dma_semaphore, #tpu.memory_space<semaphore_mem>>)
    %slice3A_178 = vector.extract_strided_slice %shift_left3A_145 {offsets = [2], sizes = [1], strides = [1]} : vector<16xi32> to vector<1xi32>
    %squeeze3A_179 = vector.extract %slice3A_178[0] : i32 from vector<1xi32>
    %multiple_of3A_180 = tpu.assume_multiple %squeeze3A_179, 128 : i32
    %dma_start3A_181 = arith.constant 2 : i32
    %dma_start3A_182 = arith.constant 0 : i32
    %dma_start3A_183 = arith.constant 0 : i32
    %dma_start3A_184 = tpu.memref_slice %arg9[%dma_start3A_181, %dma_start3A_182, %dma_start3A_183] : memref<8x32x128xf32, #tpu.memory_space<vmem>> -> memref<1x32x128xf32, #tpu.memory_space<vmem>>
    %dma_start3A_185 = tpu.memref_squeeze %dma_start3A_184 : memref<1x32x128xf32, #tpu.memory_space<vmem>> -> memref<32x128xf32, #tpu.memory_space<vmem>>
    %dma_start3A_186 = arith.constant 0 : i32
    %dma_start3A_187 = tpu.memref_slice %arg5[%dma_start3A_186, %multiple_of3A_180] : memref<32x1000000xf32, #tpu.memory_space<hbm>> -> memref<32x128xf32, #tpu.memory_space<hbm>>
    %dma_start3A_188 = arith.constant 0 : i32
    %dma_start3A_189 = arith.constant 0 : i32
    %dma_start3A_190 = tpu.memref_slice %arg9[%dma_start3A_181, %dma_start3A_188, %dma_start3A_189] : memref<8x32x128xf32, #tpu.memory_space<vmem>> -> memref<1x32x128xf32, #tpu.memory_space<vmem>>
    %dma_start3A_191 = tpu.memref_squeeze %dma_start3A_190 : memref<1x32x128xf32, #tpu.memory_space<vmem>> -> memref<32x128xf32, #tpu.memory_space<vmem>>
    %dma_start3A_192 = arith.constant 0 : i32
    %dma_start3A_193 = tpu.memref_slice %arg5[%dma_start3A_192, %multiple_of3A_180] : memref<32x1000000xf32, #tpu.memory_space<hbm>> -> memref<32x128xf32, #tpu.memory_space<hbm>>
    tpu.enqueue_dma source(%dma_start3A_193 : memref<32x128xf32, #tpu.memory_space<hbm>>) target(%dma_start3A_191 : memref<32x128xf32, #tpu.memory_space<vmem>>) target_semaphore(%arg14 : memref<!tpu.dma_semaphore, #tpu.memory_space<semaphore_mem>>)
    %slice3A_194 = vector.extract_strided_slice %shift_left3A_145 {offsets = [3], sizes = [1], strides = [1]} : vector<16xi32> to vector<1xi32>
    %squeeze3A_195 = vector.extract %slice3A_194[0] : i32 from vector<1xi32>
    %multiple_of3A_196 = tpu.assume_multiple %squeeze3A_195, 128 : i32
    %dma_start3A_197 = arith.constant 3 : i32
    %dma_start3A_198 = arith.constant 0 : i32
    %dma_start3A_199 = arith.constant 0 : i32
    %dma_start3A_200 = tpu.memref_slice %arg9[%dma_start3A_197, %dma_start3A_198, %dma_start3A_199] : memref<8x32x128xf32, #tpu.memory_space<vmem>> -> memref<1x32x128xf32, #tpu.memory_space<vmem>>
    %dma_start3A_201 = tpu.memref_squeeze %dma_start3A_200 : memref<1x32x128xf32, #tpu.memory_space<vmem>> -> memref<32x128xf32, #tpu.memory_space<vmem>>
    %dma_start3A_202 = arith.constant 0 : i32
    %dma_start3A_203 = tpu.memref_slice %arg5[%dma_start3A_202, %multiple_of3A_196] : memref<32x1000000xf32, #tpu.memory_space<hbm>> -> memref<32x128xf32, #tpu.memory_space<hbm>>
    %dma_start3A_204 = arith.constant 0 : i32
    %dma_start3A_205 = arith.constant 0 : i32
    %dma_start3A_206 = tpu.memref_slice %arg9[%dma_start3A_197, %dma_start3A_204, %dma_start3A_205] : memref<8x32x128xf32, #tpu.memory_space<vmem>> -> memref<1x32x128xf32, #tpu.memory_space<vmem>>
    %dma_start3A_207 = tpu.memref_squeeze %dma_start3A_206 : memref<1x32x128xf32, #tpu.memory_space<vmem>> -> memref<32x128xf32, #tpu.memory_space<vmem>>
    %dma_start3A_208 = arith.constant 0 : i32
    %dma_start3A_209 = tpu.memref_slice %arg5[%dma_start3A_208, %multiple_of3A_196] : memref<32x1000000xf32, #tpu.memory_space<hbm>> -> memref<32x128xf32, #tpu.memory_space<hbm>>
    tpu.enqueue_dma source(%dma_start3A_209 : memref<32x128xf32, #tpu.memory_space<hbm>>) target(%dma_start3A_207 : memref<32x128xf32, #tpu.memory_space<vmem>>) target_semaphore(%arg14 : memref<!tpu.dma_semaphore, #tpu.memory_space<semaphore_mem>>)
    %slice3A_210 = vector.extract_strided_slice %shift_left3A_145 {offsets = [4], sizes = [1], strides = [1]} : vector<16xi32> to vector<1xi32>
    %squeeze3A_211 = vector.extract %slice3A_210[0] : i32 from vector<1xi32>
    %multiple_of3A_212 = tpu.assume_multiple %squeeze3A_211, 128 : i32
    %dma_start3A_213 = arith.constant 4 : i32
    %dma_start3A_214 = arith.constant 0 : i32
    %dma_start3A_215 = arith.constant 0 : i32
    %dma_start3A_216 = tpu.memref_slice %arg9[%dma_start3A_213, %dma_start3A_214, %dma_start3A_215] : memref<8x32x128xf32, #tpu.memory_space<vmem>> -> memref<1x32x128xf32, #tpu.memory_space<vmem>>
    %dma_start3A_217 = tpu.memref_squeeze %dma_start3A_216 : memref<1x32x128xf32, #tpu.memory_space<vmem>> -> memref<32x128xf32, #tpu.memory_space<vmem>>
    %dma_start3A_218 = arith.constant 0 : i32
    %dma_start3A_219 = tpu.memref_slice %arg5[%dma_start3A_218, %multiple_of3A_212] : memref<32x1000000xf32, #tpu.memory_space<hbm>> -> memref<32x128xf32, #tpu.memory_space<hbm>>
    %dma_start3A_220 = arith.constant 0 : i32
    %dma_start3A_221 = arith.constant 0 : i32
    %dma_start3A_222 = tpu.memref_slice %arg9[%dma_start3A_213, %dma_start3A_220, %dma_start3A_221] : memref<8x32x128xf32, #tpu.memory_space<vmem>> -> memref<1x32x128xf32, #tpu.memory_space<vmem>>
    %dma_start3A_223 = tpu.memref_squeeze %dma_start3A_222 : memref<1x32x128xf32, #tpu.memory_space<vmem>> -> memref<32x128xf32, #tpu.memory_space<vmem>>
    %dma_start3A_224 = arith.constant 0 : i32
    %dma_start3A_225 = tpu.memref_slice %arg5[%dma_start3A_224, %multiple_of3A_212] : memref<32x1000000xf32, #tpu.memory_space<hbm>> -> memref<32x128xf32, #tpu.memory_space<hbm>>
    tpu.enqueue_dma source(%dma_start3A_225 : memref<32x128xf32, #tpu.memory_space<hbm>>) target(%dma_start3A_223 : memref<32x128xf32, #tpu.memory_space<vmem>>) target_semaphore(%arg14 : memref<!tpu.dma_semaphore, #tpu.memory_space<semaphore_mem>>)
    %slice3A_226 = vector.extract_strided_slice %shift_left3A_145 {offsets = [5], sizes = [1], strides = [1]} : vector<16xi32> to vector<1xi32>
    %squeeze3A_227 = vector.extract %slice3A_226[0] : i32 from vector<1xi32>
    %multiple_of3A_228 = tpu.assume_multiple %squeeze3A_227, 128 : i32
    %dma_start3A_229 = arith.constant 5 : i32
    %dma_start3A_230 = arith.constant 0 : i32
    %dma_start3A_231 = arith.constant 0 : i32
    %dma_start3A_232 = tpu.memref_slice %arg9[%dma_start3A_229, %dma_start3A_230, %dma_start3A_231] : memref<8x32x128xf32, #tpu.memory_space<vmem>> -> memref<1x32x128xf32, #tpu.memory_space<vmem>>
    %dma_start3A_233 = tpu.memref_squeeze %dma_start3A_232 : memref<1x32x128xf32, #tpu.memory_space<vmem>> -> memref<32x128xf32, #tpu.memory_space<vmem>>
    %dma_start3A_234 = arith.constant 0 : i32
    %dma_start3A_235 = tpu.memref_slice %arg5[%dma_start3A_234, %multiple_of3A_228] : memref<32x1000000xf32, #tpu.memory_space<hbm>> -> memref<32x128xf32, #tpu.memory_space<hbm>>
    %dma_start3A_236 = arith.constant 0 : i32
    %dma_start3A_237 = arith.constant 0 : i32
    %dma_start3A_238 = tpu.memref_slice %arg9[%dma_start3A_229, %dma_start3A_236, %dma_start3A_237] : memref<8x32x128xf32, #tpu.memory_space<vmem>> -> memref<1x32x128xf32, #tpu.memory_space<vmem>>
    %dma_start3A_239 = tpu.memref_squeeze %dma_start3A_238 : memref<1x32x128xf32, #tpu.memory_space<vmem>> -> memref<32x128xf32, #tpu.memory_space<vmem>>
    %dma_start3A_240 = arith.constant 0 : i32
    %dma_start3A_241 = tpu.memref_slice %arg5[%dma_start3A_240, %multiple_of3A_228] : memref<32x1000000xf32, #tpu.memory_space<hbm>> -> memref<32x128xf32, #tpu.memory_space<hbm>>
    tpu.enqueue_dma source(%dma_start3A_241 : memref<32x128xf32, #tpu.memory_space<hbm>>) target(%dma_start3A_239 : memref<32x128xf32, #tpu.memory_space<vmem>>) target_semaphore(%arg14 : memref<!tpu.dma_semaphore, #tpu.memory_space<semaphore_mem>>)
    %slice3A_242 = vector.extract_strided_slice %shift_left3A_145 {offsets = [6], sizes = [1], strides = [1]} : vector<16xi32> to vector<1xi32>
    %squeeze3A_243 = vector.extract %slice3A_242[0] : i32 from vector<1xi32>
    %multiple_of3A_244 = tpu.assume_multiple %squeeze3A_243, 128 : i32
    %dma_start3A_245 = arith.constant 6 : i32
    %dma_start3A_246 = arith.constant 0 : i32
    %dma_start3A_247 = arith.constant 0 : i32
    %dma_start3A_248 = tpu.memref_slice %arg9[%dma_start3A_245, %dma_start3A_246, %dma_start3A_247] : memref<8x32x128xf32, #tpu.memory_space<vmem>> -> memref<1x32x128xf32, #tpu.memory_space<vmem>>
    %dma_start3A_249 = tpu.memref_squeeze %dma_start3A_248 : memref<1x32x128xf32, #tpu.memory_space<vmem>> -> memref<32x128xf32, #tpu.memory_space<vmem>>
    %dma_start3A_250 = arith.constant 0 : i32
    %dma_start3A_251 = tpu.memref_slice %arg5[%dma_start3A_250, %multiple_of3A_244] : memref<32x1000000xf32, #tpu.memory_space<hbm>> -> memref<32x128xf32, #tpu.memory_space<hbm>>
    %dma_start3A_252 = arith.constant 0 : i32
    %dma_start3A_253 = arith.constant 0 : i32
    %dma_start3A_254 = tpu.memref_slice %arg9[%dma_start3A_245, %dma_start3A_252, %dma_start3A_253] : memref<8x32x128xf32, #tpu.memory_space<vmem>> -> memref<1x32x128xf32, #tpu.memory_space<vmem>>
    %dma_start3A_255 = tpu.memref_squeeze %dma_start3A_254 : memref<1x32x128xf32, #tpu.memory_space<vmem>> -> memref<32x128xf32, #tpu.memory_space<vmem>>
    %dma_start3A_256 = arith.constant 0 : i32
    %dma_start3A_257 = tpu.memref_slice %arg5[%dma_start3A_256, %multiple_of3A_244] : memref<32x1000000xf32, #tpu.memory_space<hbm>> -> memref<32x128xf32, #tpu.memory_space<hbm>>
    tpu.enqueue_dma source(%dma_start3A_257 : memref<32x128xf32, #tpu.memory_space<hbm>>) target(%dma_start3A_255 : memref<32x128xf32, #tpu.memory_space<vmem>>) target_semaphore(%arg14 : memref<!tpu.dma_semaphore, #tpu.memory_space<semaphore_mem>>)
    %slice3A_258 = vector.extract_strided_slice %shift_left3A_145 {offsets = [7], sizes = [1], strides = [1]} : vector<16xi32> to vector<1xi32>
    %squeeze3A_259 = vector.extract %slice3A_258[0] : i32 from vector<1xi32>
    %multiple_of3A_260 = tpu.assume_multiple %squeeze3A_259, 128 : i32
    %dma_start3A_261 = arith.constant 7 : i32
    %dma_start3A_262 = arith.constant 0 : i32
    %dma_start3A_263 = arith.constant 0 : i32
    %dma_start3A_264 = tpu.memref_slice %arg9[%dma_start3A_261, %dma_start3A_262, %dma_start3A_263] : memref<8x32x128xf32, #tpu.memory_space<vmem>> -> memref<1x32x128xf32, #tpu.memory_space<vmem>>
    %dma_start3A_265 = tpu.memref_squeeze %dma_start3A_264 : memref<1x32x128xf32, #tpu.memory_space<vmem>> -> memref<32x128xf32, #tpu.memory_space<vmem>>
    %dma_start3A_266 = arith.constant 0 : i32
    %dma_start3A_267 = tpu.memref_slice %arg5[%dma_start3A_266, %multiple_of3A_260] : memref<32x1000000xf32, #tpu.memory_space<hbm>> -> memref<32x128xf32, #tpu.memory_space<hbm>>
    %dma_start3A_268 = arith.constant 0 : i32
    %dma_start3A_269 = arith.constant 0 : i32
    %dma_start3A_270 = tpu.memref_slice %arg9[%dma_start3A_261, %dma_start3A_268, %dma_start3A_269] : memref<8x32x128xf32, #tpu.memory_space<vmem>> -> memref<1x32x128xf32, #tpu.memory_space<vmem>>
    %dma_start3A_271 = tpu.memref_squeeze %dma_start3A_270 : memref<1x32x128xf32, #tpu.memory_space<vmem>> -> memref<32x128xf32, #tpu.memory_space<vmem>>
    %dma_start3A_272 = arith.constant 0 : i32
    %dma_start3A_273 = tpu.memref_slice %arg5[%dma_start3A_272, %multiple_of3A_260] : memref<32x1000000xf32, #tpu.memory_space<hbm>> -> memref<32x128xf32, #tpu.memory_space<hbm>>
    tpu.enqueue_dma source(%dma_start3A_273 : memref<32x128xf32, #tpu.memory_space<hbm>>) target(%dma_start3A_271 : memref<32x128xf32, #tpu.memory_space<vmem>>) target_semaphore(%arg14 : memref<!tpu.dma_semaphore, #tpu.memory_space<semaphore_mem>>)
    %scan3A_274 = arith.constant 0 : i32
    %scan3A_275 = arith.constant 0 : i32
    %scan3A_276 = arith.constant 32 : i32
    %scan3A_277 = arith.addi %scan3A_275, %scan3A_276 : i32
    %scan3A_278 = arith.constant 1 : i32
    %scan3A_279 = scf.for %scan3A_288 = %scan3A_275 to %scan3A_277 step %scan3A_278 iter_args(%scan3A_289 = %scan3A_274) -> (i32)  : i32 {
      %mul3A_290 = arith.constant 2 : i32
      %mul3A_291 = arith.muli %mul3A_290, %scan3A_288 : i32
      %mul3A_292 = arith.constant 2 : i32
      %mul3A_293 = arith.muli %mul3A_292, %scan3A_288 : i32
      %add3A_294 = arith.constant 1 : i32
      %add3A_295 = arith.addi %mul3A_293, %add3A_294 : i32
      %mul3A_296 = arith.constant 8 : i32
      %mul3A_297 = arith.muli %add3A_295, %mul3A_296 : i32
      %get3A_298 = arith.index_cast %mul3A_297 : i32 to index
      %get3A_299 = tpu.vector_load %arg8[%get3A_298] {strides = array<i32>} : memref<528xi32, #tpu.memory_space<vmem>>, vector<16xi32>,
      %shift_right_arithmetic3A_300 = arith.constant 7 : i32
      %shift_right_arithmetic3A_301 = vector.broadcast %shift_right_arithmetic3A_300 : i32 to vector<16xi32>
      %shift_right_arithmetic3A_302 = arith.shrsi %get3A_299, %shift_right_arithmetic3A_301 : vector<16xi32>
      %shift_left3A_303 = arith.constant 7 : i32
      %shift_left3A_304 = vector.broadcast %shift_left3A_303 : i32 to vector<16xi32>
      %shift_left3A_305 = arith.shli %shift_right_arithmetic3A_302, %shift_left3A_304 : vector<16xi32>
      %slice3A_306 = vector.extract_strided_slice %shift_left3A_305 {offsets = [0], sizes = [1], strides = [1]} : vector<16xi32> to vector<1xi32>
      %squeeze3A_307 = vector.extract %slice3A_306[0] : i32 from vector<1xi32>
      %multiple_of3A_308 = tpu.assume_multiple %squeeze3A_307, 128 : i32
      %dma_start3A_309 = arith.constant 0 : i32
      %dma_start3A_310 = arith.constant 0 : i32
      %dma_start3A_311 = arith.constant 0 : i32
      %dma_start3A_312 = tpu.memref_slice %arg10[%dma_start3A_309, %dma_start3A_310, %dma_start3A_311] : memref<8x32x128xf32, #tpu.memory_space<vmem>> -> memref<1x32x128xf32, #tpu.memory_space<vmem>>
      %dma_start3A_313 = tpu.memref_squeeze %dma_start3A_312 : memref<1x32x128xf32, #tpu.memory_space<vmem>> -> memref<32x128xf32, #tpu.memory_space<vmem>>
      %dma_start3A_314 = arith.constant 0 : i32
      %dma_start3A_315 = tpu.memref_slice %arg5[%dma_start3A_314, %multiple_of3A_308] : memref<32x1000000xf32, #tpu.memory_space<hbm>> -> memref<32x128xf32, #tpu.memory_space<hbm>>
      %dma_start3A_316 = arith.constant 0 : i32
      %dma_start3A_317 = arith.constant 0 : i32
      %dma_start3A_318 = tpu.memref_slice %arg10[%dma_start3A_309, %dma_start3A_316, %dma_start3A_317] : memref<8x32x128xf32, #tpu.memory_space<vmem>> -> memref<1x32x128xf32, #tpu.memory_space<vmem>>
      %dma_start3A_319 = tpu.memref_squeeze %dma_start3A_318 : memref<1x32x128xf32, #tpu.memory_space<vmem>> -> memref<32x128xf32, #tpu.memory_space<vmem>>
      %dma_start3A_320 = arith.constant 0 : i32
      %dma_start3A_321 = tpu.memref_slice %arg5[%dma_start3A_320, %multiple_of3A_308] : memref<32x1000000xf32, #tpu.memory_space<hbm>> -> memref<32x128xf32, #tpu.memory_space<hbm>>
      tpu.enqueue_dma source(%dma_start3A_321 : memref<32x128xf32, #tpu.memory_space<hbm>>) target(%dma_start3A_319 : memref<32x128xf32, #tpu.memory_space<vmem>>) target_semaphore(%arg15 : memref<!tpu.dma_semaphore, #tpu.memory_space<semaphore_mem>>)
      %slice3A_322 = vector.extract_strided_slice %shift_left3A_305 {offsets = [1], sizes = [1], strides = [1]} : vector<16xi32> to vector<1xi32>
      %squeeze3A_323 = vector.extract %slice3A_322[0] : i32 from vector<1xi32>
      %multiple_of3A_324 = tpu.assume_multiple %squeeze3A_323, 128 : i32
      %dma_start3A_325 = arith.constant 1 : i32
      %dma_start3A_326 = arith.constant 0 : i32
      %dma_start3A_327 = arith.constant 0 : i32
      %dma_start3A_328 = tpu.memref_slice %arg10[%dma_start3A_325, %dma_start3A_326, %dma_start3A_327] : memref<8x32x128xf32, #tpu.memory_space<vmem>> -> memref<1x32x128xf32, #tpu.memory_space<vmem>>
      %dma_start3A_329 = tpu.memref_squeeze %dma_start3A_328 : memref<1x32x128xf32, #tpu.memory_space<vmem>> -> memref<32x128xf32, #tpu.memory_space<vmem>>
      %dma_start3A_330 = arith.constant 0 : i32
      %dma_start3A_331 = tpu.memref_slice %arg5[%dma_start3A_330, %multiple_of3A_324] : memref<32x1000000xf32, #tpu.memory_space<hbm>> -> memref<32x128xf32, #tpu.memory_space<hbm>>
      %dma_start3A_332 = arith.constant 0 : i32
      %dma_start3A_333 = arith.constant 0 : i32
      %dma_start3A_334 = tpu.memref_slice %arg10[%dma_start3A_325, %dma_start3A_332, %dma_start3A_333] : memref<8x32x128xf32, #tpu.memory_space<vmem>> -> memref<1x32x128xf32, #tpu.memory_space<vmem>>
      %dma_start3A_335 = tpu.memref_squeeze %dma_start3A_334 : memref<1x32x128xf32, #tpu.memory_space<vmem>> -> memref<32x128xf32, #tpu.memory_space<vmem>>
      %dma_start3A_336 = arith.constant 0 : i32
      %dma_start3A_337 = tpu.memref_slice %arg5[%dma_start3A_336, %multiple_of3A_324] : memref<32x1000000xf32, #tpu.memory_space<hbm>> -> memref<32x128xf32, #tpu.memory_space<hbm>>
      tpu.enqueue_dma source(%dma_start3A_337 : memref<32x128xf32, #tpu.memory_space<hbm>>) target(%dma_start3A_335 : memref<32x128xf32, #tpu.memory_space<vmem>>) target_semaphore(%arg15 : memref<!tpu.dma_semaphore, #tpu.memory_space<semaphore_mem>>)
      %slice3A_338 = vector.extract_strided_slice %shift_left3A_305 {offsets = [2], sizes = [1], strides = [1]} : vector<16xi32> to vector<1xi32>
      %squeeze3A_339 = vector.extract %slice3A_338[0] : i32 from vector<1xi32>
      %multiple_of3A_340 = tpu.assume_multiple %squeeze3A_339, 128 : i32
      %dma_start3A_341 = arith.constant 2 : i32
      %dma_start3A_342 = arith.constant 0 : i32
      %dma_start3A_343 = arith.constant 0 : i32
      %dma_start3A_344 = tpu.memref_slice %arg10[%dma_start3A_341, %dma_start3A_342, %dma_start3A_343] : memref<8x32x128xf32, #tpu.memory_space<vmem>> -> memref<1x32x128xf32, #tpu.memory_space<vmem>>
      %dma_start3A_345 = tpu.memref_squeeze %dma_start3A_344 : memref<1x32x128xf32, #tpu.memory_space<vmem>> -> memref<32x128xf32, #tpu.memory_space<vmem>>
      %dma_start3A_346 = arith.constant 0 : i32
      %dma_start3A_347 = tpu.memref_slice %arg5[%dma_start3A_346, %multiple_of3A_340] : memref<32x1000000xf32, #tpu.memory_space<hbm>> -> memref<32x128xf32, #tpu.memory_space<hbm>>
      %dma_start3A_348 = arith.constant 0 : i32
      %dma_start3A_349 = arith.constant 0 : i32
      %dma_start3A_350 = tpu.memref_slice %arg10[%dma_start3A_341, %dma_start3A_348, %dma_start3A_349] : memref<8x32x128xf32, #tpu.memory_space<vmem>> -> memref<1x32x128xf32, #tpu.memory_space<vmem>>
      %dma_start3A_351 = tpu.memref_squeeze %dma_start3A_350 : memref<1x32x128xf32, #tpu.memory_space<vmem>> -> memref<32x128xf32, #tpu.memory_space<vmem>>
      %dma_start3A_352 = arith.constant 0 : i32
      %dma_start3A_353 = tpu.memref_slice %arg5[%dma_start3A_352, %multiple_of3A_340] : memref<32x1000000xf32, #tpu.memory_space<hbm>> -> memref<32x128xf32, #tpu.memory_space<hbm>>
      tpu.enqueue_dma source(%dma_start3A_353 : memref<32x128xf32, #tpu.memory_space<hbm>>) target(%dma_start3A_351 : memref<32x128xf32, #tpu.memory_space<vmem>>) target_semaphore(%arg15 : memref<!tpu.dma_semaphore, #tpu.memory_space<semaphore_mem>>)
      %slice3A_354 = vector.extract_strided_slice %shift_left3A_305 {offsets = [3], sizes = [1], strides = [1]} : vector<16xi32> to vector<1xi32>
      %squeeze3A_355 = vector.extract %slice3A_354[0] : i32 from vector<1xi32>
      %multiple_of3A_356 = tpu.assume_multiple %squeeze3A_355, 128 : i32
      %dma_start3A_357 = arith.constant 3 : i32
      %dma_start3A_358 = arith.constant 0 : i32
      %dma_start3A_359 = arith.constant 0 : i32
      %dma_start3A_360 = tpu.memref_slice %arg10[%dma_start3A_357, %dma_start3A_358, %dma_start3A_359] : memref<8x32x128xf32, #tpu.memory_space<vmem>> -> memref<1x32x128xf32, #tpu.memory_space<vmem>>
      %dma_start3A_361 = tpu.memref_squeeze %dma_start3A_360 : memref<1x32x128xf32, #tpu.memory_space<vmem>> -> memref<32x128xf32, #tpu.memory_space<vmem>>
      %dma_start3A_362 = arith.constant 0 : i32
      %dma_start3A_363 = tpu.memref_slice %arg5[%dma_start3A_362, %multiple_of3A_356] : memref<32x1000000xf32, #tpu.memory_space<hbm>> -> memref<32x128xf32, #tpu.memory_space<hbm>>
      %dma_start3A_364 = arith.constant 0 : i32
      %dma_start3A_365 = arith.constant 0 : i32
      %dma_start3A_366 = tpu.memref_slice %arg10[%dma_start3A_357, %dma_start3A_364, %dma_start3A_365] : memref<8x32x128xf32, #tpu.memory_space<vmem>> -> memref<1x32x128xf32, #tpu.memory_space<vmem>>
      %dma_start3A_367 = tpu.memref_squeeze %dma_start3A_366 : memref<1x32x128xf32, #tpu.memory_space<vmem>> -> memref<32x128xf32, #tpu.memory_space<vmem>>
      %dma_start3A_368 = arith.constant 0 : i32
      %dma_start3A_369 = tpu.memref_slice %arg5[%dma_start3A_368, %multiple_of3A_356] : memref<32x1000000xf32, #tpu.memory_space<hbm>> -> memref<32x128xf32, #tpu.memory_space<hbm>>
      tpu.enqueue_dma source(%dma_start3A_369 : memref<32x128xf32, #tpu.memory_space<hbm>>) target(%dma_start3A_367 : memref<32x128xf32, #tpu.memory_space<vmem>>) target_semaphore(%arg15 : memref<!tpu.dma_semaphore, #tpu.memory_space<semaphore_mem>>)
      %slice3A_370 = vector.extract_strided_slice %shift_left3A_305 {offsets = [4], sizes = [1], strides = [1]} : vector<16xi32> to vector<1xi32>
      %squeeze3A_371 = vector.extract %slice3A_370[0] : i32 from vector<1xi32>
      %multiple_of3A_372 = tpu.assume_multiple %squeeze3A_371, 128 : i32
      %dma_start3A_373 = arith.constant 4 : i32
      %dma_start3A_374 = arith.constant 0 : i32
      %dma_start3A_375 = arith.constant 0 : i32
      %dma_start3A_376 = tpu.memref_slice %arg10[%dma_start3A_373, %dma_start3A_374, %dma_start3A_375] : memref<8x32x128xf32, #tpu.memory_space<vmem>> -> memref<1x32x128xf32, #tpu.memory_space<vmem>>
      %dma_start3A_377 = tpu.memref_squeeze %dma_start3A_376 : memref<1x32x128xf32, #tpu.memory_space<vmem>> -> memref<32x128xf32, #tpu.memory_space<vmem>>
      %dma_start3A_378 = arith.constant 0 : i32
      %dma_start3A_379 = tpu.memref_slice %arg5[%dma_start3A_378, %multiple_of3A_372] : memref<32x1000000xf32, #tpu.memory_space<hbm>> -> memref<32x128xf32, #tpu.memory_space<hbm>>
      %dma_start3A_380 = arith.constant 0 : i32
      %dma_start3A_381 = arith.constant 0 : i32
      %dma_start3A_382 = tpu.memref_slice %arg10[%dma_start3A_373, %dma_start3A_380, %dma_start3A_381] : memref<8x32x128xf32, #tpu.memory_space<vmem>> -> memref<1x32x128xf32, #tpu.memory_space<vmem>>
      %dma_start3A_383 = tpu.memref_squeeze %dma_start3A_382 : memref<1x32x128xf32, #tpu.memory_space<vmem>> -> memref<32x128xf32, #tpu.memory_space<vmem>>
      %dma_start3A_384 = arith.constant 0 : i32
      %dma_start3A_385 = tpu.memref_slice %arg5[%dma_start3A_384, %multiple_of3A_372] : memref<32x1000000xf32, #tpu.memory_space<hbm>> -> memref<32x128xf32, #tpu.memory_space<hbm>>
      tpu.enqueue_dma source(%dma_start3A_385 : memref<32x128xf32, #tpu.memory_space<hbm>>) target(%dma_start3A_383 : memref<32x128xf32, #tpu.memory_space<vmem>>) target_semaphore(%arg15 : memref<!tpu.dma_semaphore, #tpu.memory_space<semaphore_mem>>)
      %slice3A_386 = vector.extract_strided_slice %shift_left3A_305 {offsets = [5], sizes = [1], strides = [1]} : vector<16xi32> to vector<1xi32>
      %squeeze3A_387 = vector.extract %slice3A_386[0] : i32 from vector<1xi32>
      %multiple_of3A_388 = tpu.assume_multiple %squeeze3A_387, 128 : i32
      %dma_start3A_389 = arith.constant 5 : i32
      %dma_start3A_390 = arith.constant 0 : i32
      %dma_start3A_391 = arith.constant 0 : i32
      %dma_start3A_392 = tpu.memref_slice %arg10[%dma_start3A_389, %dma_start3A_390, %dma_start3A_391] : memref<8x32x128xf32, #tpu.memory_space<vmem>> -> memref<1x32x128xf32, #tpu.memory_space<vmem>>
      %dma_start3A_393 = tpu.memref_squeeze %dma_start3A_392 : memref<1x32x128xf32, #tpu.memory_space<vmem>> -> memref<32x128xf32, #tpu.memory_space<vmem>>
      %dma_start3A_394 = arith.constant 0 : i32
      %dma_start3A_395 = tpu.memref_slice %arg5[%dma_start3A_394, %multiple_of3A_388] : memref<32x1000000xf32, #tpu.memory_space<hbm>> -> memref<32x128xf32, #tpu.memory_space<hbm>>
      %dma_start3A_396 = arith.constant 0 : i32
      %dma_start3A_397 = arith.constant 0 : i32
      %dma_start3A_398 = tpu.memref_slice %arg10[%dma_start3A_389, %dma_start3A_396, %dma_start3A_397] : memref<8x32x128xf32, #tpu.memory_space<vmem>> -> memref<1x32x128xf32, #tpu.memory_space<vmem>>
      %dma_start3A_399 = tpu.memref_squeeze %dma_start3A_398 : memref<1x32x128xf32, #tpu.memory_space<vmem>> -> memref<32x128xf32, #tpu.memory_space<vmem>>
      %dma_start3A_400 = arith.constant 0 : i32
      %dma_start3A_401 = tpu.memref_slice %arg5[%dma_start3A_400, %multiple_of3A_388] : memref<32x1000000xf32, #tpu.memory_space<hbm>> -> memref<32x128xf32, #tpu.memory_space<hbm>>
      tpu.enqueue_dma source(%dma_start3A_401 : memref<32x128xf32, #tpu.memory_space<hbm>>) target(%dma_start3A_399 : memref<32x128xf32, #tpu.memory_space<vmem>>) target_semaphore(%arg15 : memref<!tpu.dma_semaphore, #tpu.memory_space<semaphore_mem>>)
      %slice3A_402 = vector.extract_strided_slice %shift_left3A_305 {offsets = [6], sizes = [1], strides = [1]} : vector<16xi32> to vector<1xi32>
      %squeeze3A_403 = vector.extract %slice3A_402[0] : i32 from vector<1xi32>
      %multiple_of3A_404 = tpu.assume_multiple %squeeze3A_403, 128 : i32
      %dma_start3A_405 = arith.constant 6 : i32
      %dma_start3A_406 = arith.constant 0 : i32
      %dma_start3A_407 = arith.constant 0 : i32
      %dma_start3A_408 = tpu.memref_slice %arg10[%dma_start3A_405, %dma_start3A_406, %dma_start3A_407] : memref<8x32x128xf32, #tpu.memory_space<vmem>> -> memref<1x32x128xf32, #tpu.memory_space<vmem>>
      %dma_start3A_409 = tpu.memref_squeeze %dma_start3A_408 : memref<1x32x128xf32, #tpu.memory_space<vmem>> -> memref<32x128xf32, #tpu.memory_space<vmem>>
      %dma_start3A_410 = arith.constant 0 : i32
      %dma_start3A_411 = tpu.memref_slice %arg5[%dma_start3A_410, %multiple_of3A_404] : memref<32x1000000xf32, #tpu.memory_space<hbm>> -> memref<32x128xf32, #tpu.memory_space<hbm>>
      %dma_start3A_412 = arith.constant 0 : i32
      %dma_start3A_413 = arith.constant 0 : i32
      %dma_start3A_414 = tpu.memref_slice %arg10[%dma_start3A_405, %dma_start3A_412, %dma_start3A_413] : memref<8x32x128xf32, #tpu.memory_space<vmem>> -> memref<1x32x128xf32, #tpu.memory_space<vmem>>
      %dma_start3A_415 = tpu.memref_squeeze %dma_start3A_414 : memref<1x32x128xf32, #tpu.memory_space<vmem>> -> memref<32x128xf32, #tpu.memory_space<vmem>>
      %dma_start3A_416 = arith.constant 0 : i32
      %dma_start3A_417 = tpu.memref_slice %arg5[%dma_start3A_416, %multiple_of3A_404] : memref<32x1000000xf32, #tpu.memory_space<hbm>> -> memref<32x128xf32, #tpu.memory_space<hbm>>
      tpu.enqueue_dma source(%dma_start3A_417 : memref<32x128xf32, #tpu.memory_space<hbm>>) target(%dma_start3A_415 : memref<32x128xf32, #tpu.memory_space<vmem>>) target_semaphore(%arg15 : memref<!tpu.dma_semaphore, #tpu.memory_space<semaphore_mem>>)
      %slice3A_418 = vector.extract_strided_slice %shift_left3A_305 {offsets = [7], sizes = [1], strides = [1]} : vector<16xi32> to vector<1xi32>
      %squeeze3A_419 = vector.extract %slice3A_418[0] : i32 from vector<1xi32>
      %multiple_of3A_420 = tpu.assume_multiple %squeeze3A_419, 128 : i32
      %dma_start3A_421 = arith.constant 7 : i32
      %dma_start3A_422 = arith.constant 0 : i32
      %dma_start3A_423 = arith.constant 0 : i32
      %dma_start3A_424 = tpu.memref_slice %arg10[%dma_start3A_421, %dma_start3A_422, %dma_start3A_423] : memref<8x32x128xf32, #tpu.memory_space<vmem>> -> memref<1x32x128xf32, #tpu.memory_space<vmem>>
      %dma_start3A_425 = tpu.memref_squeeze %dma_start3A_424 : memref<1x32x128xf32, #tpu.memory_space<vmem>> -> memref<32x128xf32, #tpu.memory_space<vmem>>
      %dma_start3A_426 = arith.constant 0 : i32
      %dma_start3A_427 = tpu.memref_slice %arg5[%dma_start3A_426, %multiple_of3A_420] : memref<32x1000000xf32, #tpu.memory_space<hbm>> -> memref<32x128xf32, #tpu.memory_space<hbm>>
      %dma_start3A_428 = arith.constant 0 : i32
      %dma_start3A_429 = arith.constant 0 : i32
      %dma_start3A_430 = tpu.memref_slice %arg10[%dma_start3A_421, %dma_start3A_428, %dma_start3A_429] : memref<8x32x128xf32, #tpu.memory_space<vmem>> -> memref<1x32x128xf32, #tpu.memory_space<vmem>>
      %dma_start3A_431 = tpu.memref_squeeze %dma_start3A_430 : memref<1x32x128xf32, #tpu.memory_space<vmem>> -> memref<32x128xf32, #tpu.memory_space<vmem>>
      %dma_start3A_432 = arith.constant 0 : i32
      %dma_start3A_433 = tpu.memref_slice %arg5[%dma_start3A_432, %multiple_of3A_420] : memref<32x1000000xf32, #tpu.memory_space<hbm>> -> memref<32x128xf32, #tpu.memory_space<hbm>>
      tpu.enqueue_dma source(%dma_start3A_433 : memref<32x128xf32, #tpu.memory_space<hbm>>) target(%dma_start3A_431 : memref<32x128xf32, #tpu.memory_space<vmem>>) target_semaphore(%arg15 : memref<!tpu.dma_semaphore, #tpu.memory_space<semaphore_mem>>)
      %dma_wait3A = arith.constant 0 : i32
      %dma_wait3A_434 = arith.constant 0 : i32
      %dma_wait3A_435 = arith.constant 0 : i32
      %dma_wait3A_436 = tpu.memref_slice %arg9[%dma_wait3A, %dma_wait3A_434, %dma_wait3A_435] : memref<8x32x128xf32, #tpu.memory_space<vmem>> -> memref<1x32x128xf32, #tpu.memory_space<vmem>>
      %dma_wait3A_437 = tpu.memref_squeeze %dma_wait3A_436 : memref<1x32x128xf32, #tpu.memory_space<vmem>> -> memref<32x128xf32, #tpu.memory_space<vmem>>
      %dma_wait3A_438 = arith.constant 0 : i32
      %dma_wait3A_439 = arith.constant 0 : i32
      %dma_wait3A_440 = tpu.memref_slice %arg5[%dma_wait3A_438, %dma_wait3A_439] : memref<32x1000000xf32, #tpu.memory_space<hbm>> -> memref<32x128xf32, #tpu.memory_space<hbm>>
      %dma_wait3A_441 = arith.constant 0 : i32
      %dma_wait3A_442 = arith.constant 0 : i32
      %dma_wait3A_443 = tpu.memref_slice %arg9[%dma_wait3A, %dma_wait3A_441, %dma_wait3A_442] : memref<8x32x128xf32, #tpu.memory_space<vmem>> -> memref<1x32x128xf32, #tpu.memory_space<vmem>>
      %dma_wait3A_444 = tpu.memref_squeeze %dma_wait3A_443 : memref<1x32x128xf32, #tpu.memory_space<vmem>> -> memref<32x128xf32, #tpu.memory_space<vmem>>
      %dma_wait3A_445 = arith.constant 0 : i32
      %dma_wait3A_446 = arith.constant 0 : i32
      %dma_wait3A_447 = tpu.memref_slice %arg5[%dma_wait3A_445, %dma_wait3A_446] : memref<32x1000000xf32, #tpu.memory_space<hbm>> -> memref<32x128xf32, #tpu.memory_space<hbm>>
      tpu.wait_dma2 semaphore(%arg14 : memref<!tpu.dma_semaphore, #tpu.memory_space<semaphore_mem>>) src(%dma_wait3A_447 : memref<32x128xf32, #tpu.memory_space<hbm>>) dst(%dma_wait3A_444 : memref<32x128xf32, #tpu.memory_space<vmem>>)
      %dma_wait3A_448 = arith.constant 1 : i32
      %dma_wait3A_449 = arith.constant 0 : i32
      %dma_wait3A_450 = arith.constant 0 : i32
      %dma_wait3A_451 = tpu.memref_slice %arg9[%dma_wait3A_448, %dma_wait3A_449, %dma_wait3A_450] : memref<8x32x128xf32, #tpu.memory_space<vmem>> -> memref<1x32x128xf32, #tpu.memory_space<vmem>>
      %dma_wait3A_452 = tpu.memref_squeeze %dma_wait3A_451 : memref<1x32x128xf32, #tpu.memory_space<vmem>> -> memref<32x128xf32, #tpu.memory_space<vmem>>
      %dma_wait3A_453 = arith.constant 0 : i32
      %dma_wait3A_454 = arith.constant 0 : i32
      %dma_wait3A_455 = tpu.memref_slice %arg5[%dma_wait3A_453, %dma_wait3A_454] : memref<32x1000000xf32, #tpu.memory_space<hbm>> -> memref<32x128xf32, #tpu.memory_space<hbm>>
      %dma_wait3A_456 = arith.constant 0 : i32
      %dma_wait3A_457 = arith.constant 0 : i32
      %dma_wait3A_458 = tpu.memref_slice %arg9[%dma_wait3A_448, %dma_wait3A_456, %dma_wait3A_457] : memref<8x32x128xf32, #tpu.memory_space<vmem>> -> memref<1x32x128xf32, #tpu.memory_space<vmem>>
      %dma_wait3A_459 = tpu.memref_squeeze %dma_wait3A_458 : memref<1x32x128xf32, #tpu.memory_space<vmem>> -> memref<32x128xf32, #tpu.memory_space<vmem>>
      %dma_wait3A_460 = arith.constant 0 : i32
      %dma_wait3A_461 = arith.constant 0 : i32
      %dma_wait3A_462 = tpu.memref_slice %arg5[%dma_wait3A_460, %dma_wait3A_461] : memref<32x1000000xf32, #tpu.memory_space<hbm>> -> memref<32x128xf32, #tpu.memory_space<hbm>>
      tpu.wait_dma2 semaphore(%arg14 : memref<!tpu.dma_semaphore, #tpu.memory_space<semaphore_mem>>) src(%dma_wait3A_462 : memref<32x128xf32, #tpu.memory_space<hbm>>) dst(%dma_wait3A_459 : memref<32x128xf32, #tpu.memory_space<vmem>>)
      %dma_wait3A_463 = arith.constant 2 : i32
      %dma_wait3A_464 = arith.constant 0 : i32
      %dma_wait3A_465 = arith.constant 0 : i32
      %dma_wait3A_466 = tpu.memref_slice %arg9[%dma_wait3A_463, %dma_wait3A_464, %dma_wait3A_465] : memref<8x32x128xf32, #tpu.memory_space<vmem>> -> memref<1x32x128xf32, #tpu.memory_space<vmem>>
      %dma_wait3A_467 = tpu.memref_squeeze %dma_wait3A_466 : memref<1x32x128xf32, #tpu.memory_space<vmem>> -> memref<32x128xf32, #tpu.memory_space<vmem>>
      %dma_wait3A_468 = arith.constant 0 : i32
      %dma_wait3A_469 = arith.constant 0 : i32
      %dma_wait3A_470 = tpu.memref_slice %arg5[%dma_wait3A_468, %dma_wait3A_469] : memref<32x1000000xf32, #tpu.memory_space<hbm>> -> memref<32x128xf32, #tpu.memory_space<hbm>>
      %dma_wait3A_471 = arith.constant 0 : i32
      %dma_wait3A_472 = arith.constant 0 : i32
      %dma_wait3A_473 = tpu.memref_slice %arg9[%dma_wait3A_463, %dma_wait3A_471, %dma_wait3A_472] : memref<8x32x128xf32, #tpu.memory_space<vmem>> -> memref<1x32x128xf32, #tpu.memory_space<vmem>>
      %dma_wait3A_474 = tpu.memref_squeeze %dma_wait3A_473 : memref<1x32x128xf32, #tpu.memory_space<vmem>> -> memref<32x128xf32, #tpu.memory_space<vmem>>
      %dma_wait3A_475 = arith.constant 0 : i32
      %dma_wait3A_476 = arith.constant 0 : i32
      %dma_wait3A_477 = tpu.memref_slice %arg5[%dma_wait3A_475, %dma_wait3A_476] : memref<32x1000000xf32, #tpu.memory_space<hbm>> -> memref<32x128xf32, #tpu.memory_space<hbm>>
      tpu.wait_dma2 semaphore(%arg14 : memref<!tpu.dma_semaphore, #tpu.memory_space<semaphore_mem>>) src(%dma_wait3A_477 : memref<32x128xf32, #tpu.memory_space<hbm>>) dst(%dma_wait3A_474 : memref<32x128xf32, #tpu.memory_space<vmem>>)
      %dma_wait3A_478 = arith.constant 3 : i32
      %dma_wait3A_479 = arith.constant 0 : i32
      %dma_wait3A_480 = arith.constant 0 : i32
      %dma_wait3A_481 = tpu.memref_slice %arg9[%dma_wait3A_478, %dma_wait3A_479, %dma_wait3A_480] : memref<8x32x128xf32, #tpu.memory_space<vmem>> -> memref<1x32x128xf32, #tpu.memory_space<vmem>>
      %dma_wait3A_482 = tpu.memref_squeeze %dma_wait3A_481 : memref<1x32x128xf32, #tpu.memory_space<vmem>> -> memref<32x128xf32, #tpu.memory_space<vmem>>
      %dma_wait3A_483 = arith.constant 0 : i32
      %dma_wait3A_484 = arith.constant 0 : i32
      %dma_wait3A_485 = tpu.memref_slice %arg5[%dma_wait3A_483, %dma_wait3A_484] : memref<32x1000000xf32, #tpu.memory_space<hbm>> -> memref<32x128xf32, #tpu.memory_space<hbm>>
      %dma_wait3A_486 = arith.constant 0 : i32
      %dma_wait3A_487 = arith.constant 0 : i32
      %dma_wait3A_488 = tpu.memref_slice %arg9[%dma_wait3A_478, %dma_wait3A_486, %dma_wait3A_487] : memref<8x32x128xf32, #tpu.memory_space<vmem>> -> memref<1x32x128xf32, #tpu.memory_space<vmem>>
      %dma_wait3A_489 = tpu.memref_squeeze %dma_wait3A_488 : memref<1x32x128xf32, #tpu.memory_space<vmem>> -> memref<32x128xf32, #tpu.memory_space<vmem>>
      %dma_wait3A_490 = arith.constant 0 : i32
      %dma_wait3A_491 = arith.constant 0 : i32
      %dma_wait3A_492 = tpu.memref_slice %arg5[%dma_wait3A_490, %dma_wait3A_491] : memref<32x1000000xf32, #tpu.memory_space<hbm>> -> memref<32x128xf32, #tpu.memory_space<hbm>>
      tpu.wait_dma2 semaphore(%arg14 : memref<!tpu.dma_semaphore, #tpu.memory_space<semaphore_mem>>) src(%dma_wait3A_492 : memref<32x128xf32, #tpu.memory_space<hbm>>) dst(%dma_wait3A_489 : memref<32x128xf32, #tpu.memory_space<vmem>>)
      %dma_wait3A_493 = arith.constant 4 : i32
      %dma_wait3A_494 = arith.constant 0 : i32
      %dma_wait3A_495 = arith.constant 0 : i32
      %dma_wait3A_496 = tpu.memref_slice %arg9[%dma_wait3A_493, %dma_wait3A_494, %dma_wait3A_495] : memref<8x32x128xf32, #tpu.memory_space<vmem>> -> memref<1x32x128xf32, #tpu.memory_space<vmem>>
      %dma_wait3A_497 = tpu.memref_squeeze %dma_wait3A_496 : memref<1x32x128xf32, #tpu.memory_space<vmem>> -> memref<32x128xf32, #tpu.memory_space<vmem>>
      %dma_wait3A_498 = arith.constant 0 : i32
      %dma_wait3A_499 = arith.constant 0 : i32
      %dma_wait3A_500 = tpu.memref_slice %arg5[%dma_wait3A_498, %dma_wait3A_499] : memref<32x1000000xf32, #tpu.memory_space<hbm>> -> memref<32x128xf32, #tpu.memory_space<hbm>>
      %dma_wait3A_501 = arith.constant 0 : i32
      %dma_wait3A_502 = arith.constant 0 : i32
      %dma_wait3A_503 = tpu.memref_slice %arg9[%dma_wait3A_493, %dma_wait3A_501, %dma_wait3A_502] : memref<8x32x128xf32, #tpu.memory_space<vmem>> -> memref<1x32x128xf32, #tpu.memory_space<vmem>>
      %dma_wait3A_504 = tpu.memref_squeeze %dma_wait3A_503 : memref<1x32x128xf32, #tpu.memory_space<vmem>> -> memref<32x128xf32, #tpu.memory_space<vmem>>
      %dma_wait3A_505 = arith.constant 0 : i32
      %dma_wait3A_506 = arith.constant 0 : i32
      %dma_wait3A_507 = tpu.memref_slice %arg5[%dma_wait3A_505, %dma_wait3A_506] : memref<32x1000000xf32, #tpu.memory_space<hbm>> -> memref<32x128xf32, #tpu.memory_space<hbm>>
      tpu.wait_dma2 semaphore(%arg14 : memref<!tpu.dma_semaphore, #tpu.memory_space<semaphore_mem>>) src(%dma_wait3A_507 : memref<32x128xf32, #tpu.memory_space<hbm>>) dst(%dma_wait3A_504 : memref<32x128xf32, #tpu.memory_space<vmem>>)
      %dma_wait3A_508 = arith.constant 5 : i32
      %dma_wait3A_509 = arith.constant 0 : i32
      %dma_wait3A_510 = arith.constant 0 : i32
      %dma_wait3A_511 = tpu.memref_slice %arg9[%dma_wait3A_508, %dma_wait3A_509, %dma_wait3A_510] : memref<8x32x128xf32, #tpu.memory_space<vmem>> -> memref<1x32x128xf32, #tpu.memory_space<vmem>>
      %dma_wait3A_512 = tpu.memref_squeeze %dma_wait3A_511 : memref<1x32x128xf32, #tpu.memory_space<vmem>> -> memref<32x128xf32, #tpu.memory_space<vmem>>
      %dma_wait3A_513 = arith.constant 0 : i32
      %dma_wait3A_514 = arith.constant 0 : i32
      %dma_wait3A_515 = tpu.memref_slice %arg5[%dma_wait3A_513, %dma_wait3A_514] : memref<32x1000000xf32, #tpu.memory_space<hbm>> -> memref<32x128xf32, #tpu.memory_space<hbm>>
      %dma_wait3A_516 = arith.constant 0 : i32
      %dma_wait3A_517 = arith.constant 0 : i32
      %dma_wait3A_518 = tpu.memref_slice %arg9[%dma_wait3A_508, %dma_wait3A_516, %dma_wait3A_517] : memref<8x32x128xf32, #tpu.memory_space<vmem>> -> memref<1x32x128xf32, #tpu.memory_space<vmem>>
      %dma_wait3A_519 = tpu.memref_squeeze %dma_wait3A_518 : memref<1x32x128xf32, #tpu.memory_space<vmem>> -> memref<32x128xf32, #tpu.memory_space<vmem>>
      %dma_wait3A_520 = arith.constant 0 : i32
      %dma_wait3A_521 = arith.constant 0 : i32
      %dma_wait3A_522 = tpu.memref_slice %arg5[%dma_wait3A_520, %dma_wait3A_521] : memref<32x1000000xf32, #tpu.memory_space<hbm>> -> memref<32x128xf32, #tpu.memory_space<hbm>>
      tpu.wait_dma2 semaphore(%arg14 : memref<!tpu.dma_semaphore, #tpu.memory_space<semaphore_mem>>) src(%dma_wait3A_522 : memref<32x128xf32, #tpu.memory_space<hbm>>) dst(%dma_wait3A_519 : memref<32x128xf32, #tpu.memory_space<vmem>>)
      %dma_wait3A_523 = arith.constant 6 : i32
      %dma_wait3A_524 = arith.constant 0 : i32
      %dma_wait3A_525 = arith.constant 0 : i32
      %dma_wait3A_526 = tpu.memref_slice %arg9[%dma_wait3A_523, %dma_wait3A_524, %dma_wait3A_525] : memref<8x32x128xf32, #tpu.memory_space<vmem>> -> memref<1x32x128xf32, #tpu.memory_space<vmem>>
      %dma_wait3A_527 = tpu.memref_squeeze %dma_wait3A_526 : memref<1x32x128xf32, #tpu.memory_space<vmem>> -> memref<32x128xf32, #tpu.memory_space<vmem>>
      %dma_wait3A_528 = arith.constant 0 : i32
      %dma_wait3A_529 = arith.constant 0 : i32
      %dma_wait3A_530 = tpu.memref_slice %arg5[%dma_wait3A_528, %dma_wait3A_529] : memref<32x1000000xf32, #tpu.memory_space<hbm>> -> memref<32x128xf32, #tpu.memory_space<hbm>>
      %dma_wait3A_531 = arith.constant 0 : i32
      %dma_wait3A_532 = arith.constant 0 : i32
      %dma_wait3A_533 = tpu.memref_slice %arg9[%dma_wait3A_523, %dma_wait3A_531, %dma_wait3A_532] : memref<8x32x128xf32, #tpu.memory_space<vmem>> -> memref<1x32x128xf32, #tpu.memory_space<vmem>>
      %dma_wait3A_534 = tpu.memref_squeeze %dma_wait3A_533 : memref<1x32x128xf32, #tpu.memory_space<vmem>> -> memref<32x128xf32, #tpu.memory_space<vmem>>
      %dma_wait3A_535 = arith.constant 0 : i32
      %dma_wait3A_536 = arith.constant 0 : i32
      %dma_wait3A_537 = tpu.memref_slice %arg5[%dma_wait3A_535, %dma_wait3A_536] : memref<32x1000000xf32, #tpu.memory_space<hbm>> -> memref<32x128xf32, #tpu.memory_space<hbm>>
      tpu.wait_dma2 semaphore(%arg14 : memref<!tpu.dma_semaphore, #tpu.memory_space<semaphore_mem>>) src(%dma_wait3A_537 : memref<32x128xf32, #tpu.memory_space<hbm>>) dst(%dma_wait3A_534 : memref<32x128xf32, #tpu.memory_space<vmem>>)
      %dma_wait3A_538 = arith.constant 7 : i32
      %dma_wait3A_539 = arith.constant 0 : i32
      %dma_wait3A_540 = arith.constant 0 : i32
      %dma_wait3A_541 = tpu.memref_slice %arg9[%dma_wait3A_538, %dma_wait3A_539, %dma_wait3A_540] : memref<8x32x128xf32, #tpu.memory_space<vmem>> -> memref<1x32x128xf32, #tpu.memory_space<vmem>>
      %dma_wait3A_542 = tpu.memref_squeeze %dma_wait3A_541 : memref<1x32x128xf32, #tpu.memory_space<vmem>> -> memref<32x128xf32, #tpu.memory_space<vmem>>
      %dma_wait3A_543 = arith.constant 0 : i32
      %dma_wait3A_544 = arith.constant 0 : i32
      %dma_wait3A_545 = tpu.memref_slice %arg5[%dma_wait3A_543, %dma_wait3A_544] : memref<32x1000000xf32, #tpu.memory_space<hbm>> -> memref<32x128xf32, #tpu.memory_space<hbm>>
      %dma_wait3A_546 = arith.constant 0 : i32
      %dma_wait3A_547 = arith.constant 0 : i32
      %dma_wait3A_548 = tpu.memref_slice %arg9[%dma_wait3A_538, %dma_wait3A_546, %dma_wait3A_547] : memref<8x32x128xf32, #tpu.memory_space<vmem>> -> memref<1x32x128xf32, #tpu.memory_space<vmem>>
      %dma_wait3A_549 = tpu.memref_squeeze %dma_wait3A_548 : memref<1x32x128xf32, #tpu.memory_space<vmem>> -> memref<32x128xf32, #tpu.memory_space<vmem>>
      %dma_wait3A_550 = arith.constant 0 : i32
      %dma_wait3A_551 = arith.constant 0 : i32
      %dma_wait3A_552 = tpu.memref_slice %arg5[%dma_wait3A_550, %dma_wait3A_551] : memref<32x1000000xf32, #tpu.memory_space<hbm>> -> memref<32x128xf32, #tpu.memory_space<hbm>>
      tpu.wait_dma2 semaphore(%arg14 : memref<!tpu.dma_semaphore, #tpu.memory_space<semaphore_mem>>) src(%dma_wait3A_552 : memref<32x128xf32, #tpu.memory_space<hbm>>) dst(%dma_wait3A_549 : memref<32x128xf32, #tpu.memory_space<vmem>>)
      %mul3A_553 = arith.constant 8 : i32
      %mul3A_554 = arith.muli %mul3A_291, %mul3A_553 : i32
      %get3A_555 = arith.index_cast %mul3A_554 : i32 to index
      %get3A_556 = tpu.vector_load %arg8[%get3A_555] {strides = array<i32>} : memref<528xi32, #tpu.memory_space<vmem>>, vector<16xi32>,
      %and3A = arith.constant 7 : i32
      %and3A_557 = vector.broadcast %and3A : i32 to vector<16xi32>
      %and3A_558 = arith.andi %iota3A, %and3A_557 : vector<16xi32>
      %lt3A = arith.constant 0 : i32
      %lt3A_559 = vector.broadcast %lt3A : i32 to vector<16xi32>
      %lt3A_560 = arith.cmpi slt, %and3A_558, %lt3A_559 : vector<16xi32>
      %add3A_561 = arith.constant 16 : i32
      %add3A_562 = vector.broadcast %add3A_561 : i32 to vector<16xi32>
      %add3A_563 = arith.addi %and3A_558, %add3A_562 : vector<16xi32>
      %select_n3A = arith.select %lt3A_560, %add3A_563, %and3A_558 : vector<16xi1>, vector<16xi32>
      %broadcast_in_dim3A = vector.shape_cast %select_n3A : vector<16xi32> to vector<16x1xi32>
      %gather3A = vector.shape_cast %broadcast_in_dim3A : vector<16x1xi32> to vector<16xi32>
      %gather3A_564 = tpu.dynamic_gather %get3A_556[%gather3A] in [0] : vector<16xi32>, vector<16xi32> -> vector<16xi32>
      %and3A_565 = arith.constant 127 : i32
      %and3A_566 = vector.broadcast %and3A_565 : i32 to vector<16xi32>
      %and3A_567 = arith.andi %gather3A_564, %and3A_566 : vector<16xi32>
      %and3A_568 = arith.constant 7 : i32
      %and3A_569 = vector.broadcast %and3A_568 : i32 to vector<16xi32>
      %and3A_570 = arith.andi %iota3A, %and3A_569 : vector<16xi32>
      %shift_right_arithmetic3A_571 = arith.constant 3 : i32
      %shift_right_arithmetic3A_572 = vector.broadcast %shift_right_arithmetic3A_571 : i32 to vector<16xi32>
      %shift_right_arithmetic3A_573 = arith.shrsi %iota3A, %shift_right_arithmetic3A_572 : vector<16xi32>
      %add3A_574 = arith.constant 0 : i32
      %add3A_575 = vector.broadcast %add3A_574 : i32 to vector<16xi32>
      %add3A_576 = arith.addi %add3A_575, %shift_right_arithmetic3A_573 : vector<16xi32>
      %mul3A_577 = arith.constant 128 : i32
      %mul3A_578 = vector.broadcast %mul3A_577 : i32 to vector<16xi32>
      %mul3A_579 = arith.muli %add3A_576, %mul3A_578 : vector<16xi32>
      %add3A_580 = arith.addi %and3A_567, %mul3A_579 : vector<16xi32>
      %gather3A_581 = tpu.memref_reshape %arg9 : memref<8x32x128xf32, #tpu.memory_space<vmem>> -> memref<8x4096xf32, #tpu.memory_space<vmem>>
      %gather3A_582 = tpu.vector_load_idx %gather3A_581[%and3A_570, %add3A_580] : memref<8x4096xf32, #tpu.memory_space<vmem>>[vector<16xi32>, vector<16xi32>], vector<16xf32>,
      %mul3A_583 = arith.constant 512 : i32
      %mul3A_584 = vector.broadcast %mul3A_583 : i32 to vector<16xi32>
      %mul3A_585 = arith.muli %add3A_576, %mul3A_584 : vector<16xi32>
      %mul3A_586 = arith.constant 8 : i32
      %mul3A_587 = arith.muli %mul3A_291, %mul3A_586 : i32
      %add3A_588 = vector.broadcast %mul3A_587 : i32 to vector<16xi32>
      %add3A_589 = arith.addi %mul3A_585, %add3A_588 : vector<16xi32>
      %add3A_590 = arith.addi %add3A_589, %and3A_570 : vector<16xi32>
      tpu.vector_store_idx %arg12[%add3A_590], %gather3A_582 : memref<16384xf32, #tpu.memory_space<vmem>>[vector<16xi32>], vector<16xf32>,
      %add3A_591 = arith.constant 2 : i32
      %add3A_592 = vector.broadcast %add3A_591 : i32 to vector<16xi32>
      %add3A_593 = arith.addi %add3A_592, %shift_right_arithmetic3A_573 : vector<16xi32>
      %mul3A_594 = arith.constant 128 : i32
      %mul3A_595 = vector.broadcast %mul3A_594 : i32 to vector<16xi32>
      %mul3A_596 = arith.muli %add3A_593, %mul3A_595 : vector<16xi32>
      %add3A_597 = arith.addi %and3A_567, %mul3A_596 : vector<16xi32>
      %gather3A_598 = tpu.memref_reshape %arg9 : memref<8x32x128xf32, #tpu.memory_space<vmem>> -> memref<8x4096xf32, #tpu.memory_space<vmem>>
      %gather3A_599 = tpu.vector_load_idx %gather3A_598[%and3A_570, %add3A_597] : memref<8x4096xf32, #tpu.memory_space<vmem>>[vector<16xi32>, vector<16xi32>], vector<16xf32>,
      %mul3A_600 = arith.constant 512 : i32
      %mul3A_601 = vector.broadcast %mul3A_600 : i32 to vector<16xi32>
      %mul3A_602 = arith.muli %add3A_593, %mul3A_601 : vector<16xi32>
      %mul3A_603 = arith.constant 8 : i32
      %mul3A_604 = arith.muli %mul3A_291, %mul3A_603 : i32
      %add3A_605 = vector.broadcast %mul3A_604 : i32 to vector<16xi32>
      %add3A_606 = arith.addi %mul3A_602, %add3A_605 : vector<16xi32>
      %add3A_607 = arith.addi %add3A_606, %and3A_570 : vector<16xi32>
      tpu.vector_store_idx %arg12[%add3A_607], %gather3A_599 : memref<16384xf32, #tpu.memory_space<vmem>>[vector<16xi32>], vector<16xf32>,
      %add3A_608 = arith.constant 4 : i32
      %add3A_609 = vector.broadcast %add3A_608 : i32 to vector<16xi32>
      %add3A_610 = arith.addi %add3A_609, %shift_right_arithmetic3A_573 : vector<16xi32>
      %mul3A_611 = arith.constant 128 : i32
      %mul3A_612 = vector.broadcast %mul3A_611 : i32 to vector<16xi32>
      %mul3A_613 = arith.muli %add3A_610, %mul3A_612 : vector<16xi32>
      %add3A_614 = arith.addi %and3A_567, %mul3A_613 : vector<16xi32>
      %gather3A_615 = tpu.memref_reshape %arg9 : memref<8x32x128xf32, #tpu.memory_space<vmem>> -> memref<8x4096xf32, #tpu.memory_space<vmem>>
      %gather3A_616 = tpu.vector_load_idx %gather3A_615[%and3A_570, %add3A_614] : memref<8x4096xf32, #tpu.memory_space<vmem>>[vector<16xi32>, vector<16xi32>], vector<16xf32>,
      %mul3A_617 = arith.constant 512 : i32
      %mul3A_618 = vector.broadcast %mul3A_617 : i32 to vector<16xi32>
      %mul3A_619 = arith.muli %add3A_610, %mul3A_618 : vector<16xi32>
      %mul3A_620 = arith.constant 8 : i32
      %mul3A_621 = arith.muli %mul3A_291, %mul3A_620 : i32
      %add3A_622 = vector.broadcast %mul3A_621 : i32 to vector<16xi32>
      %add3A_623 = arith.addi %mul3A_619, %add3A_622 : vector<16xi32>
      %add3A_624 = arith.addi %add3A_623, %and3A_570 : vector<16xi32>
      tpu.vector_store_idx %arg12[%add3A_624], %gather3A_616 : memref<16384xf32, #tpu.memory_space<vmem>>[vector<16xi32>], vector<16xf32>,
      %add3A_625 = arith.constant 6 : i32
      %add3A_626 = vector.broadcast %add3A_625 : i32 to vector<16xi32>
      %add3A_627 = arith.addi %add3A_626, %shift_right_arithmetic3A_573 : vector<16xi32>
      %mul3A_628 = arith.constant 128 : i32
      %mul3A_629 = vector.broadcast %mul3A_628 : i32 to vector<16xi32>
      %mul3A_630 = arith.muli %add3A_627, %mul3A_629 : vector<16xi32>
      %add3A_631 = arith.addi %and3A_567, %mul3A_630 : vector<16xi32>
      %gather3A_632 = tpu.memref_reshape %arg9 : memref<8x32x128xf32, #tpu.memory_space<vmem>> -> memref<8x4096xf32, #tpu.memory_space<vmem>>
      %gather3A_633 = tpu.vector_load_idx %gather3A_632[%and3A_570, %add3A_631] : memref<8x4096xf32, #tpu.memory_space<vmem>>[vector<16xi32>, vector<16xi32>], vector<16xf32>,
      %mul3A_634 = arith.constant 512 : i32
      %mul3A_635 = vector.broadcast %mul3A_634 : i32 to vector<16xi32>
      %mul3A_636 = arith.muli %add3A_627, %mul3A_635 : vector<16xi32>
      %mul3A_637 = arith.constant 8 : i32
      %mul3A_638 = arith.muli %mul3A_291, %mul3A_637 : i32
      %add3A_639 = vector.broadcast %mul3A_638 : i32 to vector<16xi32>
      %add3A_640 = arith.addi %mul3A_636, %add3A_639 : vector<16xi32>
      %add3A_641 = arith.addi %add3A_640, %and3A_570 : vector<16xi32>
      tpu.vector_store_idx %arg12[%add3A_641], %gather3A_633 : memref<16384xf32, #tpu.memory_space<vmem>>[vector<16xi32>], vector<16xf32>,
      %add3A_642 = arith.constant 8 : i32
      %add3A_643 = vector.broadcast %add3A_642 : i32 to vector<16xi32>
      %add3A_644 = arith.addi %add3A_643, %shift_right_arithmetic3A_573 : vector<16xi32>
      %mul3A_645 = arith.constant 128 : i32
      %mul3A_646 = vector.broadcast %mul3A_645 : i32 to vector<16xi32>
      %mul3A_647 = arith.muli %add3A_644, %mul3A_646 : vector<16xi32>
      %add3A_648 = arith.addi %and3A_567, %mul3A_647 : vector<16xi32>
      %gather3A_649 = tpu.memref_reshape %arg9 : memref<8x32x128xf32, #tpu.memory_space<vmem>> -> memref<8x4096xf32, #tpu.memory_space<vmem>>
      %gather3A_650 = tpu.vector_load_idx %gather3A_649[%and3A_570, %add3A_648] : memref<8x4096xf32, #tpu.memory_space<vmem>>[vector<16xi32>, vector<16xi32>], vector<16xf32>,
      %mul3A_651 = arith.constant 512 : i32
      %mul3A_652 = vector.broadcast %mul3A_651 : i32 to vector<16xi32>
      %mul3A_653 = arith.muli %add3A_644, %mul3A_652 : vector<16xi32>
      %mul3A_654 = arith.constant 8 : i32
      %mul3A_655 = arith.muli %mul3A_291, %mul3A_654 : i32
      %add3A_656 = vector.broadcast %mul3A_655 : i32 to vector<16xi32>
      %add3A_657 = arith.addi %mul3A_653, %add3A_656 : vector<16xi32>
      %add3A_658 = arith.addi %add3A_657, %and3A_570 : vector<16xi32>
      tpu.vector_store_idx %arg12[%add3A_658], %gather3A_650 : memref<16384xf32, #tpu.memory_space<vmem>>[vector<16xi32>], vector<16xf32>,
      %add3A_659 = arith.constant 10 : i32
      %add3A_660 = vector.broadcast %add3A_659 : i32 to vector<16xi32>
      %add3A_661 = arith.addi %add3A_660, %shift_right_arithmetic3A_573 : vector<16xi32>
      %mul3A_662 = arith.constant 128 : i32
      %mul3A_663 = vector.broadcast %mul3A_662 : i32 to vector<16xi32>
      %mul3A_664 = arith.muli %add3A_661, %mul3A_663 : vector<16xi32>
      %add3A_665 = arith.addi %and3A_567, %mul3A_664 : vector<16xi32>
      %gather3A_666 = tpu.memref_reshape %arg9 : memref<8x32x128xf32, #tpu.memory_space<vmem>> -> memref<8x4096xf32, #tpu.memory_space<vmem>>
      %gather3A_667 = tpu.vector_load_idx %gather3A_666[%and3A_570, %add3A_665] : memref<8x4096xf32, #tpu.memory_space<vmem>>[vector<16xi32>, vector<16xi32>], vector<16xf32>,
      %mul3A_668 = arith.constant 512 : i32
      %mul3A_669 = vector.broadcast %mul3A_668 : i32 to vector<16xi32>
      %mul3A_670 = arith.muli %add3A_661, %mul3A_669 : vector<16xi32>
      %mul3A_671 = arith.constant 8 : i32
      %mul3A_672 = arith.muli %mul3A_291, %mul3A_671 : i32
      %add3A_673 = vector.broadcast %mul3A_672 : i32 to vector<16xi32>
      %add3A_674 = arith.addi %mul3A_670, %add3A_673 : vector<16xi32>
      %add3A_675 = arith.addi %add3A_674, %and3A_570 : vector<16xi32>
      tpu.vector_store_idx %arg12[%add3A_675], %gather3A_667 : memref<16384xf32, #tpu.memory_space<vmem>>[vector<16xi32>], vector<16xf32>,
      %add3A_676 = arith.constant 12 : i32
      %add3A_677 = vector.broadcast %add3A_676 : i32 to vector<16xi32>
      %add3A_678 = arith.addi %add3A_677, %shift_right_arithmetic3A_573 : vector<16xi32>
      %mul3A_679 = arith.constant 128 : i32
      %mul3A_680 = vector.broadcast %mul3A_679 : i32 to vector<16xi32>
      %mul3A_681 = arith.muli %add3A_678, %mul3A_680 : vector<16xi32>
      %add3A_682 = arith.addi %and3A_567, %mul3A_681 : vector<16xi32>
      %gather3A_683 = tpu.memref_reshape %arg9 : memref<8x32x128xf32, #tpu.memory_space<vmem>> -> memref<8x4096xf32, #tpu.memory_space<vmem>>
      %gather3A_684 = tpu.vector_load_idx %gather3A_683[%and3A_570, %add3A_682] : memref<8x4096xf32, #tpu.memory_space<vmem>>[vector<16xi32>, vector<16xi32>], vector<16xf32>,
      %mul3A_685 = arith.constant 512 : i32
      %mul3A_686 = vector.broadcast %mul3A_685 : i32 to vector<16xi32>
      %mul3A_687 = arith.muli %add3A_678, %mul3A_686 : vector<16xi32>
      %mul3A_688 = arith.constant 8 : i32
      %mul3A_689 = arith.muli %mul3A_291, %mul3A_688 : i32
      %add3A_690 = vector.broadcast %mul3A_689 : i32 to vector<16xi32>
      %add3A_691 = arith.addi %mul3A_687, %add3A_690 : vector<16xi32>
      %add3A_692 = arith.addi %add3A_691, %and3A_570 : vector<16xi32>
      tpu.vector_store_idx %arg12[%add3A_692], %gather3A_684 : memref<16384xf32, #tpu.memory_space<vmem>>[vector<16xi32>], vector<16xf32>,
      %add3A_693 = arith.constant 14 : i32
      %add3A_694 = vector.broadcast %add3A_693 : i32 to vector<16xi32>
      %add3A_695 = arith.addi %add3A_694, %shift_right_arithmetic3A_573 : vector<16xi32>
      %mul3A_696 = arith.constant 128 : i32
      %mul3A_697 = vector.broadcast %mul3A_696 : i32 to vector<16xi32>
      %mul3A_698 = arith.muli %add3A_695, %mul3A_697 : vector<16xi32>
      %add3A_699 = arith.addi %and3A_567, %mul3A_698 : vector<16xi32>
      %gather3A_700 = tpu.memref_reshape %arg9 : memref<8x32x128xf32, #tpu.memory_space<vmem>> -> memref<8x4096xf32, #tpu.memory_space<vmem>>
      %gather3A_701 = tpu.vector_load_idx %gather3A_700[%and3A_570, %add3A_699] : memref<8x4096xf32, #tpu.memory_space<vmem>>[vector<16xi32>, vector<16xi32>], vector<16xf32>,
      %mul3A_702 = arith.constant 512 : i32
      %mul3A_703 = vector.broadcast %mul3A_702 : i32 to vector<16xi32>
      %mul3A_704 = arith.muli %add3A_695, %mul3A_703 : vector<16xi32>
      %mul3A_705 = arith.constant 8 : i32
      %mul3A_706 = arith.muli %mul3A_291, %mul3A_705 : i32
      %add3A_707 = vector.broadcast %mul3A_706 : i32 to vector<16xi32>
      %add3A_708 = arith.addi %mul3A_704, %add3A_707 : vector<16xi32>
      %add3A_709 = arith.addi %add3A_708, %and3A_570 : vector<16xi32>
      tpu.vector_store_idx %arg12[%add3A_709], %gather3A_701 : memref<16384xf32, #tpu.memory_space<vmem>>[vector<16xi32>], vector<16xf32>,
      %add3A_710 = arith.constant 16 : i32
      %add3A_711 = vector.broadcast %add3A_710 : i32 to vector<16xi32>
      %add3A_712 = arith.addi %add3A_711, %shift_right_arithmetic3A_573 : vector<16xi32>
      %mul3A_713 = arith.constant 128 : i32
      %mul3A_714 = vector.broadcast %mul3A_713 : i32 to vector<16xi32>
      %mul3A_715 = arith.muli %add3A_712, %mul3A_714 : vector<16xi32>
      %add3A_716 = arith.addi %and3A_567, %mul3A_715 : vector<16xi32>
      %gather3A_717 = tpu.memref_reshape %arg9 : memref<8x32x128xf32, #tpu.memory_space<vmem>> -> memref<8x4096xf32, #tpu.memory_space<vmem>>
      %gather3A_718 = tpu.vector_load_idx %gather3A_717[%and3A_570, %add3A_716] : memref<8x4096xf32, #tpu.memory_space<vmem>>[vector<16xi32>, vector<16xi32>], vector<16xf32>,
      %mul3A_719 = arith.constant 512 : i32
      %mul3A_720 = vector.broadcast %mul3A_719 : i32 to vector<16xi32>
      %mul3A_721 = arith.muli %add3A_712, %mul3A_720 : vector<16xi32>
      %mul3A_722 = arith.constant 8 : i32
      %mul3A_723 = arith.muli %mul3A_291, %mul3A_722 : i32
      %add3A_724 = vector.broadcast %mul3A_723 : i32 to vector<16xi32>
      %add3A_725 = arith.addi %mul3A_721, %add3A_724 : vector<16xi32>
      %add3A_726 = arith.addi %add3A_725, %and3A_570 : vector<16xi32>
      tpu.vector_store_idx %arg12[%add3A_726], %gather3A_718 : memref<16384xf32, #tpu.memory_space<vmem>>[vector<16xi32>], vector<16xf32>,
      %add3A_727 = arith.constant 18 : i32
      %add3A_728 = vector.broadcast %add3A_727 : i32 to vector<16xi32>
      %add3A_729 = arith.addi %add3A_728, %shift_right_arithmetic3A_573 : vector<16xi32>
      %mul3A_730 = arith.constant 128 : i32
      %mul3A_731 = vector.broadcast %mul3A_730 : i32 to vector<16xi32>
      %mul3A_732 = arith.muli %add3A_729, %mul3A_731 : vector<16xi32>
      %add3A_733 = arith.addi %and3A_567, %mul3A_732 : vector<16xi32>
      %gather3A_734 = tpu.memref_reshape %arg9 : memref<8x32x128xf32, #tpu.memory_space<vmem>> -> memref<8x4096xf32, #tpu.memory_space<vmem>>
      %gather3A_735 = tpu.vector_load_idx %gather3A_734[%and3A_570, %add3A_733] : memref<8x4096xf32, #tpu.memory_space<vmem>>[vector<16xi32>, vector<16xi32>], vector<16xf32>,
      %mul3A_736 = arith.constant 512 : i32
      %mul3A_737 = vector.broadcast %mul3A_736 : i32 to vector<16xi32>
      %mul3A_738 = arith.muli %add3A_729, %mul3A_737 : vector<16xi32>
      %mul3A_739 = arith.constant 8 : i32
      %mul3A_740 = arith.muli %mul3A_291, %mul3A_739 : i32
      %add3A_741 = vector.broadcast %mul3A_740 : i32 to vector<16xi32>
      %add3A_742 = arith.addi %mul3A_738, %add3A_741 : vector<16xi32>
      %add3A_743 = arith.addi %add3A_742, %and3A_570 : vector<16xi32>
      tpu.vector_store_idx %arg12[%add3A_743], %gather3A_735 : memref<16384xf32, #tpu.memory_space<vmem>>[vector<16xi32>], vector<16xf32>,
      %add3A_744 = arith.constant 20 : i32
      %add3A_745 = vector.broadcast %add3A_744 : i32 to vector<16xi32>
      %add3A_746 = arith.addi %add3A_745, %shift_right_arithmetic3A_573 : vector<16xi32>
      %mul3A_747 = arith.constant 128 : i32
      %mul3A_748 = vector.broadcast %mul3A_747 : i32 to vector<16xi32>
      %mul3A_749 = arith.muli %add3A_746, %mul3A_748 : vector<16xi32>
      %add3A_750 = arith.addi %and3A_567, %mul3A_749 : vector<16xi32>
      %gather3A_751 = tpu.memref_reshape %arg9 : memref<8x32x128xf32, #tpu.memory_space<vmem>> -> memref<8x4096xf32, #tpu.memory_space<vmem>>
      %gather3A_752 = tpu.vector_load_idx %gather3A_751[%and3A_570, %add3A_750] : memref<8x4096xf32, #tpu.memory_space<vmem>>[vector<16xi32>, vector<16xi32>], vector<16xf32>,
      %mul3A_753 = arith.constant 512 : i32
      %mul3A_754 = vector.broadcast %mul3A_753 : i32 to vector<16xi32>
      %mul3A_755 = arith.muli %add3A_746, %mul3A_754 : vector<16xi32>
      %mul3A_756 = arith.constant 8 : i32
      %mul3A_757 = arith.muli %mul3A_291, %mul3A_756 : i32
      %add3A_758 = vector.broadcast %mul3A_757 : i32 to vector<16xi32>
      %add3A_759 = arith.addi %mul3A_755, %add3A_758 : vector<16xi32>
      %add3A_760 = arith.addi %add3A_759, %and3A_570 : vector<16xi32>
      tpu.vector_store_idx %arg12[%add3A_760], %gather3A_752 : memref<16384xf32, #tpu.memory_space<vmem>>[vector<16xi32>], vector<16xf32>,
      %add3A_761 = arith.constant 22 : i32
      %add3A_762 = vector.broadcast %add3A_761 : i32 to vector<16xi32>
      %add3A_763 = arith.addi %add3A_762, %shift_right_arithmetic3A_573 : vector<16xi32>
      %mul3A_764 = arith.constant 128 : i32
      %mul3A_765 = vector.broadcast %mul3A_764 : i32 to vector<16xi32>
      %mul3A_766 = arith.muli %add3A_763, %mul3A_765 : vector<16xi32>
      %add3A_767 = arith.addi %and3A_567, %mul3A_766 : vector<16xi32>
      %gather3A_768 = tpu.memref_reshape %arg9 : memref<8x32x128xf32, #tpu.memory_space<vmem>> -> memref<8x4096xf32, #tpu.memory_space<vmem>>
      %gather3A_769 = tpu.vector_load_idx %gather3A_768[%and3A_570, %add3A_767] : memref<8x4096xf32, #tpu.memory_space<vmem>>[vector<16xi32>, vector<16xi32>], vector<16xf32>,
      %mul3A_770 = arith.constant 512 : i32
      %mul3A_771 = vector.broadcast %mul3A_770 : i32 to vector<16xi32>
      %mul3A_772 = arith.muli %add3A_763, %mul3A_771 : vector<16xi32>
      %mul3A_773 = arith.constant 8 : i32
      %mul3A_774 = arith.muli %mul3A_291, %mul3A_773 : i32
      %add3A_775 = vector.broadcast %mul3A_774 : i32 to vector<16xi32>
      %add3A_776 = arith.addi %mul3A_772, %add3A_775 : vector<16xi32>
      %add3A_777 = arith.addi %add3A_776, %and3A_570 : vector<16xi32>
      tpu.vector_store_idx %arg12[%add3A_777], %gather3A_769 : memref<16384xf32, #tpu.memory_space<vmem>>[vector<16xi32>], vector<16xf32>,
      %add3A_778 = arith.constant 24 : i32
      %add3A_779 = vector.broadcast %add3A_778 : i32 to vector<16xi32>
      %add3A_780 = arith.addi %add3A_779, %shift_right_arithmetic3A_573 : vector<16xi32>
      %mul3A_781 = arith.constant 128 : i32
      %mul3A_782 = vector.broadcast %mul3A_781 : i32 to vector<16xi32>
      %mul3A_783 = arith.muli %add3A_780, %mul3A_782 : vector<16xi32>
      %add3A_784 = arith.addi %and3A_567, %mul3A_783 : vector<16xi32>
      %gather3A_785 = tpu.memref_reshape %arg9 : memref<8x32x128xf32, #tpu.memory_space<vmem>> -> memref<8x4096xf32, #tpu.memory_space<vmem>>
      %gather3A_786 = tpu.vector_load_idx %gather3A_785[%and3A_570, %add3A_784] : memref<8x4096xf32, #tpu.memory_space<vmem>>[vector<16xi32>, vector<16xi32>], vector<16xf32>,
      %mul3A_787 = arith.constant 512 : i32
      %mul3A_788 = vector.broadcast %mul3A_787 : i32 to vector<16xi32>
      %mul3A_789 = arith.muli %add3A_780, %mul3A_788 : vector<16xi32>
      %mul3A_790 = arith.constant 8 : i32
      %mul3A_791 = arith.muli %mul3A_291, %mul3A_790 : i32
      %add3A_792 = vector.broadcast %mul3A_791 : i32 to vector<16xi32>
      %add3A_793 = arith.addi %mul3A_789, %add3A_792 : vector<16xi32>
      %add3A_794 = arith.addi %add3A_793, %and3A_570 : vector<16xi32>
      tpu.vector_store_idx %arg12[%add3A_794], %gather3A_786 : memref<16384xf32, #tpu.memory_space<vmem>>[vector<16xi32>], vector<16xf32>,
      %add3A_795 = arith.constant 26 : i32
      %add3A_796 = vector.broadcast %add3A_795 : i32 to vector<16xi32>
      %add3A_797 = arith.addi %add3A_796, %shift_right_arithmetic3A_573 : vector<16xi32>
      %mul3A_798 = arith.constant 128 : i32
      %mul3A_799 = vector.broadcast %mul3A_798 : i32 to vector<16xi32>
      %mul3A_800 = arith.muli %add3A_797, %mul3A_799 : vector<16xi32>
      %add3A_801 = arith.addi %and3A_567, %mul3A_800 : vector<16xi32>
      %gather3A_802 = tpu.memref_reshape %arg9 : memref<8x32x128xf32, #tpu.memory_space<vmem>> -> memref<8x4096xf32, #tpu.memory_space<vmem>>
      %gather3A_803 = tpu.vector_load_idx %gather3A_802[%and3A_570, %add3A_801] : memref<8x4096xf32, #tpu.memory_space<vmem>>[vector<16xi32>, vector<16xi32>], vector<16xf32>,
      %mul3A_804 = arith.constant 512 : i32
      %mul3A_805 = vector.broadcast %mul3A_804 : i32 to vector<16xi32>
      %mul3A_806 = arith.muli %add3A_797, %mul3A_805 : vector<16xi32>
      %mul3A_807 = arith.constant 8 : i32
      %mul3A_808 = arith.muli %mul3A_291, %mul3A_807 : i32
      %add3A_809 = vector.broadcast %mul3A_808 : i32 to vector<16xi32>
      %add3A_810 = arith.addi %mul3A_806, %add3A_809 : vector<16xi32>
      %add3A_811 = arith.addi %add3A_810, %and3A_570 : vector<16xi32>
      tpu.vector_store_idx %arg12[%add3A_811], %gather3A_803 : memref<16384xf32, #tpu.memory_space<vmem>>[vector<16xi32>], vector<16xf32>,
      %add3A_812 = arith.constant 28 : i32
      %add3A_813 = vector.broadcast %add3A_812 : i32 to vector<16xi32>
      %add3A_814 = arith.addi %add3A_813, %shift_right_arithmetic3A_573 : vector<16xi32>
      %mul3A_815 = arith.constant 128 : i32
      %mul3A_816 = vector.broadcast %mul3A_815 : i32 to vector<16xi32>
      %mul3A_817 = arith.muli %add3A_814, %mul3A_816 : vector<16xi32>
      %add3A_818 = arith.addi %and3A_567, %mul3A_817 : vector<16xi32>
      %gather3A_819 = tpu.memref_reshape %arg9 : memref<8x32x128xf32, #tpu.memory_space<vmem>> -> memref<8x4096xf32, #tpu.memory_space<vmem>>
      %gather3A_820 = tpu.vector_load_idx %gather3A_819[%and3A_570, %add3A_818] : memref<8x4096xf32, #tpu.memory_space<vmem>>[vector<16xi32>, vector<16xi32>], vector<16xf32>,
      %mul3A_821 = arith.constant 512 : i32
      %mul3A_822 = vector.broadcast %mul3A_821 : i32 to vector<16xi32>
      %mul3A_823 = arith.muli %add3A_814, %mul3A_822 : vector<16xi32>
      %mul3A_824 = arith.constant 8 : i32
      %mul3A_825 = arith.muli %mul3A_291, %mul3A_824 : i32
      %add3A_826 = vector.broadcast %mul3A_825 : i32 to vector<16xi32>
      %add3A_827 = arith.addi %mul3A_823, %add3A_826 : vector<16xi32>
      %add3A_828 = arith.addi %add3A_827, %and3A_570 : vector<16xi32>
      tpu.vector_store_idx %arg12[%add3A_828], %gather3A_820 : memref<16384xf32, #tpu.memory_space<vmem>>[vector<16xi32>], vector<16xf32>,
      %add3A_829 = arith.constant 30 : i32
      %add3A_830 = vector.broadcast %add3A_829 : i32 to vector<16xi32>
      %add3A_831 = arith.addi %add3A_830, %shift_right_arithmetic3A_573 : vector<16xi32>
      %mul3A_832 = arith.constant 128 : i32
      %mul3A_833 = vector.broadcast %mul3A_832 : i32 to vector<16xi32>
      %mul3A_834 = arith.muli %add3A_831, %mul3A_833 : vector<16xi32>
      %add3A_835 = arith.addi %and3A_567, %mul3A_834 : vector<16xi32>
      %gather3A_836 = tpu.memref_reshape %arg9 : memref<8x32x128xf32, #tpu.memory_space<vmem>> -> memref<8x4096xf32, #tpu.memory_space<vmem>>
      %gather3A_837 = tpu.vector_load_idx %gather3A_836[%and3A_570, %add3A_835] : memref<8x4096xf32, #tpu.memory_space<vmem>>[vector<16xi32>, vector<16xi32>], vector<16xf32>,
      %mul3A_838 = arith.constant 512 : i32
      %mul3A_839 = vector.broadcast %mul3A_838 : i32 to vector<16xi32>
      %mul3A_840 = arith.muli %add3A_831, %mul3A_839 : vector<16xi32>
      %mul3A_841 = arith.constant 8 : i32
      %mul3A_842 = arith.muli %mul3A_291, %mul3A_841 : i32
      %add3A_843 = vector.broadcast %mul3A_842 : i32 to vector<16xi32>
      %add3A_844 = arith.addi %mul3A_840, %add3A_843 : vector<16xi32>
      %add3A_845 = arith.addi %add3A_844, %and3A_570 : vector<16xi32>
      tpu.vector_store_idx %arg12[%add3A_845], %gather3A_837 : memref<16384xf32, #tpu.memory_space<vmem>>[vector<16xi32>], vector<16xf32>,
      %add3A_846 = arith.constant 2 : i32
      %add3A_847 = arith.addi %mul3A_291, %add3A_846 : i32
      %lt3A_848 = arith.constant 64 : i32
      %lt3A_849 = arith.cmpi slt, %add3A_847, %lt3A_848 : i32
      %convert_element_type3A = arith.extui %lt3A_849 : i1 to i32
      %cond3A = arith.constant 0 : i32
      %cond3A_850 = arith.cmpi ne, %convert_element_type3A, %cond3A : i32
      scf.if %cond3A_850 {
        %add3A_1270 = arith.constant 2 : i32
        %add3A_1271 = arith.addi %mul3A_291, %add3A_1270 : i32
        %mul3A_1272 = arith.constant 8 : i32
        %mul3A_1273 = arith.muli %add3A_1271, %mul3A_1272 : i32
        %get3A_1274 = arith.index_cast %mul3A_1273 : i32 to index
        %get3A_1275 = tpu.vector_load %arg8[%get3A_1274] {strides = array<i32>} : memref<528xi32, #tpu.memory_space<vmem>>, vector<16xi32>,
        %shift_right_arithmetic3A_1276 = arith.constant 7 : i32
        %shift_right_arithmetic3A_1277 = vector.broadcast %shift_right_arithmetic3A_1276 : i32 to vector<16xi32>
        %shift_right_arithmetic3A_1278 = arith.shrsi %get3A_1275, %shift_right_arithmetic3A_1277 : vector<16xi32>
        %shift_left3A_1279 = arith.constant 7 : i32
        %shift_left3A_1280 = vector.broadcast %shift_left3A_1279 : i32 to vector<16xi32>
        %shift_left3A_1281 = arith.shli %shift_right_arithmetic3A_1278, %shift_left3A_1280 : vector<16xi32>
        %slice3A_1282 = vector.extract_strided_slice %shift_left3A_1281 {offsets = [0], sizes = [1], strides = [1]} : vector<16xi32> to vector<1xi32>
        %squeeze3A_1283 = vector.extract %slice3A_1282[0] : i32 from vector<1xi32>
        %multiple_of3A_1284 = tpu.assume_multiple %squeeze3A_1283, 128 : i32
        %dma_start3A_1285 = arith.constant 0 : i32
        %dma_start3A_1286 = arith.constant 0 : i32
        %dma_start3A_1287 = arith.constant 0 : i32
        %dma_start3A_1288 = tpu.memref_slice %arg9[%dma_start3A_1285, %dma_start3A_1286, %dma_start3A_1287] : memref<8x32x128xf32, #tpu.memory_space<vmem>> -> memref<1x32x128xf32, #tpu.memory_space<vmem>>
        %dma_start3A_1289 = tpu.memref_squeeze %dma_start3A_1288 : memref<1x32x128xf32, #tpu.memory_space<vmem>> -> memref<32x128xf32, #tpu.memory_space<vmem>>
        %dma_start3A_1290 = arith.constant 0 : i32
        %dma_start3A_1291 = tpu.memref_slice %arg5[%dma_start3A_1290, %multiple_of3A_1284] : memref<32x1000000xf32, #tpu.memory_space<hbm>> -> memref<32x128xf32, #tpu.memory_space<hbm>>
        %dma_start3A_1292 = arith.constant 0 : i32
        %dma_start3A_1293 = arith.constant 0 : i32
        %dma_start3A_1294 = tpu.memref_slice %arg9[%dma_start3A_1285, %dma_start3A_1292, %dma_start3A_1293] : memref<8x32x128xf32, #tpu.memory_space<vmem>> -> memref<1x32x128xf32, #tpu.memory_space<vmem>>
        %dma_start3A_1295 = tpu.memref_squeeze %dma_start3A_1294 : memref<1x32x128xf32, #tpu.memory_space<vmem>> -> memref<32x128xf32, #tpu.memory_space<vmem>>
        %dma_start3A_1296 = arith.constant 0 : i32
        %dma_start3A_1297 = tpu.memref_slice %arg5[%dma_start3A_1296, %multiple_of3A_1284] : memref<32x1000000xf32, #tpu.memory_space<hbm>> -> memref<32x128xf32, #tpu.memory_space<hbm>>
        tpu.enqueue_dma source(%dma_start3A_1297 : memref<32x128xf32, #tpu.memory_space<hbm>>) target(%dma_start3A_1295 : memref<32x128xf32, #tpu.memory_space<vmem>>) target_semaphore(%arg14 : memref<!tpu.dma_semaphore, #tpu.memory_space<semaphore_mem>>)
        %slice3A_1298 = vector.extract_strided_slice %shift_left3A_1281 {offsets = [1], sizes = [1], strides = [1]} : vector<16xi32> to vector<1xi32>
        %squeeze3A_1299 = vector.extract %slice3A_1298[0] : i32 from vector<1xi32>
        %multiple_of3A_1300 = tpu.assume_multiple %squeeze3A_1299, 128 : i32
        %dma_start3A_1301 = arith.constant 1 : i32
        %dma_start3A_1302 = arith.constant 0 : i32
        %dma_start3A_1303 = arith.constant 0 : i32
        %dma_start3A_1304 = tpu.memref_slice %arg9[%dma_start3A_1301, %dma_start3A_1302, %dma_start3A_1303] : memref<8x32x128xf32, #tpu.memory_space<vmem>> -> memref<1x32x128xf32, #tpu.memory_space<vmem>>
        %dma_start3A_1305 = tpu.memref_squeeze %dma_start3A_1304 : memref<1x32x128xf32, #tpu.memory_space<vmem>> -> memref<32x128xf32, #tpu.memory_space<vmem>>
        %dma_start3A_1306 = arith.constant 0 : i32
        %dma_start3A_1307 = tpu.memref_slice %arg5[%dma_start3A_1306, %multiple_of3A_1300] : memref<32x1000000xf32, #tpu.memory_space<hbm>> -> memref<32x128xf32, #tpu.memory_space<hbm>>
        %dma_start3A_1308 = arith.constant 0 : i32
        %dma_start3A_1309 = arith.constant 0 : i32
        %dma_start3A_1310 = tpu.memref_slice %arg9[%dma_start3A_1301, %dma_start3A_1308, %dma_start3A_1309] : memref<8x32x128xf32, #tpu.memory_space<vmem>> -> memref<1x32x128xf32, #tpu.memory_space<vmem>>
        %dma_start3A_1311 = tpu.memref_squeeze %dma_start3A_1310 : memref<1x32x128xf32, #tpu.memory_space<vmem>> -> memref<32x128xf32, #tpu.memory_space<vmem>>
        %dma_start3A_1312 = arith.constant 0 : i32
        %dma_start3A_1313 = tpu.memref_slice %arg5[%dma_start3A_1312, %multiple_of3A_1300] : memref<32x1000000xf32, #tpu.memory_space<hbm>> -> memref<32x128xf32, #tpu.memory_space<hbm>>
        tpu.enqueue_dma source(%dma_start3A_1313 : memref<32x128xf32, #tpu.memory_space<hbm>>) target(%dma_start3A_1311 : memref<32x128xf32, #tpu.memory_space<vmem>>) target_semaphore(%arg14 : memref<!tpu.dma_semaphore, #tpu.memory_space<semaphore_mem>>)
        %slice3A_1314 = vector.extract_strided_slice %shift_left3A_1281 {offsets = [2], sizes = [1], strides = [1]} : vector<16xi32> to vector<1xi32>
        %squeeze3A_1315 = vector.extract %slice3A_1314[0] : i32 from vector<1xi32>
        %multiple_of3A_1316 = tpu.assume_multiple %squeeze3A_1315, 128 : i32
        %dma_start3A_1317 = arith.constant 2 : i32
        %dma_start3A_1318 = arith.constant 0 : i32
        %dma_start3A_1319 = arith.constant 0 : i32
        %dma_start3A_1320 = tpu.memref_slice %arg9[%dma_start3A_1317, %dma_start3A_1318, %dma_start3A_1319] : memref<8x32x128xf32, #tpu.memory_space<vmem>> -> memref<1x32x128xf32, #tpu.memory_space<vmem>>
        %dma_start3A_1321 = tpu.memref_squeeze %dma_start3A_1320 : memref<1x32x128xf32, #tpu.memory_space<vmem>> -> memref<32x128xf32, #tpu.memory_space<vmem>>
        %dma_start3A_1322 = arith.constant 0 : i32
        %dma_start3A_1323 = tpu.memref_slice %arg5[%dma_start3A_1322, %multiple_of3A_1316] : memref<32x1000000xf32, #tpu.memory_space<hbm>> -> memref<32x128xf32, #tpu.memory_space<hbm>>
        %dma_start3A_1324 = arith.constant 0 : i32
        %dma_start3A_1325 = arith.constant 0 : i32
        %dma_start3A_1326 = tpu.memref_slice %arg9[%dma_start3A_1317, %dma_start3A_1324, %dma_start3A_1325] : memref<8x32x128xf32, #tpu.memory_space<vmem>> -> memref<1x32x128xf32, #tpu.memory_space<vmem>>
        %dma_start3A_1327 = tpu.memref_squeeze %dma_start3A_1326 : memref<1x32x128xf32, #tpu.memory_space<vmem>> -> memref<32x128xf32, #tpu.memory_space<vmem>>
        %dma_start3A_1328 = arith.constant 0 : i32
        %dma_start3A_1329 = tpu.memref_slice %arg5[%dma_start3A_1328, %multiple_of3A_1316] : memref<32x1000000xf32, #tpu.memory_space<hbm>> -> memref<32x128xf32, #tpu.memory_space<hbm>>
        tpu.enqueue_dma source(%dma_start3A_1329 : memref<32x128xf32, #tpu.memory_space<hbm>>) target(%dma_start3A_1327 : memref<32x128xf32, #tpu.memory_space<vmem>>) target_semaphore(%arg14 : memref<!tpu.dma_semaphore, #tpu.memory_space<semaphore_mem>>)
        %slice3A_1330 = vector.extract_strided_slice %shift_left3A_1281 {offsets = [3], sizes = [1], strides = [1]} : vector<16xi32> to vector<1xi32>
        %squeeze3A_1331 = vector.extract %slice3A_1330[0] : i32 from vector<1xi32>
        %multiple_of3A_1332 = tpu.assume_multiple %squeeze3A_1331, 128 : i32
        %dma_start3A_1333 = arith.constant 3 : i32
        %dma_start3A_1334 = arith.constant 0 : i32
        %dma_start3A_1335 = arith.constant 0 : i32
        %dma_start3A_1336 = tpu.memref_slice %arg9[%dma_start3A_1333, %dma_start3A_1334, %dma_start3A_1335] : memref<8x32x128xf32, #tpu.memory_space<vmem>> -> memref<1x32x128xf32, #tpu.memory_space<vmem>>
        %dma_start3A_1337 = tpu.memref_squeeze %dma_start3A_1336 : memref<1x32x128xf32, #tpu.memory_space<vmem>> -> memref<32x128xf32, #tpu.memory_space<vmem>>
        %dma_start3A_1338 = arith.constant 0 : i32
        %dma_start3A_1339 = tpu.memref_slice %arg5[%dma_start3A_1338, %multiple_of3A_1332] : memref<32x1000000xf32, #tpu.memory_space<hbm>> -> memref<32x128xf32, #tpu.memory_space<hbm>>
        %dma_start3A_1340 = arith.constant 0 : i32
        %dma_start3A_1341 = arith.constant 0 : i32
        %dma_start3A_1342 = tpu.memref_slice %arg9[%dma_start3A_1333, %dma_start3A_1340, %dma_start3A_1341] : memref<8x32x128xf32, #tpu.memory_space<vmem>> -> memref<1x32x128xf32, #tpu.memory_space<vmem>>
        %dma_start3A_1343 = tpu.memref_squeeze %dma_start3A_1342 : memref<1x32x128xf32, #tpu.memory_space<vmem>> -> memref<32x128xf32, #tpu.memory_space<vmem>>
        %dma_start3A_1344 = arith.constant 0 : i32
        %dma_start3A_1345 = tpu.memref_slice %arg5[%dma_start3A_1344, %multiple_of3A_1332] : memref<32x1000000xf32, #tpu.memory_space<hbm>> -> memref<32x128xf32, #tpu.memory_space<hbm>>
        tpu.enqueue_dma source(%dma_start3A_1345 : memref<32x128xf32, #tpu.memory_space<hbm>>) target(%dma_start3A_1343 : memref<32x128xf32, #tpu.memory_space<vmem>>) target_semaphore(%arg14 : memref<!tpu.dma_semaphore, #tpu.memory_space<semaphore_mem>>)
        %slice3A_1346 = vector.extract_strided_slice %shift_left3A_1281 {offsets = [4], sizes = [1], strides = [1]} : vector<16xi32> to vector<1xi32>
        %squeeze3A_1347 = vector.extract %slice3A_1346[0] : i32 from vector<1xi32>
        %multiple_of3A_1348 = tpu.assume_multiple %squeeze3A_1347, 128 : i32
        %dma_start3A_1349 = arith.constant 4 : i32
        %dma_start3A_1350 = arith.constant 0 : i32
        %dma_start3A_1351 = arith.constant 0 : i32
        %dma_start3A_1352 = tpu.memref_slice %arg9[%dma_start3A_1349, %dma_start3A_1350, %dma_start3A_1351] : memref<8x32x128xf32, #tpu.memory_space<vmem>> -> memref<1x32x128xf32, #tpu.memory_space<vmem>>
        %dma_start3A_1353 = tpu.memref_squeeze %dma_start3A_1352 : memref<1x32x128xf32, #tpu.memory_space<vmem>> -> memref<32x128xf32, #tpu.memory_space<vmem>>
        %dma_start3A_1354 = arith.constant 0 : i32
        %dma_start3A_1355 = tpu.memref_slice %arg5[%dma_start3A_1354, %multiple_of3A_1348] : memref<32x1000000xf32, #tpu.memory_space<hbm>> -> memref<32x128xf32, #tpu.memory_space<hbm>>
        %dma_start3A_1356 = arith.constant 0 : i32
        %dma_start3A_1357 = arith.constant 0 : i32
        %dma_start3A_1358 = tpu.memref_slice %arg9[%dma_start3A_1349, %dma_start3A_1356, %dma_start3A_1357] : memref<8x32x128xf32, #tpu.memory_space<vmem>> -> memref<1x32x128xf32, #tpu.memory_space<vmem>>
        %dma_start3A_1359 = tpu.memref_squeeze %dma_start3A_1358 : memref<1x32x128xf32, #tpu.memory_space<vmem>> -> memref<32x128xf32, #tpu.memory_space<vmem>>
        %dma_start3A_1360 = arith.constant 0 : i32
        %dma_start3A_1361 = tpu.memref_slice %arg5[%dma_start3A_1360, %multiple_of3A_1348] : memref<32x1000000xf32, #tpu.memory_space<hbm>> -> memref<32x128xf32, #tpu.memory_space<hbm>>
        tpu.enqueue_dma source(%dma_start3A_1361 : memref<32x128xf32, #tpu.memory_space<hbm>>) target(%dma_start3A_1359 : memref<32x128xf32, #tpu.memory_space<vmem>>) target_semaphore(%arg14 : memref<!tpu.dma_semaphore, #tpu.memory_space<semaphore_mem>>)
        %slice3A_1362 = vector.extract_strided_slice %shift_left3A_1281 {offsets = [5], sizes = [1], strides = [1]} : vector<16xi32> to vector<1xi32>
        %squeeze3A_1363 = vector.extract %slice3A_1362[0] : i32 from vector<1xi32>
        %multiple_of3A_1364 = tpu.assume_multiple %squeeze3A_1363, 128 : i32
        %dma_start3A_1365 = arith.constant 5 : i32
        %dma_start3A_1366 = arith.constant 0 : i32
        %dma_start3A_1367 = arith.constant 0 : i32
        %dma_start3A_1368 = tpu.memref_slice %arg9[%dma_start3A_1365, %dma_start3A_1366, %dma_start3A_1367] : memref<8x32x128xf32, #tpu.memory_space<vmem>> -> memref<1x32x128xf32, #tpu.memory_space<vmem>>
        %dma_start3A_1369 = tpu.memref_squeeze %dma_start3A_1368 : memref<1x32x128xf32, #tpu.memory_space<vmem>> -> memref<32x128xf32, #tpu.memory_space<vmem>>
        %dma_start3A_1370 = arith.constant 0 : i32
        %dma_start3A_1371 = tpu.memref_slice %arg5[%dma_start3A_1370, %multiple_of3A_1364] : memref<32x1000000xf32, #tpu.memory_space<hbm>> -> memref<32x128xf32, #tpu.memory_space<hbm>>
        %dma_start3A_1372 = arith.constant 0 : i32
        %dma_start3A_1373 = arith.constant 0 : i32
        %dma_start3A_1374 = tpu.memref_slice %arg9[%dma_start3A_1365, %dma_start3A_1372, %dma_start3A_1373] : memref<8x32x128xf32, #tpu.memory_space<vmem>> -> memref<1x32x128xf32, #tpu.memory_space<vmem>>
        %dma_start3A_1375 = tpu.memref_squeeze %dma_start3A_1374 : memref<1x32x128xf32, #tpu.memory_space<vmem>> -> memref<32x128xf32, #tpu.memory_space<vmem>>
        %dma_start3A_1376 = arith.constant 0 : i32
        %dma_start3A_1377 = tpu.memref_slice %arg5[%dma_start3A_1376, %multiple_of3A_1364] : memref<32x1000000xf32, #tpu.memory_space<hbm>> -> memref<32x128xf32, #tpu.memory_space<hbm>>
        tpu.enqueue_dma source(%dma_start3A_1377 : memref<32x128xf32, #tpu.memory_space<hbm>>) target(%dma_start3A_1375 : memref<32x128xf32, #tpu.memory_space<vmem>>) target_semaphore(%arg14 : memref<!tpu.dma_semaphore, #tpu.memory_space<semaphore_mem>>)
        %slice3A_1378 = vector.extract_strided_slice %shift_left3A_1281 {offsets = [6], sizes = [1], strides = [1]} : vector<16xi32> to vector<1xi32>
        %squeeze3A_1379 = vector.extract %slice3A_1378[0] : i32 from vector<1xi32>
        %multiple_of3A_1380 = tpu.assume_multiple %squeeze3A_1379, 128 : i32
        %dma_start3A_1381 = arith.constant 6 : i32
        %dma_start3A_1382 = arith.constant 0 : i32
        %dma_start3A_1383 = arith.constant 0 : i32
        %dma_start3A_1384 = tpu.memref_slice %arg9[%dma_start3A_1381, %dma_start3A_1382, %dma_start3A_1383] : memref<8x32x128xf32, #tpu.memory_space<vmem>> -> memref<1x32x128xf32, #tpu.memory_space<vmem>>
        %dma_start3A_1385 = tpu.memref_squeeze %dma_start3A_1384 : memref<1x32x128xf32, #tpu.memory_space<vmem>> -> memref<32x128xf32, #tpu.memory_space<vmem>>
        %dma_start3A_1386 = arith.constant 0 : i32
        %dma_start3A_1387 = tpu.memref_slice %arg5[%dma_start3A_1386, %multiple_of3A_1380] : memref<32x1000000xf32, #tpu.memory_space<hbm>> -> memref<32x128xf32, #tpu.memory_space<hbm>>
        %dma_start3A_1388 = arith.constant 0 : i32
        %dma_start3A_1389 = arith.constant 0 : i32
        %dma_start3A_1390 = tpu.memref_slice %arg9[%dma_start3A_1381, %dma_start3A_1388, %dma_start3A_1389] : memref<8x32x128xf32, #tpu.memory_space<vmem>> -> memref<1x32x128xf32, #tpu.memory_space<vmem>>
        %dma_start3A_1391 = tpu.memref_squeeze %dma_start3A_1390 : memref<1x32x128xf32, #tpu.memory_space<vmem>> -> memref<32x128xf32, #tpu.memory_space<vmem>>
        %dma_start3A_1392 = arith.constant 0 : i32
        %dma_start3A_1393 = tpu.memref_slice %arg5[%dma_start3A_1392, %multiple_of3A_1380] : memref<32x1000000xf32, #tpu.memory_space<hbm>> -> memref<32x128xf32, #tpu.memory_space<hbm>>
        tpu.enqueue_dma source(%dma_start3A_1393 : memref<32x128xf32, #tpu.memory_space<hbm>>) target(%dma_start3A_1391 : memref<32x128xf32, #tpu.memory_space<vmem>>) target_semaphore(%arg14 : memref<!tpu.dma_semaphore, #tpu.memory_space<semaphore_mem>>)
        %slice3A_1394 = vector.extract_strided_slice %shift_left3A_1281 {offsets = [7], sizes = [1], strides = [1]} : vector<16xi32> to vector<1xi32>
        %squeeze3A_1395 = vector.extract %slice3A_1394[0] : i32 from vector<1xi32>
        %multiple_of3A_1396 = tpu.assume_multiple %squeeze3A_1395, 128 : i32
        %dma_start3A_1397 = arith.constant 7 : i32
        %dma_start3A_1398 = arith.constant 0 : i32
        %dma_start3A_1399 = arith.constant 0 : i32
        %dma_start3A_1400 = tpu.memref_slice %arg9[%dma_start3A_1397, %dma_start3A_1398, %dma_start3A_1399] : memref<8x32x128xf32, #tpu.memory_space<vmem>> -> memref<1x32x128xf32, #tpu.memory_space<vmem>>
        %dma_start3A_1401 = tpu.memref_squeeze %dma_start3A_1400 : memref<1x32x128xf32, #tpu.memory_space<vmem>> -> memref<32x128xf32, #tpu.memory_space<vmem>>
        %dma_start3A_1402 = arith.constant 0 : i32
        %dma_start3A_1403 = tpu.memref_slice %arg5[%dma_start3A_1402, %multiple_of3A_1396] : memref<32x1000000xf32, #tpu.memory_space<hbm>> -> memref<32x128xf32, #tpu.memory_space<hbm>>
        %dma_start3A_1404 = arith.constant 0 : i32
        %dma_start3A_1405 = arith.constant 0 : i32
        %dma_start3A_1406 = tpu.memref_slice %arg9[%dma_start3A_1397, %dma_start3A_1404, %dma_start3A_1405] : memref<8x32x128xf32, #tpu.memory_space<vmem>> -> memref<1x32x128xf32, #tpu.memory_space<vmem>>
        %dma_start3A_1407 = tpu.memref_squeeze %dma_start3A_1406 : memref<1x32x128xf32, #tpu.memory_space<vmem>> -> memref<32x128xf32, #tpu.memory_space<vmem>>
        %dma_start3A_1408 = arith.constant 0 : i32
        %dma_start3A_1409 = tpu.memref_slice %arg5[%dma_start3A_1408, %multiple_of3A_1396] : memref<32x1000000xf32, #tpu.memory_space<hbm>> -> memref<32x128xf32, #tpu.memory_space<hbm>>
        tpu.enqueue_dma source(%dma_start3A_1409 : memref<32x128xf32, #tpu.memory_space<hbm>>) target(%dma_start3A_1407 : memref<32x128xf32, #tpu.memory_space<vmem>>) target_semaphore(%arg14 : memref<!tpu.dma_semaphore, #tpu.memory_space<semaphore_mem>>)
      } else {
      }
      %dma_wait3A_851 = arith.constant 0 : i32
      %dma_wait3A_852 = arith.constant 0 : i32
      %dma_wait3A_853 = arith.constant 0 : i32
      %dma_wait3A_854 = tpu.memref_slice %arg10[%dma_wait3A_851, %dma_wait3A_852, %dma_wait3A_853] : memref<8x32x128xf32, #tpu.memory_space<vmem>> -> memref<1x32x128xf32, #tpu.memory_space<vmem>>
      %dma_wait3A_855 = tpu.memref_squeeze %dma_wait3A_854 : memref<1x32x128xf32, #tpu.memory_space<vmem>> -> memref<32x128xf32, #tpu.memory_space<vmem>>
      %dma_wait3A_856 = arith.constant 0 : i32
      %dma_wait3A_857 = arith.constant 0 : i32
      %dma_wait3A_858 = tpu.memref_slice %arg5[%dma_wait3A_856, %dma_wait3A_857] : memref<32x1000000xf32, #tpu.memory_space<hbm>> -> memref<32x128xf32, #tpu.memory_space<hbm>>
      %dma_wait3A_859 = arith.constant 0 : i32
      %dma_wait3A_860 = arith.constant 0 : i32
      %dma_wait3A_861 = tpu.memref_slice %arg10[%dma_wait3A_851, %dma_wait3A_859, %dma_wait3A_860] : memref<8x32x128xf32, #tpu.memory_space<vmem>> -> memref<1x32x128xf32, #tpu.memory_space<vmem>>
      %dma_wait3A_862 = tpu.memref_squeeze %dma_wait3A_861 : memref<1x32x128xf32, #tpu.memory_space<vmem>> -> memref<32x128xf32, #tpu.memory_space<vmem>>
      %dma_wait3A_863 = arith.constant 0 : i32
      %dma_wait3A_864 = arith.constant 0 : i32
      %dma_wait3A_865 = tpu.memref_slice %arg5[%dma_wait3A_863, %dma_wait3A_864] : memref<32x1000000xf32, #tpu.memory_space<hbm>> -> memref<32x128xf32, #tpu.memory_space<hbm>>
      tpu.wait_dma2 semaphore(%arg15 : memref<!tpu.dma_semaphore, #tpu.memory_space<semaphore_mem>>) src(%dma_wait3A_865 : memref<32x128xf32, #tpu.memory_space<hbm>>) dst(%dma_wait3A_862 : memref<32x128xf32, #tpu.memory_space<vmem>>)
      %dma_wait3A_866 = arith.constant 1 : i32
      %dma_wait3A_867 = arith.constant 0 : i32
      %dma_wait3A_868 = arith.constant 0 : i32
      %dma_wait3A_869 = tpu.memref_slice %arg10[%dma_wait3A_866, %dma_wait3A_867, %dma_wait3A_868] : memref<8x32x128xf32, #tpu.memory_space<vmem>> -> memref<1x32x128xf32, #tpu.memory_space<vmem>>
      %dma_wait3A_870 = tpu.memref_squeeze %dma_wait3A_869 : memref<1x32x128xf32, #tpu.memory_space<vmem>> -> memref<32x128xf32, #tpu.memory_space<vmem>>
      %dma_wait3A_871 = arith.constant 0 : i32
      %dma_wait3A_872 = arith.constant 0 : i32
      %dma_wait3A_873 = tpu.memref_slice %arg5[%dma_wait3A_871, %dma_wait3A_872] : memref<32x1000000xf32, #tpu.memory_space<hbm>> -> memref<32x128xf32, #tpu.memory_space<hbm>>
      %dma_wait3A_874 = arith.constant 0 : i32
      %dma_wait3A_875 = arith.constant 0 : i32
      %dma_wait3A_876 = tpu.memref_slice %arg10[%dma_wait3A_866, %dma_wait3A_874, %dma_wait3A_875] : memref<8x32x128xf32, #tpu.memory_space<vmem>> -> memref<1x32x128xf32, #tpu.memory_space<vmem>>
      %dma_wait3A_877 = tpu.memref_squeeze %dma_wait3A_876 : memref<1x32x128xf32, #tpu.memory_space<vmem>> -> memref<32x128xf32, #tpu.memory_space<vmem>>
      %dma_wait3A_878 = arith.constant 0 : i32
      %dma_wait3A_879 = arith.constant 0 : i32
      %dma_wait3A_880 = tpu.memref_slice %arg5[%dma_wait3A_878, %dma_wait3A_879] : memref<32x1000000xf32, #tpu.memory_space<hbm>> -> memref<32x128xf32, #tpu.memory_space<hbm>>
      tpu.wait_dma2 semaphore(%arg15 : memref<!tpu.dma_semaphore, #tpu.memory_space<semaphore_mem>>) src(%dma_wait3A_880 : memref<32x128xf32, #tpu.memory_space<hbm>>) dst(%dma_wait3A_877 : memref<32x128xf32, #tpu.memory_space<vmem>>)
      %dma_wait3A_881 = arith.constant 2 : i32
      %dma_wait3A_882 = arith.constant 0 : i32
      %dma_wait3A_883 = arith.constant 0 : i32
      %dma_wait3A_884 = tpu.memref_slice %arg10[%dma_wait3A_881, %dma_wait3A_882, %dma_wait3A_883] : memref<8x32x128xf32, #tpu.memory_space<vmem>> -> memref<1x32x128xf32, #tpu.memory_space<vmem>>
      %dma_wait3A_885 = tpu.memref_squeeze %dma_wait3A_884 : memref<1x32x128xf32, #tpu.memory_space<vmem>> -> memref<32x128xf32, #tpu.memory_space<vmem>>
      %dma_wait3A_886 = arith.constant 0 : i32
      %dma_wait3A_887 = arith.constant 0 : i32
      %dma_wait3A_888 = tpu.memref_slice %arg5[%dma_wait3A_886, %dma_wait3A_887] : memref<32x1000000xf32, #tpu.memory_space<hbm>> -> memref<32x128xf32, #tpu.memory_space<hbm>>
      %dma_wait3A_889 = arith.constant 0 : i32
      %dma_wait3A_890 = arith.constant 0 : i32
      %dma_wait3A_891 = tpu.memref_slice %arg10[%dma_wait3A_881, %dma_wait3A_889, %dma_wait3A_890] : memref<8x32x128xf32, #tpu.memory_space<vmem>> -> memref<1x32x128xf32, #tpu.memory_space<vmem>>
      %dma_wait3A_892 = tpu.memref_squeeze %dma_wait3A_891 : memref<1x32x128xf32, #tpu.memory_space<vmem>> -> memref<32x128xf32, #tpu.memory_space<vmem>>
      %dma_wait3A_893 = arith.constant 0 : i32
      %dma_wait3A_894 = arith.constant 0 : i32
      %dma_wait3A_895 = tpu.memref_slice %arg5[%dma_wait3A_893, %dma_wait3A_894] : memref<32x1000000xf32, #tpu.memory_space<hbm>> -> memref<32x128xf32, #tpu.memory_space<hbm>>
      tpu.wait_dma2 semaphore(%arg15 : memref<!tpu.dma_semaphore, #tpu.memory_space<semaphore_mem>>) src(%dma_wait3A_895 : memref<32x128xf32, #tpu.memory_space<hbm>>) dst(%dma_wait3A_892 : memref<32x128xf32, #tpu.memory_space<vmem>>)
      %dma_wait3A_896 = arith.constant 3 : i32
      %dma_wait3A_897 = arith.constant 0 : i32
      %dma_wait3A_898 = arith.constant 0 : i32
      %dma_wait3A_899 = tpu.memref_slice %arg10[%dma_wait3A_896, %dma_wait3A_897, %dma_wait3A_898] : memref<8x32x128xf32, #tpu.memory_space<vmem>> -> memref<1x32x128xf32, #tpu.memory_space<vmem>>
      %dma_wait3A_900 = tpu.memref_squeeze %dma_wait3A_899 : memref<1x32x128xf32, #tpu.memory_space<vmem>> -> memref<32x128xf32, #tpu.memory_space<vmem>>
      %dma_wait3A_901 = arith.constant 0 : i32
      %dma_wait3A_902 = arith.constant 0 : i32
      %dma_wait3A_903 = tpu.memref_slice %arg5[%dma_wait3A_901, %dma_wait3A_902] : memref<32x1000000xf32, #tpu.memory_space<hbm>> -> memref<32x128xf32, #tpu.memory_space<hbm>>
      %dma_wait3A_904 = arith.constant 0 : i32
      %dma_wait3A_905 = arith.constant 0 : i32
      %dma_wait3A_906 = tpu.memref_slice %arg10[%dma_wait3A_896, %dma_wait3A_904, %dma_wait3A_905] : memref<8x32x128xf32, #tpu.memory_space<vmem>> -> memref<1x32x128xf32, #tpu.memory_space<vmem>>
      %dma_wait3A_907 = tpu.memref_squeeze %dma_wait3A_906 : memref<1x32x128xf32, #tpu.memory_space<vmem>> -> memref<32x128xf32, #tpu.memory_space<vmem>>
      %dma_wait3A_908 = arith.constant 0 : i32
      %dma_wait3A_909 = arith.constant 0 : i32
      %dma_wait3A_910 = tpu.memref_slice %arg5[%dma_wait3A_908, %dma_wait3A_909] : memref<32x1000000xf32, #tpu.memory_space<hbm>> -> memref<32x128xf32, #tpu.memory_space<hbm>>
      tpu.wait_dma2 semaphore(%arg15 : memref<!tpu.dma_semaphore, #tpu.memory_space<semaphore_mem>>) src(%dma_wait3A_910 : memref<32x128xf32, #tpu.memory_space<hbm>>) dst(%dma_wait3A_907 : memref<32x128xf32, #tpu.memory_space<vmem>>)
      %dma_wait3A_911 = arith.constant 4 : i32
      %dma_wait3A_912 = arith.constant 0 : i32
      %dma_wait3A_913 = arith.constant 0 : i32
      %dma_wait3A_914 = tpu.memref_slice %arg10[%dma_wait3A_911, %dma_wait3A_912, %dma_wait3A_913] : memref<8x32x128xf32, #tpu.memory_space<vmem>> -> memref<1x32x128xf32, #tpu.memory_space<vmem>>
      %dma_wait3A_915 = tpu.memref_squeeze %dma_wait3A_914 : memref<1x32x128xf32, #tpu.memory_space<vmem>> -> memref<32x128xf32, #tpu.memory_space<vmem>>
      %dma_wait3A_916 = arith.constant 0 : i32
      %dma_wait3A_917 = arith.constant 0 : i32
      %dma_wait3A_918 = tpu.memref_slice %arg5[%dma_wait3A_916, %dma_wait3A_917] : memref<32x1000000xf32, #tpu.memory_space<hbm>> -> memref<32x128xf32, #tpu.memory_space<hbm>>
      %dma_wait3A_919 = arith.constant 0 : i32
      %dma_wait3A_920 = arith.constant 0 : i32
      %dma_wait3A_921 = tpu.memref_slice %arg10[%dma_wait3A_911, %dma_wait3A_919, %dma_wait3A_920] : memref<8x32x128xf32, #tpu.memory_space<vmem>> -> memref<1x32x128xf32, #tpu.memory_space<vmem>>
      %dma_wait3A_922 = tpu.memref_squeeze %dma_wait3A_921 : memref<1x32x128xf32, #tpu.memory_space<vmem>> -> memref<32x128xf32, #tpu.memory_space<vmem>>
      %dma_wait3A_923 = arith.constant 0 : i32
      %dma_wait3A_924 = arith.constant 0 : i32
      %dma_wait3A_925 = tpu.memref_slice %arg5[%dma_wait3A_923, %dma_wait3A_924] : memref<32x1000000xf32, #tpu.memory_space<hbm>> -> memref<32x128xf32, #tpu.memory_space<hbm>>
      tpu.wait_dma2 semaphore(%arg15 : memref<!tpu.dma_semaphore, #tpu.memory_space<semaphore_mem>>) src(%dma_wait3A_925 : memref<32x128xf32, #tpu.memory_space<hbm>>) dst(%dma_wait3A_922 : memref<32x128xf32, #tpu.memory_space<vmem>>)
      %dma_wait3A_926 = arith.constant 5 : i32
      %dma_wait3A_927 = arith.constant 0 : i32
      %dma_wait3A_928 = arith.constant 0 : i32
      %dma_wait3A_929 = tpu.memref_slice %arg10[%dma_wait3A_926, %dma_wait3A_927, %dma_wait3A_928] : memref<8x32x128xf32, #tpu.memory_space<vmem>> -> memref<1x32x128xf32, #tpu.memory_space<vmem>>
      %dma_wait3A_930 = tpu.memref_squeeze %dma_wait3A_929 : memref<1x32x128xf32, #tpu.memory_space<vmem>> -> memref<32x128xf32, #tpu.memory_space<vmem>>
      %dma_wait3A_931 = arith.constant 0 : i32
      %dma_wait3A_932 = arith.constant 0 : i32
      %dma_wait3A_933 = tpu.memref_slice %arg5[%dma_wait3A_931, %dma_wait3A_932] : memref<32x1000000xf32, #tpu.memory_space<hbm>> -> memref<32x128xf32, #tpu.memory_space<hbm>>
      %dma_wait3A_934 = arith.constant 0 : i32
      %dma_wait3A_935 = arith.constant 0 : i32
      %dma_wait3A_936 = tpu.memref_slice %arg10[%dma_wait3A_926, %dma_wait3A_934, %dma_wait3A_935] : memref<8x32x128xf32, #tpu.memory_space<vmem>> -> memref<1x32x128xf32, #tpu.memory_space<vmem>>
      %dma_wait3A_937 = tpu.memref_squeeze %dma_wait3A_936 : memref<1x32x128xf32, #tpu.memory_space<vmem>> -> memref<32x128xf32, #tpu.memory_space<vmem>>
      %dma_wait3A_938 = arith.constant 0 : i32
      %dma_wait3A_939 = arith.constant 0 : i32
      %dma_wait3A_940 = tpu.memref_slice %arg5[%dma_wait3A_938, %dma_wait3A_939] : memref<32x1000000xf32, #tpu.memory_space<hbm>> -> memref<32x128xf32, #tpu.memory_space<hbm>>
      tpu.wait_dma2 semaphore(%arg15 : memref<!tpu.dma_semaphore, #tpu.memory_space<semaphore_mem>>) src(%dma_wait3A_940 : memref<32x128xf32, #tpu.memory_space<hbm>>) dst(%dma_wait3A_937 : memref<32x128xf32, #tpu.memory_space<vmem>>)
      %dma_wait3A_941 = arith.constant 6 : i32
      %dma_wait3A_942 = arith.constant 0 : i32
      %dma_wait3A_943 = arith.constant 0 : i32
      %dma_wait3A_944 = tpu.memref_slice %arg10[%dma_wait3A_941, %dma_wait3A_942, %dma_wait3A_943] : memref<8x32x128xf32, #tpu.memory_space<vmem>> -> memref<1x32x128xf32, #tpu.memory_space<vmem>>
      %dma_wait3A_945 = tpu.memref_squeeze %dma_wait3A_944 : memref<1x32x128xf32, #tpu.memory_space<vmem>> -> memref<32x128xf32, #tpu.memory_space<vmem>>
      %dma_wait3A_946 = arith.constant 0 : i32
      %dma_wait3A_947 = arith.constant 0 : i32
      %dma_wait3A_948 = tpu.memref_slice %arg5[%dma_wait3A_946, %dma_wait3A_947] : memref<32x1000000xf32, #tpu.memory_space<hbm>> -> memref<32x128xf32, #tpu.memory_space<hbm>>
      %dma_wait3A_949 = arith.constant 0 : i32
      %dma_wait3A_950 = arith.constant 0 : i32
      %dma_wait3A_951 = tpu.memref_slice %arg10[%dma_wait3A_941, %dma_wait3A_949, %dma_wait3A_950] : memref<8x32x128xf32, #tpu.memory_space<vmem>> -> memref<1x32x128xf32, #tpu.memory_space<vmem>>
      %dma_wait3A_952 = tpu.memref_squeeze %dma_wait3A_951 : memref<1x32x128xf32, #tpu.memory_space<vmem>> -> memref<32x128xf32, #tpu.memory_space<vmem>>
      %dma_wait3A_953 = arith.constant 0 : i32
      %dma_wait3A_954 = arith.constant 0 : i32
      %dma_wait3A_955 = tpu.memref_slice %arg5[%dma_wait3A_953, %dma_wait3A_954] : memref<32x1000000xf32, #tpu.memory_space<hbm>> -> memref<32x128xf32, #tpu.memory_space<hbm>>
      tpu.wait_dma2 semaphore(%arg15 : memref<!tpu.dma_semaphore, #tpu.memory_space<semaphore_mem>>) src(%dma_wait3A_955 : memref<32x128xf32, #tpu.memory_space<hbm>>) dst(%dma_wait3A_952 : memref<32x128xf32, #tpu.memory_space<vmem>>)
      %dma_wait3A_956 = arith.constant 7 : i32
      %dma_wait3A_957 = arith.constant 0 : i32
      %dma_wait3A_958 = arith.constant 0 : i32
      %dma_wait3A_959 = tpu.memref_slice %arg10[%dma_wait3A_956, %dma_wait3A_957, %dma_wait3A_958] : memref<8x32x128xf32, #tpu.memory_space<vmem>> -> memref<1x32x128xf32, #tpu.memory_space<vmem>>
      %dma_wait3A_960 = tpu.memref_squeeze %dma_wait3A_959 : memref<1x32x128xf32, #tpu.memory_space<vmem>> -> memref<32x128xf32, #tpu.memory_space<vmem>>
      %dma_wait3A_961 = arith.constant 0 : i32
      %dma_wait3A_962 = arith.constant 0 : i32
      %dma_wait3A_963 = tpu.memref_slice %arg5[%dma_wait3A_961, %dma_wait3A_962] : memref<32x1000000xf32, #tpu.memory_space<hbm>> -> memref<32x128xf32, #tpu.memory_space<hbm>>
      %dma_wait3A_964 = arith.constant 0 : i32
      %dma_wait3A_965 = arith.constant 0 : i32
      %dma_wait3A_966 = tpu.memref_slice %arg10[%dma_wait3A_956, %dma_wait3A_964, %dma_wait3A_965] : memref<8x32x128xf32, #tpu.memory_space<vmem>> -> memref<1x32x128xf32, #tpu.memory_space<vmem>>
      %dma_wait3A_967 = tpu.memref_squeeze %dma_wait3A_966 : memref<1x32x128xf32, #tpu.memory_space<vmem>> -> memref<32x128xf32, #tpu.memory_space<vmem>>
      %dma_wait3A_968 = arith.constant 0 : i32
      %dma_wait3A_969 = arith.constant 0 : i32
      %dma_wait3A_970 = tpu.memref_slice %arg5[%dma_wait3A_968, %dma_wait3A_969] : memref<32x1000000xf32, #tpu.memory_space<hbm>> -> memref<32x128xf32, #tpu.memory_space<hbm>>
      tpu.wait_dma2 semaphore(%arg15 : memref<!tpu.dma_semaphore, #tpu.memory_space<semaphore_mem>>) src(%dma_wait3A_970 : memref<32x128xf32, #tpu.memory_space<hbm>>) dst(%dma_wait3A_967 : memref<32x128xf32, #tpu.memory_space<vmem>>)
      %mul3A_971 = arith.constant 8 : i32
      %mul3A_972 = arith.muli %add3A_295, %mul3A_971 : i32
      %get3A_973 = arith.index_cast %mul3A_972 : i32 to index
      %get3A_974 = tpu.vector_load %arg8[%get3A_973] {strides = array<i32>} : memref<528xi32, #tpu.memory_space<vmem>>, vector<16xi32>,
      %and3A_975 = arith.constant 7 : i32
      %and3A_976 = vector.broadcast %and3A_975 : i32 to vector<16xi32>
      %and3A_977 = arith.andi %iota3A, %and3A_976 : vector<16xi32>
      %lt3A_978 = arith.constant 0 : i32
      %lt3A_979 = vector.broadcast %lt3A_978 : i32 to vector<16xi32>
      %lt3A_980 = arith.cmpi slt, %and3A_977, %lt3A_979 : vector<16xi32>
      %add3A_981 = arith.constant 16 : i32
      %add3A_982 = vector.broadcast %add3A_981 : i32 to vector<16xi32>
      %add3A_983 = arith.addi %and3A_977, %add3A_982 : vector<16xi32>
      %select_n3A_984 = arith.select %lt3A_980, %add3A_983, %and3A_977 : vector<16xi1>, vector<16xi32>
      %broadcast_in_dim3A_985 = vector.shape_cast %select_n3A_984 : vector<16xi32> to vector<16x1xi32>
      %gather3A_986 = vector.shape_cast %broadcast_in_dim3A_985 : vector<16x1xi32> to vector<16xi32>
      %gather3A_987 = tpu.dynamic_gather %get3A_974[%gather3A_986] in [0] : vector<16xi32>, vector<16xi32> -> vector<16xi32>
      %and3A_988 = arith.constant 127 : i32
      %and3A_989 = vector.broadcast %and3A_988 : i32 to vector<16xi32>
      %and3A_990 = arith.andi %gather3A_987, %and3A_989 : vector<16xi32>
      %and3A_991 = arith.constant 7 : i32
      %and3A_992 = vector.broadcast %and3A_991 : i32 to vector<16xi32>
      %and3A_993 = arith.andi %iota3A, %and3A_992 : vector<16xi32>
      %shift_right_arithmetic3A_994 = arith.constant 3 : i32
      %shift_right_arithmetic3A_995 = vector.broadcast %shift_right_arithmetic3A_994 : i32 to vector<16xi32>
      %shift_right_arithmetic3A_996 = arith.shrsi %iota3A, %shift_right_arithmetic3A_995 : vector<16xi32>
      %add3A_997 = arith.constant 0 : i32
      %add3A_998 = vector.broadcast %add3A_997 : i32 to vector<16xi32>
      %add3A_999 = arith.addi %add3A_998, %shift_right_arithmetic3A_996 : vector<16xi32>
      %mul3A_1000 = arith.constant 128 : i32
      %mul3A_1001 = vector.broadcast %mul3A_1000 : i32 to vector<16xi32>
      %mul3A_1002 = arith.muli %add3A_999, %mul3A_1001 : vector<16xi32>
      %add3A_1003 = arith.addi %and3A_990, %mul3A_1002 : vector<16xi32>
      %gather3A_1004 = tpu.memref_reshape %arg10 : memref<8x32x128xf32, #tpu.memory_space<vmem>> -> memref<8x4096xf32, #tpu.memory_space<vmem>>
      %gather3A_1005 = tpu.vector_load_idx %gather3A_1004[%and3A_993, %add3A_1003] : memref<8x4096xf32, #tpu.memory_space<vmem>>[vector<16xi32>, vector<16xi32>], vector<16xf32>,
      %mul3A_1006 = arith.constant 512 : i32
      %mul3A_1007 = vector.broadcast %mul3A_1006 : i32 to vector<16xi32>
      %mul3A_1008 = arith.muli %add3A_999, %mul3A_1007 : vector<16xi32>
      %mul3A_1009 = arith.constant 8 : i32
      %mul3A_1010 = arith.muli %add3A_295, %mul3A_1009 : i32
      %add3A_1011 = vector.broadcast %mul3A_1010 : i32 to vector<16xi32>
      %add3A_1012 = arith.addi %mul3A_1008, %add3A_1011 : vector<16xi32>
      %add3A_1013 = arith.addi %add3A_1012, %and3A_993 : vector<16xi32>
      tpu.vector_store_idx %arg12[%add3A_1013], %gather3A_1005 : memref<16384xf32, #tpu.memory_space<vmem>>[vector<16xi32>], vector<16xf32>,
      %add3A_1014 = arith.constant 2 : i32
      %add3A_1015 = vector.broadcast %add3A_1014 : i32 to vector<16xi32>
      %add3A_1016 = arith.addi %add3A_1015, %shift_right_arithmetic3A_996 : vector<16xi32>
      %mul3A_1017 = arith.constant 128 : i32
      %mul3A_1018 = vector.broadcast %mul3A_1017 : i32 to vector<16xi32>
      %mul3A_1019 = arith.muli %add3A_1016, %mul3A_1018 : vector<16xi32>
      %add3A_1020 = arith.addi %and3A_990, %mul3A_1019 : vector<16xi32>
      %gather3A_1021 = tpu.memref_reshape %arg10 : memref<8x32x128xf32, #tpu.memory_space<vmem>> -> memref<8x4096xf32, #tpu.memory_space<vmem>>
      %gather3A_1022 = tpu.vector_load_idx %gather3A_1021[%and3A_993, %add3A_1020] : memref<8x4096xf32, #tpu.memory_space<vmem>>[vector<16xi32>, vector<16xi32>], vector<16xf32>,
      %mul3A_1023 = arith.constant 512 : i32
      %mul3A_1024 = vector.broadcast %mul3A_1023 : i32 to vector<16xi32>
      %mul3A_1025 = arith.muli %add3A_1016, %mul3A_1024 : vector<16xi32>
      %mul3A_1026 = arith.constant 8 : i32
      %mul3A_1027 = arith.muli %add3A_295, %mul3A_1026 : i32
      %add3A_1028 = vector.broadcast %mul3A_1027 : i32 to vector<16xi32>
      %add3A_1029 = arith.addi %mul3A_1025, %add3A_1028 : vector<16xi32>
      %add3A_1030 = arith.addi %add3A_1029, %and3A_993 : vector<16xi32>
      tpu.vector_store_idx %arg12[%add3A_1030], %gather3A_1022 : memref<16384xf32, #tpu.memory_space<vmem>>[vector<16xi32>], vector<16xf32>,
      %add3A_1031 = arith.constant 4 : i32
      %add3A_1032 = vector.broadcast %add3A_1031 : i32 to vector<16xi32>
      %add3A_1033 = arith.addi %add3A_1032, %shift_right_arithmetic3A_996 : vector<16xi32>
      %mul3A_1034 = arith.constant 128 : i32
      %mul3A_1035 = vector.broadcast %mul3A_1034 : i32 to vector<16xi32>
      %mul3A_1036 = arith.muli %add3A_1033, %mul3A_1035 : vector<16xi32>
      %add3A_1037 = arith.addi %and3A_990, %mul3A_1036 : vector<16xi32>
      %gather3A_1038 = tpu.memref_reshape %arg10 : memref<8x32x128xf32, #tpu.memory_space<vmem>> -> memref<8x4096xf32, #tpu.memory_space<vmem>>
      %gather3A_1039 = tpu.vector_load_idx %gather3A_1038[%and3A_993, %add3A_1037] : memref<8x4096xf32, #tpu.memory_space<vmem>>[vector<16xi32>, vector<16xi32>], vector<16xf32>,
      %mul3A_1040 = arith.constant 512 : i32
      %mul3A_1041 = vector.broadcast %mul3A_1040 : i32 to vector<16xi32>
      %mul3A_1042 = arith.muli %add3A_1033, %mul3A_1041 : vector<16xi32>
      %mul3A_1043 = arith.constant 8 : i32
      %mul3A_1044 = arith.muli %add3A_295, %mul3A_1043 : i32
      %add3A_1045 = vector.broadcast %mul3A_1044 : i32 to vector<16xi32>
      %add3A_1046 = arith.addi %mul3A_1042, %add3A_1045 : vector<16xi32>
      %add3A_1047 = arith.addi %add3A_1046, %and3A_993 : vector<16xi32>
      tpu.vector_store_idx %arg12[%add3A_1047], %gather3A_1039 : memref<16384xf32, #tpu.memory_space<vmem>>[vector<16xi32>], vector<16xf32>,
      %add3A_1048 = arith.constant 6 : i32
      %add3A_1049 = vector.broadcast %add3A_1048 : i32 to vector<16xi32>
      %add3A_1050 = arith.addi %add3A_1049, %shift_right_arithmetic3A_996 : vector<16xi32>
      %mul3A_1051 = arith.constant 128 : i32
      %mul3A_1052 = vector.broadcast %mul3A_1051 : i32 to vector<16xi32>
      %mul3A_1053 = arith.muli %add3A_1050, %mul3A_1052 : vector<16xi32>
      %add3A_1054 = arith.addi %and3A_990, %mul3A_1053 : vector<16xi32>
      %gather3A_1055 = tpu.memref_reshape %arg10 : memref<8x32x128xf32, #tpu.memory_space<vmem>> -> memref<8x4096xf32, #tpu.memory_space<vmem>>
      %gather3A_1056 = tpu.vector_load_idx %gather3A_1055[%and3A_993, %add3A_1054] : memref<8x4096xf32, #tpu.memory_space<vmem>>[vector<16xi32>, vector<16xi32>], vector<16xf32>,
      %mul3A_1057 = arith.constant 512 : i32
      %mul3A_1058 = vector.broadcast %mul3A_1057 : i32 to vector<16xi32>
      %mul3A_1059 = arith.muli %add3A_1050, %mul3A_1058 : vector<16xi32>
      %mul3A_1060 = arith.constant 8 : i32
      %mul3A_1061 = arith.muli %add3A_295, %mul3A_1060 : i32
      %add3A_1062 = vector.broadcast %mul3A_1061 : i32 to vector<16xi32>
      %add3A_1063 = arith.addi %mul3A_1059, %add3A_1062 : vector<16xi32>
      %add3A_1064 = arith.addi %add3A_1063, %and3A_993 : vector<16xi32>
      tpu.vector_store_idx %arg12[%add3A_1064], %gather3A_1056 : memref<16384xf32, #tpu.memory_space<vmem>>[vector<16xi32>], vector<16xf32>,
      %add3A_1065 = arith.constant 8 : i32
      %add3A_1066 = vector.broadcast %add3A_1065 : i32 to vector<16xi32>
      %add3A_1067 = arith.addi %add3A_1066, %shift_right_arithmetic3A_996 : vector<16xi32>
      %mul3A_1068 = arith.constant 128 : i32
      %mul3A_1069 = vector.broadcast %mul3A_1068 : i32 to vector<16xi32>
      %mul3A_1070 = arith.muli %add3A_1067, %mul3A_1069 : vector<16xi32>
      %add3A_1071 = arith.addi %and3A_990, %mul3A_1070 : vector<16xi32>
      %gather3A_1072 = tpu.memref_reshape %arg10 : memref<8x32x128xf32, #tpu.memory_space<vmem>> -> memref<8x4096xf32, #tpu.memory_space<vmem>>
      %gather3A_1073 = tpu.vector_load_idx %gather3A_1072[%and3A_993, %add3A_1071] : memref<8x4096xf32, #tpu.memory_space<vmem>>[vector<16xi32>, vector<16xi32>], vector<16xf32>,
      %mul3A_1074 = arith.constant 512 : i32
      %mul3A_1075 = vector.broadcast %mul3A_1074 : i32 to vector<16xi32>
      %mul3A_1076 = arith.muli %add3A_1067, %mul3A_1075 : vector<16xi32>
      %mul3A_1077 = arith.constant 8 : i32
      %mul3A_1078 = arith.muli %add3A_295, %mul3A_1077 : i32
      %add3A_1079 = vector.broadcast %mul3A_1078 : i32 to vector<16xi32>
      %add3A_1080 = arith.addi %mul3A_1076, %add3A_1079 : vector<16xi32>
      %add3A_1081 = arith.addi %add3A_1080, %and3A_993 : vector<16xi32>
      tpu.vector_store_idx %arg12[%add3A_1081], %gather3A_1073 : memref<16384xf32, #tpu.memory_space<vmem>>[vector<16xi32>], vector<16xf32>,
      %add3A_1082 = arith.constant 10 : i32
      %add3A_1083 = vector.broadcast %add3A_1082 : i32 to vector<16xi32>
      %add3A_1084 = arith.addi %add3A_1083, %shift_right_arithmetic3A_996 : vector<16xi32>
      %mul3A_1085 = arith.constant 128 : i32
      %mul3A_1086 = vector.broadcast %mul3A_1085 : i32 to vector<16xi32>
      %mul3A_1087 = arith.muli %add3A_1084, %mul3A_1086 : vector<16xi32>
      %add3A_1088 = arith.addi %and3A_990, %mul3A_1087 : vector<16xi32>
      %gather3A_1089 = tpu.memref_reshape %arg10 : memref<8x32x128xf32, #tpu.memory_space<vmem>> -> memref<8x4096xf32, #tpu.memory_space<vmem>>
      %gather3A_1090 = tpu.vector_load_idx %gather3A_1089[%and3A_993, %add3A_1088] : memref<8x4096xf32, #tpu.memory_space<vmem>>[vector<16xi32>, vector<16xi32>], vector<16xf32>,
      %mul3A_1091 = arith.constant 512 : i32
      %mul3A_1092 = vector.broadcast %mul3A_1091 : i32 to vector<16xi32>
      %mul3A_1093 = arith.muli %add3A_1084, %mul3A_1092 : vector<16xi32>
      %mul3A_1094 = arith.constant 8 : i32
      %mul3A_1095 = arith.muli %add3A_295, %mul3A_1094 : i32
      %add3A_1096 = vector.broadcast %mul3A_1095 : i32 to vector<16xi32>
      %add3A_1097 = arith.addi %mul3A_1093, %add3A_1096 : vector<16xi32>
      %add3A_1098 = arith.addi %add3A_1097, %and3A_993 : vector<16xi32>
      tpu.vector_store_idx %arg12[%add3A_1098], %gather3A_1090 : memref<16384xf32, #tpu.memory_space<vmem>>[vector<16xi32>], vector<16xf32>,
      %add3A_1099 = arith.constant 12 : i32
      %add3A_1100 = vector.broadcast %add3A_1099 : i32 to vector<16xi32>
      %add3A_1101 = arith.addi %add3A_1100, %shift_right_arithmetic3A_996 : vector<16xi32>
      %mul3A_1102 = arith.constant 128 : i32
      %mul3A_1103 = vector.broadcast %mul3A_1102 : i32 to vector<16xi32>
      %mul3A_1104 = arith.muli %add3A_1101, %mul3A_1103 : vector<16xi32>
      %add3A_1105 = arith.addi %and3A_990, %mul3A_1104 : vector<16xi32>
      %gather3A_1106 = tpu.memref_reshape %arg10 : memref<8x32x128xf32, #tpu.memory_space<vmem>> -> memref<8x4096xf32, #tpu.memory_space<vmem>>
      %gather3A_1107 = tpu.vector_load_idx %gather3A_1106[%and3A_993, %add3A_1105] : memref<8x4096xf32, #tpu.memory_space<vmem>>[vector<16xi32>, vector<16xi32>], vector<16xf32>,
      %mul3A_1108 = arith.constant 512 : i32
      %mul3A_1109 = vector.broadcast %mul3A_1108 : i32 to vector<16xi32>
      %mul3A_1110 = arith.muli %add3A_1101, %mul3A_1109 : vector<16xi32>
      %mul3A_1111 = arith.constant 8 : i32
      %mul3A_1112 = arith.muli %add3A_295, %mul3A_1111 : i32
      %add3A_1113 = vector.broadcast %mul3A_1112 : i32 to vector<16xi32>
      %add3A_1114 = arith.addi %mul3A_1110, %add3A_1113 : vector<16xi32>
      %add3A_1115 = arith.addi %add3A_1114, %and3A_993 : vector<16xi32>
      tpu.vector_store_idx %arg12[%add3A_1115], %gather3A_1107 : memref<16384xf32, #tpu.memory_space<vmem>>[vector<16xi32>], vector<16xf32>,
      %add3A_1116 = arith.constant 14 : i32
      %add3A_1117 = vector.broadcast %add3A_1116 : i32 to vector<16xi32>
      %add3A_1118 = arith.addi %add3A_1117, %shift_right_arithmetic3A_996 : vector<16xi32>
      %mul3A_1119 = arith.constant 128 : i32
      %mul3A_1120 = vector.broadcast %mul3A_1119 : i32 to vector<16xi32>
      %mul3A_1121 = arith.muli %add3A_1118, %mul3A_1120 : vector<16xi32>
      %add3A_1122 = arith.addi %and3A_990, %mul3A_1121 : vector<16xi32>
      %gather3A_1123 = tpu.memref_reshape %arg10 : memref<8x32x128xf32, #tpu.memory_space<vmem>> -> memref<8x4096xf32, #tpu.memory_space<vmem>>
      %gather3A_1124 = tpu.vector_load_idx %gather3A_1123[%and3A_993, %add3A_1122] : memref<8x4096xf32, #tpu.memory_space<vmem>>[vector<16xi32>, vector<16xi32>], vector<16xf32>,
      %mul3A_1125 = arith.constant 512 : i32
      %mul3A_1126 = vector.broadcast %mul3A_1125 : i32 to vector<16xi32>
      %mul3A_1127 = arith.muli %add3A_1118, %mul3A_1126 : vector<16xi32>
      %mul3A_1128 = arith.constant 8 : i32
      %mul3A_1129 = arith.muli %add3A_295, %mul3A_1128 : i32
      %add3A_1130 = vector.broadcast %mul3A_1129 : i32 to vector<16xi32>
      %add3A_1131 = arith.addi %mul3A_1127, %add3A_1130 : vector<16xi32>
      %add3A_1132 = arith.addi %add3A_1131, %and3A_993 : vector<16xi32>
      tpu.vector_store_idx %arg12[%add3A_1132], %gather3A_1124 : memref<16384xf32, #tpu.memory_space<vmem>>[vector<16xi32>], vector<16xf32>,
      %add3A_1133 = arith.constant 16 : i32
      %add3A_1134 = vector.broadcast %add3A_1133 : i32 to vector<16xi32>
      %add3A_1135 = arith.addi %add3A_1134, %shift_right_arithmetic3A_996 : vector<16xi32>
      %mul3A_1136 = arith.constant 128 : i32
      %mul3A_1137 = vector.broadcast %mul3A_1136 : i32 to vector<16xi32>
      %mul3A_1138 = arith.muli %add3A_1135, %mul3A_1137 : vector<16xi32>
      %add3A_1139 = arith.addi %and3A_990, %mul3A_1138 : vector<16xi32>
      %gather3A_1140 = tpu.memref_reshape %arg10 : memref<8x32x128xf32, #tpu.memory_space<vmem>> -> memref<8x4096xf32, #tpu.memory_space<vmem>>
      %gather3A_1141 = tpu.vector_load_idx %gather3A_1140[%and3A_993, %add3A_1139] : memref<8x4096xf32, #tpu.memory_space<vmem>>[vector<16xi32>, vector<16xi32>], vector<16xf32>,
      %mul3A_1142 = arith.constant 512 : i32
      %mul3A_1143 = vector.broadcast %mul3A_1142 : i32 to vector<16xi32>
      %mul3A_1144 = arith.muli %add3A_1135, %mul3A_1143 : vector<16xi32>
      %mul3A_1145 = arith.constant 8 : i32
      %mul3A_1146 = arith.muli %add3A_295, %mul3A_1145 : i32
      %add3A_1147 = vector.broadcast %mul3A_1146 : i32 to vector<16xi32>
      %add3A_1148 = arith.addi %mul3A_1144, %add3A_1147 : vector<16xi32>
      %add3A_1149 = arith.addi %add3A_1148, %and3A_993 : vector<16xi32>
      tpu.vector_store_idx %arg12[%add3A_1149], %gather3A_1141 : memref<16384xf32, #tpu.memory_space<vmem>>[vector<16xi32>], vector<16xf32>,
      %add3A_1150 = arith.constant 18 : i32
      %add3A_1151 = vector.broadcast %add3A_1150 : i32 to vector<16xi32>
      %add3A_1152 = arith.addi %add3A_1151, %shift_right_arithmetic3A_996 : vector<16xi32>
      %mul3A_1153 = arith.constant 128 : i32
      %mul3A_1154 = vector.broadcast %mul3A_1153 : i32 to vector<16xi32>
      %mul3A_1155 = arith.muli %add3A_1152, %mul3A_1154 : vector<16xi32>
      %add3A_1156 = arith.addi %and3A_990, %mul3A_1155 : vector<16xi32>
      %gather3A_1157 = tpu.memref_reshape %arg10 : memref<8x32x128xf32, #tpu.memory_space<vmem>> -> memref<8x4096xf32, #tpu.memory_space<vmem>>
      %gather3A_1158 = tpu.vector_load_idx %gather3A_1157[%and3A_993, %add3A_1156] : memref<8x4096xf32, #tpu.memory_space<vmem>>[vector<16xi32>, vector<16xi32>], vector<16xf32>,
      %mul3A_1159 = arith.constant 512 : i32
      %mul3A_1160 = vector.broadcast %mul3A_1159 : i32 to vector<16xi32>
      %mul3A_1161 = arith.muli %add3A_1152, %mul3A_1160 : vector<16xi32>
      %mul3A_1162 = arith.constant 8 : i32
      %mul3A_1163 = arith.muli %add3A_295, %mul3A_1162 : i32
      %add3A_1164 = vector.broadcast %mul3A_1163 : i32 to vector<16xi32>
      %add3A_1165 = arith.addi %mul3A_1161, %add3A_1164 : vector<16xi32>
      %add3A_1166 = arith.addi %add3A_1165, %and3A_993 : vector<16xi32>
      tpu.vector_store_idx %arg12[%add3A_1166], %gather3A_1158 : memref<16384xf32, #tpu.memory_space<vmem>>[vector<16xi32>], vector<16xf32>,
      %add3A_1167 = arith.constant 20 : i32
      %add3A_1168 = vector.broadcast %add3A_1167 : i32 to vector<16xi32>
      %add3A_1169 = arith.addi %add3A_1168, %shift_right_arithmetic3A_996 : vector<16xi32>
      %mul3A_1170 = arith.constant 128 : i32
      %mul3A_1171 = vector.broadcast %mul3A_1170 : i32 to vector<16xi32>
      %mul3A_1172 = arith.muli %add3A_1169, %mul3A_1171 : vector<16xi32>
      %add3A_1173 = arith.addi %and3A_990, %mul3A_1172 : vector<16xi32>
      %gather3A_1174 = tpu.memref_reshape %arg10 : memref<8x32x128xf32, #tpu.memory_space<vmem>> -> memref<8x4096xf32, #tpu.memory_space<vmem>>
      %gather3A_1175 = tpu.vector_load_idx %gather3A_1174[%and3A_993, %add3A_1173] : memref<8x4096xf32, #tpu.memory_space<vmem>>[vector<16xi32>, vector<16xi32>], vector<16xf32>,
      %mul3A_1176 = arith.constant 512 : i32
      %mul3A_1177 = vector.broadcast %mul3A_1176 : i32 to vector<16xi32>
      %mul3A_1178 = arith.muli %add3A_1169, %mul3A_1177 : vector<16xi32>
      %mul3A_1179 = arith.constant 8 : i32
      %mul3A_1180 = arith.muli %add3A_295, %mul3A_1179 : i32
      %add3A_1181 = vector.broadcast %mul3A_1180 : i32 to vector<16xi32>
      %add3A_1182 = arith.addi %mul3A_1178, %add3A_1181 : vector<16xi32>
      %add3A_1183 = arith.addi %add3A_1182, %and3A_993 : vector<16xi32>
      tpu.vector_store_idx %arg12[%add3A_1183], %gather3A_1175 : memref<16384xf32, #tpu.memory_space<vmem>>[vector<16xi32>], vector<16xf32>,
      %add3A_1184 = arith.constant 22 : i32
      %add3A_1185 = vector.broadcast %add3A_1184 : i32 to vector<16xi32>
      %add3A_1186 = arith.addi %add3A_1185, %shift_right_arithmetic3A_996 : vector<16xi32>
      %mul3A_1187 = arith.constant 128 : i32
      %mul3A_1188 = vector.broadcast %mul3A_1187 : i32 to vector<16xi32>
      %mul3A_1189 = arith.muli %add3A_1186, %mul3A_1188 : vector<16xi32>
      %add3A_1190 = arith.addi %and3A_990, %mul3A_1189 : vector<16xi32>
      %gather3A_1191 = tpu.memref_reshape %arg10 : memref<8x32x128xf32, #tpu.memory_space<vmem>> -> memref<8x4096xf32, #tpu.memory_space<vmem>>
      %gather3A_1192 = tpu.vector_load_idx %gather3A_1191[%and3A_993, %add3A_1190] : memref<8x4096xf32, #tpu.memory_space<vmem>>[vector<16xi32>, vector<16xi32>], vector<16xf32>,
      %mul3A_1193 = arith.constant 512 : i32
      %mul3A_1194 = vector.broadcast %mul3A_1193 : i32 to vector<16xi32>
      %mul3A_1195 = arith.muli %add3A_1186, %mul3A_1194 : vector<16xi32>
      %mul3A_1196 = arith.constant 8 : i32
      %mul3A_1197 = arith.muli %add3A_295, %mul3A_1196 : i32
      %add3A_1198 = vector.broadcast %mul3A_1197 : i32 to vector<16xi32>
      %add3A_1199 = arith.addi %mul3A_1195, %add3A_1198 : vector<16xi32>
      %add3A_1200 = arith.addi %add3A_1199, %and3A_993 : vector<16xi32>
      tpu.vector_store_idx %arg12[%add3A_1200], %gather3A_1192 : memref<16384xf32, #tpu.memory_space<vmem>>[vector<16xi32>], vector<16xf32>,
      %add3A_1201 = arith.constant 24 : i32
      %add3A_1202 = vector.broadcast %add3A_1201 : i32 to vector<16xi32>
      %add3A_1203 = arith.addi %add3A_1202, %shift_right_arithmetic3A_996 : vector<16xi32>
      %mul3A_1204 = arith.constant 128 : i32
      %mul3A_1205 = vector.broadcast %mul3A_1204 : i32 to vector<16xi32>
      %mul3A_1206 = arith.muli %add3A_1203, %mul3A_1205 : vector<16xi32>
      %add3A_1207 = arith.addi %and3A_990, %mul3A_1206 : vector<16xi32>
      %gather3A_1208 = tpu.memref_reshape %arg10 : memref<8x32x128xf32, #tpu.memory_space<vmem>> -> memref<8x4096xf32, #tpu.memory_space<vmem>>
      %gather3A_1209 = tpu.vector_load_idx %gather3A_1208[%and3A_993, %add3A_1207] : memref<8x4096xf32, #tpu.memory_space<vmem>>[vector<16xi32>, vector<16xi32>], vector<16xf32>,
      %mul3A_1210 = arith.constant 512 : i32
      %mul3A_1211 = vector.broadcast %mul3A_1210 : i32 to vector<16xi32>
      %mul3A_1212 = arith.muli %add3A_1203, %mul3A_1211 : vector<16xi32>
      %mul3A_1213 = arith.constant 8 : i32
      %mul3A_1214 = arith.muli %add3A_295, %mul3A_1213 : i32
      %add3A_1215 = vector.broadcast %mul3A_1214 : i32 to vector<16xi32>
      %add3A_1216 = arith.addi %mul3A_1212, %add3A_1215 : vector<16xi32>
      %add3A_1217 = arith.addi %add3A_1216, %and3A_993 : vector<16xi32>
      tpu.vector_store_idx %arg12[%add3A_1217], %gather3A_1209 : memref<16384xf32, #tpu.memory_space<vmem>>[vector<16xi32>], vector<16xf32>,
      %add3A_1218 = arith.constant 26 : i32
      %add3A_1219 = vector.broadcast %add3A_1218 : i32 to vector<16xi32>
      %add3A_1220 = arith.addi %add3A_1219, %shift_right_arithmetic3A_996 : vector<16xi32>
      %mul3A_1221 = arith.constant 128 : i32
      %mul3A_1222 = vector.broadcast %mul3A_1221 : i32 to vector<16xi32>
      %mul3A_1223 = arith.muli %add3A_1220, %mul3A_1222 : vector<16xi32>
      %add3A_1224 = arith.addi %and3A_990, %mul3A_1223 : vector<16xi32>
      %gather3A_1225 = tpu.memref_reshape %arg10 : memref<8x32x128xf32, #tpu.memory_space<vmem>> -> memref<8x4096xf32, #tpu.memory_space<vmem>>
      %gather3A_1226 = tpu.vector_load_idx %gather3A_1225[%and3A_993, %add3A_1224] : memref<8x4096xf32, #tpu.memory_space<vmem>>[vector<16xi32>, vector<16xi32>], vector<16xf32>,
      %mul3A_1227 = arith.constant 512 : i32
      %mul3A_1228 = vector.broadcast %mul3A_1227 : i32 to vector<16xi32>
      %mul3A_1229 = arith.muli %add3A_1220, %mul3A_1228 : vector<16xi32>
      %mul3A_1230 = arith.constant 8 : i32
      %mul3A_1231 = arith.muli %add3A_295, %mul3A_1230 : i32
      %add3A_1232 = vector.broadcast %mul3A_1231 : i32 to vector<16xi32>
      %add3A_1233 = arith.addi %mul3A_1229, %add3A_1232 : vector<16xi32>
      %add3A_1234 = arith.addi %add3A_1233, %and3A_993 : vector<16xi32>
      tpu.vector_store_idx %arg12[%add3A_1234], %gather3A_1226 : memref<16384xf32, #tpu.memory_space<vmem>>[vector<16xi32>], vector<16xf32>,
      %add3A_1235 = arith.constant 28 : i32
      %add3A_1236 = vector.broadcast %add3A_1235 : i32 to vector<16xi32>
      %add3A_1237 = arith.addi %add3A_1236, %shift_right_arithmetic3A_996 : vector<16xi32>
      %mul3A_1238 = arith.constant 128 : i32
      %mul3A_1239 = vector.broadcast %mul3A_1238 : i32 to vector<16xi32>
      %mul3A_1240 = arith.muli %add3A_1237, %mul3A_1239 : vector<16xi32>
      %add3A_1241 = arith.addi %and3A_990, %mul3A_1240 : vector<16xi32>
      %gather3A_1242 = tpu.memref_reshape %arg10 : memref<8x32x128xf32, #tpu.memory_space<vmem>> -> memref<8x4096xf32, #tpu.memory_space<vmem>>
      %gather3A_1243 = tpu.vector_load_idx %gather3A_1242[%and3A_993, %add3A_1241] : memref<8x4096xf32, #tpu.memory_space<vmem>>[vector<16xi32>, vector<16xi32>], vector<16xf32>,
      %mul3A_1244 = arith.constant 512 : i32
      %mul3A_1245 = vector.broadcast %mul3A_1244 : i32 to vector<16xi32>
      %mul3A_1246 = arith.muli %add3A_1237, %mul3A_1245 : vector<16xi32>
      %mul3A_1247 = arith.constant 8 : i32
      %mul3A_1248 = arith.muli %add3A_295, %mul3A_1247 : i32
      %add3A_1249 = vector.broadcast %mul3A_1248 : i32 to vector<16xi32>
      %add3A_1250 = arith.addi %mul3A_1246, %add3A_1249 : vector<16xi32>
      %add3A_1251 = arith.addi %add3A_1250, %and3A_993 : vector<16xi32>
      tpu.vector_store_idx %arg12[%add3A_1251], %gather3A_1243 : memref<16384xf32, #tpu.memory_space<vmem>>[vector<16xi32>], vector<16xf32>,
      %add3A_1252 = arith.constant 30 : i32
      %add3A_1253 = vector.broadcast %add3A_1252 : i32 to vector<16xi32>
      %add3A_1254 = arith.addi %add3A_1253, %shift_right_arithmetic3A_996 : vector<16xi32>
      %mul3A_1255 = arith.constant 128 : i32
      %mul3A_1256 = vector.broadcast %mul3A_1255 : i32 to vector<16xi32>
      %mul3A_1257 = arith.muli %add3A_1254, %mul3A_1256 : vector<16xi32>
      %add3A_1258 = arith.addi %and3A_990, %mul3A_1257 : vector<16xi32>
      %gather3A_1259 = tpu.memref_reshape %arg10 : memref<8x32x128xf32, #tpu.memory_space<vmem>> -> memref<8x4096xf32, #tpu.memory_space<vmem>>
      %gather3A_1260 = tpu.vector_load_idx %gather3A_1259[%and3A_993, %add3A_1258] : memref<8x4096xf32, #tpu.memory_space<vmem>>[vector<16xi32>, vector<16xi32>], vector<16xf32>,
      %mul3A_1261 = arith.constant 512 : i32
      %mul3A_1262 = vector.broadcast %mul3A_1261 : i32 to vector<16xi32>
      %mul3A_1263 = arith.muli %add3A_1254, %mul3A_1262 : vector<16xi32>
      %mul3A_1264 = arith.constant 8 : i32
      %mul3A_1265 = arith.muli %add3A_295, %mul3A_1264 : i32
      %add3A_1266 = vector.broadcast %mul3A_1265 : i32 to vector<16xi32>
      %add3A_1267 = arith.addi %mul3A_1263, %add3A_1266 : vector<16xi32>
      %add3A_1268 = arith.addi %add3A_1267, %and3A_993 : vector<16xi32>
      tpu.vector_store_idx %arg12[%add3A_1268], %gather3A_1260 : memref<16384xf32, #tpu.memory_space<vmem>>[vector<16xi32>], vector<16xf32>,
      %scan3A_1269 = arith.constant 0 : i32
      scf.yield %scan3A_1269 : i32
    }
    %scan3A_280 = arith.constant 32 : i32
    %scan3A_281 = arith.constant 0 : i32
    %scan3A_282 = arith.constant 0 : i32
    %scan3A_283 = arith.constant 32 : i32
    %scan3A_284 = arith.addi %scan3A_282, %scan3A_283 : i32
    %scan3A_285 = arith.constant 1 : i32
    %scan3A_286 = scf.for %scan3A_288 = %scan3A_282 to %scan3A_284 step %scan3A_285 iter_args(%scan3A_289 = %scan3A_281) -> (i32)  : i32 {
      %mul3A_290 = arith.constant 16 : i32
      %mul3A_291 = arith.muli %scan3A_288, %mul3A_290 : i32
      %get3A_292 = arith.index_cast %mul3A_291 : i32 to index
      %get3A_293 = tpu.vector_load %arg11[%get3A_292] {strides = array<i32>} : memref<16384xf32, #tpu.memory_space<vmem>>, vector<16xf32>,
      %get3A_294 = arith.index_cast %mul3A_291 : i32 to index
      %get3A_295 = tpu.vector_load %arg12[%get3A_294] {strides = array<i32>} : memref<16384xf32, #tpu.memory_space<vmem>>, vector<16xf32>,
      %mul3A_296 = arith.mulf %get3A_293, %get3A_295 : vector<16xf32>
      %mul3A_297 = arith.constant 16 : i32
      %mul3A_298 = arith.muli %scan3A_288, %mul3A_297 : i32
      %add3A_299 = arith.constant 512 : i32
      %add3A_300 = arith.addi %add3A_299, %mul3A_298 : i32
      %get3A_301 = arith.index_cast %add3A_300 : i32 to index
      %get3A_302 = tpu.vector_load %arg11[%get3A_301] {strides = array<i32>} : memref<16384xf32, #tpu.memory_space<vmem>>, vector<16xf32>,
      %get3A_303 = arith.index_cast %add3A_300 : i32 to index
      %get3A_304 = tpu.vector_load %arg12[%get3A_303] {strides = array<i32>} : memref<16384xf32, #tpu.memory_space<vmem>>, vector<16xf32>,
      %mul3A_305 = arith.mulf %get3A_302, %get3A_304 : vector<16xf32>
      %add3A_306 = arith.addf %mul3A_296, %mul3A_305 : vector<16xf32>
      %mul3A_307 = arith.constant 16 : i32
      %mul3A_308 = arith.muli %scan3A_288, %mul3A_307 : i32
      %add3A_309 = arith.constant 1024 : i32
      %add3A_310 = arith.addi %add3A_309, %mul3A_308 : i32
      %get3A_311 = arith.index_cast %add3A_310 : i32 to index
      %get3A_312 = tpu.vector_load %arg11[%get3A_311] {strides = array<i32>} : memref<16384xf32, #tpu.memory_space<vmem>>, vector<16xf32>,
      %get3A_313 = arith.index_cast %add3A_310 : i32 to index
      %get3A_314 = tpu.vector_load %arg12[%get3A_313] {strides = array<i32>} : memref<16384xf32, #tpu.memory_space<vmem>>, vector<16xf32>,
      %mul3A_315 = arith.mulf %get3A_312, %get3A_314 : vector<16xf32>
      %add3A_316 = arith.addf %add3A_306, %mul3A_315 : vector<16xf32>
      %mul3A_317 = arith.constant 16 : i32
      %mul3A_318 = arith.muli %scan3A_288, %mul3A_317 : i32
      %add3A_319 = arith.constant 1536 : i32
      %add3A_320 = arith.addi %add3A_319, %mul3A_318 : i32
      %get3A_321 = arith.index_cast %add3A_320 : i32 to index
      %get3A_322 = tpu.vector_load %arg11[%get3A_321] {strides = array<i32>} : memref<16384xf32, #tpu.memory_space<vmem>>, vector<16xf32>,
      %get3A_323 = arith.index_cast %add3A_320 : i32 to index
      %get3A_324 = tpu.vector_load %arg12[%get3A_323] {strides = array<i32>} : memref<16384xf32, #tpu.memory_space<vmem>>, vector<16xf32>,
      %mul3A_325 = arith.mulf %get3A_322, %get3A_324 : vector<16xf32>
      %add3A_326 = arith.addf %add3A_316, %mul3A_325 : vector<16xf32>
      %mul3A_327 = arith.constant 16 : i32
      %mul3A_328 = arith.muli %scan3A_288, %mul3A_327 : i32
      %add3A_329 = arith.constant 2048 : i32
      %add3A_330 = arith.addi %add3A_329, %mul3A_328 : i32
      %get3A_331 = arith.index_cast %add3A_330 : i32 to index
      %get3A_332 = tpu.vector_load %arg11[%get3A_331] {strides = array<i32>} : memref<16384xf32, #tpu.memory_space<vmem>>, vector<16xf32>,
      %get3A_333 = arith.index_cast %add3A_330 : i32 to index
      %get3A_334 = tpu.vector_load %arg12[%get3A_333] {strides = array<i32>} : memref<16384xf32, #tpu.memory_space<vmem>>, vector<16xf32>,
      %mul3A_335 = arith.mulf %get3A_332, %get3A_334 : vector<16xf32>
      %add3A_336 = arith.addf %add3A_326, %mul3A_335 : vector<16xf32>
      %mul3A_337 = arith.constant 16 : i32
      %mul3A_338 = arith.muli %scan3A_288, %mul3A_337 : i32
      %add3A_339 = arith.constant 2560 : i32
      %add3A_340 = arith.addi %add3A_339, %mul3A_338 : i32
      %get3A_341 = arith.index_cast %add3A_340 : i32 to index
      %get3A_342 = tpu.vector_load %arg11[%get3A_341] {strides = array<i32>} : memref<16384xf32, #tpu.memory_space<vmem>>, vector<16xf32>,
      %get3A_343 = arith.index_cast %add3A_340 : i32 to index
      %get3A_344 = tpu.vector_load %arg12[%get3A_343] {strides = array<i32>} : memref<16384xf32, #tpu.memory_space<vmem>>, vector<16xf32>,
      %mul3A_345 = arith.mulf %get3A_342, %get3A_344 : vector<16xf32>
      %add3A_346 = arith.addf %add3A_336, %mul3A_345 : vector<16xf32>
      %mul3A_347 = arith.constant 16 : i32
      %mul3A_348 = arith.muli %scan3A_288, %mul3A_347 : i32
      %add3A_349 = arith.constant 3072 : i32
      %add3A_350 = arith.addi %add3A_349, %mul3A_348 : i32
      %get3A_351 = arith.index_cast %add3A_350 : i32 to index
      %get3A_352 = tpu.vector_load %arg11[%get3A_351] {strides = array<i32>} : memref<16384xf32, #tpu.memory_space<vmem>>, vector<16xf32>,
      %get3A_353 = arith.index_cast %add3A_350 : i32 to index
      %get3A_354 = tpu.vector_load %arg12[%get3A_353] {strides = array<i32>} : memref<16384xf32, #tpu.memory_space<vmem>>, vector<16xf32>,
      %mul3A_355 = arith.mulf %get3A_352, %get3A_354 : vector<16xf32>
      %add3A_356 = arith.addf %add3A_346, %mul3A_355 : vector<16xf32>
      %mul3A_357 = arith.constant 16 : i32
      %mul3A_358 = arith.muli %scan3A_288, %mul3A_357 : i32
      %add3A_359 = arith.constant 3584 : i32
      %add3A_360 = arith.addi %add3A_359, %mul3A_358 : i32
      %get3A_361 = arith.index_cast %add3A_360 : i32 to index
      %get3A_362 = tpu.vector_load %arg11[%get3A_361] {strides = array<i32>} : memref<16384xf32, #tpu.memory_space<vmem>>, vector<16xf32>,
      %get3A_363 = arith.index_cast %add3A_360 : i32 to index
      %get3A_364 = tpu.vector_load %arg12[%get3A_363] {strides = array<i32>} : memref<16384xf32, #tpu.memory_space<vmem>>, vector<16xf32>,
      %mul3A_365 = arith.mulf %get3A_362, %get3A_364 : vector<16xf32>
      %add3A_366 = arith.addf %add3A_356, %mul3A_365 : vector<16xf32>
      %mul3A_367 = arith.constant 16 : i32
      %mul3A_368 = arith.muli %scan3A_288, %mul3A_367 : i32
      %add3A_369 = arith.constant 4096 : i32
      %add3A_370 = arith.addi %add3A_369, %mul3A_368 : i32
      %get3A_371 = arith.index_cast %add3A_370 : i32 to index
      %get3A_372 = tpu.vector_load %arg11[%get3A_371] {strides = array<i32>} : memref<16384xf32, #tpu.memory_space<vmem>>, vector<16xf32>,
      %get3A_373 = arith.index_cast %add3A_370 : i32 to index
      %get3A_374 = tpu.vector_load %arg12[%get3A_373] {strides = array<i32>} : memref<16384xf32, #tpu.memory_space<vmem>>, vector<16xf32>,
      %mul3A_375 = arith.mulf %get3A_372, %get3A_374 : vector<16xf32>
      %add3A_376 = arith.addf %add3A_366, %mul3A_375 : vector<16xf32>
      %mul3A_377 = arith.constant 16 : i32
      %mul3A_378 = arith.muli %scan3A_288, %mul3A_377 : i32
      %add3A_379 = arith.constant 4608 : i32
      %add3A_380 = arith.addi %add3A_379, %mul3A_378 : i32
      %get3A_381 = arith.index_cast %add3A_380 : i32 to index
      %get3A_382 = tpu.vector_load %arg11[%get3A_381] {strides = array<i32>} : memref<16384xf32, #tpu.memory_space<vmem>>, vector<16xf32>,
      %get3A_383 = arith.index_cast %add3A_380 : i32 to index
      %get3A_384 = tpu.vector_load %arg12[%get3A_383] {strides = array<i32>} : memref<16384xf32, #tpu.memory_space<vmem>>, vector<16xf32>,
      %mul3A_385 = arith.mulf %get3A_382, %get3A_384 : vector<16xf32>
      %add3A_386 = arith.addf %add3A_376, %mul3A_385 : vector<16xf32>
      %mul3A_387 = arith.constant 16 : i32
      %mul3A_388 = arith.muli %scan3A_288, %mul3A_387 : i32
      %add3A_389 = arith.constant 5120 : i32
      %add3A_390 = arith.addi %add3A_389, %mul3A_388 : i32
      %get3A_391 = arith.index_cast %add3A_390 : i32 to index
      %get3A_392 = tpu.vector_load %arg11[%get3A_391] {strides = array<i32>} : memref<16384xf32, #tpu.memory_space<vmem>>, vector<16xf32>,
      %get3A_393 = arith.index_cast %add3A_390 : i32 to index
      %get3A_394 = tpu.vector_load %arg12[%get3A_393] {strides = array<i32>} : memref<16384xf32, #tpu.memory_space<vmem>>, vector<16xf32>,
      %mul3A_395 = arith.mulf %get3A_392, %get3A_394 : vector<16xf32>
      %add3A_396 = arith.addf %add3A_386, %mul3A_395 : vector<16xf32>
      %mul3A_397 = arith.constant 16 : i32
      %mul3A_398 = arith.muli %scan3A_288, %mul3A_397 : i32
      %add3A_399 = arith.constant 5632 : i32
      %add3A_400 = arith.addi %add3A_399, %mul3A_398 : i32
      %get3A_401 = arith.index_cast %add3A_400 : i32 to index
      %get3A_402 = tpu.vector_load %arg11[%get3A_401] {strides = array<i32>} : memref<16384xf32, #tpu.memory_space<vmem>>, vector<16xf32>,
      %get3A_403 = arith.index_cast %add3A_400 : i32 to index
      %get3A_404 = tpu.vector_load %arg12[%get3A_403] {strides = array<i32>} : memref<16384xf32, #tpu.memory_space<vmem>>, vector<16xf32>,
      %mul3A_405 = arith.mulf %get3A_402, %get3A_404 : vector<16xf32>
      %add3A_406 = arith.addf %add3A_396, %mul3A_405 : vector<16xf32>
      %mul3A_407 = arith.constant 16 : i32
      %mul3A_408 = arith.muli %scan3A_288, %mul3A_407 : i32
      %add3A_409 = arith.constant 6144 : i32
      %add3A_410 = arith.addi %add3A_409, %mul3A_408 : i32
      %get3A_411 = arith.index_cast %add3A_410 : i32 to index
      %get3A_412 = tpu.vector_load %arg11[%get3A_411] {strides = array<i32>} : memref<16384xf32, #tpu.memory_space<vmem>>, vector<16xf32>,
      %get3A_413 = arith.index_cast %add3A_410 : i32 to index
      %get3A_414 = tpu.vector_load %arg12[%get3A_413] {strides = array<i32>} : memref<16384xf32, #tpu.memory_space<vmem>>, vector<16xf32>,
      %mul3A_415 = arith.mulf %get3A_412, %get3A_414 : vector<16xf32>
      %add3A_416 = arith.addf %add3A_406, %mul3A_415 : vector<16xf32>
      %mul3A_417 = arith.constant 16 : i32
      %mul3A_418 = arith.muli %scan3A_288, %mul3A_417 : i32
      %add3A_419 = arith.constant 6656 : i32
      %add3A_420 = arith.addi %add3A_419, %mul3A_418 : i32
      %get3A_421 = arith.index_cast %add3A_420 : i32 to index
      %get3A_422 = tpu.vector_load %arg11[%get3A_421] {strides = array<i32>} : memref<16384xf32, #tpu.memory_space<vmem>>, vector<16xf32>,
      %get3A_423 = arith.index_cast %add3A_420 : i32 to index
      %get3A_424 = tpu.vector_load %arg12[%get3A_423] {strides = array<i32>} : memref<16384xf32, #tpu.memory_space<vmem>>, vector<16xf32>,
      %mul3A_425 = arith.mulf %get3A_422, %get3A_424 : vector<16xf32>
      %add3A_426 = arith.addf %add3A_416, %mul3A_425 : vector<16xf32>
      %mul3A_427 = arith.constant 16 : i32
      %mul3A_428 = arith.muli %scan3A_288, %mul3A_427 : i32
      %add3A_429 = arith.constant 7168 : i32
      %add3A_430 = arith.addi %add3A_429, %mul3A_428 : i32
      %get3A_431 = arith.index_cast %add3A_430 : i32 to index
      %get3A_432 = tpu.vector_load %arg11[%get3A_431] {strides = array<i32>} : memref<16384xf32, #tpu.memory_space<vmem>>, vector<16xf32>,
      %get3A_433 = arith.index_cast %add3A_430 : i32 to index
      %get3A_434 = tpu.vector_load %arg12[%get3A_433] {strides = array<i32>} : memref<16384xf32, #tpu.memory_space<vmem>>, vector<16xf32>,
      %mul3A_435 = arith.mulf %get3A_432, %get3A_434 : vector<16xf32>
      %add3A_436 = arith.addf %add3A_426, %mul3A_435 : vector<16xf32>
      %mul3A_437 = arith.constant 16 : i32
      %mul3A_438 = arith.muli %scan3A_288, %mul3A_437 : i32
      %add3A_439 = arith.constant 7680 : i32
      %add3A_440 = arith.addi %add3A_439, %mul3A_438 : i32
      %get3A_441 = arith.index_cast %add3A_440 : i32 to index
      %get3A_442 = tpu.vector_load %arg11[%get3A_441] {strides = array<i32>} : memref<16384xf32, #tpu.memory_space<vmem>>, vector<16xf32>,
      %get3A_443 = arith.index_cast %add3A_440 : i32 to index
      %get3A_444 = tpu.vector_load %arg12[%get3A_443] {strides = array<i32>} : memref<16384xf32, #tpu.memory_space<vmem>>, vector<16xf32>,
      %mul3A_445 = arith.mulf %get3A_442, %get3A_444 : vector<16xf32>
      %add3A_446 = arith.addf %add3A_436, %mul3A_445 : vector<16xf32>
      %mul3A_447 = arith.constant 16 : i32
      %mul3A_448 = arith.muli %scan3A_288, %mul3A_447 : i32
      %add3A_449 = arith.constant 8192 : i32
      %add3A_450 = arith.addi %add3A_449, %mul3A_448 : i32
      %get3A_451 = arith.index_cast %add3A_450 : i32 to index
      %get3A_452 = tpu.vector_load %arg11[%get3A_451] {strides = array<i32>} : memref<16384xf32, #tpu.memory_space<vmem>>, vector<16xf32>,
      %get3A_453 = arith.index_cast %add3A_450 : i32 to index
      %get3A_454 = tpu.vector_load %arg12[%get3A_453] {strides = array<i32>} : memref<16384xf32, #tpu.memory_space<vmem>>, vector<16xf32>,
      %mul3A_455 = arith.mulf %get3A_452, %get3A_454 : vector<16xf32>
      %add3A_456 = arith.addf %add3A_446, %mul3A_455 : vector<16xf32>
      %mul3A_457 = arith.constant 16 : i32
      %mul3A_458 = arith.muli %scan3A_288, %mul3A_457 : i32
      %add3A_459 = arith.constant 8704 : i32
      %add3A_460 = arith.addi %add3A_459, %mul3A_458 : i32
      %get3A_461 = arith.index_cast %add3A_460 : i32 to index
      %get3A_462 = tpu.vector_load %arg11[%get3A_461] {strides = array<i32>} : memref<16384xf32, #tpu.memory_space<vmem>>, vector<16xf32>,
      %get3A_463 = arith.index_cast %add3A_460 : i32 to index
      %get3A_464 = tpu.vector_load %arg12[%get3A_463] {strides = array<i32>} : memref<16384xf32, #tpu.memory_space<vmem>>, vector<16xf32>,
      %mul3A_465 = arith.mulf %get3A_462, %get3A_464 : vector<16xf32>
      %add3A_466 = arith.addf %add3A_456, %mul3A_465 : vector<16xf32>
      %mul3A_467 = arith.constant 16 : i32
      %mul3A_468 = arith.muli %scan3A_288, %mul3A_467 : i32
      %add3A_469 = arith.constant 9216 : i32
      %add3A_470 = arith.addi %add3A_469, %mul3A_468 : i32
      %get3A_471 = arith.index_cast %add3A_470 : i32 to index
      %get3A_472 = tpu.vector_load %arg11[%get3A_471] {strides = array<i32>} : memref<16384xf32, #tpu.memory_space<vmem>>, vector<16xf32>,
      %get3A_473 = arith.index_cast %add3A_470 : i32 to index
      %get3A_474 = tpu.vector_load %arg12[%get3A_473] {strides = array<i32>} : memref<16384xf32, #tpu.memory_space<vmem>>, vector<16xf32>,
      %mul3A_475 = arith.mulf %get3A_472, %get3A_474 : vector<16xf32>
      %add3A_476 = arith.addf %add3A_466, %mul3A_475 : vector<16xf32>
      %mul3A_477 = arith.constant 16 : i32
      %mul3A_478 = arith.muli %scan3A_288, %mul3A_477 : i32
      %add3A_479 = arith.constant 9728 : i32
      %add3A_480 = arith.addi %add3A_479, %mul3A_478 : i32
      %get3A_481 = arith.index_cast %add3A_480 : i32 to index
      %get3A_482 = tpu.vector_load %arg11[%get3A_481] {strides = array<i32>} : memref<16384xf32, #tpu.memory_space<vmem>>, vector<16xf32>,
      %get3A_483 = arith.index_cast %add3A_480 : i32 to index
      %get3A_484 = tpu.vector_load %arg12[%get3A_483] {strides = array<i32>} : memref<16384xf32, #tpu.memory_space<vmem>>, vector<16xf32>,
      %mul3A_485 = arith.mulf %get3A_482, %get3A_484 : vector<16xf32>
      %add3A_486 = arith.addf %add3A_476, %mul3A_485 : vector<16xf32>
      %mul3A_487 = arith.constant 16 : i32
      %mul3A_488 = arith.muli %scan3A_288, %mul3A_487 : i32
      %add3A_489 = arith.constant 10240 : i32
      %add3A_490 = arith.addi %add3A_489, %mul3A_488 : i32
      %get3A_491 = arith.index_cast %add3A_490 : i32 to index
      %get3A_492 = tpu.vector_load %arg11[%get3A_491] {strides = array<i32>} : memref<16384xf32, #tpu.memory_space<vmem>>, vector<16xf32>,
      %get3A_493 = arith.index_cast %add3A_490 : i32 to index
      %get3A_494 = tpu.vector_load %arg12[%get3A_493] {strides = array<i32>} : memref<16384xf32, #tpu.memory_space<vmem>>, vector<16xf32>,
      %mul3A_495 = arith.mulf %get3A_492, %get3A_494 : vector<16xf32>
      %add3A_496 = arith.addf %add3A_486, %mul3A_495 : vector<16xf32>
      %mul3A_497 = arith.constant 16 : i32
      %mul3A_498 = arith.muli %scan3A_288, %mul3A_497 : i32
      %add3A_499 = arith.constant 10752 : i32
      %add3A_500 = arith.addi %add3A_499, %mul3A_498 : i32
      %get3A_501 = arith.index_cast %add3A_500 : i32 to index
      %get3A_502 = tpu.vector_load %arg11[%get3A_501] {strides = array<i32>} : memref<16384xf32, #tpu.memory_space<vmem>>, vector<16xf32>,
      %get3A_503 = arith.index_cast %add3A_500 : i32 to index
      %get3A_504 = tpu.vector_load %arg12[%get3A_503] {strides = array<i32>} : memref<16384xf32, #tpu.memory_space<vmem>>, vector<16xf32>,
      %mul3A_505 = arith.mulf %get3A_502, %get3A_504 : vector<16xf32>
      %add3A_506 = arith.addf %add3A_496, %mul3A_505 : vector<16xf32>
      %mul3A_507 = arith.constant 16 : i32
      %mul3A_508 = arith.muli %scan3A_288, %mul3A_507 : i32
      %add3A_509 = arith.constant 11264 : i32
      %add3A_510 = arith.addi %add3A_509, %mul3A_508 : i32
      %get3A_511 = arith.index_cast %add3A_510 : i32 to index
      %get3A_512 = tpu.vector_load %arg11[%get3A_511] {strides = array<i32>} : memref<16384xf32, #tpu.memory_space<vmem>>, vector<16xf32>,
      %get3A_513 = arith.index_cast %add3A_510 : i32 to index
      %get3A_514 = tpu.vector_load %arg12[%get3A_513] {strides = array<i32>} : memref<16384xf32, #tpu.memory_space<vmem>>, vector<16xf32>,
      %mul3A_515 = arith.mulf %get3A_512, %get3A_514 : vector<16xf32>
      %add3A_516 = arith.addf %add3A_506, %mul3A_515 : vector<16xf32>
      %mul3A_517 = arith.constant 16 : i32
      %mul3A_518 = arith.muli %scan3A_288, %mul3A_517 : i32
      %add3A_519 = arith.constant 11776 : i32
      %add3A_520 = arith.addi %add3A_519, %mul3A_518 : i32
      %get3A_521 = arith.index_cast %add3A_520 : i32 to index
      %get3A_522 = tpu.vector_load %arg11[%get3A_521] {strides = array<i32>} : memref<16384xf32, #tpu.memory_space<vmem>>, vector<16xf32>,
      %get3A_523 = arith.index_cast %add3A_520 : i32 to index
      %get3A_524 = tpu.vector_load %arg12[%get3A_523] {strides = array<i32>} : memref<16384xf32, #tpu.memory_space<vmem>>, vector<16xf32>,
      %mul3A_525 = arith.mulf %get3A_522, %get3A_524 : vector<16xf32>
      %add3A_526 = arith.addf %add3A_516, %mul3A_525 : vector<16xf32>
      %mul3A_527 = arith.constant 16 : i32
      %mul3A_528 = arith.muli %scan3A_288, %mul3A_527 : i32
      %add3A_529 = arith.constant 12288 : i32
      %add3A_530 = arith.addi %add3A_529, %mul3A_528 : i32
      %get3A_531 = arith.index_cast %add3A_530 : i32 to index
      %get3A_532 = tpu.vector_load %arg11[%get3A_531] {strides = array<i32>} : memref<16384xf32, #tpu.memory_space<vmem>>, vector<16xf32>,
      %get3A_533 = arith.index_cast %add3A_530 : i32 to index
      %get3A_534 = tpu.vector_load %arg12[%get3A_533] {strides = array<i32>} : memref<16384xf32, #tpu.memory_space<vmem>>, vector<16xf32>,
      %mul3A_535 = arith.mulf %get3A_532, %get3A_534 : vector<16xf32>
      %add3A_536 = arith.addf %add3A_526, %mul3A_535 : vector<16xf32>
      %mul3A_537 = arith.constant 16 : i32
      %mul3A_538 = arith.muli %scan3A_288, %mul3A_537 : i32
      %add3A_539 = arith.constant 12800 : i32
      %add3A_540 = arith.addi %add3A_539, %mul3A_538 : i32
      %get3A_541 = arith.index_cast %add3A_540 : i32 to index
      %get3A_542 = tpu.vector_load %arg11[%get3A_541] {strides = array<i32>} : memref<16384xf32, #tpu.memory_space<vmem>>, vector<16xf32>,
      %get3A_543 = arith.index_cast %add3A_540 : i32 to index
      %get3A_544 = tpu.vector_load %arg12[%get3A_543] {strides = array<i32>} : memref<16384xf32, #tpu.memory_space<vmem>>, vector<16xf32>,
      %mul3A_545 = arith.mulf %get3A_542, %get3A_544 : vector<16xf32>
      %add3A_546 = arith.addf %add3A_536, %mul3A_545 : vector<16xf32>
      %mul3A_547 = arith.constant 16 : i32
      %mul3A_548 = arith.muli %scan3A_288, %mul3A_547 : i32
      %add3A_549 = arith.constant 13312 : i32
      %add3A_550 = arith.addi %add3A_549, %mul3A_548 : i32
      %get3A_551 = arith.index_cast %add3A_550 : i32 to index
      %get3A_552 = tpu.vector_load %arg11[%get3A_551] {strides = array<i32>} : memref<16384xf32, #tpu.memory_space<vmem>>, vector<16xf32>,
      %get3A_553 = arith.index_cast %add3A_550 : i32 to index
      %get3A_554 = tpu.vector_load %arg12[%get3A_553] {strides = array<i32>} : memref<16384xf32, #tpu.memory_space<vmem>>, vector<16xf32>,
      %mul3A_555 = arith.mulf %get3A_552, %get3A_554 : vector<16xf32>
      %add3A_556 = arith.addf %add3A_546, %mul3A_555 : vector<16xf32>
      %mul3A_557 = arith.constant 16 : i32
      %mul3A_558 = arith.muli %scan3A_288, %mul3A_557 : i32
      %add3A_559 = arith.constant 13824 : i32
      %add3A_560 = arith.addi %add3A_559, %mul3A_558 : i32
      %get3A_561 = arith.index_cast %add3A_560 : i32 to index
      %get3A_562 = tpu.vector_load %arg11[%get3A_561] {strides = array<i32>} : memref<16384xf32, #tpu.memory_space<vmem>>, vector<16xf32>,
      %get3A_563 = arith.index_cast %add3A_560 : i32 to index
      %get3A_564 = tpu.vector_load %arg12[%get3A_563] {strides = array<i32>} : memref<16384xf32, #tpu.memory_space<vmem>>, vector<16xf32>,
      %mul3A_565 = arith.mulf %get3A_562, %get3A_564 : vector<16xf32>
      %add3A_566 = arith.addf %add3A_556, %mul3A_565 : vector<16xf32>
      %mul3A_567 = arith.constant 16 : i32
      %mul3A_568 = arith.muli %scan3A_288, %mul3A_567 : i32
      %add3A_569 = arith.constant 14336 : i32
      %add3A_570 = arith.addi %add3A_569, %mul3A_568 : i32
      %get3A_571 = arith.index_cast %add3A_570 : i32 to index
      %get3A_572 = tpu.vector_load %arg11[%get3A_571] {strides = array<i32>} : memref<16384xf32, #tpu.memory_space<vmem>>, vector<16xf32>,
      %get3A_573 = arith.index_cast %add3A_570 : i32 to index
      %get3A_574 = tpu.vector_load %arg12[%get3A_573] {strides = array<i32>} : memref<16384xf32, #tpu.memory_space<vmem>>, vector<16xf32>,
      %mul3A_575 = arith.mulf %get3A_572, %get3A_574 : vector<16xf32>
      %add3A_576 = arith.addf %add3A_566, %mul3A_575 : vector<16xf32>
      %mul3A_577 = arith.constant 16 : i32
      %mul3A_578 = arith.muli %scan3A_288, %mul3A_577 : i32
      %add3A_579 = arith.constant 14848 : i32
      %add3A_580 = arith.addi %add3A_579, %mul3A_578 : i32
      %get3A_581 = arith.index_cast %add3A_580 : i32 to index
      %get3A_582 = tpu.vector_load %arg11[%get3A_581] {strides = array<i32>} : memref<16384xf32, #tpu.memory_space<vmem>>, vector<16xf32>,
      %get3A_583 = arith.index_cast %add3A_580 : i32 to index
      %get3A_584 = tpu.vector_load %arg12[%get3A_583] {strides = array<i32>} : memref<16384xf32, #tpu.memory_space<vmem>>, vector<16xf32>,
      %mul3A_585 = arith.mulf %get3A_582, %get3A_584 : vector<16xf32>
      %add3A_586 = arith.addf %add3A_576, %mul3A_585 : vector<16xf32>
      %mul3A_587 = arith.constant 16 : i32
      %mul3A_588 = arith.muli %scan3A_288, %mul3A_587 : i32
      %add3A_589 = arith.constant 15360 : i32
      %add3A_590 = arith.addi %add3A_589, %mul3A_588 : i32
      %get3A_591 = arith.index_cast %add3A_590 : i32 to index
      %get3A_592 = tpu.vector_load %arg11[%get3A_591] {strides = array<i32>} : memref<16384xf32, #tpu.memory_space<vmem>>, vector<16xf32>,
      %get3A_593 = arith.index_cast %add3A_590 : i32 to index
      %get3A_594 = tpu.vector_load %arg12[%get3A_593] {strides = array<i32>} : memref<16384xf32, #tpu.memory_space<vmem>>, vector<16xf32>,
      %mul3A_595 = arith.mulf %get3A_592, %get3A_594 : vector<16xf32>
      %add3A_596 = arith.addf %add3A_586, %mul3A_595 : vector<16xf32>
      %mul3A_597 = arith.constant 16 : i32
      %mul3A_598 = arith.muli %scan3A_288, %mul3A_597 : i32
      %add3A_599 = arith.constant 15872 : i32
      %add3A_600 = arith.addi %add3A_599, %mul3A_598 : i32
      %get3A_601 = arith.index_cast %add3A_600 : i32 to index
      %get3A_602 = tpu.vector_load %arg11[%get3A_601] {strides = array<i32>} : memref<16384xf32, #tpu.memory_space<vmem>>, vector<16xf32>,
      %get3A_603 = arith.index_cast %add3A_600 : i32 to index
      %get3A_604 = tpu.vector_load %arg12[%get3A_603] {strides = array<i32>} : memref<16384xf32, #tpu.memory_space<vmem>>, vector<16xf32>,
      %mul3A_605 = arith.mulf %get3A_602, %get3A_604 : vector<16xf32>
      %add3A_606 = arith.addf %add3A_596, %mul3A_605 : vector<16xf32>
      %neg3A = arith.constant 0.000000e+00 : f32
      %neg3A_607 = vector.broadcast %neg3A : f32 to vector<16xf32>
      %neg3A_608 = arith.subf %neg3A_607, %add3A_606 : vector<16xf32>
      %exp3A = math.exp %neg3A_608 : vector<16xf32>
      %add3A_609 = arith.constant 1.000000e+00 : f32
      %add3A_610 = vector.broadcast %add3A_609 : f32 to vector<16xf32>
      %add3A_611 = arith.addf %add3A_610, %exp3A : vector<16xf32>
      %div3A = arith.constant 1.000000e+00 : f32
      %div3A_612 = vector.broadcast %div3A : f32 to vector<16xf32>
      %div3A_613 = arith.divf %div3A_612, %add3A_611 : vector<16xf32>
      %swap3A = arith.index_cast %mul3A_291 : i32 to index
      %swap3A_614 = tpu.vector_load %arg13[%swap3A] {strides = array<i32>} : memref<512xf32, #tpu.memory_space<vmem>>, vector<16xf32>,
      tpu.vector_store %arg13[%swap3A], %div3A_613 {strides = array<i32>} : memref<512xf32, #tpu.memory_space<vmem>>, vector<16xf32>,
      %scan3A_615 = arith.constant 0 : i32
      scf.yield %scan3A_615 : i32
    }
    %scan3A_287 = arith.constant 32 : i32
    "tpu.region"() ({
      %run_scoped3A = tpu.sem_alloc : memref<!tpu.dma_semaphore, #tpu.memory_space<semaphore_mem>>
      %dma_start3A_288 = tpu.memref_slice %arg6[%mul3A_2] : memref<16384xf32, #tpu.memory_space<hbm>> -> memref<512xf32, #tpu.memory_space<hbm>>
      %dma_start3A_289 = tpu.memref_slice %arg6[%mul3A_2] : memref<16384xf32, #tpu.memory_space<hbm>> -> memref<512xf32, #tpu.memory_space<hbm>>
      tpu.enqueue_dma source(%arg13 : memref<512xf32, #tpu.memory_space<vmem>>) target(%dma_start3A_289 : memref<512xf32, #tpu.memory_space<hbm>>) target_semaphore(%run_scoped3A : memref<!tpu.dma_semaphore, #tpu.memory_space<semaphore_mem>>)
      %dma_wait3A = tpu.memref_slice %arg6[%mul3A_2] : memref<16384xf32, #tpu.memory_space<hbm>> -> memref<512xf32, #tpu.memory_space<hbm>>
      %dma_wait3A_290 = tpu.memref_slice %arg6[%mul3A_2] : memref<16384xf32, #tpu.memory_space<hbm>> -> memref<512xf32, #tpu.memory_space<hbm>>
      tpu.wait_dma2 semaphore(%run_scoped3A : memref<!tpu.dma_semaphore, #tpu.memory_space<semaphore_mem>>) src(%arg13 : memref<512xf32, #tpu.memory_space<vmem>>) dst(%dma_wait3A_290 : memref<512xf32, #tpu.memory_space<hbm>>)
      tpu.yield
    }) : () -> ()
    return
  }
}

</mosaic_0001>

<sc_bundles>
// kernel: _run.3.cloned.1.call-start
scs
__scs_entry_jumppad:
0x0: {  	(pc) =	sbr.rel $0x88, $3  }
0x1: {  	(tag) =	ssettag $0x0;
	lr =	simm.s32 $0x1  }
0x2: {  	[smem:$0x3F9D] =	sst lr;
	_ =	strace $0xD0000000  }
0x3: {  	_ = 	snop  }
0x4: {  	_ = 	snop  }
0x5: {  	_ = 	snop  }
0x6: {  	_ = 	snop  }
0x7: {  	_ = 	snop  }
__scs_overlays_trampoline_lowered:
0x8: {  	[smem:$0x3FAC] =	sst s0  }
0x9: {  	[smem:$0x3FAD] =	sst s1  }
0xa: {  	[smem:$0x3FAE] =	sst s2  }
0xb: {  	[smem:$0x3FAF] =	sst s3  }
0xc: {  	[smem:$0x3FB0] =	sst s4  }
0xd: {  	[smem:$0x3FB1] =	sst s5  }
0xe: {  	[smem:$0x3FB2] =	sst s6  }
0xf: {  	[smem:$0x3FB3] =	sst s7  }
0x10: {  	[smem:$0x3FB4] =	sst s8  }
0x11: {  	[smem:$0x3FB5] =	sst s9;
	s0 =	simm.s32 @!p0 $0x0  }
0x12: {  	s1 =	sld [smem:$0x3F9B];
	s0 =	simm.s32 @p0 $0x1  }
0x13: {  	[smem:$0x3FB6] =	sst s0;
	s0 =	simm.s32 @!p1 $0x0  }
0x14: {  	s2 =	sld [smem:$0x3F9A];
	s0 =	simm.s32 @p1 $0x1  }
0x15: {  	[smem:$0x3FB7] =	sst s0;
	s0 =	simm.s32 @!p2 $0x0  }
0x16: {  	s3 =	sld [smem:$0x3FDB];
	s0 =	simm.s32 @p2 $0x1  }
0x17: {  	s4 =	simm.s32 $0x1BF5;
	[smem:$0x3FB9] =	sst s0  }
0x18: {  	s0 =	sld [smem:$0x3F9C];
	_ =	swait.ge [sflag:s4], $0x0  }
0x19: {  	s7 =	sld [smem:$0x3F9D]  }
0x1a: {  	s8 =	sadd.s32 $0xFFFFE003, lr  }
0x1b: {  	s9 =	sadd.s32 $0xFFFFFEF7, lr;
	s5 =	simm.s32 $0xFFFFFFFF;
	p2 =	slt.u32 s8, $0xFFFFF086  }
0x1c: {  	p1 =	slt.u32 s9, $0xF7A;
	s5 =	simm.s32 @!p2 $0x0  }
0x1d: {  	s5 =	simm.s32 @p1 $0x1;
	p0 =	seq.s32 s7, s2  }
0x1e: {  	s7 =	smul.u32 @!p0 $0xF7A, s2;
	p2 =	seq.s32 @!p0 s5, $0x0  }
0x1f: {  	s9 =	smul.u32 $0xF7A, s1;
	s8 =	simm.s32 @!p0 $0x1BF5;
	p2 =	por !p2, p0  }
0x20: {  	[sflag:s8] =	ssyncset.s32 @!p0 $0xFFFFF086;
	s6 =	sadd.s32 @!p0 s3, s7;
	s7 =	simm.s32 @!p0 $0x108  }
0x21: {  	s3 =	sadd.s32 s3, s9;
	s6 =	sadd.s32 @!p0 $0x88, s6;
	s7 =	simm.s32 @p2 $0x1082  }
0x22: {  	[simem:s7], [sflag:s8] =	dma.local @!p0 [hbm:s6], $0xF7A  }
0x23: {  	s9 =	sor.u32 $0xD0000000, s2;
	s6 =	simm.s32 $0x108;
	_ =	swait.ge @!p0 [sflag:s8], $0x0  }
0x24: {  	s3 =	sadd.s32 $0x88, s3;
	s6 =	simm.s32 @!p1 $0x1082;
	[sflag:s4] =	ssyncset.s32 $0xFFFFF086  }
0x25: {  	[simem:s6], [sflag:s4] =	dma.local [hbm:s3], $0xF7A  }
0x26: {  	[smem:$0x3F9D] =	sst s1;
	(tag) =	ssettag s2;
	_ =	strace s9  }
0x27: {  	s1 =	sld [smem:$0x3FAD]  }
0x28: {  	s2 =	sld [smem:$0x3FAE]  }
0x29: {  	s4 =	sld [smem:$0x3FB0]  }
0x2a: {  	p0 =	seq.s32 s5, $0x0;
	s5 =	sld [smem:$0x3FB1]  }
0x2b: {  	s6 =	sld [smem:$0x3FB2]  }
0x2c: {  	s7 =	sld [smem:$0x3FB3]  }
0x2d: {  	s3 =	simm.s32 $0x108;
	s8 =	sld [smem:$0x3FB4]  }
0x2e: {  	s3 =	simm.s32 @!p0 $0x1082;
	s9 =	sld [smem:$0x3FB5]  }
0x2f: {  	lr =	sadd.s32 s0, s3;
	s0 =	sld [smem:$0x3FAC]  }
0x30: {  	s3 =	sld [smem:$0x3FAF]  }
0x31: {  	[smem:$0x3FB8] =	sst s10  }
0x32: {  	s10 =	sld [smem:$0x3FB6];
	_ =	sdelay $0x3  }
0x33: {  	p0 =	seq.s32 s10, $0x1;
	s10 =	sld [smem:$0x3FB8];
	_ =	sdelay $0x3  }
0x34: {  	[smem:$0x3FB8] =	sst s10  }
0x35: {  	s10 =	sld [smem:$0x3FB7];
	_ =	sdelay $0x3  }
0x36: {  	p1 =	seq.s32 s10, $0x1;
	s10 =	sld [smem:$0x3FB8];
	_ =	sdelay $0x3  }
0x37: {  	[smem:$0x3FB8] =	sst s10  }
0x38: {  	s10 =	sld [smem:$0x3FB9]  }
0x39: {  	_ = 	snop;
	(pc) =	sbr.ind lr, $3  }
0x3a: {  	_ = 	snop  }
0x3b: {  	_ = 	snop  }
0x3c: {  	p2 =	seq.s32 s10, $0x1;
	s10 =	sld [smem:$0x3FB8]  }
0x3d: {  	_ =	shalt  }
0x3e: {  	_ =	shalt  }
0x3f: {  	_ =	shalt  }
0x40: {  	_ =	shalt  }
0x41: {  	_ =	shalt  }
0x42: {  	_ =	shalt  }
0x43: {  	_ =	shalt  }
0x44: {  	_ =	shalt  }
0x45: {  	_ =	shalt  }
0x46: {  	_ =	shalt  }
0x47: {  	_ =	shalt  }
0x48: {  	_ =	shalt  }
0x49: {  	_ =	shalt  }
0x4a: {  	_ =	shalt  }
0x4b: {  	_ =	shalt  }
0x4c: {  	_ =	shalt  }
0x4d: {  	_ =	shalt  }
0x4e: {  	_ =	shalt  }
0x4f: {  	_ =	shalt  }
0x50: {  	_ =	shalt  }
0x51: {  	_ =	shalt  }
0x52: {  	_ =	shalt  }
0x53: {  	_ =	shalt  }
0x54: {  	_ =	shalt  }
0x55: {  	_ =	shalt  }
0x56: {  	_ =	shalt  }
0x57: {  	_ =	shalt  }
0x58: {  	_ =	shalt  }
0x59: {  	_ =	shalt  }
0x5a: {  	_ =	shalt  }
0x5b: {  	_ =	shalt  }
0x5c: {  	_ =	shalt  }
0x5d: {  	_ =	shalt  }
0x5e: {  	_ =	shalt  }
0x5f: {  	_ =	shalt  }
0x60: {  	_ =	shalt  }
0x61: {  	_ =	shalt  }
0x62: {  	_ =	shalt  }
0x63: {  	_ =	shalt  }
0x64: {  	_ =	shalt  }
0x65: {  	_ =	shalt  }
0x66: {  	_ =	shalt  }
0x67: {  	_ =	shalt  }
0x68: {  	_ =	shalt  }
0x69: {  	_ =	shalt  }
0x6a: {  	_ =	shalt  }
0x6b: {  	_ =	shalt  }
0x6c: {  	_ =	shalt  }
0x6d: {  	_ =	shalt  }
0x6e: {  	_ =	shalt  }
0x6f: {  	_ =	shalt  }
0x70: {  	_ =	shalt  }
0x71: {  	_ =	shalt  }
0x72: {  	_ =	shalt  }
0x73: {  	_ =	shalt  }
0x74: {  	_ =	shalt  }
0x75: {  	_ =	shalt  }
0x76: {  	_ =	shalt  }
0x77: {  	_ =	shalt  }
0x78: {  	_ =	shalt  }
0x79: {  	_ =	shalt  }
0x7a: {  	_ =	shalt  }
0x7b: {  	_ =	shalt  }
0x7c: {  	_ =	shalt  }
0x7d: {  	_ =	shalt  }
0x7e: {  	_ =	shalt  }
0x7f: {  	_ =	shalt  }
0x80: {  	_ =	shalt  }
0x81: {  	_ =	shalt  }
0x82: {  	_ =	shalt  }
0x83: {  	_ =	shalt  }
0x84: {  	_ =	shalt  }
0x85: {  	_ =	shalt  }
0x86: {  	_ =	shalt  }
0x87: {  	_ =	shalt  }
.Lfunc_end0:
.L_simem_size_0:
called_computation_lowered:
.L_overlay_start_0:
0x88: {  	s2 =	sld [smem:$0x3FD9]  }
0x89: {  	s3 =	sld [smem:$0x3FFE];
	_ =	sdelay $0x1  }
0x8a: {  	s1 =	srdreg.scid  }
0x8b: {  	s0 =	sand.u32 $0x1, s1  }
0x8c: {  	s18 =	sshll.u32 s0, $0xA;
	s2 =	sadd.s32 s3, s2  }
0x8d: {  	s2 =	sadd.s32 s2, s18  }
0x8e: {  	[smem:$0x3FC4] =	sst s2  }
0x8f: {  	_ = 	snop  }
0x90: {  	s2 =	sld [smem:$0x3FC9]  }
0x91: {  	s19 =	sld [smem:$0x3FC8]  }
0x92: {  	s4 =	sld [smem:$0x3FC7]  }
0x93: {  	s5 =	sld [smem:$0x3FC6]  }
0x94: {  	s6 =	sld [smem:$0x3FD0];
	(tm) =	ssettm $0x1  }
0x95: {  	s7 =	sld [smem:$0x3FFB];
	_ =	sdelay $0x3  }
0x96: {  	_ =	strace s7  }
0x97: {  	s7 =	sld [smem:$0x3FFC];
	_ =	sdelay $0x3  }
0x98: {  	_ =	strace s7  }
0x99: {  	s7 =	sld [smem:$0x3FFD];
	_ =	sdelay $0x3  }
0x9a: {  	_ =	strace s7  }
0x9b: {  	_ =	strace $0x8FFFFFFF  }
0x9c: {  	s20 =	sld [smem:$0x3FDB];
	_ =	sdelay $0x1  }
0x9d: {  	s8 =	simm.s32 $_scs_section_size  }
0x9e: {  	s9 =	simm.s32 $_size__tile_overlayer_lowered;
	s10 =	simm.s32 $_tile_overlayer_lowered  }
0x9f: {  	s23 =	simm.s32 $0x1BFF;
	s22 =	sshll.u32 s10, $0x1;
	s7 =	sadd.s32 s8, s20  }
0xa0: {  	s11 =	simm.s32 $0x0;
	s21 =	sshll.u32 s9, $0x1;
	s9 =	sadd.s32 s22, s7  }
0xa1: {  	[timem:s11], [sflag:s23] =	dma.local [hbm:s9], s21  }
0xa2: {  	_ =	swait.ge [sflag:s23], s21  }
0xa3: {  	s8 =	ssub.s32 $0x0, s21;
	[sflag:s23] =	ssyncset.done $0x0  }
0xa4: {  	[sflag:s23] =	ssyncadd.s32 s8;
	_ =	sdelay $0x1  }
0xa5: {  	s24 =	simm.s32 $0x1B8B  }
0xa6: {  	_ =	swait.ge [sflag:s24], $0x1  }
0xa7: {  	[sflag:s24] =	ssyncset.done $0x0  }
0xa8: {  	s25 =	simm.s32 $0x1B8E;
	[sflag:s24] =	ssyncadd.s32 $0xFFFFFFFF  }
0xa9: {  	s26 =	simm.s32 $execute0_lowered;
	[smem:$0x3FD2] =	sst s25  }
0xaa: {  	s8 =	sshll.u32 s26, $0x1;
	_ =	strace $0x80000046;
	[dreg:$0x1] =	wrdreg $0xFFFFFFFF  }
0xab: {  	s28 =	simm.s32 $_size_execute0_lowered;
	s7 =	sadd.s32 s7, s8;
	[dreg:$0x0] =	wrdreg $0x0  }
0xac: {  	s8 =	sshll.u32 s28, $0x1;
	[dreg:$0x2] =	wrdreg s7  }
0xad: {  	[dreg:$0x3] =	wrdreg s8  }
0xae: {  	[dreg:$0x4] =	wrdreg $0xC0  }
0xaf: {  	_ =	task [dreg:s11], $0x5FFFF  }
0xb0: {  	[dreg:$0x1] =	wrdreg $0xFFFFFFFF  }
0xb1: {  	[dreg:$0x0] =	wrdreg $0x60  }
0xb2: {  	[dreg:$0x2] =	wrdreg s2  }
0xb3: {  	[dreg:$0x3] =	wrdreg s19  }
0xb4: {  	[dreg:$0x4] =	wrdreg s4  }
0xb5: {  	[dreg:$0x5] =	wrdreg s5  }
0xb6: {  	[dreg:$0x6] =	wrdreg s6  }
0xb7: {  	[dreg:$0x7] =	wrdreg $0x9  }
0xb8: {  	_ =	task.clear_ibuf [dreg:s11], $0x8FFFF;
	_ =	strace $0x90000046  }
0xb9: {  	s29 =	simm.s32 $0x9;
	_ =	strace $0x80000048  }
0xba: {  	_ =	swait.ge [sflag:s29], $0x1  }
0xbb: {  	[sflag:s29] =	ssyncadd.s32 $0xFFFFFFFF  }
0xbc: {  	_ =	strace $0x90000048  }
0xbd: {  	_ =	sfence  }
0xbe: {  	s30 =	sld [smem:$0x0];
	_ =	sdelay $0x2  }
0xbf: {  	s31 =	sshll.u32 s1, $0xD;
	s1 =	sshrl.u32 s1, $0x2  }
0xc0: {  	s3 =	sand.u32 $0x4000, s31;
	s1 =	sadd.s32 s1, s30  }
0xc1: {  	s0 =	sor.u32 s3, s0;
	s1 =	sshll.u32 s1, $0x11  }
0xc2: {  	s0 =	sor.u32 s1, s0  }
0xc3: {  	s0 =	sadd.s32 $0x8F2B, s0  }
0xc4: {  	[sflag:s0] =	ssyncadd.remote.s32 $0x1  }
0xc5: {  	_ =	sfence.sel $0xFFFF  }
0xc6: {  	[dreg:$0x0] =	wrdreg $0xFFFFFFFF;
	(pc) =	sbr.abs _section_cstart, $3  }
0xc7: {  	[dreg:$0x1] =	wrdreg $0xFFFFFFFF  }
0xc8: {  	_ =	task.clear_ibuf [dreg:s11], $0x2FFFF;
	_ =	strace $0x9FFFFFFF  }
0xc9: {  	(tm) =	ssettm $0x7FFFFFFF  }
tec
execute0_lowered:
.L_overlay_start_1:
0x0: {  	(tag) =	ssettag $0x1  }
0x1: {  	v0 =	vimm.s32 $0x7080;
	vm14 =	vcmask $0x300;
	vm13 =	vcmask $0x704  }
0x2: {  	vm12 =	vcmask $0xB08;
	vm11 =	vcmask $0xF0C;
	v1 =	vimm.s32 $0x76543210  }
0x3: {  	vm10 =	vcmask $0x1310;
	v2 =	vlaneseq.u32;
	vm9 =	vcmask $0x1714  }
0x4: {  	vm8 =	vcmask $0x1B18;
	vm7 =	vcmask $0x1F1C;
	vm0 =	vcmask $0x1F00  }
0x5: {  	vm6 =	vcmask $0x2320;
	vm5 =	vcmask $0x2724;
	vm4 =	vcmask $0x2B28  }
0x6: {  	vm2 =	vcmask $0x2F2C;
	vm3 =	vcmask $0x3330;
	vm1 =	vcmask $0x3734  }
0x7: {  	vm15 =	vcmask $0x3B38;
	v5 =	vimm.s32 $0x7280;
	v6 =	vimm.s32 $0xA07  }
0x8: {  	v7 =	vimm.s32 $0x7380;
	v8 =	vimm.s32 $0xE07;
	v9 =	vimm.s32 $0x7480  }
0x9: {  	v10 =	vimm.s32 $0x1207;
	v11 =	vimm.s32 $0x7580;
	v12 =	vimm.s32 $0x1607  }
0xa: {  	v13 =	vimm.s32 $0x7680;
	v14 =	vimm.s32 $0x1A07;
	v15 =	vimm.s32 $0x7780  }
0xb: {  	v16 =	vimm.s32 $0x1E07;
	v17 =	vimm.s32 $0x7880;
	v18 =	vimm.s32 $0x2207  }
0xc: {  	v19 =	vimm.s32 $0x7980;
	v20 =	vimm.s32 $0x2607;
	v21 =	vimm.s32 $0x7A80  }
0xd: {  	v22 =	vimm.s32 $0x2A07;
	v23 =	vimm.s32 $0x7B80;
	v24 =	vimm.s32 $0x2E07  }
0xe: {  	v25 =	vimm.s32 $0x7C80;
	v26 =	vimm.s32 $0x3207;
	v27 =	vimm.s32 $0x7D80  }
0xf: {  	v28 =	vimm.s32 $0x3607;
	v29 =	vimm.s32 $0x7E80;
	v30 =	vimm.s32 $0x3A07  }
0x10: {  	v31 =	vimm.s32 $0x7F80;
	v32 =	vimm.s32 $0x3E07;
	v0 =	vsel vm14, $0x0, v0  }
0x11: {  	v1 =	vunpack.c.l.s4.s8 v1;
	v5 =	vsel vm14, $0x200, v5;
	v6 =	vsel vm14, $0x800, v6  }
0x12: {  	v7 =	vsel vm14, $0x300, v7;
	v8 =	vsel vm14, $0xC00, v8;
	v9 =	vsel vm14, $0x400, v9  }
0x13: {  	v10 =	vsel vm14, $0x1000, v10;
	v11 =	vsel vm14, $0x500, v11;
	v12 =	vsel vm14, $0x1400, v12  }
0x14: {  	v13 =	vsel vm14, $0x600, v13;
	v14 =	vsel vm14, $0x1800, v14;
	v15 =	vsel vm14, $0x700, v15  }
0x15: {  	v16 =	vsel vm14, $0x1C00, v16;
	v17 =	vsel vm14, $0x800, v17;
	v18 =	vsel vm14, $0x2000, v18  }
0x16: {  	v19 =	vsel vm14, $0x900, v19;
	v20 =	vsel vm14, $0x2400, v20;
	v21 =	vsel vm14, $0xA00, v21  }
0x17: {  	v22 =	vsel vm14, $0x2800, v22;
	v23 =	vsel vm14, $0xB00, v23;
	v24 =	vsel vm14, $0x2C00, v24  }
0x18: {  	v25 =	vsel vm14, $0xC00, v25;
	v26 =	vsel vm14, $0x3000, v26;
	v27 =	vsel vm14, $0xD00, v27  }
0x19: {  	v28 =	vsel vm14, $0x3400, v28;
	v29 =	vsel vm14, $0xE00, v29;
	v30 =	vsel vm14, $0x3800, v30  }
0x1a: {  	v31 =	vsel vm14, $0xF00, v31;
	v32 =	vsel vm14, $0x3C00, v32;
	v0 =	vsel vm13, $0x1000, v0  }
0x1b: {  	v5 =	vsel vm13, $0x1200, v5;
	v6 =	vsel vm13, $0x801, v6;
	v7 =	vsel vm13, $0x1300, v7  }
0x1c: {  	v8 =	vsel vm13, $0xC01, v8;
	v9 =	vsel vm13, $0x1400, v9;
	v10 =	vsel vm13, $0x1001, v10  }
0x1d: {  	v11 =	vsel vm13, $0x1500, v11;
	v12 =	vsel vm13, $0x1401, v12;
	v13 =	vsel vm13, $0x1600, v13  }
0x1e: {  	v14 =	vsel vm13, $0x1801, v14;
	v15 =	vsel vm13, $0x1700, v15;
	v16 =	vsel vm13, $0x1C01, v16  }
0x1f: {  	v17 =	vsel vm13, $0x1800, v17;
	v18 =	vsel vm13, $0x2001, v18;
	v19 =	vsel vm13, $0x1900, v19  }
0x20: {  	v20 =	vsel vm13, $0x2401, v20;
	v21 =	vsel vm13, $0x1A00, v21;
	v22 =	vsel vm13, $0x2801, v22  }
0x21: {  	v23 =	vsel vm13, $0x1B00, v23;
	v24 =	vsel vm13, $0x2C01, v24;
	v25 =	vsel vm13, $0x1C00, v25  }
0x22: {  	v26 =	vsel vm13, $0x3001, v26;
	v27 =	vsel vm13, $0x1D00, v27;
	v28 =	vsel vm13, $0x3401, v28  }
0x23: {  	v29 =	vsel vm13, $0x1E00, v29;
	v30 =	vsel vm13, $0x3801, v30;
	v31 =	vsel vm13, $0x1F00, v31  }
0x24: {  	v32 =	vsel vm13, $0x3C01, v32;
	v0 =	vsel vm12, $0x2000, v0;
	v1 =	vunpack.c.0.s8.s32 v1  }
0x25: {  	v5 =	vsel vm12, $0x2200, v5;
	v6 =	vsel vm12, $0x802, v6;
	v7 =	vsel vm12, $0x2300, v7  }
0x26: {  	v8 =	vsel vm12, $0xC02, v8;
	v9 =	vsel vm12, $0x2400, v9;
	v10 =	vsel vm12, $0x1002, v10  }
0x27: {  	v11 =	vsel vm12, $0x2500, v11;
	v12 =	vsel vm12, $0x1402, v12;
	v13 =	vsel vm12, $0x2600, v13  }
0x28: {  	v14 =	vsel vm12, $0x1802, v14;
	v15 =	vsel vm12, $0x2700, v15;
	v16 =	vsel vm12, $0x1C02, v16  }
0x29: {  	v17 =	vsel vm12, $0x2800, v17;
	v18 =	vsel vm12, $0x2002, v18;
	v19 =	vsel vm12, $0x2900, v19  }
0x2a: {  	v20 =	vsel vm12, $0x2402, v20;
	v21 =	vsel vm12, $0x2A00, v21;
	v22 =	vsel vm12, $0x2802, v22  }
0x2b: {  	v23 =	vsel vm12, $0x2B00, v23;
	v24 =	vsel vm12, $0x2C02, v24;
	v25 =	vsel vm12, $0x2C00, v25  }
0x2c: {  	v26 =	vsel vm12, $0x3002, v26;
	v27 =	vsel vm12, $0x2D00, v27;
	v28 =	vsel vm12, $0x3402, v28  }
0x2d: {  	v29 =	vsel vm12, $0x2E00, v29;
	v30 =	vsel vm12, $0x3802, v30;
	v31 =	vsel vm12, $0x2F00, v31  }
0x2e: {  	v32 =	vsel vm12, $0x3C02, v32;
	v0 =	vsel vm11, $0x3000, v0;
	v5 =	vsel vm11, $0x3200, v5  }
0x2f: {  	v6 =	vsel vm11, $0x803, v6;
	v7 =	vsel vm11, $0x3300, v7;
	v8 =	vsel vm11, $0xC03, v8  }
0x30: {  	v9 =	vsel vm11, $0x3400, v9;
	v10 =	vsel vm11, $0x1003, v10;
	v11 =	vsel vm11, $0x3500, v11  }
0x31: {  	v12 =	vsel vm11, $0x1403, v12;
	v13 =	vsel vm11, $0x3600, v13;
	v14 =	vsel vm11, $0x1803, v14  }
0x32: {  	v15 =	vsel vm11, $0x3700, v15;
	v16 =	vsel vm11, $0x1C03, v16;
	v17 =	vsel vm11, $0x3800, v17  }
0x33: {  	v18 =	vsel vm11, $0x2003, v18;
	v19 =	vsel vm11, $0x3900, v19;
	v20 =	vsel vm11, $0x2403, v20  }
0x34: {  	v21 =	vsel vm11, $0x3A00, v21;
	v22 =	vsel vm11, $0x2803, v22;
	v23 =	vsel vm11, $0x3B00, v23  }
0x35: {  	v24 =	vsel vm11, $0x2C03, v24;
	v25 =	vsel vm11, $0x3C00, v25;
	v26 =	vsel vm11, $0x3003, v26  }
0x36: {  	v27 =	vsel vm11, $0x3D00, v27;
	v28 =	vsel vm11, $0x3403, v28;
	v29 =	vsel vm11, $0x3E00, v29  }
0x37: {  	v30 =	vsel vm11, $0x3803, v30;
	v31 =	vsel vm11, $0x3F00, v31;
	v32 =	vsel vm11, $0x3C03, v32  }
0x38: {  	v0 =	vsel vm10, $0x4000, v0;
	v1 =	vnsel vm0, $0x207, v1;
	v5 =	vsel vm10, $0x4200, v5  }
0x39: {  	v6 =	vsel vm10, $0x804, v6;
	v7 =	vsel vm10, $0x4300, v7;
	v8 =	vsel vm10, $0xC04, v8  }
0x3a: {  	v9 =	vsel vm10, $0x4400, v9;
	v10 =	vsel vm10, $0x1004, v10;
	v11 =	vsel vm10, $0x4500, v11  }
0x3b: {  	v12 =	vsel vm10, $0x1404, v12;
	v13 =	vsel vm10, $0x4600, v13;
	v14 =	vsel vm10, $0x1804, v14  }
0x3c: {  	v15 =	vsel vm10, $0x4700, v15;
	v16 =	vsel vm10, $0x1C04, v16;
	v17 =	vsel vm10, $0x4800, v17  }
0x3d: {  	v18 =	vsel vm10, $0x2004, v18;
	v19 =	vsel vm10, $0x4900, v19;
	v20 =	vsel vm10, $0x2404, v20  }
0x3e: {  	v21 =	vsel vm10, $0x4A00, v21;
	v22 =	vsel vm10, $0x2804, v22;
	v23 =	vsel vm10, $0x4B00, v23  }
0x3f: {  	v24 =	vsel vm10, $0x2C04, v24;
	v25 =	vsel vm10, $0x4C00, v25;
	v26 =	vsel vm10, $0x3004, v26  }
0x40: {  	v27 =	vsel vm10, $0x4D00, v27;
	v28 =	vsel vm10, $0x3404, v28;
	v29 =	vsel vm10, $0x4E00, v29  }
0x41: {  	v30 =	vsel vm10, $0x3804, v30;
	v31 =	vsel vm10, $0x4F00, v31;
	v32 =	vsel vm10, $0x3C04, v32  }
0x42: {  	v0 =	vsel vm9, $0x5000, v0;
	v1 =	vsel vm6, $0x200, v1;
	v5 =	vsel vm9, $0x5200, v5  }
0x43: {  	v6 =	vsel vm9, $0x805, v6;
	v7 =	vsel vm9, $0x5300, v7;
	v8 =	vsel vm9, $0xC05, v8  }
0x44: {  	v9 =	vsel vm9, $0x5400, v9;
	v10 =	vsel vm9, $0x1005, v10;
	v11 =	vsel vm9, $0x5500, v11  }
0x45: {  	v12 =	vsel vm9, $0x1405, v12;
	v13 =	vsel vm9, $0x5600, v13;
	v14 =	vsel vm9, $0x1805, v14  }
0x46: {  	v15 =	vsel vm9, $0x5700, v15;
	v16 =	vsel vm9, $0x1C05, v16;
	v17 =	vsel vm9, $0x5800, v17  }
0x47: {  	v18 =	vsel vm9, $0x2005, v18;
	v19 =	vsel vm9, $0x5900, v19;
	v20 =	vsel vm9, $0x2405, v20  }
0x48: {  	v21 =	vsel vm9, $0x5A00, v21;
	v22 =	vsel vm9, $0x2805, v22;
	v23 =	vsel vm9, $0x5B00, v23  }
0x49: {  	v24 =	vsel vm9, $0x2C05, v24;
	v25 =	vsel vm9, $0x5C00, v25;
	v26 =	vsel vm9, $0x3005, v26  }
0x4a: {  	v27 =	vsel vm9, $0x5D00, v27;
	v28 =	vsel vm9, $0x3405, v28;
	v29 =	vsel vm9, $0x5E00, v29  }
0x4b: {  	v30 =	vsel vm9, $0x3805, v30;
	v31 =	vsel vm9, $0x5F00, v31;
	v32 =	vsel vm9, $0x3C05, v32  }
0x4c: {  	v0 =	vsel vm8, $0x6000, v0;
	v1 =	vsel vm5, $0x201, v1;
	v5 =	vsel vm8, $0x6200, v5  }
0x4d: {  	v6 =	vsel vm8, $0x806, v6;
	v7 =	vsel vm8, $0x6300, v7;
	v8 =	vsel vm8, $0xC06, v8  }
0x4e: {  	v9 =	vsel vm8, $0x6400, v9;
	v10 =	vsel vm8, $0x1006, v10;
	v11 =	vsel vm8, $0x6500, v11  }
0x4f: {  	v12 =	vsel vm8, $0x1406, v12;
	v13 =	vsel vm8, $0x6600, v13;
	v14 =	vsel vm8, $0x1806, v14  }
0x50: {  	v15 =	vsel vm8, $0x6700, v15;
	v16 =	vsel vm8, $0x1C06, v16;
	v17 =	vsel vm8, $0x6800, v17  }
0x51: {  	v18 =	vsel vm8, $0x2006, v18;
	v19 =	vsel vm8, $0x6900, v19;
	v20 =	vsel vm8, $0x2406, v20  }
0x52: {  	v21 =	vsel vm8, $0x6A00, v21;
	v22 =	vsel vm8, $0x2806, v22;
	v23 =	vsel vm8, $0x6B00, v23  }
0x53: {  	v24 =	vsel vm8, $0x2C06, v24;
	v25 =	vsel vm8, $0x6C00, v25;
	v26 =	vsel vm8, $0x3006, v26  }
0x54: {  	v27 =	vsel vm8, $0x6D00, v27;
	v28 =	vsel vm8, $0x3406, v28;
	v29 =	vsel vm8, $0x6E00, v29  }
0x55: {  	v30 =	vsel vm8, $0x3806, v30;
	v31 =	vsel vm8, $0x6F00, v31;
	v32 =	vsel vm8, $0x3C06, v32  }
0x56: {  	v0 =	vsel vm7, $0x7000, v0;
	v1 =	vsel vm4, $0x202, v1;
	v5 =	vsel vm7, $0x7200, v5  }
0x57: {  	v6 =	vsel vm7, $0x807, v6;
	v7 =	vsel vm7, $0x7300, v7;
	v8 =	vsel vm7, $0xC07, v8  }
0x58: {  	v9 =	vsel vm7, $0x7400, v9;
	v10 =	vsel vm7, $0x1007, v10;
	v11 =	vsel vm7, $0x7500, v11  }
0x59: {  	v12 =	vsel vm7, $0x1407, v12;
	v13 =	vsel vm7, $0x7600, v13;
	v14 =	vsel vm7, $0x1807, v14  }
0x5a: {  	v15 =	vsel vm7, $0x7700, v15;
	v16 =	vsel vm7, $0x1C07, v16;
	v17 =	vsel vm7, $0x7800, v17  }
0x5b: {  	v18 =	vsel vm7, $0x2007, v18;
	v19 =	vsel vm7, $0x7900, v19;
	v20 =	vsel vm7, $0x2407, v20  }
0x5c: {  	v21 =	vsel vm7, $0x7A00, v21;
	v22 =	vsel vm7, $0x2807, v22;
	v23 =	vsel vm7, $0x7B00, v23  }
0x5d: {  	v24 =	vsel vm7, $0x2C07, v24;
	v25 =	vsel vm7, $0x7C00, v25;
	v26 =	vsel vm7, $0x3007, v26  }
0x5e: {  	v27 =	vsel vm7, $0x7D00, v27;
	v28 =	vsel vm7, $0x3407, v28;
	v29 =	vsel vm7, $0x7E00, v29  }
0x5f: {  	v30 =	vsel vm7, $0x3807, v30;
	v31 =	vsel vm7, $0x7F00, v31;
	v32 =	vsel vm7, $0x3C07, v32  }
0x60: {  	v0 =	vsel vm6, $0x80, v0;
	v1 =	vsel vm2, $0x203, v1;
	v5 =	vsel vm6, $0x280, v5  }
0x61: {  	v6 =	vsel vm6, $0xA00, v6;
	v7 =	vsel vm6, $0x380, v7;
	v8 =	vsel vm6, $0xE00, v8  }
0x62: {  	v9 =	vsel vm6, $0x480, v9;
	v10 =	vsel vm6, $0x1200, v10;
	v11 =	vsel vm6, $0x580, v11  }
0x63: {  	v12 =	vsel vm6, $0x1600, v12;
	v13 =	vsel vm6, $0x680, v13;
	v14 =	vsel vm6, $0x1A00, v14  }
0x64: {  	v15 =	vsel vm6, $0x780, v15;
	v16 =	vsel vm6, $0x1E00, v16;
	v17 =	vsel vm6, $0x880, v17  }
0x65: {  	v18 =	vsel vm6, $0x2200, v18;
	v19 =	vsel vm6, $0x980, v19;
	v20 =	vsel vm6, $0x2600, v20  }
0x66: {  	v21 =	vsel vm6, $0xA80, v21;
	v22 =	vsel vm6, $0x2A00, v22;
	v23 =	vsel vm6, $0xB80, v23  }
0x67: {  	v24 =	vsel vm6, $0x2E00, v24;
	v25 =	vsel vm6, $0xC80, v25;
	v26 =	vsel vm6, $0x3200, v26  }
0x68: {  	v27 =	vsel vm6, $0xD80, v27;
	v28 =	vsel vm6, $0x3600, v28;
	v29 =	vsel vm6, $0xE80, v29  }
0x69: {  	v30 =	vsel vm6, $0x3A00, v30;
	v31 =	vsel vm6, $0xF80, v31;
	v32 =	vsel vm6, $0x3E00, v32  }
0x6a: {  	v0 =	vsel vm5, $0x1080, v0;
	v1 =	vsel vm3, $0x204, v1;
	v5 =	vsel vm5, $0x1280, v5  }
0x6b: {  	v6 =	vsel vm5, $0xA01, v6;
	v7 =	vsel vm5, $0x1380, v7;
	v8 =	vsel vm5, $0xE01, v8  }
0x6c: {  	v9 =	vsel vm5, $0x1480, v9;
	v10 =	vsel vm5, $0x1201, v10;
	v11 =	vsel vm5, $0x1580, v11  }
0x6d: {  	v12 =	vsel vm5, $0x1601, v12;
	v13 =	vsel vm5, $0x1680, v13;
	v14 =	vsel vm5, $0x1A01, v14  }
0x6e: {  	v15 =	vsel vm5, $0x1780, v15;
	v16 =	vsel vm5, $0x1E01, v16;
	v17 =	vsel vm5, $0x1880, v17  }
0x6f: {  	v18 =	vsel vm5, $0x2201, v18;
	v19 =	vsel vm5, $0x1980, v19;
	v20 =	vsel vm5, $0x2601, v20  }
0x70: {  	v21 =	vsel vm5, $0x1A80, v21;
	v22 =	vsel vm5, $0x2A01, v22;
	v23 =	vsel vm5, $0x1B80, v23  }
0x71: {  	v24 =	vsel vm5, $0x2E01, v24;
	v25 =	vsel vm5, $0x1C80, v25;
	v26 =	vsel vm5, $0x3201, v26  }
0x72: {  	v27 =	vsel vm5, $0x1D80, v27;
	v28 =	vsel vm5, $0x3601, v28;
	v29 =	vsel vm5, $0x1E80, v29  }
0x73: {  	v30 =	vsel vm5, $0x3A01, v30;
	v31 =	vsel vm5, $0x1F80, v31;
	v32 =	vsel vm5, $0x3E01, v32  }
0x74: {  	v0 =	vsel vm4, $0x2080, v0;
	v4 =	vsel vm1, $0x205, v1;
	v5 =	vsel vm4, $0x2280, v5  }
0x75: {  	v6 =	vsel vm4, $0xA02, v6;
	v7 =	vsel vm4, $0x2380, v7;
	v8 =	vsel vm4, $0xE02, v8  }
0x76: {  	v9 =	vsel vm4, $0x2480, v9;
	v10 =	vsel vm4, $0x1202, v10;
	v11 =	vsel vm4, $0x2580, v11  }
0x77: {  	v12 =	vsel vm4, $0x1602, v12;
	v13 =	vsel vm4, $0x2680, v13;
	v14 =	vsel vm4, $0x1A02, v14  }
0x78: {  	v15 =	vsel vm4, $0x2780, v15;
	v16 =	vsel vm4, $0x1E02, v16;
	v17 =	vsel vm4, $0x2880, v17  }
0x79: {  	v18 =	vsel vm4, $0x2202, v18;
	v19 =	vsel vm4, $0x2980, v19;
	v20 =	vsel vm4, $0x2602, v20  }
0x7a: {  	v21 =	vsel vm4, $0x2A80, v21;
	v22 =	vsel vm4, $0x2A02, v22;
	v23 =	vsel vm4, $0x2B80, v23  }
0x7b: {  	v24 =	vsel vm4, $0x2E02, v24;
	v25 =	vsel vm4, $0x2C80, v25;
	v26 =	vsel vm4, $0x3202, v26  }
0x7c: {  	v27 =	vsel vm4, $0x2D80, v27;
	v28 =	vsel vm4, $0x3602, v28;
	v29 =	vsel vm4, $0x2E80, v29  }
0x7d: {  	v30 =	vsel vm4, $0x3A02, v30;
	v31 =	vsel vm4, $0x2F80, v31;
	v32 =	vsel vm4, $0x3E02, v32  }
0x7e: {  	v0 =	vsel vm2, $0x3080, v0;
	v5 =	vsel vm2, $0x3280, v5;
	v6 =	vsel vm2, $0xA03, v6  }
0x7f: {  	v7 =	vsel vm2, $0x3380, v7;
	v8 =	vsel vm2, $0xE03, v8;
	v9 =	vsel vm2, $0x3480, v9  }
0x80: {  	v10 =	vsel vm2, $0x1203, v10;
	v11 =	vsel vm2, $0x3580, v11;
	v12 =	vsel vm2, $0x1603, v12  }
0x81: {  	v13 =	vsel vm2, $0x3680, v13;
	v14 =	vsel vm2, $0x1A03, v14;
	v15 =	vsel vm2, $0x3780, v15  }
0x82: {  	v16 =	vsel vm2, $0x1E03, v16;
	v17 =	vsel vm2, $0x3880, v17;
	v18 =	vsel vm2, $0x2203, v18  }
0x83: {  	v19 =	vsel vm2, $0x3980, v19;
	v20 =	vsel vm2, $0x2603, v20;
	v21 =	vsel vm2, $0x3A80, v21  }
0x84: {  	v22 =	vsel vm2, $0x2A03, v22;
	v23 =	vsel vm2, $0x3B80, v23;
	v24 =	vsel vm2, $0x2E03, v24  }
0x85: {  	v25 =	vsel vm2, $0x3C80, v25;
	v26 =	vsel vm2, $0x3203, v26;
	v27 =	vsel vm2, $0x3D80, v27  }
0x86: {  	v28 =	vsel vm2, $0x3603, v28;
	v29 =	vsel vm2, $0x3E80, v29;
	v30 =	vsel vm2, $0x3A03, v30  }
0x87: {  	v31 =	vsel vm2, $0x3F80, v31;
	v32 =	vsel vm2, $0x3E03, v32;
	v0 =	vsel vm3, $0x4080, v0  }
0x88: {  	v5 =	vsel vm3, $0x4280, v5;
	v6 =	vsel vm3, $0xA04, v6;
	v7 =	vsel vm3, $0x4380, v7  }
0x89: {  	v8 =	vsel vm3, $0xE04, v8;
	v9 =	vsel vm3, $0x4480, v9;
	v10 =	vsel vm3, $0x1204, v10  }
0x8a: {  	v11 =	vsel vm3, $0x4580, v11;
	v12 =	vsel vm3, $0x1604, v12;
	v13 =	vsel vm3, $0x4680, v13  }
0x8b: {  	v14 =	vsel vm3, $0x1A04, v14;
	v15 =	vsel vm3, $0x4780, v15;
	v16 =	vsel vm3, $0x1E04, v16  }
0x8c: {  	v17 =	vsel vm3, $0x4880, v17;
	v18 =	vsel vm3, $0x2204, v18;
	v19 =	vsel vm3, $0x4980, v19  }
0x8d: {  	v20 =	vsel vm3, $0x2604, v20;
	v21 =	vsel vm3, $0x4A80, v21;
	v22 =	vsel vm3, $0x2A04, v22  }
0x8e: {  	v23 =	vsel vm3, $0x4B80, v23;
	v24 =	vsel vm3, $0x2E04, v24;
	v25 =	vsel vm3, $0x4C80, v25  }
0x8f: {  	v26 =	vsel vm3, $0x3204, v26;
	v27 =	vsel vm3, $0x4D80, v27;
	v28 =	vsel vm3, $0x3604, v28  }
0x90: {  	v29 =	vsel vm3, $0x4E80, v29;
	v30 =	vsel vm3, $0x3A04, v30;
	v31 =	vsel vm3, $0x4F80, v31  }
0x91: {  	v32 =	vsel vm3, $0x3E04, v32;
	v3 =	vsel vm1, $0x5080, v0;
	v0 =	vand.u32 $0x7, v2  }
0x92: {  	v2 =	vsel vm15, $0x206, v4;
	v4 =	vimm.s32 $0x607;
	v5 =	vsel vm1, $0x5280, v5  }
0x93: {  	v6 =	vsel vm1, $0xA05, v6;
	v7 =	vsel vm1, $0x5380, v7;
	v8 =	vsel vm1, $0xE05, v8  }
0x94: {  	v9 =	vsel vm1, $0x5480, v9;
	v10 =	vsel vm1, $0x1205, v10;
	v11 =	vsel vm1, $0x5580, v11  }
0x95: {  	v12 =	vsel vm1, $0x1605, v12;
	v13 =	vsel vm1, $0x5680, v13;
	v14 =	vsel vm1, $0x1A05, v14  }
0x96: {  	v15 =	vsel vm1, $0x5780, v15;
	v16 =	vsel vm1, $0x1E05, v16;
	v17 =	vsel vm1, $0x5880, v17  }
0x97: {  	v18 =	vsel vm1, $0x2205, v18;
	v19 =	vsel vm1, $0x5980, v19;
	v20 =	vsel vm1, $0x2605, v20  }
0x98: {  	v21 =	vsel vm1, $0x5A80, v21;
	v22 =	vsel vm1, $0x2A05, v22;
	v23 =	vsel vm1, $0x5B80, v23  }
0x99: {  	v24 =	vsel vm1, $0x2E05, v24;
	v25 =	vsel vm1, $0x5C80, v25;
	v26 =	vsel vm1, $0x3205, v26  }
0x9a: {  	v27 =	vsel vm1, $0x5D80, v27;
	v28 =	vsel vm1, $0x3605, v28;
	v29 =	vsel vm1, $0x5E80, v29  }
0x9b: {  	v30 =	vsel vm1, $0x3A05, v30;
	v31 =	vsel vm1, $0x5F80, v31;
	v32 =	vsel vm1, $0x3E05, v32  }
0x9c: {  	v1 =	vsel vm15, $0x6080, v3;
	v3 =	vimm.s32 $0x7180;
	v4 =	vsel vm14, $0x400, v4  }
0x9d: {  	v5 =	vsel vm15, $0x6280, v5;
	v6 =	vsel vm15, $0xA06, v6;
	v7 =	vsel vm15, $0x6380, v7  }
0x9e: {  	s2 =	rddreg [dreg:$0x0];
	v8 =	vsel vm15, $0xE06, v8;
	v9 =	vsel vm15, $0x6480, v9;
	v10 =	vsel vm15, $0x1206, v10  }
0x9f: {  	s4 =	rddreg [dreg:$0x1];
	v11 =	vsel vm15, $0x6580, v11;
	v12 =	vsel vm15, $0x1606, v12;
	v13 =	vsel vm15, $0x6680, v13  }
0xa0: {  	s0 =	rddreg [dreg:$0x2];
	v14 =	vsel vm15, $0x1A06, v14;
	v15 =	vsel vm15, $0x6780, v15;
	v16 =	vsel vm15, $0x1E06, v16  }
0xa1: {  	s1 =	rddreg [dreg:$0x3];
	v17 =	vsel vm15, $0x6880, v17;
	v18 =	vsel vm15, $0x2206, v18;
	v3 =	vsel vm14, $0x100, v3  }
0xa2: {  	s5 =	rddreg [dreg:$0x4];
	s6 =	srdreg.scid;
	v19 =	vsel vm15, $0x6980, v19;
	v4 =	vsel vm13, $0x401, v4;
	v3 =	vsel vm13, $0x1100, v3  }
0xa3: {  	s3 =	simm.s32 $0x0;
	s9 =	stileid.u32;
	s10 =	simm.s32 $0x400;
	v20 =	vsel vm15, $0x2606, v20;
	v4 =	vsel vm12, $0x402, v4;
	v3 =	vsel vm12, $0x2100, v3  }
0xa4: {  	s11 =	simm.s32 $0x3;
	s12 =	simm.s32 $0x7A1400;
	s13 =	simm.s32 $0x500;
	v21 =	vsel vm15, $0x6A80, v21;
	v4 =	vsel vm11, $0x403, v4;
	v3 =	vsel vm11, $0x3100, v3  }
0xa5: {  	s17 =	simm.s32 $0x4500;
	s18 =	simm.s32 $0x5500;
	s19 =	simm.s32 $0x6500;
	v22 =	vsel vm15, $0x2A06, v22;
	v4 =	vsel vm10, $0x404, v4;
	v3 =	vsel vm10, $0x4100, v3  }
0xa6: {  	s20 =	simm.s32 $0x7500;
	s21 =	simm.s32 $0x8500;
	s22 =	simm.s32 $0x9500;
	v23 =	vsel vm15, $0x6B80, v23;
	v4 =	vsel vm9, $0x405, v4;
	v3 =	vsel vm9, $0x5100, v3  }
0xa7: {  	s23 =	simm.s32 $0xA500;
	s24 =	simm.s32 $0xB500;
	s28 =	simm.s32 $0xE500;
	v24 =	vsel vm15, $0x2E06, v24;
	v4 =	vsel vm8, $0x406, v4;
	v3 =	vsel vm8, $0x6100, v3  }
0xa8: {  	s29 =	simm.s32 $0xF500;
	s30 =	simm.s32 $0x1;
	s6 =	sand.u32 $0x1, s6;
	v25 =	vsel vm15, $0x6C80, v25;
	v4 =	vsel vm7, $0x407, v4;
	v3 =	vsel vm7, $0x7100, v3  }
0xa9: {  	s9 =	sshll.u32 s9, $0x7;
	s7 =	ssub.s32 $0x2, s6;
	s6 =	sshll.u32 s6, $0x6;
	v26 =	vsel vm15, $0x3206, v26;
	v4 =	vsel vm6, $0x600, v4;
	v3 =	vsel vm6, $0x180, v3  }
0xaa: {  	s31 =	simm.s32 $0x10500;
	[smem:$0x7FF] =	sst s3;
	s6 =	sor.u32 s6, s9;
	v27 =	vsel vm15, $0x6D80, v27;
	v4 =	vsel vm5, $0x601, v4;
	v3 =	vsel vm5, $0x1180, v3  }
0xab: {  	_ =	strace $0x80000047;
	s8 =	sshrl.u32 s7, $0x1;
	s2 =	sadd.s32 s2, s6;
	v28 =	vsel vm15, $0x3606, v28;
	v4 =	vsel vm4, $0x602, v4;
	v3 =	vsel vm4, $0x2180, v3  }
0xac: {  	s9 =	simm.s32 $0x0;
	s25 =	sadd.s32 s4, s6;
	[dreg:$0x6] =	wrdreg s2;
	v29 =	vsel vm15, $0x6E80, v29;
	v4 =	vsel vm2, $0x603, v4;
	v3 =	vsel vm2, $0x3180, v3  }
0xad: {  	s8 =	ssub.s32 s7, s8;
	s26 =	sadd.s32 s5, s6;
	[dreg:$0x7] =	wrdreg s25;
	v30 =	vsel vm15, $0x3A06, v30;
	v4 =	vsel vm3, $0x604, v4;
	v3 =	vsel vm3, $0x4180, v3  }
0xae: {  	s4 =	simm.s32 $0x14500;
	[dreg:$0x8] =	wrdreg s26;
	s8 =	smax.u32 s8, $0x1;
	v31 =	vsel vm15, $0x6F80, v31;
	v4 =	vsel vm1, $0x605, v4;
	v3 =	vsel vm1, $0x5180, v3  }
0xaf: {  	s25 =	simm.s32 $0xC500;
	s26 =	simm.s32 $0xD500;
	s2 =	simm.s32 $0x2;
	v32 =	vsel vm15, $0x3E06, v32;
	v4 =	vsel vm15, $0x606, v4;
	v3 =	vsel vm15, $0x6180, v3  }
.LBB2_1:
0xb0: {  	s5 =	rddreg [dreg:$0x6]  }
0xb1: {  	[tilespmem:s3], [sflag:$0x3] =	stream.linear.gather [hbm4b:s5+s3], $0x200, $0x38;
	[tilespmem:$0x18700] =	vst v63  }
0xb2: {  	_ =	swait.ge [sflag:s11], $0x200  }
0xb3: {  	[sflag:s11] =	ssyncset.done $0x0  }
0xb4: {  	s6 =	simm.s32 $0x280;
	s7 =	rddreg [dreg:$0x7];
	[sflag:s11] =	ssyncadd.s32 $0xFFFFFE00  }
0xb5: {  	[tilespmem:s6], [sflag:$0x3] =	stream.linear.gather [hbm4b:s7+s3], $0x200, $0x38;
	[tilespmem:$0x18700] =	vst v63  }
0xb6: {  	_ =	swait.ge [sflag:s11], $0x200  }
0xb7: {  	[sflag:s11] =	ssyncset.done $0x0  }
0xb8: {  	[sflag:s11] =	ssyncadd.s32 $0xFFFFFE00  }
0xb9: {  	v33 =	vld [tilespmem:$0x0];
	_ =	sdelay $0x4  }
0xba: {  	v33 =	vand.u32 $0xFFFFFF80, v33  }
0xbb: {  	v33 =	vadd.s32 s0, v33  }
0xbc: {  	(v2sf) =	vpush v33, $0x0;
	_ =	sdelay $0x1  }
0xbd: {  	(v2sf) =	vpush v33, $0x1;
	_ =	sdelay $0x1  }
0xbe: {  	(v2sf) =	vpush v33, $0x2;
	_ =	sdelay $0x1  }
0xbf: {  	(v2sf) =	vpush v33, $0x3;
	_ =	sdelay $0x1  }
0xc0: {  	(v2sf) =	vpush v33, $0x4;
	_ =	sdelay $0x1  }
0xc1: {  	(v2sf) =	vpush v33, $0x5;
	_ =	sdelay $0x1  }
0xc2: {  	(v2sf) =	vpush v33, $0x6;
	_ =	sdelay $0x1  }
0xc3: {  	(v2sf) =	vpush v33, $0x7  }
0xc4: {  	s14 =	spop (v2sf)  }
0xc5: {  	[tilespmem:s13], [sflag:$0x1] =	stream.strided.gather [hbm4b:s14+s10], $0x1000, s12, s10, $0x38;
	[tilespmem:$0x18700] =	vst v63  }
0xc6: {  	s16 =	simm.s32 $0x1500;
	s15 =	spop (v2sf)  }
0xc7: {  	[tilespmem:s16], [sflag:$0x1] =	stream.strided.gather [hbm4b:s15+s10], $0x1000, s12, s10, $0x38;
	[tilespmem:$0x18700] =	vst v63  }
0xc8: {  	s14 =	simm.s32 $0x2500;
	s7 =	spop (v2sf)  }
0xc9: {  	[tilespmem:s14], [sflag:$0x1] =	stream.strided.gather [hbm4b:s7+s10], $0x1000, s12, s10, $0x38;
	[tilespmem:$0x18700] =	vst v63  }
0xca: {  	s15 =	spop (v2sf);
	s16 =	simm.s32 $0x3500  }
0xcb: {  	[tilespmem:s16], [sflag:$0x1] =	stream.strided.gather [hbm4b:s15+s10], $0x1000, s12, s10, $0x38;
	[tilespmem:$0x18700] =	vst v63  }
0xcc: {  	s7 =	spop (v2sf)  }
0xcd: {  	[tilespmem:s17], [sflag:$0x1] =	stream.strided.gather [hbm4b:s7+s10], $0x1000, s12, s10, $0x38;
	[tilespmem:$0x18700] =	vst v63  }
0xce: {  	s14 =	spop (v2sf)  }
0xcf: {  	[tilespmem:s18], [sflag:$0x1] =	stream.strided.gather [hbm4b:s14+s10], $0x1000, s12, s10, $0x38;
	[tilespmem:$0x18700] =	vst v63  }
0xd0: {  	s15 =	spop (v2sf)  }
0xd1: {  	[tilespmem:s19], [sflag:$0x1] =	stream.strided.gather [hbm4b:s15+s10], $0x1000, s12, s10, $0x38;
	[tilespmem:$0x18700] =	vst v63  }
0xd2: {  	s5 =	simm.s32 $0x8;
	s16 =	spop (v2sf);
	s14 =	simm.s32 $0x0  }
0xd3: {  	[tilespmem:s20], [sflag:$0x1] =	stream.strided.gather [hbm4b:s16+s10], $0x1000, s12, s10, $0x38;
	[tilespmem:$0x18700] =	vst v63  }
.LBB2_2:
0xd4: {  	v33 =	vld [tilespmem:s5+$0x0];
	_ =	sdelay $0x4  }
0xd5: {  	v33 =	vand.u32 $0xFFFFFF80, v33  }
0xd6: {  	v33 =	vadd.s32 s0, v33  }
0xd7: {  	(v2sf) =	vpush v33, $0x0;
	_ =	sdelay $0x1  }
0xd8: {  	(v2sf) =	vpush v33, $0x1;
	_ =	sdelay $0x1  }
0xd9: {  	(v2sf) =	vpush v33, $0x2;
	_ =	sdelay $0x1  }
0xda: {  	(v2sf) =	vpush v33, $0x3;
	_ =	sdelay $0x1  }
0xdb: {  	(v2sf) =	vpush v33, $0x4;
	_ =	sdelay $0x1  }
0xdc: {  	(v2sf) =	vpush v33, $0x5;
	_ =	sdelay $0x1  }
0xdd: {  	(v2sf) =	vpush v33, $0x6;
	_ =	sdelay $0x1  }
0xde: {  	(v2sf) =	vpush v33, $0x7  }
0xdf: {  	s6 =	spop (v2sf)  }
0xe0: {  	[tilespmem:s21], [sflag:$0x2] =	stream.strided.gather [hbm4b:s6+s10], $0x1000, s12, s10, $0x38;
	[tilespmem:$0x18700] =	vst v63  }
0xe1: {  	s15 =	spop (v2sf)  }
0xe2: {  	[tilespmem:s22], [sflag:$0x2] =	stream.strided.gather [hbm4b:s15+s10], $0x1000, s12, s10, $0x38;
	[tilespmem:$0x18700] =	vst v63  }
0xe3: {  	s16 =	spop (v2sf)  }
0xe4: {  	[tilespmem:s23], [sflag:$0x2] =	stream.strided.gather [hbm4b:s16+s10], $0x1000, s12, s10, $0x38;
	[tilespmem:$0x18700] =	vst v63  }
0xe5: {  	s7 =	spop (v2sf)  }
0xe6: {  	[tilespmem:s24], [sflag:$0x2] =	stream.strided.gather [hbm4b:s7+s10], $0x1000, s12, s10, $0x38;
	[tilespmem:$0x18700] =	vst v63  }
0xe7: {  	s15 =	spop (v2sf)  }
0xe8: {  	[tilespmem:s25], [sflag:$0x2] =	stream.strided.gather [hbm4b:s15+s10], $0x1000, s12, s10, $0x38;
	[tilespmem:$0x18700] =	vst v63  }
0xe9: {  	s16 =	spop (v2sf)  }
0xea: {  	[tilespmem:s26], [sflag:$0x2] =	stream.strided.gather [hbm4b:s16+s10], $0x1000, s12, s10, $0x38;
	[tilespmem:$0x18700] =	vst v63  }
0xeb: {  	s7 =	spop (v2sf)  }
0xec: {  	[tilespmem:s28], [sflag:$0x2] =	stream.strided.gather [hbm4b:s7+s10], $0x1000, s12, s10, $0x38;
	[tilespmem:$0x18700] =	vst v63  }
0xed: {  	s15 =	spop (v2sf)  }
0xee: {  	[tilespmem:s29], [sflag:$0x2] =	stream.strided.gather [hbm4b:s15+s10], $0x1000, s12, s10, $0x38;
	[tilespmem:$0x18700] =	vst v63  }
0xef: {  	_ =	swait.ge [sflag:s30], $0x1000  }
0xf0: {  	[sflag:s30] =	ssyncset.done $0x0  }
0xf1: {  	[sflag:s30] =	ssyncadd.s32 $0xFFFFF000  }
0xf2: {  	_ =	swait.ge [sflag:s30], $0x1000  }
0xf3: {  	[sflag:s30] =	ssyncset.done $0x0  }
0xf4: {  	[sflag:s30] =	ssyncadd.s32 $0xFFFFF000  }
0xf5: {  	_ =	swait.ge [sflag:s30], $0x1000  }
0xf6: {  	[sflag:s30] =	ssyncset.done $0x0  }
0xf7: {  	[sflag:s30] =	ssyncadd.s32 $0xFFFFF000  }
0xf8: {  	_ =	swait.ge [sflag:s30], $0x1000  }
0xf9: {  	[sflag:s30] =	ssyncset.done $0x0  }
0xfa: {  	[sflag:s30] =	ssyncadd.s32 $0xFFFFF000  }
0xfb: {  	_ =	swait.ge [sflag:s30], $0x1000  }
0xfc: {  	[sflag:s30] =	ssyncset.done $0x0  }
0xfd: {  	[sflag:s30] =	ssyncadd.s32 $0xFFFFF000  }
0xfe: {  	_ =	swait.ge [sflag:s30], $0x1000  }
0xff: {  	[sflag:s30] =	ssyncset.done $0x0  }
0x100: {  	[sflag:s30] =	ssyncadd.s32 $0xFFFFF000  }
0x101: {  	_ =	swait.ge [sflag:s30], $0x1000  }
0x102: {  	[sflag:s30] =	ssyncset.done $0x0  }
0x103: {  	[sflag:s30] =	ssyncadd.s32 $0xFFFFF000  }
0x104: {  	_ =	swait.ge [sflag:s30], $0x1000  }
0x105: {  	[sflag:s30] =	ssyncset.done $0x0  }
0x106: {  	[sflag:s30] =	ssyncadd.s32 $0xFFFFF000  }
0x107: {  	v51 =	vld [tilespmem:s5+$0xFFFFFFF8];
	_ =	sdelay $0x4  }
0x108: {  	v33 =	vperm.xlane v51, v0;
	_ =	sdelay $0x1  }
0x109: {  	v33 =	vand.u32 $0x7F, v33  }
0x10a: {  	v34 =	vor.u32 v1, v33;
	_ =	sdelay $0x4  }
0x10b: {  	v35 =	vor.u32 s14, v2;
	v34 =	vld.idx.msk [tilespmem:v34+s13+$0x0], $0xffff  }
0x10c: {  	v36 =	vor.u32 v3, v33;
	_ =	sdelay $0x3  }
0x10d: {  	[tilespmem:v35+s31+$0x0] =	vst.idx.msk $0xffff, v34  }
0x10e: {  	v52 =	vor.u32 s14, v4;
	v34 =	vld.idx.msk [tilespmem:v36+s13+$0x0], $0xffff  }
0x10f: {  	v53 =	vor.u32 v5, v33;
	_ =	sdelay $0x3  }
0x110: {  	[tilespmem:v52+s31+$0x0] =	vst.idx.msk $0xffff, v34  }
0x111: {  	v54 =	vor.u32 s14, v6;
	v34 =	vld.idx.msk [tilespmem:v53+s13+$0x0], $0xffff  }
0x112: {  	v55 =	vor.u32 v7, v33;
	_ =	sdelay $0x3  }
0x113: {  	[tilespmem:v54+s31+$0x0] =	vst.idx.msk $0xffff, v34  }
0x114: {  	v56 =	vor.u32 s14, v8;
	v34 =	vld.idx.msk [tilespmem:v55+s13+$0x0], $0xffff  }
0x115: {  	v57 =	vor.u32 v9, v33;
	_ =	sdelay $0x3  }
0x116: {  	[tilespmem:v56+s31+$0x0] =	vst.idx.msk $0xffff, v34  }
0x117: {  	v58 =	vor.u32 s14, v10;
	v34 =	vld.idx.msk [tilespmem:v57+s13+$0x0], $0xffff  }
0x118: {  	v59 =	vor.u32 v11, v33;
	_ =	sdelay $0x3  }
0x119: {  	[tilespmem:v58+s31+$0x0] =	vst.idx.msk $0xffff, v34  }
0x11a: {  	v60 =	vor.u32 s14, v12;
	v34 =	vld.idx.msk [tilespmem:v59+s13+$0x0], $0xffff  }
0x11b: {  	v61 =	vor.u32 v13, v33;
	_ =	sdelay $0x3  }
0x11c: {  	[tilespmem:v60+s31+$0x0] =	vst.idx.msk $0xffff, v34  }
0x11d: {  	v62 =	vor.u32 s14, v14;
	v34 =	vld.idx.msk [tilespmem:v61+s13+$0x0], $0xffff  }
0x11e: {  	v63 =	vor.u32 v15, v33;
	_ =	sdelay $0x3  }
0x11f: {  	[tilespmem:v62+s31+$0x0] =	vst.idx.msk $0xffff, v34  }
0x120: {  	v40 =	vor.u32 s14, v16;
	v34 =	vld.idx.msk [tilespmem:v63+s13+$0x0], $0xffff  }
0x121: {  	v41 =	vor.u32 v17, v33;
	_ =	sdelay $0x3  }
0x122: {  	[tilespmem:v40+s31+$0x0] =	vst.idx.msk $0xffff, v34  }
0x123: {  	v42 =	vor.u32 s14, v18;
	v34 =	vld.idx.msk [tilespmem:v41+s13+$0x0], $0xffff  }
0x124: {  	v43 =	vor.u32 v19, v33;
	_ =	sdelay $0x3  }
0x125: {  	[tilespmem:v42+s31+$0x0] =	vst.idx.msk $0xffff, v34  }
0x126: {  	v44 =	vor.u32 s14, v20;
	v34 =	vld.idx.msk [tilespmem:v43+s13+$0x0], $0xffff  }
0x127: {  	v45 =	vor.u32 v21, v33;
	_ =	sdelay $0x3  }
0x128: {  	[tilespmem:v44+s31+$0x0] =	vst.idx.msk $0xffff, v34  }
0x129: {  	v46 =	vor.u32 s14, v22;
	v34 =	vld.idx.msk [tilespmem:v45+s13+$0x0], $0xffff  }
0x12a: {  	v47 =	vor.u32 v23, v33;
	_ =	sdelay $0x3  }
0x12b: {  	[tilespmem:v46+s31+$0x0] =	vst.idx.msk $0xffff, v34  }
0x12c: {  	v48 =	vor.u32 s14, v24;
	v34 =	vld.idx.msk [tilespmem:v47+s13+$0x0], $0xffff  }
0x12d: {  	v49 =	vor.u32 v25, v33;
	_ =	sdelay $0x3  }
0x12e: {  	[tilespmem:v48+s31+$0x0] =	vst.idx.msk $0xffff, v34  }
0x12f: {  	v50 =	vor.u32 s14, v26;
	v34 =	vld.idx.msk [tilespmem:v49+s13+$0x0], $0xffff  }
0x130: {  	v51 =	vor.u32 v27, v33;
	_ =	sdelay $0x3  }
0x131: {  	[tilespmem:v50+s31+$0x0] =	vst.idx.msk $0xffff, v34  }
0x132: {  	v52 =	vor.u32 s14, v28;
	v34 =	vld.idx.msk [tilespmem:v51+s13+$0x0], $0xffff  }
0x133: {  	v53 =	vor.u32 v29, v33;
	_ =	sdelay $0x3  }
0x134: {  	[tilespmem:v52+s31+$0x0] =	vst.idx.msk $0xffff, v34  }
0x135: {  	v54 =	vor.u32 s14, v30;
	v34 =	vld.idx.msk [tilespmem:v53+s13+$0x0], $0xffff  }
0x136: {  	v33 =	vor.u32 v31, v33;
	_ =	sdelay $0x3  }
0x137: {  	[tilespmem:v54+s31+$0x0] =	vst.idx.msk $0xffff, v34  }
0x138: {  	v55 =	vor.u32 s14, v32;
	v33 =	vld.idx.msk [tilespmem:v33+s13+$0x0], $0xffff;
	_ =	sdelay $0x4  }
0x139: {  	p0 =	seq.s32 s14, $0x1F0;
	[tilespmem:v55+s31+$0x0] =	vst.idx.msk $0xffff, v33  }
0x13a: {  	v33 =	vld @!p0 [tilespmem:s5+$0x8];
	_ =	sdelay $0x4  }
0x13b: {  	v33 =	vand.u32 @!p0 $0xFFFFFF80, v33  }
0x13c: {  	v33 =	vadd.s32 @!p0 s0, v33  }
0x13d: {  	(v2sf) =	vpush @!p0 v33, $0x0;
	_ =	sdelay $0x2  }
0x13e: {  	(v2sf) =	vpush @!p0 v33, $0x1;
	_ =	sdelay $0x1  }
0x13f: {  	(v2sf) =	vpush @!p0 v33, $0x2;
	_ =	sdelay $0x1  }
0x140: {  	(v2sf) =	vpush @!p0 v33, $0x3;
	_ =	sdelay $0x1  }
0x141: {  	(v2sf) =	vpush @!p0 v33, $0x4;
	_ =	sdelay $0x1  }
0x142: {  	(v2sf) =	vpush @!p0 v33, $0x5;
	_ =	sdelay $0x1  }
0x143: {  	(v2sf) =	vpush @!p0 v33, $0x6;
	_ =	sdelay $0x1  }
0x144: {  	s6 =	spop @!p0 (v2sf);
	(v2sf) =	vpush @!p0 v33, $0x7  }
0x145: {  	s16 =	simm.s32 @!p0 $0x500;
	s7 =	simm.s32 @!p0 $0x7A1400;
	s15 =	simm.s32 @!p0 $0x400  }
0x146: {  	[tilespmem:s16], [sflag:$0x1] =	stream.strided.gather @!p0 [hbm4b:s6+s15], $0x1000, s7, s15, $0x38;
	[tilespmem:$0x18700] =	vst v63  }
0x147: {  	s6 =	spop @!p0 (v2sf);
	s16 =	simm.s32 @!p0 $0x1500  }
0x148: {  	[tilespmem:s16], [sflag:$0x1] =	stream.strided.gather @!p0 [hbm4b:s6+s15], $0x1000, s7, s15, $0x38;
	[tilespmem:$0x18700] =	vst v63  }
0x149: {  	s6 =	spop @!p0 (v2sf);
	s16 =	simm.s32 @!p0 $0x2500  }
0x14a: {  	[tilespmem:s16], [sflag:$0x1] =	stream.strided.gather @!p0 [hbm4b:s6+s15], $0x1000, s7, s15, $0x38;
	[tilespmem:$0x18700] =	vst v63  }
0x14b: {  	s6 =	spop @!p0 (v2sf);
	s16 =	simm.s32 @!p0 $0x3500  }
0x14c: {  	[tilespmem:s16], [sflag:$0x1] =	stream.strided.gather @!p0 [hbm4b:s6+s15], $0x1000, s7, s15, $0x38;
	[tilespmem:$0x18700] =	vst v63  }
0x14d: {  	s6 =	spop @!p0 (v2sf);
	s16 =	simm.s32 @!p0 $0x4500  }
0x14e: {  	[tilespmem:s16], [sflag:$0x1] =	stream.strided.gather @!p0 [hbm4b:s6+s15], $0x1000, s7, s15, $0x38;
	[tilespmem:$0x18700] =	vst v63  }
0x14f: {  	s6 =	spop @!p0 (v2sf);
	s16 =	simm.s32 @!p0 $0x5500  }
0x150: {  	[tilespmem:s16], [sflag:$0x1] =	stream.strided.gather @!p0 [hbm4b:s6+s15], $0x1000, s7, s15, $0x38;
	[tilespmem:$0x18700] =	vst v63  }
0x151: {  	s6 =	spop @!p0 (v2sf);
	s16 =	simm.s32 @!p0 $0x6500  }
0x152: {  	[tilespmem:s16], [sflag:$0x1] =	stream.strided.gather @!p0 [hbm4b:s6+s15], $0x1000, s7, s15, $0x38;
	[tilespmem:$0x18700] =	vst v63  }
0x153: {  	s16 =	simm.s32 @!p0 $0x7500;
	s6 =	spop @!p0 (v2sf)  }
0x154: {  	[tilespmem:s16], [sflag:$0x1] =	stream.strided.gather @!p0 [hbm4b:s6+s15], $0x1000, s7, s15, $0x38;
	[tilespmem:$0x18700] =	vst v63  }
0x155: {  	_ =	swait.ge [sflag:s2], $0x1000  }
0x156: {  	[sflag:s2] =	ssyncset.done $0x0  }
0x157: {  	[sflag:s2] =	ssyncadd.s32 $0xFFFFF000  }
0x158: {  	_ =	swait.ge [sflag:s2], $0x1000  }
0x159: {  	[sflag:s2] =	ssyncset.done $0x0  }
0x15a: {  	[sflag:s2] =	ssyncadd.s32 $0xFFFFF000  }
0x15b: {  	_ =	swait.ge [sflag:s2], $0x1000  }
0x15c: {  	[sflag:s2] =	ssyncset.done $0x0  }
0x15d: {  	[sflag:s2] =	ssyncadd.s32 $0xFFFFF000  }
0x15e: {  	_ =	swait.ge [sflag:s2], $0x1000  }
0x15f: {  	[sflag:s2] =	ssyncset.done $0x0  }
0x160: {  	[sflag:s2] =	ssyncadd.s32 $0xFFFFF000  }
0x161: {  	_ =	swait.ge [sflag:s2], $0x1000  }
0x162: {  	[sflag:s2] =	ssyncset.done $0x0  }
0x163: {  	[sflag:s2] =	ssyncadd.s32 $0xFFFFF000  }
0x164: {  	_ =	swait.ge [sflag:s2], $0x1000  }
0x165: {  	[sflag:s2] =	ssyncset.done $0x0  }
0x166: {  	[sflag:s2] =	ssyncadd.s32 $0xFFFFF000  }
0x167: {  	_ =	swait.ge [sflag:s2], $0x1000  }
0x168: {  	[sflag:s2] =	ssyncset.done $0x0  }
0x169: {  	[sflag:s2] =	ssyncadd.s32 $0xFFFFF000  }
0x16a: {  	_ =	swait.ge [sflag:s2], $0x1000  }
0x16b: {  	[sflag:s2] =	ssyncset.done $0x0  }
0x16c: {  	[sflag:s2] =	ssyncadd.s32 $0xFFFFF000  }
0x16d: {  	v56 =	vld [tilespmem:s5+$0x0];
	_ =	sdelay $0x4  }
0x16e: {  	v33 =	vperm.xlane v56, v0;
	_ =	sdelay $0x1  }
0x16f: {  	v33 =	vand.u32 $0x7F, v33  }
0x170: {  	v57 =	vor.u32 v1, v33;
	_ =	sdelay $0x3  }
0x171: {  	s16 =	sadd.s32 $0x8, s14  }
0x172: {  	v58 =	vor.u32 s16, v2;
	v34 =	vld.idx.msk [tilespmem:v57+s21+$0x0], $0xffff  }
0x173: {  	v59 =	vor.u32 v3, v33;
	_ =	sdelay $0x3  }
0x174: {  	[tilespmem:v58+s31+$0x0] =	vst.idx.msk $0xffff, v34  }
0x175: {  	v60 =	vor.u32 s16, v4;
	v34 =	vld.idx.msk [tilespmem:v59+s21+$0x0], $0xffff  }
0x176: {  	v61 =	vor.u32 v5, v33;
	_ =	sdelay $0x3  }
0x177: {  	[tilespmem:v60+s31+$0x0] =	vst.idx.msk $0xffff, v34  }
0x178: {  	v62 =	vor.u32 s16, v6;
	v34 =	vld.idx.msk [tilespmem:v61+s21+$0x0], $0xffff  }
0x179: {  	v63 =	vor.u32 v7, v33;
	_ =	sdelay $0x3  }
0x17a: {  	[tilespmem:v62+s31+$0x0] =	vst.idx.msk $0xffff, v34  }
0x17b: {  	v40 =	vor.u32 s16, v8;
	v34 =	vld.idx.msk [tilespmem:v63+s21+$0x0], $0xffff  }
0x17c: {  	v41 =	vor.u32 v9, v33;
	_ =	sdelay $0x3  }
0x17d: {  	[tilespmem:v40+s31+$0x0] =	vst.idx.msk $0xffff, v34  }
0x17e: {  	v42 =	vor.u32 s16, v10;
	v34 =	vld.idx.msk [tilespmem:v41+s21+$0x0], $0xffff  }
0x17f: {  	v43 =	vor.u32 v11, v33;
	_ =	sdelay $0x3  }
0x180: {  	[tilespmem:v42+s31+$0x0] =	vst.idx.msk $0xffff, v34  }
0x181: {  	v44 =	vor.u32 s16, v12;
	v34 =	vld.idx.msk [tilespmem:v43+s21+$0x0], $0xffff  }
0x182: {  	v45 =	vor.u32 v13, v33;
	_ =	sdelay $0x3  }
0x183: {  	[tilespmem:v44+s31+$0x0] =	vst.idx.msk $0xffff, v34  }
0x184: {  	v46 =	vor.u32 s16, v14;
	v34 =	vld.idx.msk [tilespmem:v45+s21+$0x0], $0xffff  }
0x185: {  	v47 =	vor.u32 v15, v33;
	_ =	sdelay $0x3  }
0x186: {  	[tilespmem:v46+s31+$0x0] =	vst.idx.msk $0xffff, v34  }
0x187: {  	v48 =	vor.u32 s16, v16;
	v34 =	vld.idx.msk [tilespmem:v47+s21+$0x0], $0xffff  }
0x188: {  	v49 =	vor.u32 v17, v33;
	_ =	sdelay $0x3  }
0x189: {  	[tilespmem:v48+s31+$0x0] =	vst.idx.msk $0xffff, v34  }
0x18a: {  	v50 =	vor.u32 s16, v18;
	v34 =	vld.idx.msk [tilespmem:v49+s21+$0x0], $0xffff  }
0x18b: {  	v51 =	vor.u32 v19, v33;
	_ =	sdelay $0x3  }
0x18c: {  	[tilespmem:v50+s31+$0x0] =	vst.idx.msk $0xffff, v34  }
0x18d: {  	v52 =	vor.u32 s16, v20;
	v34 =	vld.idx.msk [tilespmem:v51+s21+$0x0], $0xffff  }
0x18e: {  	v53 =	vor.u32 v21, v33;
	_ =	sdelay $0x3  }
0x18f: {  	[tilespmem:v52+s31+$0x0] =	vst.idx.msk $0xffff, v34  }
0x190: {  	v54 =	vor.u32 s16, v22;
	v34 =	vld.idx.msk [tilespmem:v53+s21+$0x0], $0xffff  }
0x191: {  	v55 =	vor.u32 v23, v33;
	_ =	sdelay $0x3  }
0x192: {  	[tilespmem:v54+s31+$0x0] =	vst.idx.msk $0xffff, v34  }
0x193: {  	v56 =	vor.u32 s16, v24;
	v34 =	vld.idx.msk [tilespmem:v55+s21+$0x0], $0xffff  }
0x194: {  	v57 =	vor.u32 v25, v33;
	_ =	sdelay $0x3  }
0x195: {  	[tilespmem:v56+s31+$0x0] =	vst.idx.msk $0xffff, v34  }
0x196: {  	v58 =	vor.u32 s16, v26;
	v34 =	vld.idx.msk [tilespmem:v57+s21+$0x0], $0xffff  }
0x197: {  	v59 =	vor.u32 v27, v33;
	_ =	sdelay $0x3  }
0x198: {  	[tilespmem:v58+s31+$0x0] =	vst.idx.msk $0xffff, v34  }
0x199: {  	v60 =	vor.u32 s16, v28;
	v34 =	vld.idx.msk [tilespmem:v59+s21+$0x0], $0xffff  }
0x19a: {  	v61 =	vor.u32 v29, v33;
	_ =	sdelay $0x3  }
0x19b: {  	[tilespmem:v60+s31+$0x0] =	vst.idx.msk $0xffff, v34  }
0x19c: {  	v62 =	vor.u32 s16, v30;
	v34 =	vld.idx.msk [tilespmem:v61+s21+$0x0], $0xffff  }
0x19d: {  	v33 =	vor.u32 v31, v33;
	_ =	sdelay $0x3  }
0x19e: {  	s14 =	sadd.s32 $0x10, s14;
	[tilespmem:v62+s31+$0x0] =	vst.idx.msk $0xffff, v34  }
0x19f: {  	p0 =	sne.s32 s14, $0x200;
	v63 =	vor.u32 s16, v32;
	v33 =	vld.idx.msk [tilespmem:v33+s21+$0x0], $0xffff  }
.Ltmp0:
0x1a0: {  	_ = 	snop;
	(pc) =	sbr.rel @p0 .LBB2_2-.Ltmp0, $2  }
0x1a1: {  	_ =	sdelay $0x2  }
0x1a2: {  	s5 =	sadd.s32 $0x10, s5;
	[tilespmem:v63+s31+$0x0] =	vst.idx.msk $0xffff, v33  }
0x1a3: {  	v33 =	vld [tilespmem:$0x280];
	_ =	sdelay $0x4  }
0x1a4: {  	v33 =	vand.u32 $0xFFFFFF80, v33  }
0x1a5: {  	v33 =	vadd.s32 s1, v33  }
0x1a6: {  	(v2sf) =	vpush v33, $0x0;
	_ =	sdelay $0x1  }
0x1a7: {  	(v2sf) =	vpush v33, $0x1;
	_ =	sdelay $0x1  }
0x1a8: {  	(v2sf) =	vpush v33, $0x2;
	_ =	sdelay $0x1  }
0x1a9: {  	(v2sf) =	vpush v33, $0x3;
	_ =	sdelay $0x1  }
0x1aa: {  	(v2sf) =	vpush v33, $0x4;
	_ =	sdelay $0x1  }
0x1ab: {  	(v2sf) =	vpush v33, $0x5;
	_ =	sdelay $0x1  }
0x1ac: {  	(v2sf) =	vpush v33, $0x6;
	_ =	sdelay $0x1  }
0x1ad: {  	(v2sf) =	vpush v33, $0x7  }
0x1ae: {  	s5 =	spop (v2sf)  }
0x1af: {  	[tilespmem:s13], [sflag:$0x1] =	stream.strided.gather [hbm4b:s5+s10], $0x1000, s12, s10, $0x38;
	[tilespmem:$0x18700] =	vst v63  }
0x1b0: {  	s6 =	simm.s32 $0x1500;
	s16 =	spop (v2sf)  }
0x1b1: {  	[tilespmem:s6], [sflag:$0x1] =	stream.strided.gather [hbm4b:s16+s10], $0x1000, s12, s10, $0x38;
	[tilespmem:$0x18700] =	vst v63  }
0x1b2: {  	s14 =	simm.s32 $0x2500;
	s7 =	spop (v2sf)  }
0x1b3: {  	[tilespmem:s14], [sflag:$0x1] =	stream.strided.gather [hbm4b:s7+s10], $0x1000, s12, s10, $0x38;
	[tilespmem:$0x18700] =	vst v63  }
0x1b4: {  	s15 =	spop (v2sf);
	s16 =	simm.s32 $0x3500  }
0x1b5: {  	[tilespmem:s16], [sflag:$0x1] =	stream.strided.gather [hbm4b:s15+s10], $0x1000, s12, s10, $0x38;
	[tilespmem:$0x18700] =	vst v63  }
0x1b6: {  	s7 =	spop (v2sf)  }
0x1b7: {  	[tilespmem:s17], [sflag:$0x1] =	stream.strided.gather [hbm4b:s7+s10], $0x1000, s12, s10, $0x38;
	[tilespmem:$0x18700] =	vst v63  }
0x1b8: {  	s14 =	spop (v2sf)  }
0x1b9: {  	[tilespmem:s18], [sflag:$0x1] =	stream.strided.gather [hbm4b:s14+s10], $0x1000, s12, s10, $0x38;
	[tilespmem:$0x18700] =	vst v63  }
0x1ba: {  	s15 =	spop (v2sf)  }
0x1bb: {  	[tilespmem:s19], [sflag:$0x1] =	stream.strided.gather [hbm4b:s15+s10], $0x1000, s12, s10, $0x38;
	[tilespmem:$0x18700] =	vst v63  }
0x1bc: {  	s5 =	simm.s32 $0x0;
	s16 =	spop (v2sf);
	s14 =	simm.s32 $0x288  }
0x1bd: {  	[tilespmem:s20], [sflag:$0x1] =	stream.strided.gather [hbm4b:s16+s10], $0x1000, s12, s10, $0x38;
	[tilespmem:$0x18700] =	vst v63  }
.LBB2_4:
0x1be: {  	v33 =	vld [tilespmem:s14+$0x0];
	_ =	sdelay $0x4  }
0x1bf: {  	v33 =	vand.u32 $0xFFFFFF80, v33  }
0x1c0: {  	v33 =	vadd.s32 s1, v33  }
0x1c1: {  	(v2sf) =	vpush v33, $0x0;
	_ =	sdelay $0x1  }
0x1c2: {  	(v2sf) =	vpush v33, $0x1;
	_ =	sdelay $0x1  }
0x1c3: {  	(v2sf) =	vpush v33, $0x2;
	_ =	sdelay $0x1  }
0x1c4: {  	(v2sf) =	vpush v33, $0x3;
	_ =	sdelay $0x1  }
0x1c5: {  	(v2sf) =	vpush v33, $0x4;
	_ =	sdelay $0x1  }
0x1c6: {  	(v2sf) =	vpush v33, $0x5;
	_ =	sdelay $0x1  }
0x1c7: {  	(v2sf) =	vpush v33, $0x6;
	_ =	sdelay $0x1  }
0x1c8: {  	(v2sf) =	vpush v33, $0x7  }
0x1c9: {  	s6 =	spop (v2sf)  }
0x1ca: {  	[tilespmem:s21], [sflag:$0x2] =	stream.strided.gather [hbm4b:s6+s10], $0x1000, s12, s10, $0x38;
	[tilespmem:$0x18700] =	vst v63  }
0x1cb: {  	s15 =	spop (v2sf)  }
0x1cc: {  	[tilespmem:s22], [sflag:$0x2] =	stream.strided.gather [hbm4b:s15+s10], $0x1000, s12, s10, $0x38;
	[tilespmem:$0x18700] =	vst v63  }
0x1cd: {  	s16 =	spop (v2sf)  }
0x1ce: {  	[tilespmem:s23], [sflag:$0x2] =	stream.strided.gather [hbm4b:s16+s10], $0x1000, s12, s10, $0x38;
	[tilespmem:$0x18700] =	vst v63  }
0x1cf: {  	s7 =	spop (v2sf)  }
0x1d0: {  	[tilespmem:s24], [sflag:$0x2] =	stream.strided.gather [hbm4b:s7+s10], $0x1000, s12, s10, $0x38;
	[tilespmem:$0x18700] =	vst v63  }
0x1d1: {  	s15 =	spop (v2sf)  }
0x1d2: {  	[tilespmem:s25], [sflag:$0x2] =	stream.strided.gather [hbm4b:s15+s10], $0x1000, s12, s10, $0x38;
	[tilespmem:$0x18700] =	vst v63  }
0x1d3: {  	s16 =	spop (v2sf)  }
0x1d4: {  	[tilespmem:s26], [sflag:$0x2] =	stream.strided.gather [hbm4b:s16+s10], $0x1000, s12, s10, $0x38;
	[tilespmem:$0x18700] =	vst v63  }
0x1d5: {  	s7 =	spop (v2sf)  }
0x1d6: {  	[tilespmem:s28], [sflag:$0x2] =	stream.strided.gather [hbm4b:s7+s10], $0x1000, s12, s10, $0x38;
	[tilespmem:$0x18700] =	vst v63  }
0x1d7: {  	s15 =	spop (v2sf)  }
0x1d8: {  	[tilespmem:s29], [sflag:$0x2] =	stream.strided.gather [hbm4b:s15+s10], $0x1000, s12, s10, $0x38;
	[tilespmem:$0x18700] =	vst v63  }
0x1d9: {  	_ =	swait.ge [sflag:s30], $0x1000  }
0x1da: {  	[sflag:s30] =	ssyncset.done $0x0  }
0x1db: {  	[sflag:s30] =	ssyncadd.s32 $0xFFFFF000  }
0x1dc: {  	_ =	swait.ge [sflag:s30], $0x1000  }
0x1dd: {  	[sflag:s30] =	ssyncset.done $0x0  }
0x1de: {  	[sflag:s30] =	ssyncadd.s32 $0xFFFFF000  }
0x1df: {  	_ =	swait.ge [sflag:s30], $0x1000  }
0x1e0: {  	[sflag:s30] =	ssyncset.done $0x0  }
0x1e1: {  	[sflag:s30] =	ssyncadd.s32 $0xFFFFF000  }
0x1e2: {  	_ =	swait.ge [sflag:s30], $0x1000  }
0x1e3: {  	[sflag:s30] =	ssyncset.done $0x0  }
0x1e4: {  	[sflag:s30] =	ssyncadd.s32 $0xFFFFF000  }
0x1e5: {  	_ =	swait.ge [sflag:s30], $0x1000  }
0x1e6: {  	[sflag:s30] =	ssyncset.done $0x0  }
0x1e7: {  	[sflag:s30] =	ssyncadd.s32 $0xFFFFF000  }
0x1e8: {  	_ =	swait.ge [sflag:s30], $0x1000  }
0x1e9: {  	[sflag:s30] =	ssyncset.done $0x0  }
0x1ea: {  	[sflag:s30] =	ssyncadd.s32 $0xFFFFF000  }
0x1eb: {  	_ =	swait.ge [sflag:s30], $0x1000  }
0x1ec: {  	[sflag:s30] =	ssyncset.done $0x0  }
0x1ed: {  	[sflag:s30] =	ssyncadd.s32 $0xFFFFF000  }
0x1ee: {  	_ =	swait.ge [sflag:s30], $0x1000  }
0x1ef: {  	[sflag:s30] =	ssyncset.done $0x0  }
0x1f0: {  	[sflag:s30] =	ssyncadd.s32 $0xFFFFF000  }
0x1f1: {  	v51 =	vld [tilespmem:s14+$0xFFFFFFF8];
	_ =	sdelay $0x4  }
0x1f2: {  	v33 =	vperm.xlane v51, v0;
	_ =	sdelay $0x1  }
0x1f3: {  	v33 =	vand.u32 $0x7F, v33  }
0x1f4: {  	v34 =	vor.u32 v1, v33;
	_ =	sdelay $0x4  }
0x1f5: {  	v35 =	vor.u32 s5, v2;
	v34 =	vld.idx.msk [tilespmem:v34+s13+$0x0], $0xffff  }
0x1f6: {  	v36 =	vor.u32 v3, v33;
	_ =	sdelay $0x3  }
0x1f7: {  	[tilespmem:v35+s4+$0x0] =	vst.idx.msk $0xffff, v34  }
0x1f8: {  	v52 =	vor.u32 s5, v4;
	v34 =	vld.idx.msk [tilespmem:v36+s13+$0x0], $0xffff  }
0x1f9: {  	v53 =	vor.u32 v5, v33;
	_ =	sdelay $0x3  }
0x1fa: {  	[tilespmem:v52+s4+$0x0] =	vst.idx.msk $0xffff, v34  }
0x1fb: {  	v54 =	vor.u32 s5, v6;
	v34 =	vld.idx.msk [tilespmem:v53+s13+$0x0], $0xffff  }
0x1fc: {  	v55 =	vor.u32 v7, v33;
	_ =	sdelay $0x3  }
0x1fd: {  	[tilespmem:v54+s4+$0x0] =	vst.idx.msk $0xffff, v34  }
0x1fe: {  	v56 =	vor.u32 s5, v8;
	v34 =	vld.idx.msk [tilespmem:v55+s13+$0x0], $0xffff  }
0x1ff: {  	v57 =	vor.u32 v9, v33;
	_ =	sdelay $0x3  }
0x200: {  	[tilespmem:v56+s4+$0x0] =	vst.idx.msk $0xffff, v34  }
0x201: {  	v58 =	vor.u32 s5, v10;
	v34 =	vld.idx.msk [tilespmem:v57+s13+$0x0], $0xffff  }
0x202: {  	v59 =	vor.u32 v11, v33;
	_ =	sdelay $0x3  }
0x203: {  	[tilespmem:v58+s4+$0x0] =	vst.idx.msk $0xffff, v34  }
0x204: {  	v60 =	vor.u32 s5, v12;
	v34 =	vld.idx.msk [tilespmem:v59+s13+$0x0], $0xffff  }
0x205: {  	v61 =	vor.u32 v13, v33;
	_ =	sdelay $0x3  }
0x206: {  	[tilespmem:v60+s4+$0x0] =	vst.idx.msk $0xffff, v34  }
0x207: {  	v62 =	vor.u32 s5, v14;
	v34 =	vld.idx.msk [tilespmem:v61+s13+$0x0], $0xffff  }
0x208: {  	v63 =	vor.u32 v15, v33;
	_ =	sdelay $0x3  }
0x209: {  	[tilespmem:v62+s4+$0x0] =	vst.idx.msk $0xffff, v34  }
0x20a: {  	v40 =	vor.u32 s5, v16;
	v34 =	vld.idx.msk [tilespmem:v63+s13+$0x0], $0xffff  }
0x20b: {  	v41 =	vor.u32 v17, v33;
	_ =	sdelay $0x3  }
0x20c: {  	[tilespmem:v40+s4+$0x0] =	vst.idx.msk $0xffff, v34  }
0x20d: {  	v42 =	vor.u32 s5, v18;
	v34 =	vld.idx.msk [tilespmem:v41+s13+$0x0], $0xffff  }
0x20e: {  	v43 =	vor.u32 v19, v33;
	_ =	sdelay $0x3  }
0x20f: {  	[tilespmem:v42+s4+$0x0] =	vst.idx.msk $0xffff, v34  }
0x210: {  	v44 =	vor.u32 s5, v20;
	v34 =	vld.idx.msk [tilespmem:v43+s13+$0x0], $0xffff  }
0x211: {  	v45 =	vor.u32 v21, v33;
	_ =	sdelay $0x3  }
0x212: {  	[tilespmem:v44+s4+$0x0] =	vst.idx.msk $0xffff, v34  }
0x213: {  	v46 =	vor.u32 s5, v22;
	v34 =	vld.idx.msk [tilespmem:v45+s13+$0x0], $0xffff  }
0x214: {  	v47 =	vor.u32 v23, v33;
	_ =	sdelay $0x3  }
0x215: {  	[tilespmem:v46+s4+$0x0] =	vst.idx.msk $0xffff, v34  }
0x216: {  	v48 =	vor.u32 s5, v24;
	v34 =	vld.idx.msk [tilespmem:v47+s13+$0x0], $0xffff  }
0x217: {  	v49 =	vor.u32 v25, v33;
	_ =	sdelay $0x3  }
0x218: {  	[tilespmem:v48+s4+$0x0] =	vst.idx.msk $0xffff, v34  }
0x219: {  	v50 =	vor.u32 s5, v26;
	v34 =	vld.idx.msk [tilespmem:v49+s13+$0x0], $0xffff  }
0x21a: {  	v51 =	vor.u32 v27, v33;
	_ =	sdelay $0x3  }
0x21b: {  	[tilespmem:v50+s4+$0x0] =	vst.idx.msk $0xffff, v34  }
0x21c: {  	v52 =	vor.u32 s5, v28;
	v34 =	vld.idx.msk [tilespmem:v51+s13+$0x0], $0xffff  }
0x21d: {  	v53 =	vor.u32 v29, v33;
	_ =	sdelay $0x3  }
0x21e: {  	[tilespmem:v52+s4+$0x0] =	vst.idx.msk $0xffff, v34  }
0x21f: {  	v54 =	vor.u32 s5, v30;
	v34 =	vld.idx.msk [tilespmem:v53+s13+$0x0], $0xffff  }
0x220: {  	v33 =	vor.u32 v31, v33;
	_ =	sdelay $0x3  }
0x221: {  	[tilespmem:v54+s4+$0x0] =	vst.idx.msk $0xffff, v34  }
0x222: {  	v55 =	vor.u32 s5, v32;
	v33 =	vld.idx.msk [tilespmem:v33+s13+$0x0], $0xffff;
	_ =	sdelay $0x4  }
0x223: {  	p0 =	seq.s32 s5, $0x1F0;
	[tilespmem:v55+s4+$0x0] =	vst.idx.msk $0xffff, v33  }
0x224: {  	v33 =	vld @!p0 [tilespmem:s14+$0x8];
	_ =	sdelay $0x4  }
0x225: {  	v33 =	vand.u32 @!p0 $0xFFFFFF80, v33  }
0x226: {  	v33 =	vadd.s32 @!p0 s1, v33  }
0x227: {  	(v2sf) =	vpush @!p0 v33, $0x0;
	_ =	sdelay $0x2  }
0x228: {  	(v2sf) =	vpush @!p0 v33, $0x1;
	_ =	sdelay $0x1  }
0x229: {  	(v2sf) =	vpush @!p0 v33, $0x2;
	_ =	sdelay $0x1  }
0x22a: {  	(v2sf) =	vpush @!p0 v33, $0x3;
	_ =	sdelay $0x1  }
0x22b: {  	(v2sf) =	vpush @!p0 v33, $0x4;
	_ =	sdelay $0x1  }
0x22c: {  	(v2sf) =	vpush @!p0 v33, $0x5;
	_ =	sdelay $0x1  }
0x22d: {  	(v2sf) =	vpush @!p0 v33, $0x6;
	_ =	sdelay $0x1  }
0x22e: {  	s6 =	spop @!p0 (v2sf);
	(v2sf) =	vpush @!p0 v33, $0x7  }
0x22f: {  	s16 =	simm.s32 @!p0 $0x500;
	s7 =	simm.s32 @!p0 $0x400;
	s15 =	simm.s32 @!p0 $0x7A1400  }
0x230: {  	[tilespmem:s16], [sflag:$0x1] =	stream.strided.gather @!p0 [hbm4b:s6+s7], $0x1000, s15, s7, $0x38;
	[tilespmem:$0x18700] =	vst v63  }
0x231: {  	s6 =	spop @!p0 (v2sf);
	s16 =	simm.s32 @!p0 $0x1500  }
0x232: {  	[tilespmem:s16], [sflag:$0x1] =	stream.strided.gather @!p0 [hbm4b:s6+s7], $0x1000, s15, s7, $0x38;
	[tilespmem:$0x18700] =	vst v63  }
0x233: {  	s6 =	spop @!p0 (v2sf);
	s16 =	simm.s32 @!p0 $0x2500  }
0x234: {  	[tilespmem:s16], [sflag:$0x1] =	stream.strided.gather @!p0 [hbm4b:s6+s7], $0x1000, s15, s7, $0x38;
	[tilespmem:$0x18700] =	vst v63  }
0x235: {  	s6 =	spop @!p0 (v2sf);
	s16 =	simm.s32 @!p0 $0x3500  }
0x236: {  	[tilespmem:s16], [sflag:$0x1] =	stream.strided.gather @!p0 [hbm4b:s6+s7], $0x1000, s15, s7, $0x38;
	[tilespmem:$0x18700] =	vst v63  }
0x237: {  	s6 =	spop @!p0 (v2sf);
	s16 =	simm.s32 @!p0 $0x4500  }
0x238: {  	[tilespmem:s16], [sflag:$0x1] =	stream.strided.gather @!p0 [hbm4b:s6+s7], $0x1000, s15, s7, $0x38;
	[tilespmem:$0x18700] =	vst v63  }
0x239: {  	s6 =	spop @!p0 (v2sf);
	s16 =	simm.s32 @!p0 $0x5500  }
0x23a: {  	[tilespmem:s16], [sflag:$0x1] =	stream.strided.gather @!p0 [hbm4b:s6+s7], $0x1000, s15, s7, $0x38;
	[tilespmem:$0x18700] =	vst v63  }
0x23b: {  	s6 =	spop @!p0 (v2sf);
	s16 =	simm.s32 @!p0 $0x6500  }
0x23c: {  	[tilespmem:s16], [sflag:$0x1] =	stream.strided.gather @!p0 [hbm4b:s6+s7], $0x1000, s15, s7, $0x38;
	[tilespmem:$0x18700] =	vst v63  }
0x23d: {  	s16 =	simm.s32 @!p0 $0x7500;
	s6 =	spop @!p0 (v2sf)  }
0x23e: {  	[tilespmem:s16], [sflag:$0x1] =	stream.strided.gather @!p0 [hbm4b:s6+s7], $0x1000, s15, s7, $0x38;
	[tilespmem:$0x18700] =	vst v63  }
0x23f: {  	_ =	swait.ge [sflag:s2], $0x1000  }
0x240: {  	[sflag:s2] =	ssyncset.done $0x0  }
0x241: {  	[sflag:s2] =	ssyncadd.s32 $0xFFFFF000  }
0x242: {  	_ =	swait.ge [sflag:s2], $0x1000  }
0x243: {  	[sflag:s2] =	ssyncset.done $0x0  }
0x244: {  	[sflag:s2] =	ssyncadd.s32 $0xFFFFF000  }
0x245: {  	_ =	swait.ge [sflag:s2], $0x1000  }
0x246: {  	[sflag:s2] =	ssyncset.done $0x0  }
0x247: {  	[sflag:s2] =	ssyncadd.s32 $0xFFFFF000  }
0x248: {  	_ =	swait.ge [sflag:s2], $0x1000  }
0x249: {  	[sflag:s2] =	ssyncset.done $0x0  }
0x24a: {  	[sflag:s2] =	ssyncadd.s32 $0xFFFFF000  }
0x24b: {  	_ =	swait.ge [sflag:s2], $0x1000  }
0x24c: {  	[sflag:s2] =	ssyncset.done $0x0  }
0x24d: {  	[sflag:s2] =	ssyncadd.s32 $0xFFFFF000  }
0x24e: {  	_ =	swait.ge [sflag:s2], $0x1000  }
0x24f: {  	[sflag:s2] =	ssyncset.done $0x0  }
0x250: {  	[sflag:s2] =	ssyncadd.s32 $0xFFFFF000  }
0x251: {  	_ =	swait.ge [sflag:s2], $0x1000  }
0x252: {  	[sflag:s2] =	ssyncset.done $0x0  }
0x253: {  	[sflag:s2] =	ssyncadd.s32 $0xFFFFF000  }
0x254: {  	_ =	swait.ge [sflag:s2], $0x1000  }
0x255: {  	[sflag:s2] =	ssyncset.done $0x0  }
0x256: {  	[sflag:s2] =	ssyncadd.s32 $0xFFFFF000  }
0x257: {  	v56 =	vld [tilespmem:s14+$0x0];
	_ =	sdelay $0x4  }
0x258: {  	v33 =	vperm.xlane v56, v0;
	_ =	sdelay $0x1  }
0x259: {  	v33 =	vand.u32 $0x7F, v33  }
0x25a: {  	v57 =	vor.u32 v1, v33;
	_ =	sdelay $0x3  }
0x25b: {  	s16 =	sadd.s32 $0x8, s5  }
0x25c: {  	v58 =	vor.u32 s16, v2;
	v34 =	vld.idx.msk [tilespmem:v57+s21+$0x0], $0xffff  }
0x25d: {  	v59 =	vor.u32 v3, v33;
	_ =	sdelay $0x3  }
0x25e: {  	[tilespmem:v58+s4+$0x0] =	vst.idx.msk $0xffff, v34  }
0x25f: {  	v60 =	vor.u32 s16, v4;
	v34 =	vld.idx.msk [tilespmem:v59+s21+$0x0], $0xffff  }
0x260: {  	v61 =	vor.u32 v5, v33;
	_ =	sdelay $0x3  }
0x261: {  	[tilespmem:v60+s4+$0x0] =	vst.idx.msk $0xffff, v34  }
0x262: {  	v62 =	vor.u32 s16, v6;
	v34 =	vld.idx.msk [tilespmem:v61+s21+$0x0], $0xffff  }
0x263: {  	v63 =	vor.u32 v7, v33;
	_ =	sdelay $0x3  }
0x264: {  	[tilespmem:v62+s4+$0x0] =	vst.idx.msk $0xffff, v34  }
0x265: {  	v40 =	vor.u32 s16, v8;
	v34 =	vld.idx.msk [tilespmem:v63+s21+$0x0], $0xffff  }
0x266: {  	v41 =	vor.u32 v9, v33;
	_ =	sdelay $0x3  }
0x267: {  	[tilespmem:v40+s4+$0x0] =	vst.idx.msk $0xffff, v34  }
0x268: {  	v42 =	vor.u32 s16, v10;
	v34 =	vld.idx.msk [tilespmem:v41+s21+$0x0], $0xffff  }
0x269: {  	v43 =	vor.u32 v11, v33;
	_ =	sdelay $0x3  }
0x26a: {  	[tilespmem:v42+s4+$0x0] =	vst.idx.msk $0xffff, v34  }
0x26b: {  	v44 =	vor.u32 s16, v12;
	v34 =	vld.idx.msk [tilespmem:v43+s21+$0x0], $0xffff  }
0x26c: {  	v45 =	vor.u32 v13, v33;
	_ =	sdelay $0x3  }
0x26d: {  	[tilespmem:v44+s4+$0x0] =	vst.idx.msk $0xffff, v34  }
0x26e: {  	v46 =	vor.u32 s16, v14;
	v34 =	vld.idx.msk [tilespmem:v45+s21+$0x0], $0xffff  }
0x26f: {  	v47 =	vor.u32 v15, v33;
	_ =	sdelay $0x3  }
0x270: {  	[tilespmem:v46+s4+$0x0] =	vst.idx.msk $0xffff, v34  }
0x271: {  	v48 =	vor.u32 s16, v16;
	v34 =	vld.idx.msk [tilespmem:v47+s21+$0x0], $0xffff  }
0x272: {  	v49 =	vor.u32 v17, v33;
	_ =	sdelay $0x3  }
0x273: {  	[tilespmem:v48+s4+$0x0] =	vst.idx.msk $0xffff, v34  }
0x274: {  	v50 =	vor.u32 s16, v18;
	v34 =	vld.idx.msk [tilespmem:v49+s21+$0x0], $0xffff  }
0x275: {  	v51 =	vor.u32 v19, v33;
	_ =	sdelay $0x3  }
0x276: {  	[tilespmem:v50+s4+$0x0] =	vst.idx.msk $0xffff, v34  }
0x277: {  	v52 =	vor.u32 s16, v20;
	v34 =	vld.idx.msk [tilespmem:v51+s21+$0x0], $0xffff  }
0x278: {  	v53 =	vor.u32 v21, v33;
	_ =	sdelay $0x3  }
0x279: {  	[tilespmem:v52+s4+$0x0] =	vst.idx.msk $0xffff, v34  }
0x27a: {  	v54 =	vor.u32 s16, v22;
	v34 =	vld.idx.msk [tilespmem:v53+s21+$0x0], $0xffff  }
0x27b: {  	v55 =	vor.u32 v23, v33;
	_ =	sdelay $0x3  }
0x27c: {  	[tilespmem:v54+s4+$0x0] =	vst.idx.msk $0xffff, v34  }
0x27d: {  	v56 =	vor.u32 s16, v24;
	v34 =	vld.idx.msk [tilespmem:v55+s21+$0x0], $0xffff  }
0x27e: {  	v57 =	vor.u32 v25, v33;
	_ =	sdelay $0x3  }
0x27f: {  	[tilespmem:v56+s4+$0x0] =	vst.idx.msk $0xffff, v34  }
0x280: {  	v58 =	vor.u32 s16, v26;
	v34 =	vld.idx.msk [tilespmem:v57+s21+$0x0], $0xffff  }
0x281: {  	v59 =	vor.u32 v27, v33;
	_ =	sdelay $0x3  }
0x282: {  	[tilespmem:v58+s4+$0x0] =	vst.idx.msk $0xffff, v34  }
0x283: {  	v60 =	vor.u32 s16, v28;
	v34 =	vld.idx.msk [tilespmem:v59+s21+$0x0], $0xffff  }
0x284: {  	v61 =	vor.u32 v29, v33;
	_ =	sdelay $0x3  }
0x285: {  	[tilespmem:v60+s4+$0x0] =	vst.idx.msk $0xffff, v34  }
0x286: {  	v62 =	vor.u32 s16, v30;
	v34 =	vld.idx.msk [tilespmem:v61+s21+$0x0], $0xffff  }
0x287: {  	v33 =	vor.u32 v31, v33;
	_ =	sdelay $0x3  }
0x288: {  	s5 =	sadd.s32 $0x10, s5;
	[tilespmem:v62+s4+$0x0] =	vst.idx.msk $0xffff, v34  }
0x289: {  	p0 =	sne.s32 s5, $0x200;
	v63 =	vor.u32 s16, v32;
	v33 =	vld.idx.msk [tilespmem:v33+s21+$0x0], $0xffff  }
.Ltmp1:
0x28a: {  	_ = 	snop;
	(pc) =	sbr.rel @p0 .LBB2_4-.Ltmp1, $2  }
0x28b: {  	_ =	sdelay $0x2  }
0x28c: {  	s14 =	sadd.s32 $0x10, s14;
	[tilespmem:v63+s4+$0x0] =	vst.idx.msk $0xffff, v33  }
0x28d: {  	s5 =	simm.s32 $0x0  }
0x28e: {  	v33 =	vld [tilespmem:s5+$0x10500]  }
0x28f: {  	v34 =	vld [tilespmem:s5+$0x14500]  }
0x290: {  	v35 =	vld [tilespmem:s5+$0x10700]  }
0x291: {  	v36 =	vld [tilespmem:s5+$0x14700]  }
0x292: {  	v37 =	vld [tilespmem:s5+$0x10900]  }
0x293: {  	v38 =	vld [tilespmem:s5+$0x14900]  }
0x294: {  	v39 =	vld [tilespmem:s5+$0x10B00]  }
0x295: {  	v40 =	vld [tilespmem:s5+$0x14B00]  }
0x296: {  	v47 =	vld [tilespmem:s5+$0x10D00];
	v33 =	vmul.f32 v34, v33;
	v46 =	vmul.f32 v36, v35  }
0x297: {  	v48 =	vld [tilespmem:s5+$0x14D00]  }
0x298: {  	v50 =	vld [tilespmem:s5+$0x10F00];
	v49 =	vmul.f32 v38, v37;
	v33 =	vadd.f32 v46, v33  }
0x299: {  	v51 =	vld [tilespmem:s5+$0x14F00]  }
0x29a: {  	v53 =	vld [tilespmem:s5+$0x11100];
	v52 =	vmul.f32 v40, v39;
	v33 =	vadd.f32 v49, v33  }
0x29b: {  	v54 =	vld [tilespmem:s5+$0x15100]  }
0x29c: {  	v56 =	vld [tilespmem:s5+$0x11300];
	v55 =	vmul.f32 v48, v47;
	v33 =	vadd.f32 v52, v33  }
0x29d: {  	v57 =	vld [tilespmem:s5+$0x15300]  }
0x29e: {  	v59 =	vld [tilespmem:s5+$0x11500];
	v58 =	vmul.f32 v51, v50;
	v33 =	vadd.f32 v55, v33  }
0x29f: {  	v60 =	vld [tilespmem:s5+$0x15500]  }
0x2a0: {  	v62 =	vld [tilespmem:s5+$0x11700];
	v61 =	vmul.f32 v54, v53;
	v33 =	vadd.f32 v58, v33  }
0x2a1: {  	v63 =	vld [tilespmem:s5+$0x15700]  }
0x2a2: {  	v44 =	vld [tilespmem:s5+$0x11900];
	v43 =	vmul.f32 v57, v56;
	v33 =	vadd.f32 v61, v33  }
0x2a3: {  	v45 =	vld [tilespmem:s5+$0x15900]  }
0x2a4: {  	v47 =	vld [tilespmem:s5+$0x11B00];
	v46 =	vmul.f32 v60, v59;
	v33 =	vadd.f32 v43, v33  }
0x2a5: {  	v48 =	vld [tilespmem:s5+$0x15B00]  }
0x2a6: {  	v50 =	vld [tilespmem:s5+$0x11D00];
	v49 =	vmul.f32 v63, v62;
	v33 =	vadd.f32 v46, v33  }
0x2a7: {  	v51 =	vld [tilespmem:s5+$0x15D00]  }
0x2a8: {  	v53 =	vld [tilespmem:s5+$0x11F00];
	v52 =	vmul.f32 v45, v44;
	v33 =	vadd.f32 v49, v33  }
0x2a9: {  	v54 =	vld [tilespmem:s5+$0x15F00]  }
0x2aa: {  	v56 =	vld [tilespmem:s5+$0x12100];
	v55 =	vmul.f32 v48, v47;
	v33 =	vadd.f32 v52, v33  }
0x2ab: {  	v57 =	vld [tilespmem:s5+$0x16100]  }
0x2ac: {  	v59 =	vld [tilespmem:s5+$0x12300];
	v58 =	vmul.f32 v51, v50;
	v33 =	vadd.f32 v55, v33  }
0x2ad: {  	v60 =	vld [tilespmem:s5+$0x16300]  }
0x2ae: {  	v62 =	vld [tilespmem:s5+$0x12500];
	v61 =	vmul.f32 v54, v53;
	v33 =	vadd.f32 v58, v33  }
0x2af: {  	v63 =	vld [tilespmem:s5+$0x16500]  }
0x2b0: {  	v44 =	vld [tilespmem:s5+$0x12700];
	v43 =	vmul.f32 v57, v56;
	v33 =	vadd.f32 v61, v33  }
0x2b1: {  	v45 =	vld [tilespmem:s5+$0x16700]  }
0x2b2: {  	v47 =	vld [tilespmem:s5+$0x12900];
	v46 =	vmul.f32 v60, v59;
	v33 =	vadd.f32 v43, v33  }
0x2b3: {  	v48 =	vld [tilespmem:s5+$0x16900]  }
0x2b4: {  	v50 =	vld [tilespmem:s5+$0x12B00];
	v49 =	vmul.f32 v63, v62;
	v33 =	vadd.f32 v46, v33  }
0x2b5: {  	v51 =	vld [tilespmem:s5+$0x16B00]  }
0x2b6: {  	v53 =	vld [tilespmem:s5+$0x12D00];
	v52 =	vmul.f32 v45, v44;
	v33 =	vadd.f32 v49, v33  }
0x2b7: {  	v54 =	vld [tilespmem:s5+$0x16D00]  }
0x2b8: {  	v56 =	vld [tilespmem:s5+$0x12F00];
	v55 =	vmul.f32 v48, v47;
	v33 =	vadd.f32 v52, v33  }
0x2b9: {  	v57 =	vld [tilespmem:s5+$0x16F00]  }
0x2ba: {  	v59 =	vld [tilespmem:s5+$0x13100];
	v58 =	vmul.f32 v51, v50;
	v33 =	vadd.f32 v55, v33  }
0x2bb: {  	v60 =	vld [tilespmem:s5+$0x17100]  }
0x2bc: {  	v62 =	vld [tilespmem:s5+$0x13300];
	v61 =	vmul.f32 v54, v53;
	v33 =	vadd.f32 v58, v33  }
0x2bd: {  	v63 =	vld [tilespmem:s5+$0x17300]  }
0x2be: {  	v44 =	vmul.f32 v57, v56;
	v45 =	vld [tilespmem:s5+$0x13500];
	v33 =	vadd.f32 v61, v33  }
0x2bf: {  	v46 =	vld [tilespmem:s5+$0x17500]  }
0x2c0: {  	v47 =	vmul.f32 v60, v59;
	v48 =	vld [tilespmem:s5+$0x13700];
	v33 =	vadd.f32 v44, v33  }
0x2c1: {  	v49 =	vld [tilespmem:s5+$0x17700]  }
0x2c2: {  	v50 =	vmul.f32 v63, v62;
	v51 =	vld [tilespmem:s5+$0x13900];
	v33 =	vadd.f32 v47, v33  }
0x2c3: {  	v52 =	vld [tilespmem:s5+$0x17900]  }
0x2c4: {  	v54 =	vld [tilespmem:s5+$0x13B00];
	v53 =	vmul.f32 v46, v45;
	v33 =	vadd.f32 v50, v33  }
0x2c5: {  	v55 =	vld [tilespmem:s5+$0x17B00]  }
0x2c6: {  	v57 =	vld [tilespmem:s5+$0x13D00];
	v56 =	vmul.f32 v49, v48;
	v33 =	vadd.f32 v53, v33  }
0x2c7: {  	v58 =	vld [tilespmem:s5+$0x17D00]  }
0x2c8: {  	v41 =	vld [tilespmem:s5+$0x17F00];
	v59 =	vmul.f32 v52, v51;
	v33 =	vadd.f32 v56, v33  }
0x2c9: {  	v60 =	vld [tilespmem:s5+$0x13F00]  }
0x2ca: {  	v62 =	vld [tilespmem:s5+$0x14100];
	v61 =	vmul.f32 v55, v54;
	v33 =	vadd.f32 v59, v33  }
0x2cb: {  	v63 =	vld [tilespmem:s5+$0x18100]  }
0x2cc: {  	v34 =	vld [tilespmem:s5+$0x14300];
	v35 =	vmul.f32 v58, v57;
	v42 =	vadd.f32 v61, v33  }
0x2cd: {  	s14 =	simm.s32 $0x10;
	v37 =	vld [tilespmem:s5+$0x18300]  }
0x2ce: {  	v36 =	vld [tilespmem:s14+$0x10700];
	v38 =	vmul.f32 v41, v60;
	v42 =	vadd.f32 v35, v42  }
0x2cf: {  	v33 =	vld [tilespmem:s14+$0x10500]  }
0x2d0: {  	s6 =	simm.s32 $0x80;
	v39 =	vmul.f32 v63, v62;
	v35 =	vld [tilespmem:s14+$0x14500];
	v38 =	vadd.f32 v38, v42  }
.LBB2_6:
0x2d1: {  	p0 =	sne.s32 s6, $0x7C0;
	v40 =	vld [tilespmem:s14+$0x14700]  }
0x2d2: {  	v41 =	vld [tilespmem:s14+$0x10900];
	v38 =	vadd.f32 v39, v38;
	v34 =	vmul.f32 v37, v34  }
0x2d3: {  	v37 =	vld [tilespmem:s14+$0x14900]  }
0x2d4: {  	v39 =	vld [tilespmem:s14+$0x10B00];
	v34 =	vadd.f32 v34, v38  }
0x2d5: {  	v38 =	vld [tilespmem:s14+$0x14B00]  }
0x2d6: {  	v33 =	vmul.f32 v35, v33;
	v35 =	vmul.f32 v40, v36;
	v36 =	vld [tilespmem:s14+$0x10D00];
	v34 =	vsub.f32 $0.0e+00, v34  }
0x2d7: {  	v40 =	vld [tilespmem:s14+$0x14D00]  }
0x2d8: {  	v33 =	vadd.f32 v35, v33;
	v35 =	vmul.f32 v37, v41;
	v37 =	vld [tilespmem:s14+$0x10F00];
	v34 =	vmul.f32 $1.442695020e+00, v34  }
0x2d9: {  	v41 =	vld [tilespmem:s14+$0x14F00]  }
0x2da: {  	v33 =	vadd.f32 v35, v33;
	v35 =	vmul.f32 v38, v39;
	v38 =	vld [tilespmem:s14+$0x11100];
	(erf) = vpow2.f32 v34  }
0x2db: {  	v34 =	vld [tilespmem:s14+$0x15100]  }
0x2dc: {  	v33 =	vadd.f32 v35, v33;
	v35 =	vmul.f32 v40, v36;
	v36 =	vld [tilespmem:s14+$0x11300]  }
0x2dd: {  	v39 =	vld [tilespmem:s14+$0x15300]  }
0x2de: {  	v33 =	vadd.f32 v35, v33;
	v35 =	vmul.f32 v41, v37;
	v37 =	vld [tilespmem:s14+$0x11500]  }
0x2df: {  	v40 =	vld [tilespmem:s14+$0x15500]  }
0x2e0: {  	v33 =	vadd.f32 v35, v33;
	v34 =	vmul.f32 v34, v38;
	v35 =	vld [tilespmem:s14+$0x11700]  }
0x2e1: {  	v38 =	vld [tilespmem:s14+$0x15700]  }
0x2e2: {  	v33 =	vadd.f32 v34, v33;
	v34 =	vmul.f32 v39, v36;
	v36 =	vld [tilespmem:s14+$0x11900]  }
0x2e3: {  	v39 =	vld [tilespmem:s14+$0x15900];
	v41 =	vpop (erf)  }
0x2e4: {  	v33 =	vadd.f32 v34, v33;
	v34 =	vmul.f32 v40, v37;
	v37 =	vld [tilespmem:s14+$0x11B00];
	v40 =	vadd.f32 $1.000000000e+00, v41  }
0x2e5: {  	v41 =	vld [tilespmem:s14+$0x15B00]  }
0x2e6: {  	v33 =	vadd.f32 v34, v33;
	v34 =	vmul.f32 v38, v35;
	v35 =	vld [tilespmem:s14+$0x11D00];
	(erf) = vrcp.f32 v40  }
0x2e7: {  	v38 =	vld [tilespmem:s14+$0x15D00]  }
0x2e8: {  	v33 =	vadd.f32 v34, v33;
	v34 =	vmul.f32 v39, v36;
	v36 =	vld [tilespmem:s14+$0x11F00]  }
0x2e9: {  	v39 =	vld [tilespmem:s14+$0x15F00]  }
0x2ea: {  	v33 =	vadd.f32 v34, v33;
	v34 =	vmul.f32 v41, v37;
	v37 =	vld [tilespmem:s14+$0x12100]  }
0x2eb: {  	v40 =	vld [tilespmem:s14+$0x16100]  }
0x2ec: {  	v33 =	vadd.f32 v34, v33;
	v34 =	vmul.f32 v38, v35;
	v35 =	vld [tilespmem:s14+$0x12300]  }
0x2ed: {  	v38 =	vld [tilespmem:s14+$0x16300]  }
0x2ee: {  	v33 =	vadd.f32 v34, v33;
	v34 =	vmul.f32 v39, v36;
	v36 =	vld [tilespmem:s14+$0x12500]  }
0x2ef: {  	v39 =	vld [tilespmem:s14+$0x16500];
	v41 =	vpop (erf)  }
0x2f0: {  	v33 =	vadd.f32 v34, v33;
	v34 =	vmul.f32 v40, v37;
	v37 =	vld [tilespmem:s14+$0x12700];
	[tilespmem:s5+$0x18500] =	vst v41;
	s5 =	smov.u32 s14  }
0x2f1: {  	v40 =	vld [tilespmem:s5+$0x16700]  }
0x2f2: {  	v33 =	vadd.f32 v34, v33;
	v34 =	vmul.f32 v38, v35;
	v35 =	vld [tilespmem:s5+$0x12900]  }
0x2f3: {  	v38 =	vld [tilespmem:s5+$0x16900]  }
0x2f4: {  	v33 =	vadd.f32 v34, v33;
	v34 =	vmul.f32 v39, v36;
	v36 =	vld [tilespmem:s5+$0x12B00]  }
0x2f5: {  	v39 =	vld [tilespmem:s5+$0x16B00]  }
0x2f6: {  	v33 =	vadd.f32 v34, v33;
	v34 =	vmul.f32 v40, v37;
	v37 =	vld [tilespmem:s5+$0x12D00]  }
0x2f7: {  	v40 =	vld [tilespmem:s5+$0x16D00]  }
0x2f8: {  	v33 =	vadd.f32 v34, v33;
	v34 =	vmul.f32 v38, v35;
	v35 =	vld [tilespmem:s5+$0x12F00]  }
0x2f9: {  	v38 =	vld [tilespmem:s5+$0x16F00]  }
0x2fa: {  	v33 =	vadd.f32 v34, v33;
	v34 =	vmul.f32 v39, v36;
	v36 =	vld [tilespmem:s5+$0x13100]  }
0x2fb: {  	v39 =	vld [tilespmem:s5+$0x17100]  }
0x2fc: {  	v33 =	vadd.f32 v34, v33;
	v34 =	vmul.f32 v40, v37;
	v37 =	vld [tilespmem:s5+$0x13300]  }
0x2fd: {  	v40 =	vld [tilespmem:s5+$0x17300]  }
0x2fe: {  	v33 =	vadd.f32 v34, v33;
	v34 =	vmul.f32 v38, v35;
	v35 =	vld [tilespmem:s5+$0x13500]  }
0x2ff: {  	v38 =	vld [tilespmem:s5+$0x17500]  }
0x300: {  	v33 =	vadd.f32 v34, v33;
	v34 =	vmul.f32 v39, v36;
	v36 =	vld [tilespmem:s5+$0x13700]  }
0x301: {  	v39 =	vld [tilespmem:s5+$0x17700]  }
0x302: {  	v33 =	vadd.f32 v34, v33;
	v34 =	vmul.f32 v40, v37;
	v37 =	vld [tilespmem:s5+$0x13900]  }
0x303: {  	v40 =	vld [tilespmem:s5+$0x17900]  }
0x304: {  	v33 =	vadd.f32 v34, v33;
	v34 =	vmul.f32 v38, v35;
	v35 =	vld [tilespmem:s5+$0x13B00]  }
0x305: {  	v38 =	vld [tilespmem:s5+$0x17B00]  }
0x306: {  	v33 =	vadd.f32 v34, v33;
	v34 =	vmul.f32 v39, v36;
	v36 =	vld [tilespmem:s5+$0x13D00]  }
0x307: {  	v39 =	vld [tilespmem:s5+$0x17D00]  }
0x308: {  	v33 =	vadd.f32 v34, v33;
	v34 =	vmul.f32 v40, v37;
	v40 =	vld [tilespmem:s5+$0x13F00]  }
0x309: {  	v41 =	vld [tilespmem:s5+$0x17F00]  }
0x30a: {  	v33 =	vadd.f32 v34, v33;
	v34 =	vmul.f32 v38, v35;
	v42 =	vld [tilespmem:s5+$0x14100]  }
0x30b: {  	v43 =	vld [tilespmem:s5+$0x18100]  }
.Ltmp2:
0x30c: {  	v35 =	vadd.f32 v34, v33;
	v36 =	vmul.f32 v39, v36;
	v34 =	vld [tilespmem:s5+$0x14300];
	(pc) =	sbr.rel @p0 .LBB2_6-.Ltmp2, $4  }
0x30d: {  	s14 =	sshra.s32 s6, $0x2;
	v37 =	vld [tilespmem:s5+$0x18300]  }
0x30e: {  	v33 =	vld [tilespmem:s14+$0x10500];
	v38 =	vadd.f32 v36, v35;
	v39 =	vmul.f32 v41, v40  }
0x30f: {  	v35 =	vld [tilespmem:s14+$0x14500]  }
0x310: {  	s6 =	sadd.s32 $0x40, s6;
	v36 =	vld [tilespmem:s14+$0x10700];
	v38 =	vadd.f32 v39, v38;
	v39 =	vmul.f32 v43, v42  }
0x311: {  	v40 =	vld [tilespmem:s14+$0x14700]  }
0x312: {  	v41 =	vld [tilespmem:s14+$0x10900];
	v38 =	vadd.f32 v39, v38;
	v34 =	vmul.f32 v37, v34  }
0x313: {  	v55 =	vld [tilespmem:s14+$0x14900]  }
0x314: {  	v56 =	vld [tilespmem:s14+$0x10B00];
	v34 =	vadd.f32 v34, v38  }
0x315: {  	v57 =	vld [tilespmem:s14+$0x14B00]  }
0x316: {  	v42 =	vld [tilespmem:s14+$0x10D00];
	v33 =	vmul.f32 v35, v33;
	v58 =	vmul.f32 v40, v36;
	v34 =	vsub.f32 $0.0e+00, v34  }
0x317: {  	v59 =	vld [tilespmem:s14+$0x14D00]  }
0x318: {  	v60 =	vld [tilespmem:s14+$0x10F00];
	v61 =	vmul.f32 v55, v41;
	v33 =	vadd.f32 v58, v33;
	v34 =	vmul.f32 $1.442695020e+00, v34  }
0x319: {  	v62 =	vld [tilespmem:s14+$0x14F00]  }
0x31a: {  	v63 =	vld [tilespmem:s14+$0x11100];
	v43 =	vmul.f32 v57, v56;
	v33 =	vadd.f32 v61, v33;
	(erf) = vpow2.f32 v34  }
0x31b: {  	v44 =	vld [tilespmem:s14+$0x15100]  }
0x31c: {  	v45 =	vld [tilespmem:s14+$0x11300];
	v46 =	vmul.f32 v59, v42;
	v33 =	vadd.f32 v43, v33  }
0x31d: {  	v47 =	vld [tilespmem:s14+$0x15300]  }
0x31e: {  	v48 =	vld [tilespmem:s14+$0x11500];
	v49 =	vmul.f32 v62, v60;
	v33 =	vadd.f32 v46, v33  }
0x31f: {  	v50 =	vld [tilespmem:s14+$0x15500]  }
0x320: {  	v51 =	vld [tilespmem:s14+$0x11700];
	v34 =	vmul.f32 v44, v63;
	v33 =	vadd.f32 v49, v33  }
0x321: {  	v52 =	vld [tilespmem:s14+$0x15700]  }
0x322: {  	v53 =	vld [tilespmem:s14+$0x11900];
	v54 =	vmul.f32 v47, v45;
	v33 =	vadd.f32 v34, v33  }
0x323: {  	v55 =	vld [tilespmem:s14+$0x15900];
	v56 =	vpop (erf)  }
0x324: {  	v57 =	vld [tilespmem:s14+$0x11B00];
	v58 =	vmul.f32 v50, v48;
	v33 =	vadd.f32 v54, v33;
	v59 =	vadd.f32 $1.000000000e+00, v56  }
0x325: {  	v60 =	vld [tilespmem:s14+$0x15B00]  }
0x326: {  	v62 =	vmul.f32 v52, v51;
	v61 =	vld [tilespmem:s14+$0x11D00];
	v33 =	vadd.f32 v58, v33;
	(erf) = vrcp.f32 v59  }
0x327: {  	v63 =	vld [tilespmem:s14+$0x15D00]  }
0x328: {  	v44 =	vld [tilespmem:s14+$0x11F00];
	v45 =	vmul.f32 v55, v53;
	v33 =	vadd.f32 v62, v33  }
0x329: {  	v46 =	vld [tilespmem:s14+$0x15F00]  }
0x32a: {  	v47 =	vld [tilespmem:s14+$0x12100];
	v48 =	vmul.f32 v60, v57;
	v33 =	vadd.f32 v45, v33  }
0x32b: {  	v49 =	vld [tilespmem:s14+$0x16100]  }
0x32c: {  	v52 =	vld [tilespmem:s14+$0x16300];
	v51 =	vmul.f32 v63, v61;
	v33 =	vadd.f32 v48, v33  }
0x32d: {  	v50 =	vld [tilespmem:s14+$0x12300]  }
0x32e: {  	v53 =	vld [tilespmem:s14+$0x12500];
	v54 =	vmul.f32 v46, v44;
	v33 =	vadd.f32 v51, v33  }
0x32f: {  	v55 =	vld [tilespmem:s14+$0x16500];
	v56 =	vpop (erf)  }
0x330: {  	v57 =	vld [tilespmem:s14+$0x12700];
	v58 =	vmul.f32 v49, v47;
	v33 =	vadd.f32 v54, v33;
	[tilespmem:s5+$0x18500] =	vst v56  }
0x331: {  	v37 =	vld [tilespmem:s14+$0x16700]  }
0x332: {  	v59 =	vmul.f32 v52, v50;
	v60 =	vld [tilespmem:s14+$0x12900];
	v33 =	vadd.f32 v58, v33  }
0x333: {  	v61 =	vld [tilespmem:s14+$0x16900]  }
0x334: {  	v62 =	vmul.f32 v55, v53;
	v63 =	vld [tilespmem:s14+$0x12B00];
	v33 =	vadd.f32 v59, v33  }
0x335: {  	v44 =	vld [tilespmem:s14+$0x16B00]  }
0x336: {  	v46 =	vld [tilespmem:s14+$0x12D00];
	v33 =	vadd.f32 v62, v33;
	v45 =	vmul.f32 v37, v57  }
0x337: {  	v47 =	vld [tilespmem:s14+$0x16D00]  }
0x338: {  	v49 =	vld [tilespmem:s14+$0x12F00];
	v48 =	vmul.f32 v61, v60;
	v33 =	vadd.f32 v45, v33  }
0x339: {  	v50 =	vld [tilespmem:s14+$0x16F00]  }
0x33a: {  	v52 =	vld [tilespmem:s14+$0x13100];
	v51 =	vmul.f32 v44, v63;
	v33 =	vadd.f32 v48, v33  }
0x33b: {  	v53 =	vld [tilespmem:s14+$0x17100]  }
0x33c: {  	v55 =	vld [tilespmem:s14+$0x13300];
	v54 =	vmul.f32 v47, v46;
	v33 =	vadd.f32 v51, v33  }
0x33d: {  	v56 =	vld [tilespmem:s14+$0x17300]  }
0x33e: {  	v58 =	vld [tilespmem:s14+$0x13500];
	v57 =	vmul.f32 v50, v49;
	v33 =	vadd.f32 v54, v33  }
0x33f: {  	v59 =	vld [tilespmem:s14+$0x17500]  }
0x340: {  	v60 =	vmul.f32 v53, v52;
	v61 =	vld [tilespmem:s14+$0x13700];
	v33 =	vadd.f32 v57, v33  }
0x341: {  	v62 =	vld [tilespmem:s14+$0x17700]  }
0x342: {  	v63 =	vmul.f32 v56, v55;
	v44 =	vld [tilespmem:s14+$0x13900];
	v33 =	vadd.f32 v60, v33  }
0x343: {  	v45 =	vld [tilespmem:s14+$0x17900]  }
0x344: {  	v47 =	vld [tilespmem:s14+$0x13B00];
	v46 =	vmul.f32 v59, v58;
	v33 =	vadd.f32 v63, v33  }
0x345: {  	v48 =	vld [tilespmem:s14+$0x17B00]  }
0x346: {  	v50 =	vld [tilespmem:s14+$0x13D00];
	v49 =	vmul.f32 v62, v61;
	v33 =	vadd.f32 v46, v33  }
0x347: {  	v51 =	vld [tilespmem:s14+$0x17D00]  }
0x348: {  	v53 =	vld [tilespmem:s14+$0x13F00];
	v52 =	vmul.f32 v45, v44;
	v33 =	vadd.f32 v49, v33  }
0x349: {  	v54 =	vld [tilespmem:s14+$0x17F00]  }
0x34a: {  	v56 =	vld [tilespmem:s14+$0x14100];
	v55 =	vmul.f32 v48, v47;
	v33 =	vadd.f32 v52, v33  }
0x34b: {  	v57 =	vld [tilespmem:s14+$0x18100]  }
0x34c: {  	v59 =	vld [tilespmem:s14+$0x14300];
	v58 =	vmul.f32 v51, v50;
	v33 =	vadd.f32 v55, v33  }
0x34d: {  	v60 =	vld [tilespmem:s14+$0x18300]  }
0x34e: {  	v61 =	vmul.f32 v54, v53;
	v33 =	vadd.f32 v58, v33;
	_ =	sdelay $0x1  }
0x34f: {  	v62 =	vmul.f32 v57, v56;
	v33 =	vadd.f32 v61, v33;
	_ =	sdelay $0x1  }
0x350: {  	v63 =	vmul.f32 v60, v59;
	v33 =	vadd.f32 v62, v33;
	_ =	sdelay $0x1  }
0x351: {  	v33 =	vadd.f32 v63, v33;
	_ =	sdelay $0x1  }
0x352: {  	v33 =	vsub.f32 $0.0e+00, v33;
	_ =	sdelay $0x1  }
0x353: {  	v33 =	vmul.f32 $1.442695020e+00, v33;
	_ =	sdelay $0x1  }
0x354: {  	(erf) = vpow2.f32 v33;
	_ =	sdelay $0x8  }
0x355: {  	v33 =	vpop (erf)  }
0x356: {  	v33 =	vadd.f32 $1.000000000e+00, v33;
	_ =	sdelay $0x1  }
0x357: {  	(erf) = vrcp.f32 v33;
	_ =	sdelay $0x7  }
0x358: {  	s9 =	sadd.s32 $0x1, s9  }
0x359: {  	p0 =	sne.s32 s9, s8;
	v33 =	vpop (erf)  }
.Ltmp3:
0x35a: {  	s16 =	rddreg [dreg:$0x8];
	s6 =	simm.s32 $0x18500;
	[tilespmem:s14+$0x18500] =	vst v33;
	(pc) =	sbr.rel @p0 .LBB2_1-.Ltmp3, $4  }
0x35b: {  	[hbm4b:s16+s3] =	stream.linear.scatter [tilespmem:s6], [sflag:$0x3], $0x200, $0x38;
	[tilespmem:$0x18700] =	vst v63  }
0x35c: {  	_ =	swait.ge [sflag:s11], $0x200  }
0x35d: {  	[sflag:s11] =	ssyncset.done $0x0  }
0x35e: {  	[sflag:s11] =	ssyncadd.s32 $0xFFFFFE00  }
0x35f: {  	_ =	sfence.sel $0x180000  }
0x360: {  	[bflag:$0x0] =	sbarrier.arrive $0xFFFF  }
0x361: {  	_ =	strace $0x90000047  }
0x362: {  	s0 =	stileid.u32;
	[bflag:$0x2] =	sbarrier.arrive $0xFFFF  }
0x363: {  	p0 =	sne.s32 s0, $0x0;
	s0 =	rddreg [dreg:$0x5]  }
0x364: {  	s0 =	sadd.s32 @!p0 $0x100000, s0  }
0x365: {  	[sflag:s0] =	ssyncadd.tile.s32 @!p0 $0x1;
	_ =	shalt  }
.Lfunc_end2:
_tile_overlayer_lowered:
.L_overlay_start_2:
0x366: {  	(tag) =	ssettag $0x2  }
0x367: {  	s0 =	rddreg [dreg:$0x0];
	s2 =	stileid.u32  }
0x368: {  	s1 =	rddreg [dreg:$0x1];
	p0 =	sne.s32 s2, $0x0  }
0x369: {  	s3 =	rddreg [dreg:$0x2];
	[bflag:$0x3] =	sbarrier.arrive $0xFFFF;
	s2 =	simm.s32 @!p0 $0x1C03  }
0x36a: {  	[timem:s3], [sflag:s2] =	dma.local @!p0 [hbm:s0], s1  }
0x36b: {  	s0 =	simm.s32 @!p0 $0x3  }
0x36c: {  	_ =	swait.ge @!p0 [sflag:s0], s1  }
0x36d: {  	s1 =	ssub.s32 @!p0 $0x0, s1;
	[sflag:s0] =	ssyncset.done @!p0 $0x0  }
0x36e: {  	[sflag:s0] =	ssyncadd.s32 @!p0 s1  }
0x36f: {  	[bflag:$0x3] =	sbarrier.arrive $0xFFFF  }
0x370: {  	_ =	shalt  }

</sc_bundles>
